<compile_context>
chip_gen: v7x
topology: tpu7x:2x2x1
jax: 0.10.2.dev20260603
libtpu: 0.0.44.dev20260713+nightly
codegen_flags: <defaults>
</compile_context>

<pallas_src>
import functools

import jax
import jax.numpy as jnp
from jax import lax
from jax.experimental import pallas as pl
from jax.experimental.pallas import tpu as pltpu
from jax.experimental.pallas import tpu_sc as plsc

D = 64
B = 4096
L = 200
LT = L // 8
BT = B // 128

NC = 2
NS = 16
NW = NC * NS
CHUNK = 128
NCHUNK = L
NBUF = 5
NOUTER = NCHUNK // NBUF
SCALE = 8.0


@functools.partial(
    pl.kernel,
    out_type=jax.ShapeDtypeStruct((L, D // 8, BT, 8, 128), jnp.float32),
    mesh=plsc.VectorSubcoreMesh(core_axis_name="c", subcore_axis_name="s"),
    scratch_types=[
        pltpu.VMEM((LT, 8, 128), jnp.int32),
        [pltpu.VMEM((CHUNK, D), jnp.float32) for _ in range(NBUF)],
        [pltpu.VMEM((D, 129), jnp.float32) for _ in range(NBUF)],
        [pltpu.SemaphoreType.DMA for _ in range(NBUF)],
        [pltpu.SemaphoreType.DMA for _ in range(NBUF)],
    ],
    compiler_params=pltpu.CompilerParams(
        use_tc_tiling_on_sc=False,
        needs_layout_passes=False,
        disable_bounds_checks=True,
    ),
)
def _embed(x_hbm, table_hbm, out_hbm, idx_v, gbufs, obufs, gsems, osems):
    wid = lax.axis_index("s") * NC + lax.axis_index("c")
    pltpu.sync_copy(x_hbm.at[:, wid], idx_v)

    def gather_desc(c, buf, sem):
        lt = c // 8
        li = lax.rem(c, 8)
        return pltpu.make_async_copy(
            table_hbm.at[idx_v.at[lt, li]], buf, sem
        )

    def start_gather(c, buf, sem):
        gather_desc(c, buf, sem).start()

    def wait_gather(c, buf, sem):
        gather_desc(c, buf, sem).wait()

    def start_out(c, buf, sem):
        for dt in range(D // 8):
            pltpu.async_copy(
                buf.at[pl.ds(dt * 8, 8), pl.ds(0, 128)],
                out_hbm.at[c, dt, wid],
                sem,
            )

    def wait_out(buf, sem):
        for dt in range(D // 8):
            pltpu.make_async_copy(
                buf.at[pl.ds(dt * 8, 8), pl.ds(0, 128)],
                out_hbm.at[0, dt, wid],
                sem,
            ).wait()

    lane = lax.iota(jnp.int32, 16)
    dvecs = [jnp.int32(d0) + lane for d0 in range(0, D, 16)]

    ROWS_PER_IT = 4

    def scale_t(gbuf, obuf):
        def body(it, carry):
            b0 = it * ROWS_PER_IT
            bvecs = [
                jnp.full((16,), 0, jnp.int32) + (b0 + r)
                for r in range(ROWS_PER_IT)
            ]
            vals = [
                gbuf[b0 + r, pl.ds(k * 16, 16)] * SCALE
                for r in range(ROWS_PER_IT)
                for k in range(D // 16)
            ]
            for r in range(ROWS_PER_IT):
                for k in range(D // 16):
                    plsc.store_scatter(
                        obuf,
                        [dvecs[k], bvecs[r]],
                        vals[r * (D // 16) + k],
                    )
            return carry

        lax.fori_loop(0, CHUNK // ROWS_PER_IT, body, 0)

    for b in range(NBUF - 1):
        start_gather(b, gbufs[b], gsems[b])

    def outer(p, carry):
        for b in range(NBUF):
            g = p * NBUF + b
            nb = (b + NBUF - 1) % NBUF
            nxt = g + NBUF - 1

            @pl.when(nxt < NCHUNK)
            def _issue():
                if b == 0:

                    @pl.when(p > 0)
                    def _():
                        wait_out(obufs[nb], osems[nb])

                else:
                    wait_out(obufs[nb], osems[nb])
                start_gather(nxt, gbufs[nb], gsems[nb])

            wait_gather(g, gbufs[b], gsems[b])
            scale_t(gbufs[b], obufs[b])
            start_out(g, obufs[b], osems[b])
        return carry

    lax.fori_loop(0, NOUTER, outer, 0)

    for b in range(NBUF):
        wait_out(obufs[b], osems[b])


def kernel(x, table):
    xv = jnp.swapaxes(x.astype(jnp.int32).T.reshape(LT, 8, BT, 128), 1, 2)
    out5 = _embed(xv, table)
    return out5.transpose(2, 4, 0, 1, 3).reshape(B, L, D)

# --- scband reference (transcript-rebuilt; emitter-appended) ---
"""Pipeline reference for scband-embeddings-7584912245128 (READ-ONLY COPY).

The authoritative reference and input builder live on the scoring server;
editing this copy changes nothing except your own understanding.
"""

import jax, jax.numpy as jnp
import numpy as np
import math

VOCAB = 1000000
D_MODEL = 64
B = 4096
L = 200

def setup_inputs(seed: int = 0) -> dict:
    key = jax.random.key(seed)
    k1, k2 = jax.random.split(key)
    x = jax.random.randint(k1, (B, L), 0, VOCAB, dtype=jnp.int64 if jax.config.jax_enable_x64 else jnp.int32)
    table = jax.random.normal(k2, (VOCAB, D_MODEL), dtype=jnp.float32)
    return {"x": x, "table": table}

def reference(x, table):
    embedded = jnp.take(table, x, axis=0)
    return embedded * math.sqrt(D_MODEL)

if __name__ == "__main__":
    import jax
    _d = setup_inputs()
    print(jax.jit(kernel)(*tuple(_d.values())))

</pallas_src>

<mosaic_0001>
#map = affine_map<(d0, d1) -> (0, 0, 0, 0)>
#map1 = affine_map<(d0, d1) -> (0, 0)>
#map2 = affine_map<(d0, d1) -> (0, 0, 0, 0, 0)>
module attributes {stable_mosaic.version = 14 : i64} {
  func.func @_embed(%arg0: i32, %arg1: i32, %arg2: memref<25x32x8x128xi32, #tpu.memory_space<hbm>>, %arg3: memref<1000000x64xf32, #tpu.memory_space<hbm>>, %arg4: memref<200x8x32x8x128xf32, #tpu.memory_space<hbm>>, %arg5: memref<25x8x128xi32, #tpu.memory_space<vmem>>, %arg6: memref<128x64xf32, #tpu.memory_space<vmem>>, %arg7: memref<128x64xf32, #tpu.memory_space<vmem>>, %arg8: memref<128x64xf32, #tpu.memory_space<vmem>>, %arg9: memref<128x64xf32, #tpu.memory_space<vmem>>, %arg10: memref<128x64xf32, #tpu.memory_space<vmem>>, %arg11: memref<64x129xf32, #tpu.memory_space<vmem>>, %arg12: memref<64x129xf32, #tpu.memory_space<vmem>>, %arg13: memref<64x129xf32, #tpu.memory_space<vmem>>, %arg14: memref<64x129xf32, #tpu.memory_space<vmem>>, %arg15: memref<64x129xf32, #tpu.memory_space<vmem>>, %arg16: memref<!tpu.dma_semaphore, #tpu.memory_space<semaphore_mem>>, %arg17: memref<!tpu.dma_semaphore, #tpu.memory_space<semaphore_mem>>, %arg18: memref<!tpu.dma_semaphore, #tpu.memory_space<semaphore_mem>>, %arg19: memref<!tpu.dma_semaphore, #tpu.memory_space<semaphore_mem>>, %arg20: memref<!tpu.dma_semaphore, #tpu.memory_space<semaphore_mem>>, %arg21: memref<!tpu.dma_semaphore, #tpu.memory_space<semaphore_mem>>, %arg22: memref<!tpu.dma_semaphore, #tpu.memory_space<semaphore_mem>>, %arg23: memref<!tpu.dma_semaphore, #tpu.memory_space<semaphore_mem>>, %arg24: memref<!tpu.dma_semaphore, #tpu.memory_space<semaphore_mem>>, %arg25: memref<!tpu.dma_semaphore, #tpu.memory_space<semaphore_mem>>) attributes {dimension_semantics = [#tpu.dimension_semantics<core_parallel>, #tpu.dimension_semantics<subcore_parallel>], iteration_bounds = array<i64: 2, 16>, scalar_prefetch = 0 : i64, scratch_operands = 21 : i64, tpu.core_type = #tpu.core_type<sc_vector_subcore>, window_params = [{transform_indices = #map}, {transform_indices = #map1}, {transform_indices = #map2}]} {
    %mul3A = arith.constant 2 : i32
    %mul3A_0 = arith.muli %arg1, %mul3A : i32
    %add3A = arith.addi %mul3A_0, %arg0 : i32
    "tpu.region"() ({
      %run_scoped3A = tpu.sem_alloc : memref<!tpu.dma_semaphore, #tpu.memory_space<semaphore_mem>>
      %dma_start3A_695 = arith.constant 0 : i32
      %dma_start3A_696 = arith.constant 0 : i32
      %dma_start3A_697 = arith.constant 0 : i32
      %dma_start3A_698 = tpu.memref_slice %arg2[%dma_start3A_695, %add3A, %dma_start3A_696, %dma_start3A_697] : memref<25x32x8x128xi32, #tpu.memory_space<hbm>> -> memref<25x1x8x128xi32, #tpu.memory_space<hbm>>
      %dma_start3A_699 = tpu.memref_squeeze %dma_start3A_698 : memref<25x1x8x128xi32, #tpu.memory_space<hbm>> -> memref<25x8x128xi32, #tpu.memory_space<hbm>>
      %dma_start3A_700 = arith.constant 0 : i32
      %dma_start3A_701 = arith.constant 0 : i32
      %dma_start3A_702 = arith.constant 0 : i32
      %dma_start3A_703 = tpu.memref_slice %arg2[%dma_start3A_700, %add3A, %dma_start3A_701, %dma_start3A_702] : memref<25x32x8x128xi32, #tpu.memory_space<hbm>> -> memref<25x1x8x128xi32, #tpu.memory_space<hbm>>
      %dma_start3A_704 = tpu.memref_squeeze %dma_start3A_703 : memref<25x1x8x128xi32, #tpu.memory_space<hbm>> -> memref<25x8x128xi32, #tpu.memory_space<hbm>>
      tpu.enqueue_dma source(%dma_start3A_704 : memref<25x8x128xi32, #tpu.memory_space<hbm>>) target(%arg5 : memref<25x8x128xi32, #tpu.memory_space<vmem>>) target_semaphore(%run_scoped3A : memref<!tpu.dma_semaphore, #tpu.memory_space<semaphore_mem>>)
      %dma_wait3A_705 = arith.constant 0 : i32
      %dma_wait3A_706 = arith.constant 0 : i32
      %dma_wait3A_707 = arith.constant 0 : i32
      %dma_wait3A_708 = tpu.memref_slice %arg2[%dma_wait3A_705, %add3A, %dma_wait3A_706, %dma_wait3A_707] : memref<25x32x8x128xi32, #tpu.memory_space<hbm>> -> memref<25x1x8x128xi32, #tpu.memory_space<hbm>>
      %dma_wait3A_709 = tpu.memref_squeeze %dma_wait3A_708 : memref<25x1x8x128xi32, #tpu.memory_space<hbm>> -> memref<25x8x128xi32, #tpu.memory_space<hbm>>
      %dma_wait3A_710 = arith.constant 0 : i32
      %dma_wait3A_711 = arith.constant 0 : i32
      %dma_wait3A_712 = arith.constant 0 : i32
      %dma_wait3A_713 = tpu.memref_slice %arg2[%dma_wait3A_710, %add3A, %dma_wait3A_711, %dma_wait3A_712] : memref<25x32x8x128xi32, #tpu.memory_space<hbm>> -> memref<25x1x8x128xi32, #tpu.memory_space<hbm>>
      %dma_wait3A_714 = tpu.memref_squeeze %dma_wait3A_713 : memref<25x1x8x128xi32, #tpu.memory_space<hbm>> -> memref<25x8x128xi32, #tpu.memory_space<hbm>>
      tpu.wait_dma2 semaphore(%run_scoped3A : memref<!tpu.dma_semaphore, #tpu.memory_space<semaphore_mem>>) src(%dma_wait3A_714 : memref<25x8x128xi32, #tpu.memory_space<hbm>>) dst(%arg5 : memref<25x8x128xi32, #tpu.memory_space<vmem>>)
      tpu.yield
    }) : () -> ()
    %iota3A = tpu.iota {dimensions = array<i32: 0>} : vector<16xi32>
    %add3A_1 = arith.constant 0 : i32
    %add3A_2 = vector.broadcast %add3A_1 : i32 to vector<16xi32>
    %add3A_3 = arith.addi %add3A_2, %iota3A : vector<16xi32>
    %add3A_4 = arith.constant 16 : i32
    %add3A_5 = vector.broadcast %add3A_4 : i32 to vector<16xi32>
    %add3A_6 = arith.addi %add3A_5, %iota3A : vector<16xi32>
    %add3A_7 = arith.constant 32 : i32
    %add3A_8 = vector.broadcast %add3A_7 : i32 to vector<16xi32>
    %add3A_9 = arith.addi %add3A_8, %iota3A : vector<16xi32>
    %add3A_10 = arith.constant 48 : i32
    %add3A_11 = vector.broadcast %add3A_10 : i32 to vector<16xi32>
    %add3A_12 = arith.addi %add3A_11, %iota3A : vector<16xi32>
    %rem3A = arith.constant 0 : i32
    %rem3A_13 = arith.constant 8 : i32
    %rem3A_14 = arith.remsi %rem3A, %rem3A_13 : i32
    %dma_start3A = arith.constant 0 : i32
    %dma_start3A_15 = arith.constant 0 : i32
    %dma_start3A_16 = tpu.memref_slice %arg5[%dma_start3A, %rem3A_14, %dma_start3A_15] : memref<25x8x128xi32, #tpu.memory_space<vmem>> -> memref<1x1x128xi32, #tpu.memory_space<vmem>>
    %dma_start3A_17 = tpu.memref_squeeze %dma_start3A_16 : memref<1x1x128xi32, #tpu.memory_space<vmem>> -> memref<128xi32, #tpu.memory_space<vmem>>
    %dma_start3A_18 = arith.constant 0 : i32
    %dma_start3A_19 = arith.constant 0 : i32
    %dma_start3A_20 = tpu.memref_slice %arg3[%dma_start3A_18, %dma_start3A_19] : memref<1000000x64xf32, #tpu.memory_space<hbm>> -> memref<1000000x64xf32, #tpu.memory_space<hbm>>
    tpu.enqueue_indirect_dma source(%dma_start3A_20 : memref<1000000x64xf32, #tpu.memory_space<hbm>>) target(%arg6 : memref<128x64xf32, #tpu.memory_space<vmem>>) offsets(%dma_start3A_17 : memref<128xi32, #tpu.memory_space<vmem>>) semaphore(%arg16 : memref<!tpu.dma_semaphore, #tpu.memory_space<semaphore_mem>>)
    %rem3A_21 = arith.constant 1 : i32
    %rem3A_22 = arith.constant 8 : i32
    %rem3A_23 = arith.remsi %rem3A_21, %rem3A_22 : i32
    %dma_start3A_24 = arith.constant 0 : i32
    %dma_start3A_25 = arith.constant 0 : i32
    %dma_start3A_26 = tpu.memref_slice %arg5[%dma_start3A_24, %rem3A_23, %dma_start3A_25] : memref<25x8x128xi32, #tpu.memory_space<vmem>> -> memref<1x1x128xi32, #tpu.memory_space<vmem>>
    %dma_start3A_27 = tpu.memref_squeeze %dma_start3A_26 : memref<1x1x128xi32, #tpu.memory_space<vmem>> -> memref<128xi32, #tpu.memory_space<vmem>>
    %dma_start3A_28 = arith.constant 0 : i32
    %dma_start3A_29 = arith.constant 0 : i32
    %dma_start3A_30 = tpu.memref_slice %arg3[%dma_start3A_28, %dma_start3A_29] : memref<1000000x64xf32, #tpu.memory_space<hbm>> -> memref<1000000x64xf32, #tpu.memory_space<hbm>>
    tpu.enqueue_indirect_dma source(%dma_start3A_30 : memref<1000000x64xf32, #tpu.memory_space<hbm>>) target(%arg7 : memref<128x64xf32, #tpu.memory_space<vmem>>) offsets(%dma_start3A_27 : memref<128xi32, #tpu.memory_space<vmem>>) semaphore(%arg17 : memref<!tpu.dma_semaphore, #tpu.memory_space<semaphore_mem>>)
    %rem3A_31 = arith.constant 2 : i32
    %rem3A_32 = arith.constant 8 : i32
    %rem3A_33 = arith.remsi %rem3A_31, %rem3A_32 : i32
    %dma_start3A_34 = arith.constant 0 : i32
    %dma_start3A_35 = arith.constant 0 : i32
    %dma_start3A_36 = tpu.memref_slice %arg5[%dma_start3A_34, %rem3A_33, %dma_start3A_35] : memref<25x8x128xi32, #tpu.memory_space<vmem>> -> memref<1x1x128xi32, #tpu.memory_space<vmem>>
    %dma_start3A_37 = tpu.memref_squeeze %dma_start3A_36 : memref<1x1x128xi32, #tpu.memory_space<vmem>> -> memref<128xi32, #tpu.memory_space<vmem>>
    %dma_start3A_38 = arith.constant 0 : i32
    %dma_start3A_39 = arith.constant 0 : i32
    %dma_start3A_40 = tpu.memref_slice %arg3[%dma_start3A_38, %dma_start3A_39] : memref<1000000x64xf32, #tpu.memory_space<hbm>> -> memref<1000000x64xf32, #tpu.memory_space<hbm>>
    tpu.enqueue_indirect_dma source(%dma_start3A_40 : memref<1000000x64xf32, #tpu.memory_space<hbm>>) target(%arg8 : memref<128x64xf32, #tpu.memory_space<vmem>>) offsets(%dma_start3A_37 : memref<128xi32, #tpu.memory_space<vmem>>) semaphore(%arg18 : memref<!tpu.dma_semaphore, #tpu.memory_space<semaphore_mem>>)
    %rem3A_41 = arith.constant 3 : i32
    %rem3A_42 = arith.constant 8 : i32
    %rem3A_43 = arith.remsi %rem3A_41, %rem3A_42 : i32
    %dma_start3A_44 = arith.constant 0 : i32
    %dma_start3A_45 = arith.constant 0 : i32
    %dma_start3A_46 = tpu.memref_slice %arg5[%dma_start3A_44, %rem3A_43, %dma_start3A_45] : memref<25x8x128xi32, #tpu.memory_space<vmem>> -> memref<1x1x128xi32, #tpu.memory_space<vmem>>
    %dma_start3A_47 = tpu.memref_squeeze %dma_start3A_46 : memref<1x1x128xi32, #tpu.memory_space<vmem>> -> memref<128xi32, #tpu.memory_space<vmem>>
    %dma_start3A_48 = arith.constant 0 : i32
    %dma_start3A_49 = arith.constant 0 : i32
    %dma_start3A_50 = tpu.memref_slice %arg3[%dma_start3A_48, %dma_start3A_49] : memref<1000000x64xf32, #tpu.memory_space<hbm>> -> memref<1000000x64xf32, #tpu.memory_space<hbm>>
    tpu.enqueue_indirect_dma source(%dma_start3A_50 : memref<1000000x64xf32, #tpu.memory_space<hbm>>) target(%arg9 : memref<128x64xf32, #tpu.memory_space<vmem>>) offsets(%dma_start3A_47 : memref<128xi32, #tpu.memory_space<vmem>>) semaphore(%arg19 : memref<!tpu.dma_semaphore, #tpu.memory_space<semaphore_mem>>)
    %scan3A = arith.constant 0 : i32
    %scan3A_51 = arith.constant 0 : i32
    %scan3A_52 = arith.constant 40 : i32
    %scan3A_53 = arith.addi %scan3A_51, %scan3A_52 : i32
    %scan3A_54 = arith.constant 1 : i32
    scf.for %scan3A_695 = %scan3A_51 to %scan3A_53 step %scan3A_54  : i32 {
      %mul3A_696 = arith.constant 5 : i32
      %mul3A_697 = arith.muli %scan3A_695, %mul3A_696 : i32
      %add3A_698 = arith.constant 0 : i32
      %add3A_699 = arith.addi %mul3A_697, %add3A_698 : i32
      %add3A_700 = arith.constant 5 : i32
      %add3A_701 = arith.addi %add3A_699, %add3A_700 : i32
      %sub3A = arith.constant 1 : i32
      %sub3A_702 = arith.subi %add3A_701, %sub3A : i32
      %lt3A = arith.constant 200 : i32
      %lt3A_703 = arith.cmpi slt, %sub3A_702, %lt3A : i32
      %convert_element_type3A = arith.extui %lt3A_703 : i1 to i32
      %cond3A = arith.constant 0 : i32
      %cond3A_704 = arith.cmpi ne, %convert_element_type3A, %cond3A : i32
      scf.if %cond3A_704 {
        %gt3A = arith.constant 0 : i32
        %gt3A_1541 = arith.cmpi sgt, %scan3A_695, %gt3A : i32
        %convert_element_type3A_1542 = arith.extui %gt3A_1541 : i1 to i32
        %cond3A_1543 = arith.constant 0 : i32
        %cond3A_1544 = arith.cmpi ne, %convert_element_type3A_1542, %cond3A_1543 : i32
        scf.if %cond3A_1544 {
          %dma_wait3A_1577 = arith.constant 0 : i32
          %dma_wait3A_1578 = arith.constant 0 : i32
          %dma_wait3A_1579 = arith.constant 0 : i32
          %dma_wait3A_1580 = arith.constant 0 : i32
          %dma_wait3A_1581 = tpu.memref_slice %arg15[%dma_wait3A_1579, %dma_wait3A_1580] : memref<64x129xf32, #tpu.memory_space<vmem>> -> memref<8x128xf32, #tpu.memory_space<vmem>>
          %dma_wait3A_1582 = arith.constant 0 : i32
          %dma_wait3A_1583 = arith.constant 0 : i32
          %dma_wait3A_1584 = tpu.memref_slice %arg4[%dma_wait3A_1577, %dma_wait3A_1578, %add3A, %dma_wait3A_1582, %dma_wait3A_1583] : memref<200x8x32x8x128xf32, #tpu.memory_space<hbm>> -> memref<1x1x1x8x128xf32, #tpu.memory_space<hbm>>
          %dma_wait3A_1585 = tpu.memref_squeeze %dma_wait3A_1584 : memref<1x1x1x8x128xf32, #tpu.memory_space<hbm>> -> memref<8x128xf32, #tpu.memory_space<hbm>>
          %dma_wait3A_1586 = arith.constant 0 : i32
          %dma_wait3A_1587 = arith.constant 0 : i32
          %dma_wait3A_1588 = tpu.memref_slice %arg4[%dma_wait3A_1577, %dma_wait3A_1578, %add3A, %dma_wait3A_1586, %dma_wait3A_1587] : memref<200x8x32x8x128xf32, #tpu.memory_space<hbm>> -> memref<1x1x1x8x128xf32, #tpu.memory_space<hbm>>
          %dma_wait3A_1589 = tpu.memref_squeeze %dma_wait3A_1588 : memref<1x1x1x8x128xf32, #tpu.memory_space<hbm>> -> memref<8x128xf32, #tpu.memory_space<hbm>>
          %dma_wait3A_1590 = arith.constant 0 : i32
          %dma_wait3A_1591 = arith.constant 0 : i32
          %dma_wait3A_1592 = tpu.memref_slice %arg15[%dma_wait3A_1590, %dma_wait3A_1591] : memref<64x129xf32, #tpu.memory_space<vmem>> -> memref<8x128xf32, #tpu.memory_space<vmem>>
          tpu.wait_dma2 semaphore(%arg25 : memref<!tpu.dma_semaphore, #tpu.memory_space<semaphore_mem>>) src(%dma_wait3A_1592 : memref<8x128xf32, #tpu.memory_space<vmem>>) dst(%dma_wait3A_1589 : memref<8x128xf32, #tpu.memory_space<hbm>>)
          %dma_wait3A_1593 = arith.constant 0 : i32
          %dma_wait3A_1594 = arith.constant 1 : i32
          %dma_wait3A_1595 = arith.constant 8 : i32
          %dma_wait3A_1596 = arith.constant 0 : i32
          %dma_wait3A_1597 = tpu.memref_slice %arg15[%dma_wait3A_1595, %dma_wait3A_1596] : memref<64x129xf32, #tpu.memory_space<vmem>> -> memref<8x128xf32, #tpu.memory_space<vmem>>
          %dma_wait3A_1598 = arith.constant 0 : i32
          %dma_wait3A_1599 = arith.constant 0 : i32
          %dma_wait3A_1600 = tpu.memref_slice %arg4[%dma_wait3A_1593, %dma_wait3A_1594, %add3A, %dma_wait3A_1598, %dma_wait3A_1599] : memref<200x8x32x8x128xf32, #tpu.memory_space<hbm>> -> memref<1x1x1x8x128xf32, #tpu.memory_space<hbm>>
          %dma_wait3A_1601 = tpu.memref_squeeze %dma_wait3A_1600 : memref<1x1x1x8x128xf32, #tpu.memory_space<hbm>> -> memref<8x128xf32, #tpu.memory_space<hbm>>
          %dma_wait3A_1602 = arith.constant 0 : i32
          %dma_wait3A_1603 = arith.constant 0 : i32
          %dma_wait3A_1604 = tpu.memref_slice %arg4[%dma_wait3A_1593, %dma_wait3A_1594, %add3A, %dma_wait3A_1602, %dma_wait3A_1603] : memref<200x8x32x8x128xf32, #tpu.memory_space<hbm>> -> memref<1x1x1x8x128xf32, #tpu.memory_space<hbm>>
          %dma_wait3A_1605 = tpu.memref_squeeze %dma_wait3A_1604 : memref<1x1x1x8x128xf32, #tpu.memory_space<hbm>> -> memref<8x128xf32, #tpu.memory_space<hbm>>
          %dma_wait3A_1606 = arith.constant 8 : i32
          %dma_wait3A_1607 = arith.constant 0 : i32
          %dma_wait3A_1608 = tpu.memref_slice %arg15[%dma_wait3A_1606, %dma_wait3A_1607] : memref<64x129xf32, #tpu.memory_space<vmem>> -> memref<8x128xf32, #tpu.memory_space<vmem>>
          tpu.wait_dma2 semaphore(%arg25 : memref<!tpu.dma_semaphore, #tpu.memory_space<semaphore_mem>>) src(%dma_wait3A_1608 : memref<8x128xf32, #tpu.memory_space<vmem>>) dst(%dma_wait3A_1605 : memref<8x128xf32, #tpu.memory_space<hbm>>)
          %dma_wait3A_1609 = arith.constant 0 : i32
          %dma_wait3A_1610 = arith.constant 2 : i32
          %dma_wait3A_1611 = arith.constant 16 : i32
          %dma_wait3A_1612 = arith.constant 0 : i32
          %dma_wait3A_1613 = tpu.memref_slice %arg15[%dma_wait3A_1611, %dma_wait3A_1612] : memref<64x129xf32, #tpu.memory_space<vmem>> -> memref<8x128xf32, #tpu.memory_space<vmem>>
          %dma_wait3A_1614 = arith.constant 0 : i32
          %dma_wait3A_1615 = arith.constant 0 : i32
          %dma_wait3A_1616 = tpu.memref_slice %arg4[%dma_wait3A_1609, %dma_wait3A_1610, %add3A, %dma_wait3A_1614, %dma_wait3A_1615] : memref<200x8x32x8x128xf32, #tpu.memory_space<hbm>> -> memref<1x1x1x8x128xf32, #tpu.memory_space<hbm>>
          %dma_wait3A_1617 = tpu.memref_squeeze %dma_wait3A_1616 : memref<1x1x1x8x128xf32, #tpu.memory_space<hbm>> -> memref<8x128xf32, #tpu.memory_space<hbm>>
          %dma_wait3A_1618 = arith.constant 0 : i32
          %dma_wait3A_1619 = arith.constant 0 : i32
          %dma_wait3A_1620 = tpu.memref_slice %arg4[%dma_wait3A_1609, %dma_wait3A_1610, %add3A, %dma_wait3A_1618, %dma_wait3A_1619] : memref<200x8x32x8x128xf32, #tpu.memory_space<hbm>> -> memref<1x1x1x8x128xf32, #tpu.memory_space<hbm>>
          %dma_wait3A_1621 = tpu.memref_squeeze %dma_wait3A_1620 : memref<1x1x1x8x128xf32, #tpu.memory_space<hbm>> -> memref<8x128xf32, #tpu.memory_space<hbm>>
          %dma_wait3A_1622 = arith.constant 16 : i32
          %dma_wait3A_1623 = arith.constant 0 : i32
          %dma_wait3A_1624 = tpu.memref_slice %arg15[%dma_wait3A_1622, %dma_wait3A_1623] : memref<64x129xf32, #tpu.memory_space<vmem>> -> memref<8x128xf32, #tpu.memory_space<vmem>>
          tpu.wait_dma2 semaphore(%arg25 : memref<!tpu.dma_semaphore, #tpu.memory_space<semaphore_mem>>) src(%dma_wait3A_1624 : memref<8x128xf32, #tpu.memory_space<vmem>>) dst(%dma_wait3A_1621 : memref<8x128xf32, #tpu.memory_space<hbm>>)
          %dma_wait3A_1625 = arith.constant 0 : i32
          %dma_wait3A_1626 = arith.constant 3 : i32
          %dma_wait3A_1627 = arith.constant 24 : i32
          %dma_wait3A_1628 = arith.constant 0 : i32
          %dma_wait3A_1629 = tpu.memref_slice %arg15[%dma_wait3A_1627, %dma_wait3A_1628] : memref<64x129xf32, #tpu.memory_space<vmem>> -> memref<8x128xf32, #tpu.memory_space<vmem>>
          %dma_wait3A_1630 = arith.constant 0 : i32
          %dma_wait3A_1631 = arith.constant 0 : i32
          %dma_wait3A_1632 = tpu.memref_slice %arg4[%dma_wait3A_1625, %dma_wait3A_1626, %add3A, %dma_wait3A_1630, %dma_wait3A_1631] : memref<200x8x32x8x128xf32, #tpu.memory_space<hbm>> -> memref<1x1x1x8x128xf32, #tpu.memory_space<hbm>>
          %dma_wait3A_1633 = tpu.memref_squeeze %dma_wait3A_1632 : memref<1x1x1x8x128xf32, #tpu.memory_space<hbm>> -> memref<8x128xf32, #tpu.memory_space<hbm>>
          %dma_wait3A_1634 = arith.constant 0 : i32
          %dma_wait3A_1635 = arith.constant 0 : i32
          %dma_wait3A_1636 = tpu.memref_slice %arg4[%dma_wait3A_1625, %dma_wait3A_1626, %add3A, %dma_wait3A_1634, %dma_wait3A_1635] : memref<200x8x32x8x128xf32, #tpu.memory_space<hbm>> -> memref<1x1x1x8x128xf32, #tpu.memory_space<hbm>>
          %dma_wait3A_1637 = tpu.memref_squeeze %dma_wait3A_1636 : memref<1x1x1x8x128xf32, #tpu.memory_space<hbm>> -> memref<8x128xf32, #tpu.memory_space<hbm>>
          %dma_wait3A_1638 = arith.constant 24 : i32
          %dma_wait3A_1639 = arith.constant 0 : i32
          %dma_wait3A_1640 = tpu.memref_slice %arg15[%dma_wait3A_1638, %dma_wait3A_1639] : memref<64x129xf32, #tpu.memory_space<vmem>> -> memref<8x128xf32, #tpu.memory_space<vmem>>
          tpu.wait_dma2 semaphore(%arg25 : memref<!tpu.dma_semaphore, #tpu.memory_space<semaphore_mem>>) src(%dma_wait3A_1640 : memref<8x128xf32, #tpu.memory_space<vmem>>) dst(%dma_wait3A_1637 : memref<8x128xf32, #tpu.memory_space<hbm>>)
          %dma_wait3A_1641 = arith.constant 0 : i32
          %dma_wait3A_1642 = arith.constant 4 : i32
          %dma_wait3A_1643 = arith.constant 32 : i32
          %dma_wait3A_1644 = arith.constant 0 : i32
          %dma_wait3A_1645 = tpu.memref_slice %arg15[%dma_wait3A_1643, %dma_wait3A_1644] : memref<64x129xf32, #tpu.memory_space<vmem>> -> memref<8x128xf32, #tpu.memory_space<vmem>>
          %dma_wait3A_1646 = arith.constant 0 : i32
          %dma_wait3A_1647 = arith.constant 0 : i32
          %dma_wait3A_1648 = tpu.memref_slice %arg4[%dma_wait3A_1641, %dma_wait3A_1642, %add3A, %dma_wait3A_1646, %dma_wait3A_1647] : memref<200x8x32x8x128xf32, #tpu.memory_space<hbm>> -> memref<1x1x1x8x128xf32, #tpu.memory_space<hbm>>
          %dma_wait3A_1649 = tpu.memref_squeeze %dma_wait3A_1648 : memref<1x1x1x8x128xf32, #tpu.memory_space<hbm>> -> memref<8x128xf32, #tpu.memory_space<hbm>>
          %dma_wait3A_1650 = arith.constant 0 : i32
          %dma_wait3A_1651 = arith.constant 0 : i32
          %dma_wait3A_1652 = tpu.memref_slice %arg4[%dma_wait3A_1641, %dma_wait3A_1642, %add3A, %dma_wait3A_1650, %dma_wait3A_1651] : memref<200x8x32x8x128xf32, #tpu.memory_space<hbm>> -> memref<1x1x1x8x128xf32, #tpu.memory_space<hbm>>
          %dma_wait3A_1653 = tpu.memref_squeeze %dma_wait3A_1652 : memref<1x1x1x8x128xf32, #tpu.memory_space<hbm>> -> memref<8x128xf32, #tpu.memory_space<hbm>>
          %dma_wait3A_1654 = arith.constant 32 : i32
          %dma_wait3A_1655 = arith.constant 0 : i32
          %dma_wait3A_1656 = tpu.memref_slice %arg15[%dma_wait3A_1654, %dma_wait3A_1655] : memref<64x129xf32, #tpu.memory_space<vmem>> -> memref<8x128xf32, #tpu.memory_space<vmem>>
          tpu.wait_dma2 semaphore(%arg25 : memref<!tpu.dma_semaphore, #tpu.memory_space<semaphore_mem>>) src(%dma_wait3A_1656 : memref<8x128xf32, #tpu.memory_space<vmem>>) dst(%dma_wait3A_1653 : memref<8x128xf32, #tpu.memory_space<hbm>>)
          %dma_wait3A_1657 = arith.constant 0 : i32
          %dma_wait3A_1658 = arith.constant 5 : i32
          %dma_wait3A_1659 = arith.constant 40 : i32
          %dma_wait3A_1660 = arith.constant 0 : i32
          %dma_wait3A_1661 = tpu.memref_slice %arg15[%dma_wait3A_1659, %dma_wait3A_1660] : memref<64x129xf32, #tpu.memory_space<vmem>> -> memref<8x128xf32, #tpu.memory_space<vmem>>
          %dma_wait3A_1662 = arith.constant 0 : i32
          %dma_wait3A_1663 = arith.constant 0 : i32
          %dma_wait3A_1664 = tpu.memref_slice %arg4[%dma_wait3A_1657, %dma_wait3A_1658, %add3A, %dma_wait3A_1662, %dma_wait3A_1663] : memref<200x8x32x8x128xf32, #tpu.memory_space<hbm>> -> memref<1x1x1x8x128xf32, #tpu.memory_space<hbm>>
          %dma_wait3A_1665 = tpu.memref_squeeze %dma_wait3A_1664 : memref<1x1x1x8x128xf32, #tpu.memory_space<hbm>> -> memref<8x128xf32, #tpu.memory_space<hbm>>
          %dma_wait3A_1666 = arith.constant 0 : i32
          %dma_wait3A_1667 = arith.constant 0 : i32
          %dma_wait3A_1668 = tpu.memref_slice %arg4[%dma_wait3A_1657, %dma_wait3A_1658, %add3A, %dma_wait3A_1666, %dma_wait3A_1667] : memref<200x8x32x8x128xf32, #tpu.memory_space<hbm>> -> memref<1x1x1x8x128xf32, #tpu.memory_space<hbm>>
          %dma_wait3A_1669 = tpu.memref_squeeze %dma_wait3A_1668 : memref<1x1x1x8x128xf32, #tpu.memory_space<hbm>> -> memref<8x128xf32, #tpu.memory_space<hbm>>
          %dma_wait3A_1670 = arith.constant 40 : i32
          %dma_wait3A_1671 = arith.constant 0 : i32
          %dma_wait3A_1672 = tpu.memref_slice %arg15[%dma_wait3A_1670, %dma_wait3A_1671] : memref<64x129xf32, #tpu.memory_space<vmem>> -> memref<8x128xf32, #tpu.memory_space<vmem>>
          tpu.wait_dma2 semaphore(%arg25 : memref<!tpu.dma_semaphore, #tpu.memory_space<semaphore_mem>>) src(%dma_wait3A_1672 : memref<8x128xf32, #tpu.memory_space<vmem>>) dst(%dma_wait3A_1669 : memref<8x128xf32, #tpu.memory_space<hbm>>)
          %dma_wait3A_1673 = arith.constant 0 : i32
          %dma_wait3A_1674 = arith.constant 6 : i32
          %dma_wait3A_1675 = arith.constant 48 : i32
          %dma_wait3A_1676 = arith.constant 0 : i32
          %dma_wait3A_1677 = tpu.memref_slice %arg15[%dma_wait3A_1675, %dma_wait3A_1676] : memref<64x129xf32, #tpu.memory_space<vmem>> -> memref<8x128xf32, #tpu.memory_space<vmem>>
          %dma_wait3A_1678 = arith.constant 0 : i32
          %dma_wait3A_1679 = arith.constant 0 : i32
          %dma_wait3A_1680 = tpu.memref_slice %arg4[%dma_wait3A_1673, %dma_wait3A_1674, %add3A, %dma_wait3A_1678, %dma_wait3A_1679] : memref<200x8x32x8x128xf32, #tpu.memory_space<hbm>> -> memref<1x1x1x8x128xf32, #tpu.memory_space<hbm>>
          %dma_wait3A_1681 = tpu.memref_squeeze %dma_wait3A_1680 : memref<1x1x1x8x128xf32, #tpu.memory_space<hbm>> -> memref<8x128xf32, #tpu.memory_space<hbm>>
          %dma_wait3A_1682 = arith.constant 0 : i32
          %dma_wait3A_1683 = arith.constant 0 : i32
          %dma_wait3A_1684 = tpu.memref_slice %arg4[%dma_wait3A_1673, %dma_wait3A_1674, %add3A, %dma_wait3A_1682, %dma_wait3A_1683] : memref<200x8x32x8x128xf32, #tpu.memory_space<hbm>> -> memref<1x1x1x8x128xf32, #tpu.memory_space<hbm>>
          %dma_wait3A_1685 = tpu.memref_squeeze %dma_wait3A_1684 : memref<1x1x1x8x128xf32, #tpu.memory_space<hbm>> -> memref<8x128xf32, #tpu.memory_space<hbm>>
          %dma_wait3A_1686 = arith.constant 48 : i32
          %dma_wait3A_1687 = arith.constant 0 : i32
          %dma_wait3A_1688 = tpu.memref_slice %arg15[%dma_wait3A_1686, %dma_wait3A_1687] : memref<64x129xf32, #tpu.memory_space<vmem>> -> memref<8x128xf32, #tpu.memory_space<vmem>>
          tpu.wait_dma2 semaphore(%arg25 : memref<!tpu.dma_semaphore, #tpu.memory_space<semaphore_mem>>) src(%dma_wait3A_1688 : memref<8x128xf32, #tpu.memory_space<vmem>>) dst(%dma_wait3A_1685 : memref<8x128xf32, #tpu.memory_space<hbm>>)
          %dma_wait3A_1689 = arith.constant 0 : i32
          %dma_wait3A_1690 = arith.constant 7 : i32
          %dma_wait3A_1691 = arith.constant 56 : i32
          %dma_wait3A_1692 = arith.constant 0 : i32
          %dma_wait3A_1693 = tpu.memref_slice %arg15[%dma_wait3A_1691, %dma_wait3A_1692] : memref<64x129xf32, #tpu.memory_space<vmem>> -> memref<8x128xf32, #tpu.memory_space<vmem>>
          %dma_wait3A_1694 = arith.constant 0 : i32
          %dma_wait3A_1695 = arith.constant 0 : i32
          %dma_wait3A_1696 = tpu.memref_slice %arg4[%dma_wait3A_1689, %dma_wait3A_1690, %add3A, %dma_wait3A_1694, %dma_wait3A_1695] : memref<200x8x32x8x128xf32, #tpu.memory_space<hbm>> -> memref<1x1x1x8x128xf32, #tpu.memory_space<hbm>>
          %dma_wait3A_1697 = tpu.memref_squeeze %dma_wait3A_1696 : memref<1x1x1x8x128xf32, #tpu.memory_space<hbm>> -> memref<8x128xf32, #tpu.memory_space<hbm>>
          %dma_wait3A_1698 = arith.constant 0 : i32
          %dma_wait3A_1699 = arith.constant 0 : i32
          %dma_wait3A_1700 = tpu.memref_slice %arg4[%dma_wait3A_1689, %dma_wait3A_1690, %add3A, %dma_wait3A_1698, %dma_wait3A_1699] : memref<200x8x32x8x128xf32, #tpu.memory_space<hbm>> -> memref<1x1x1x8x128xf32, #tpu.memory_space<hbm>>
          %dma_wait3A_1701 = tpu.memref_squeeze %dma_wait3A_1700 : memref<1x1x1x8x128xf32, #tpu.memory_space<hbm>> -> memref<8x128xf32, #tpu.memory_space<hbm>>
          %dma_wait3A_1702 = arith.constant 56 : i32
          %dma_wait3A_1703 = arith.constant 0 : i32
          %dma_wait3A_1704 = tpu.memref_slice %arg15[%dma_wait3A_1702, %dma_wait3A_1703] : memref<64x129xf32, #tpu.memory_space<vmem>> -> memref<8x128xf32, #tpu.memory_space<vmem>>
          tpu.wait_dma2 semaphore(%arg25 : memref<!tpu.dma_semaphore, #tpu.memory_space<semaphore_mem>>) src(%dma_wait3A_1704 : memref<8x128xf32, #tpu.memory_space<vmem>>) dst(%dma_wait3A_1701 : memref<8x128xf32, #tpu.memory_space<hbm>>)
        } else {
        }
        %jit3A_1545 = arith.constant 8 : i32
        %div3A_1546 = arith.divsi %sub3A_702, %jit3A_1545 : i32
        %sign3A_1547 = arith.constant 0 : i32
        %sign3A_1548 = arith.cmpi sgt, %sub3A_702, %sign3A_1547 : i32
        %sign3A_1549 = arith.extui %sign3A_1548 : i1 to i32
        %sign3A_1550 = arith.constant 0 : i32
        %sign3A_1551 = arith.cmpi slt, %sub3A_702, %sign3A_1550 : i32
        %sign3A_1552 = arith.extui %sign3A_1551 : i1 to i32
        %sign3A_1553 = arith.subi %sign3A_1549, %sign3A_1552 : i32
        %sign3A_1554 = arith.constant 0 : i32
        %sign3A_1555 = arith.cmpi sgt, %jit3A_1545, %sign3A_1554 : i32
        %sign3A_1556 = arith.extui %sign3A_1555 : i1 to i32
        %sign3A_1557 = arith.constant 0 : i32
        %sign3A_1558 = arith.cmpi slt, %jit3A_1545, %sign3A_1557 : i32
        %sign3A_1559 = arith.extui %sign3A_1558 : i1 to i32
        %sign3A_1560 = arith.subi %sign3A_1556, %sign3A_1559 : i32
        %ne3A_1561 = arith.cmpi ne, %sign3A_1553, %sign3A_1560 : i32
        %rem3A_1562 = arith.remsi %sub3A_702, %jit3A_1545 : i32
        %ne3A_1563 = arith.constant 0 : i32
        %ne3A_1564 = arith.cmpi ne, %rem3A_1562, %ne3A_1563 : i32
        %and3A_1565 = arith.andi %ne3A_1561, %ne3A_1564 : i1
        %sub3A_1566 = arith.constant 1 : i32
        %sub3A_1567 = arith.subi %div3A_1546, %sub3A_1566 : i32
        %select_n3A_1568 = arith.select %and3A_1565, %sub3A_1567, %div3A_1546 : i32
        %rem3A_1569 = arith.constant 8 : i32
        %rem3A_1570 = arith.remsi %sub3A_702, %rem3A_1569 : i32
        %dma_start3A_1571 = arith.constant 0 : i32
        %dma_start3A_1572 = tpu.memref_slice %arg5[%select_n3A_1568, %rem3A_1570, %dma_start3A_1571] : memref<25x8x128xi32, #tpu.memory_space<vmem>> -> memref<1x1x128xi32, #tpu.memory_space<vmem>>
        %dma_start3A_1573 = tpu.memref_squeeze %dma_start3A_1572 : memref<1x1x128xi32, #tpu.memory_space<vmem>> -> memref<128xi32, #tpu.memory_space<vmem>>
        %dma_start3A_1574 = arith.constant 0 : i32
        %dma_start3A_1575 = arith.constant 0 : i32
        %dma_start3A_1576 = tpu.memref_slice %arg3[%dma_start3A_1574, %dma_start3A_1575] : memref<1000000x64xf32, #tpu.memory_space<hbm>> -> memref<1000000x64xf32, #tpu.memory_space<hbm>>
        tpu.enqueue_indirect_dma source(%dma_start3A_1576 : memref<1000000x64xf32, #tpu.memory_space<hbm>>) target(%arg10 : memref<128x64xf32, #tpu.memory_space<vmem>>) offsets(%dma_start3A_1573 : memref<128xi32, #tpu.memory_space<vmem>>) semaphore(%arg20 : memref<!tpu.dma_semaphore, #tpu.memory_space<semaphore_mem>>)
      } else {
      }
      %jit3A = arith.constant 8 : i32
      %div3A = arith.divsi %add3A_699, %jit3A : i32
      %sign3A = arith.constant 0 : i32
      %sign3A_705 = arith.cmpi sgt, %add3A_699, %sign3A : i32
      %sign3A_706 = arith.extui %sign3A_705 : i1 to i32
      %sign3A_707 = arith.constant 0 : i32
      %sign3A_708 = arith.cmpi slt, %add3A_699, %sign3A_707 : i32
      %sign3A_709 = arith.extui %sign3A_708 : i1 to i32
      %sign3A_710 = arith.subi %sign3A_706, %sign3A_709 : i32
      %sign3A_711 = arith.constant 0 : i32
      %sign3A_712 = arith.cmpi sgt, %jit3A, %sign3A_711 : i32
      %sign3A_713 = arith.extui %sign3A_712 : i1 to i32
      %sign3A_714 = arith.constant 0 : i32
      %sign3A_715 = arith.cmpi slt, %jit3A, %sign3A_714 : i32
      %sign3A_716 = arith.extui %sign3A_715 : i1 to i32
      %sign3A_717 = arith.subi %sign3A_713, %sign3A_716 : i32
      %ne3A = arith.cmpi ne, %sign3A_710, %sign3A_717 : i32
      %rem3A_718 = arith.remsi %add3A_699, %jit3A : i32
      %ne3A_719 = arith.constant 0 : i32
      %ne3A_720 = arith.cmpi ne, %rem3A_718, %ne3A_719 : i32
      %and3A = arith.andi %ne3A, %ne3A_720 : i1
      %sub3A_721 = arith.constant 1 : i32
      %sub3A_722 = arith.subi %div3A, %sub3A_721 : i32
      %select_n3A = arith.select %and3A, %sub3A_722, %div3A : i32
      %rem3A_723 = arith.constant 8 : i32
      %rem3A_724 = arith.remsi %add3A_699, %rem3A_723 : i32
      %dma_wait3A_725 = arith.constant 0 : i32
      %dma_wait3A_726 = tpu.memref_slice %arg5[%select_n3A, %rem3A_724, %dma_wait3A_725] : memref<25x8x128xi32, #tpu.memory_space<vmem>> -> memref<1x1x128xi32, #tpu.memory_space<vmem>>
      %dma_wait3A_727 = tpu.memref_squeeze %dma_wait3A_726 : memref<1x1x128xi32, #tpu.memory_space<vmem>> -> memref<128xi32, #tpu.memory_space<vmem>>
      %dma_wait3A_728 = arith.constant 0 : i32
      %dma_wait3A_729 = arith.constant 0 : i32
      %dma_wait3A_730 = tpu.memref_slice %arg3[%dma_wait3A_728, %dma_wait3A_729] : memref<1000000x64xf32, #tpu.memory_space<hbm>> -> memref<1000000x64xf32, #tpu.memory_space<hbm>>
      tpu.wait_indirect_dma semaphore(%arg16 : memref<!tpu.dma_semaphore, #tpu.memory_space<semaphore_mem>>) src(%dma_wait3A_730 : memref<1000000x64xf32, #tpu.memory_space<hbm>>) dst(%arg6 : memref<128x64xf32, #tpu.memory_space<vmem>>)
      %scan3A_731 = arith.constant 0 : i32
      %scan3A_732 = arith.constant 0 : i32
      %scan3A_733 = arith.constant 32 : i32
      %scan3A_734 = arith.addi %scan3A_732, %scan3A_733 : i32
      %scan3A_735 = arith.constant 1 : i32
      scf.for %scan3A_1541 = %scan3A_732 to %scan3A_734 step %scan3A_735  : i32 {
        %mul3A_1542 = arith.constant 4 : i32
        %mul3A_1543 = arith.muli %scan3A_1541, %mul3A_1542 : i32
        %broadcast_in_dim3A = arith.constant 0 : i32
        %broadcast_in_dim3A_1544 = vector.broadcast %broadcast_in_dim3A : i32 to vector<16xi32>
        %add3A_1545 = arith.constant 0 : i32
        %add3A_1546 = arith.addi %mul3A_1543, %add3A_1545 : i32
        %add3A_1547 = vector.broadcast %add3A_1546 : i32 to vector<16xi32>
        %add3A_1548 = arith.addi %broadcast_in_dim3A_1544, %add3A_1547 : vector<16xi32>
        %broadcast_in_dim3A_1549 = arith.constant 0 : i32
        %broadcast_in_dim3A_1550 = vector.broadcast %broadcast_in_dim3A_1549 : i32 to vector<16xi32>
        %add3A_1551 = arith.constant 1 : i32
        %add3A_1552 = arith.addi %mul3A_1543, %add3A_1551 : i32
        %add3A_1553 = vector.broadcast %add3A_1552 : i32 to vector<16xi32>
        %add3A_1554 = arith.addi %broadcast_in_dim3A_1550, %add3A_1553 : vector<16xi32>
        %broadcast_in_dim3A_1555 = arith.constant 0 : i32
        %broadcast_in_dim3A_1556 = vector.broadcast %broadcast_in_dim3A_1555 : i32 to vector<16xi32>
        %add3A_1557 = arith.constant 2 : i32
        %add3A_1558 = arith.addi %mul3A_1543, %add3A_1557 : i32
        %add3A_1559 = vector.broadcast %add3A_1558 : i32 to vector<16xi32>
        %add3A_1560 = arith.addi %broadcast_in_dim3A_1556, %add3A_1559 : vector<16xi32>
        %broadcast_in_dim3A_1561 = arith.constant 0 : i32
        %broadcast_in_dim3A_1562 = vector.broadcast %broadcast_in_dim3A_1561 : i32 to vector<16xi32>
        %add3A_1563 = arith.constant 3 : i32
        %add3A_1564 = arith.addi %mul3A_1543, %add3A_1563 : i32
        %add3A_1565 = vector.broadcast %add3A_1564 : i32 to vector<16xi32>
        %add3A_1566 = arith.addi %broadcast_in_dim3A_1562, %add3A_1565 : vector<16xi32>
        %add3A_1567 = arith.constant 0 : i32
        %add3A_1568 = arith.addi %mul3A_1543, %add3A_1567 : i32
        %get3A = arith.index_cast %add3A_1568 : i32 to index
        %get3A_1569 = arith.constant 0 : index
        %get3A_1570 = tpu.vector_load %arg6[%get3A, %get3A_1569] {strides = array<i32>} : memref<128x64xf32, #tpu.memory_space<vmem>>, vector<16xf32>,
        %mul3A_1571 = arith.constant 8.000000e+00 : f32
        %mul3A_1572 = vector.broadcast %mul3A_1571 : f32 to vector<16xf32>
        %mul3A_1573 = arith.mulf %get3A_1570, %mul3A_1572 : vector<16xf32>
        %add3A_1574 = arith.constant 0 : i32
        %add3A_1575 = arith.addi %mul3A_1543, %add3A_1574 : i32
        %get3A_1576 = arith.index_cast %add3A_1575 : i32 to index
        %get3A_1577 = arith.constant 16 : index
        %get3A_1578 = tpu.vector_load %arg6[%get3A_1576, %get3A_1577] {strides = array<i32>} : memref<128x64xf32, #tpu.memory_space<vmem>>, vector<16xf32>,
        %mul3A_1579 = arith.constant 8.000000e+00 : f32
        %mul3A_1580 = vector.broadcast %mul3A_1579 : f32 to vector<16xf32>
        %mul3A_1581 = arith.mulf %get3A_1578, %mul3A_1580 : vector<16xf32>
        %add3A_1582 = arith.constant 0 : i32
        %add3A_1583 = arith.addi %mul3A_1543, %add3A_1582 : i32
        %get3A_1584 = arith.index_cast %add3A_1583 : i32 to index
        %get3A_1585 = arith.constant 32 : index
        %get3A_1586 = tpu.vector_load %arg6[%get3A_1584, %get3A_1585] {strides = array<i32>} : memref<128x64xf32, #tpu.memory_space<vmem>>, vector<16xf32>,
        %mul3A_1587 = arith.constant 8.000000e+00 : f32
        %mul3A_1588 = vector.broadcast %mul3A_1587 : f32 to vector<16xf32>
        %mul3A_1589 = arith.mulf %get3A_1586, %mul3A_1588 : vector<16xf32>
        %add3A_1590 = arith.constant 0 : i32
        %add3A_1591 = arith.addi %mul3A_1543, %add3A_1590 : i32
        %get3A_1592 = arith.index_cast %add3A_1591 : i32 to index
        %get3A_1593 = arith.constant 48 : index
        %get3A_1594 = tpu.vector_load %arg6[%get3A_1592, %get3A_1593] {strides = array<i32>} : memref<128x64xf32, #tpu.memory_space<vmem>>, vector<16xf32>,
        %mul3A_1595 = arith.constant 8.000000e+00 : f32
        %mul3A_1596 = vector.broadcast %mul3A_1595 : f32 to vector<16xf32>
        %mul3A_1597 = arith.mulf %get3A_1594, %mul3A_1596 : vector<16xf32>
        %add3A_1598 = arith.constant 1 : i32
        %add3A_1599 = arith.addi %mul3A_1543, %add3A_1598 : i32
        %get3A_1600 = arith.index_cast %add3A_1599 : i32 to index
        %get3A_1601 = arith.constant 0 : index
        %get3A_1602 = tpu.vector_load %arg6[%get3A_1600, %get3A_1601] {strides = array<i32>} : memref<128x64xf32, #tpu.memory_space<vmem>>, vector<16xf32>,
        %mul3A_1603 = arith.constant 8.000000e+00 : f32
        %mul3A_1604 = vector.broadcast %mul3A_1603 : f32 to vector<16xf32>
        %mul3A_1605 = arith.mulf %get3A_1602, %mul3A_1604 : vector<16xf32>
        %add3A_1606 = arith.constant 1 : i32
        %add3A_1607 = arith.addi %mul3A_1543, %add3A_1606 : i32
        %get3A_1608 = arith.index_cast %add3A_1607 : i32 to index
        %get3A_1609 = arith.constant 16 : index
        %get3A_1610 = tpu.vector_load %arg6[%get3A_1608, %get3A_1609] {strides = array<i32>} : memref<128x64xf32, #tpu.memory_space<vmem>>, vector<16xf32>,
        %mul3A_1611 = arith.constant 8.000000e+00 : f32
        %mul3A_1612 = vector.broadcast %mul3A_1611 : f32 to vector<16xf32>
        %mul3A_1613 = arith.mulf %get3A_1610, %mul3A_1612 : vector<16xf32>
        %add3A_1614 = arith.constant 1 : i32
        %add3A_1615 = arith.addi %mul3A_1543, %add3A_1614 : i32
        %get3A_1616 = arith.index_cast %add3A_1615 : i32 to index
        %get3A_1617 = arith.constant 32 : index
        %get3A_1618 = tpu.vector_load %arg6[%get3A_1616, %get3A_1617] {strides = array<i32>} : memref<128x64xf32, #tpu.memory_space<vmem>>, vector<16xf32>,
        %mul3A_1619 = arith.constant 8.000000e+00 : f32
        %mul3A_1620 = vector.broadcast %mul3A_1619 : f32 to vector<16xf32>
        %mul3A_1621 = arith.mulf %get3A_1618, %mul3A_1620 : vector<16xf32>
        %add3A_1622 = arith.constant 1 : i32
        %add3A_1623 = arith.addi %mul3A_1543, %add3A_1622 : i32
        %get3A_1624 = arith.index_cast %add3A_1623 : i32 to index
        %get3A_1625 = arith.constant 48 : index
        %get3A_1626 = tpu.vector_load %arg6[%get3A_1624, %get3A_1625] {strides = array<i32>} : memref<128x64xf32, #tpu.memory_space<vmem>>, vector<16xf32>,
        %mul3A_1627 = arith.constant 8.000000e+00 : f32
        %mul3A_1628 = vector.broadcast %mul3A_1627 : f32 to vector<16xf32>
        %mul3A_1629 = arith.mulf %get3A_1626, %mul3A_1628 : vector<16xf32>
        %add3A_1630 = arith.constant 2 : i32
        %add3A_1631 = arith.addi %mul3A_1543, %add3A_1630 : i32
        %get3A_1632 = arith.index_cast %add3A_1631 : i32 to index
        %get3A_1633 = arith.constant 0 : index
        %get3A_1634 = tpu.vector_load %arg6[%get3A_1632, %get3A_1633] {strides = array<i32>} : memref<128x64xf32, #tpu.memory_space<vmem>>, vector<16xf32>,
        %mul3A_1635 = arith.constant 8.000000e+00 : f32
        %mul3A_1636 = vector.broadcast %mul3A_1635 : f32 to vector<16xf32>
        %mul3A_1637 = arith.mulf %get3A_1634, %mul3A_1636 : vector<16xf32>
        %add3A_1638 = arith.constant 2 : i32
        %add3A_1639 = arith.addi %mul3A_1543, %add3A_1638 : i32
        %get3A_1640 = arith.index_cast %add3A_1639 : i32 to index
        %get3A_1641 = arith.constant 16 : index
        %get3A_1642 = tpu.vector_load %arg6[%get3A_1640, %get3A_1641] {strides = array<i32>} : memref<128x64xf32, #tpu.memory_space<vmem>>, vector<16xf32>,
        %mul3A_1643 = arith.constant 8.000000e+00 : f32
        %mul3A_1644 = vector.broadcast %mul3A_1643 : f32 to vector<16xf32>
        %mul3A_1645 = arith.mulf %get3A_1642, %mul3A_1644 : vector<16xf32>
        %add3A_1646 = arith.constant 2 : i32
        %add3A_1647 = arith.addi %mul3A_1543, %add3A_1646 : i32
        %get3A_1648 = arith.index_cast %add3A_1647 : i32 to index
        %get3A_1649 = arith.constant 32 : index
        %get3A_1650 = tpu.vector_load %arg6[%get3A_1648, %get3A_1649] {strides = array<i32>} : memref<128x64xf32, #tpu.memory_space<vmem>>, vector<16xf32>,
        %mul3A_1651 = arith.constant 8.000000e+00 : f32
        %mul3A_1652 = vector.broadcast %mul3A_1651 : f32 to vector<16xf32>
        %mul3A_1653 = arith.mulf %get3A_1650, %mul3A_1652 : vector<16xf32>
        %add3A_1654 = arith.constant 2 : i32
        %add3A_1655 = arith.addi %mul3A_1543, %add3A_1654 : i32
        %get3A_1656 = arith.index_cast %add3A_1655 : i32 to index
        %get3A_1657 = arith.constant 48 : index
        %get3A_1658 = tpu.vector_load %arg6[%get3A_1656, %get3A_1657] {strides = array<i32>} : memref<128x64xf32, #tpu.memory_space<vmem>>, vector<16xf32>,
        %mul3A_1659 = arith.constant 8.000000e+00 : f32
        %mul3A_1660 = vector.broadcast %mul3A_1659 : f32 to vector<16xf32>
        %mul3A_1661 = arith.mulf %get3A_1658, %mul3A_1660 : vector<16xf32>
        %add3A_1662 = arith.constant 3 : i32
        %add3A_1663 = arith.addi %mul3A_1543, %add3A_1662 : i32
        %get3A_1664 = arith.index_cast %add3A_1663 : i32 to index
        %get3A_1665 = arith.constant 0 : index
        %get3A_1666 = tpu.vector_load %arg6[%get3A_1664, %get3A_1665] {strides = array<i32>} : memref<128x64xf32, #tpu.memory_space<vmem>>, vector<16xf32>,
        %mul3A_1667 = arith.constant 8.000000e+00 : f32
        %mul3A_1668 = vector.broadcast %mul3A_1667 : f32 to vector<16xf32>
        %mul3A_1669 = arith.mulf %get3A_1666, %mul3A_1668 : vector<16xf32>
        %add3A_1670 = arith.constant 3 : i32
        %add3A_1671 = arith.addi %mul3A_1543, %add3A_1670 : i32
        %get3A_1672 = arith.index_cast %add3A_1671 : i32 to index
        %get3A_1673 = arith.constant 16 : index
        %get3A_1674 = tpu.vector_load %arg6[%get3A_1672, %get3A_1673] {strides = array<i32>} : memref<128x64xf32, #tpu.memory_space<vmem>>, vector<16xf32>,
        %mul3A_1675 = arith.constant 8.000000e+00 : f32
        %mul3A_1676 = vector.broadcast %mul3A_1675 : f32 to vector<16xf32>
        %mul3A_1677 = arith.mulf %get3A_1674, %mul3A_1676 : vector<16xf32>
        %add3A_1678 = arith.constant 3 : i32
        %add3A_1679 = arith.addi %mul3A_1543, %add3A_1678 : i32
        %get3A_1680 = arith.index_cast %add3A_1679 : i32 to index
        %get3A_1681 = arith.constant 32 : index
        %get3A_1682 = tpu.vector_load %arg6[%get3A_1680, %get3A_1681] {strides = array<i32>} : memref<128x64xf32, #tpu.memory_space<vmem>>, vector<16xf32>,
        %mul3A_1683 = arith.constant 8.000000e+00 : f32
        %mul3A_1684 = vector.broadcast %mul3A_1683 : f32 to vector<16xf32>
        %mul3A_1685 = arith.mulf %get3A_1682, %mul3A_1684 : vector<16xf32>
        %add3A_1686 = arith.constant 3 : i32
        %add3A_1687 = arith.addi %mul3A_1543, %add3A_1686 : i32
        %get3A_1688 = arith.index_cast %add3A_1687 : i32 to index
        %get3A_1689 = arith.constant 48 : index
        %get3A_1690 = tpu.vector_load %arg6[%get3A_1688, %get3A_1689] {strides = array<i32>} : memref<128x64xf32, #tpu.memory_space<vmem>>, vector<16xf32>,
        %mul3A_1691 = arith.constant 8.000000e+00 : f32
        %mul3A_1692 = vector.broadcast %mul3A_1691 : f32 to vector<16xf32>
        %mul3A_1693 = arith.mulf %get3A_1690, %mul3A_1692 : vector<16xf32>
        tpu.vector_store_idx %arg11[%add3A_3, %add3A_1548], %mul3A_1573 : memref<64x129xf32, #tpu.memory_space<vmem>>[vector<16xi32>, vector<16xi32>], vector<16xf32>,
        tpu.vector_store_idx %arg11[%add3A_6, %add3A_1548], %mul3A_1581 : memref<64x129xf32, #tpu.memory_space<vmem>>[vector<16xi32>, vector<16xi32>], vector<16xf32>,
        tpu.vector_store_idx %arg11[%add3A_9, %add3A_1548], %mul3A_1589 : memref<64x129xf32, #tpu.memory_space<vmem>>[vector<16xi32>, vector<16xi32>], vector<16xf32>,
        tpu.vector_store_idx %arg11[%add3A_12, %add3A_1548], %mul3A_1597 : memref<64x129xf32, #tpu.memory_space<vmem>>[vector<16xi32>, vector<16xi32>], vector<16xf32>,
        tpu.vector_store_idx %arg11[%add3A_3, %add3A_1554], %mul3A_1605 : memref<64x129xf32, #tpu.memory_space<vmem>>[vector<16xi32>, vector<16xi32>], vector<16xf32>,
        tpu.vector_store_idx %arg11[%add3A_6, %add3A_1554], %mul3A_1613 : memref<64x129xf32, #tpu.memory_space<vmem>>[vector<16xi32>, vector<16xi32>], vector<16xf32>,
        tpu.vector_store_idx %arg11[%add3A_9, %add3A_1554], %mul3A_1621 : memref<64x129xf32, #tpu.memory_space<vmem>>[vector<16xi32>, vector<16xi32>], vector<16xf32>,
        tpu.vector_store_idx %arg11[%add3A_12, %add3A_1554], %mul3A_1629 : memref<64x129xf32, #tpu.memory_space<vmem>>[vector<16xi32>, vector<16xi32>], vector<16xf32>,
        tpu.vector_store_idx %arg11[%add3A_3, %add3A_1560], %mul3A_1637 : memref<64x129xf32, #tpu.memory_space<vmem>>[vector<16xi32>, vector<16xi32>], vector<16xf32>,
        tpu.vector_store_idx %arg11[%add3A_6, %add3A_1560], %mul3A_1645 : memref<64x129xf32, #tpu.memory_space<vmem>>[vector<16xi32>, vector<16xi32>], vector<16xf32>,
        tpu.vector_store_idx %arg11[%add3A_9, %add3A_1560], %mul3A_1653 : memref<64x129xf32, #tpu.memory_space<vmem>>[vector<16xi32>, vector<16xi32>], vector<16xf32>,
        tpu.vector_store_idx %arg11[%add3A_12, %add3A_1560], %mul3A_1661 : memref<64x129xf32, #tpu.memory_space<vmem>>[vector<16xi32>, vector<16xi32>], vector<16xf32>,
        tpu.vector_store_idx %arg11[%add3A_3, %add3A_1566], %mul3A_1669 : memref<64x129xf32, #tpu.memory_space<vmem>>[vector<16xi32>, vector<16xi32>], vector<16xf32>,
        tpu.vector_store_idx %arg11[%add3A_6, %add3A_1566], %mul3A_1677 : memref<64x129xf32, #tpu.memory_space<vmem>>[vector<16xi32>, vector<16xi32>], vector<16xf32>,
        tpu.vector_store_idx %arg11[%add3A_9, %add3A_1566], %mul3A_1685 : memref<64x129xf32, #tpu.memory_space<vmem>>[vector<16xi32>, vector<16xi32>], vector<16xf32>,
        tpu.vector_store_idx %arg11[%add3A_12, %add3A_1566], %mul3A_1693 : memref<64x129xf32, #tpu.memory_space<vmem>>[vector<16xi32>, vector<16xi32>], vector<16xf32>,
      }
      %scan3A_736 = arith.constant 32 : i32
      %dma_start3A_737 = arith.constant 0 : i32
      %dma_start3A_738 = arith.constant 0 : i32
      %dma_start3A_739 = arith.constant 0 : i32
      %dma_start3A_740 = tpu.memref_slice %arg11[%dma_start3A_738, %dma_start3A_739] : memref<64x129xf32, #tpu.memory_space<vmem>> -> memref<8x128xf32, #tpu.memory_space<vmem>>
      %dma_start3A_741 = arith.constant 0 : i32
      %dma_start3A_742 = arith.constant 0 : i32
      %dma_start3A_743 = tpu.memref_slice %arg4[%add3A_699, %dma_start3A_737, %add3A, %dma_start3A_741, %dma_start3A_742] : memref<200x8x32x8x128xf32, #tpu.memory_space<hbm>> -> memref<1x1x1x8x128xf32, #tpu.memory_space<hbm>>
      %dma_start3A_744 = tpu.memref_squeeze %dma_start3A_743 : memref<1x1x1x8x128xf32, #tpu.memory_space<hbm>> -> memref<8x128xf32, #tpu.memory_space<hbm>>
      %dma_start3A_745 = arith.constant 0 : i32
      %dma_start3A_746 = arith.constant 0 : i32
      %dma_start3A_747 = tpu.memref_slice %arg4[%add3A_699, %dma_start3A_737, %add3A, %dma_start3A_745, %dma_start3A_746] : memref<200x8x32x8x128xf32, #tpu.memory_space<hbm>> -> memref<1x1x1x8x128xf32, #tpu.memory_space<hbm>>
      %dma_start3A_748 = tpu.memref_squeeze %dma_start3A_747 : memref<1x1x1x8x128xf32, #tpu.memory_space<hbm>> -> memref<8x128xf32, #tpu.memory_space<hbm>>
      %dma_start3A_749 = arith.constant 0 : i32
      %dma_start3A_750 = arith.constant 0 : i32
      %dma_start3A_751 = tpu.memref_slice %arg11[%dma_start3A_749, %dma_start3A_750] : memref<64x129xf32, #tpu.memory_space<vmem>> -> memref<8x128xf32, #tpu.memory_space<vmem>>
      tpu.enqueue_dma source(%dma_start3A_751 : memref<8x128xf32, #tpu.memory_space<vmem>>) target(%dma_start3A_748 : memref<8x128xf32, #tpu.memory_space<hbm>>) target_semaphore(%arg21 : memref<!tpu.dma_semaphore, #tpu.memory_space<semaphore_mem>>)
      %dma_start3A_752 = arith.constant 1 : i32
      %dma_start3A_753 = arith.constant 8 : i32
      %dma_start3A_754 = arith.constant 0 : i32
      %dma_start3A_755 = tpu.memref_slice %arg11[%dma_start3A_753, %dma_start3A_754] : memref<64x129xf32, #tpu.memory_space<vmem>> -> memref<8x128xf32, #tpu.memory_space<vmem>>
      %dma_start3A_756 = arith.constant 0 : i32
      %dma_start3A_757 = arith.constant 0 : i32
      %dma_start3A_758 = tpu.memref_slice %arg4[%add3A_699, %dma_start3A_752, %add3A, %dma_start3A_756, %dma_start3A_757] : memref<200x8x32x8x128xf32, #tpu.memory_space<hbm>> -> memref<1x1x1x8x128xf32, #tpu.memory_space<hbm>>
      %dma_start3A_759 = tpu.memref_squeeze %dma_start3A_758 : memref<1x1x1x8x128xf32, #tpu.memory_space<hbm>> -> memref<8x128xf32, #tpu.memory_space<hbm>>
      %dma_start3A_760 = arith.constant 0 : i32
      %dma_start3A_761 = arith.constant 0 : i32
      %dma_start3A_762 = tpu.memref_slice %arg4[%add3A_699, %dma_start3A_752, %add3A, %dma_start3A_760, %dma_start3A_761] : memref<200x8x32x8x128xf32, #tpu.memory_space<hbm>> -> memref<1x1x1x8x128xf32, #tpu.memory_space<hbm>>
      %dma_start3A_763 = tpu.memref_squeeze %dma_start3A_762 : memref<1x1x1x8x128xf32, #tpu.memory_space<hbm>> -> memref<8x128xf32, #tpu.memory_space<hbm>>
      %dma_start3A_764 = arith.constant 8 : i32
      %dma_start3A_765 = arith.constant 0 : i32
      %dma_start3A_766 = tpu.memref_slice %arg11[%dma_start3A_764, %dma_start3A_765] : memref<64x129xf32, #tpu.memory_space<vmem>> -> memref<8x128xf32, #tpu.memory_space<vmem>>
      tpu.enqueue_dma source(%dma_start3A_766 : memref<8x128xf32, #tpu.memory_space<vmem>>) target(%dma_start3A_763 : memref<8x128xf32, #tpu.memory_space<hbm>>) target_semaphore(%arg21 : memref<!tpu.dma_semaphore, #tpu.memory_space<semaphore_mem>>)
      %dma_start3A_767 = arith.constant 2 : i32
      %dma_start3A_768 = arith.constant 16 : i32
      %dma_start3A_769 = arith.constant 0 : i32
      %dma_start3A_770 = tpu.memref_slice %arg11[%dma_start3A_768, %dma_start3A_769] : memref<64x129xf32, #tpu.memory_space<vmem>> -> memref<8x128xf32, #tpu.memory_space<vmem>>
      %dma_start3A_771 = arith.constant 0 : i32
      %dma_start3A_772 = arith.constant 0 : i32
      %dma_start3A_773 = tpu.memref_slice %arg4[%add3A_699, %dma_start3A_767, %add3A, %dma_start3A_771, %dma_start3A_772] : memref<200x8x32x8x128xf32, #tpu.memory_space<hbm>> -> memref<1x1x1x8x128xf32, #tpu.memory_space<hbm>>
      %dma_start3A_774 = tpu.memref_squeeze %dma_start3A_773 : memref<1x1x1x8x128xf32, #tpu.memory_space<hbm>> -> memref<8x128xf32, #tpu.memory_space<hbm>>
      %dma_start3A_775 = arith.constant 0 : i32
      %dma_start3A_776 = arith.constant 0 : i32
      %dma_start3A_777 = tpu.memref_slice %arg4[%add3A_699, %dma_start3A_767, %add3A, %dma_start3A_775, %dma_start3A_776] : memref<200x8x32x8x128xf32, #tpu.memory_space<hbm>> -> memref<1x1x1x8x128xf32, #tpu.memory_space<hbm>>
      %dma_start3A_778 = tpu.memref_squeeze %dma_start3A_777 : memref<1x1x1x8x128xf32, #tpu.memory_space<hbm>> -> memref<8x128xf32, #tpu.memory_space<hbm>>
      %dma_start3A_779 = arith.constant 16 : i32
      %dma_start3A_780 = arith.constant 0 : i32
      %dma_start3A_781 = tpu.memref_slice %arg11[%dma_start3A_779, %dma_start3A_780] : memref<64x129xf32, #tpu.memory_space<vmem>> -> memref<8x128xf32, #tpu.memory_space<vmem>>
      tpu.enqueue_dma source(%dma_start3A_781 : memref<8x128xf32, #tpu.memory_space<vmem>>) target(%dma_start3A_778 : memref<8x128xf32, #tpu.memory_space<hbm>>) target_semaphore(%arg21 : memref<!tpu.dma_semaphore, #tpu.memory_space<semaphore_mem>>)
      %dma_start3A_782 = arith.constant 3 : i32
      %dma_start3A_783 = arith.constant 24 : i32
      %dma_start3A_784 = arith.constant 0 : i32
      %dma_start3A_785 = tpu.memref_slice %arg11[%dma_start3A_783, %dma_start3A_784] : memref<64x129xf32, #tpu.memory_space<vmem>> -> memref<8x128xf32, #tpu.memory_space<vmem>>
      %dma_start3A_786 = arith.constant 0 : i32
      %dma_start3A_787 = arith.constant 0 : i32
      %dma_start3A_788 = tpu.memref_slice %arg4[%add3A_699, %dma_start3A_782, %add3A, %dma_start3A_786, %dma_start3A_787] : memref<200x8x32x8x128xf32, #tpu.memory_space<hbm>> -> memref<1x1x1x8x128xf32, #tpu.memory_space<hbm>>
      %dma_start3A_789 = tpu.memref_squeeze %dma_start3A_788 : memref<1x1x1x8x128xf32, #tpu.memory_space<hbm>> -> memref<8x128xf32, #tpu.memory_space<hbm>>
      %dma_start3A_790 = arith.constant 0 : i32
      %dma_start3A_791 = arith.constant 0 : i32
      %dma_start3A_792 = tpu.memref_slice %arg4[%add3A_699, %dma_start3A_782, %add3A, %dma_start3A_790, %dma_start3A_791] : memref<200x8x32x8x128xf32, #tpu.memory_space<hbm>> -> memref<1x1x1x8x128xf32, #tpu.memory_space<hbm>>
      %dma_start3A_793 = tpu.memref_squeeze %dma_start3A_792 : memref<1x1x1x8x128xf32, #tpu.memory_space<hbm>> -> memref<8x128xf32, #tpu.memory_space<hbm>>
      %dma_start3A_794 = arith.constant 24 : i32
      %dma_start3A_795 = arith.constant 0 : i32
      %dma_start3A_796 = tpu.memref_slice %arg11[%dma_start3A_794, %dma_start3A_795] : memref<64x129xf32, #tpu.memory_space<vmem>> -> memref<8x128xf32, #tpu.memory_space<vmem>>
      tpu.enqueue_dma source(%dma_start3A_796 : memref<8x128xf32, #tpu.memory_space<vmem>>) target(%dma_start3A_793 : memref<8x128xf32, #tpu.memory_space<hbm>>) target_semaphore(%arg21 : memref<!tpu.dma_semaphore, #tpu.memory_space<semaphore_mem>>)
      %dma_start3A_797 = arith.constant 4 : i32
      %dma_start3A_798 = arith.constant 32 : i32
      %dma_start3A_799 = arith.constant 0 : i32
      %dma_start3A_800 = tpu.memref_slice %arg11[%dma_start3A_798, %dma_start3A_799] : memref<64x129xf32, #tpu.memory_space<vmem>> -> memref<8x128xf32, #tpu.memory_space<vmem>>
      %dma_start3A_801 = arith.constant 0 : i32
      %dma_start3A_802 = arith.constant 0 : i32
      %dma_start3A_803 = tpu.memref_slice %arg4[%add3A_699, %dma_start3A_797, %add3A, %dma_start3A_801, %dma_start3A_802] : memref<200x8x32x8x128xf32, #tpu.memory_space<hbm>> -> memref<1x1x1x8x128xf32, #tpu.memory_space<hbm>>
      %dma_start3A_804 = tpu.memref_squeeze %dma_start3A_803 : memref<1x1x1x8x128xf32, #tpu.memory_space<hbm>> -> memref<8x128xf32, #tpu.memory_space<hbm>>
      %dma_start3A_805 = arith.constant 0 : i32
      %dma_start3A_806 = arith.constant 0 : i32
      %dma_start3A_807 = tpu.memref_slice %arg4[%add3A_699, %dma_start3A_797, %add3A, %dma_start3A_805, %dma_start3A_806] : memref<200x8x32x8x128xf32, #tpu.memory_space<hbm>> -> memref<1x1x1x8x128xf32, #tpu.memory_space<hbm>>
      %dma_start3A_808 = tpu.memref_squeeze %dma_start3A_807 : memref<1x1x1x8x128xf32, #tpu.memory_space<hbm>> -> memref<8x128xf32, #tpu.memory_space<hbm>>
      %dma_start3A_809 = arith.constant 32 : i32
      %dma_start3A_810 = arith.constant 0 : i32
      %dma_start3A_811 = tpu.memref_slice %arg11[%dma_start3A_809, %dma_start3A_810] : memref<64x129xf32, #tpu.memory_space<vmem>> -> memref<8x128xf32, #tpu.memory_space<vmem>>
      tpu.enqueue_dma source(%dma_start3A_811 : memref<8x128xf32, #tpu.memory_space<vmem>>) target(%dma_start3A_808 : memref<8x128xf32, #tpu.memory_space<hbm>>) target_semaphore(%arg21 : memref<!tpu.dma_semaphore, #tpu.memory_space<semaphore_mem>>)
      %dma_start3A_812 = arith.constant 5 : i32
      %dma_start3A_813 = arith.constant 40 : i32
      %dma_start3A_814 = arith.constant 0 : i32
      %dma_start3A_815 = tpu.memref_slice %arg11[%dma_start3A_813, %dma_start3A_814] : memref<64x129xf32, #tpu.memory_space<vmem>> -> memref<8x128xf32, #tpu.memory_space<vmem>>
      %dma_start3A_816 = arith.constant 0 : i32
      %dma_start3A_817 = arith.constant 0 : i32
      %dma_start3A_818 = tpu.memref_slice %arg4[%add3A_699, %dma_start3A_812, %add3A, %dma_start3A_816, %dma_start3A_817] : memref<200x8x32x8x128xf32, #tpu.memory_space<hbm>> -> memref<1x1x1x8x128xf32, #tpu.memory_space<hbm>>
      %dma_start3A_819 = tpu.memref_squeeze %dma_start3A_818 : memref<1x1x1x8x128xf32, #tpu.memory_space<hbm>> -> memref<8x128xf32, #tpu.memory_space<hbm>>
      %dma_start3A_820 = arith.constant 0 : i32
      %dma_start3A_821 = arith.constant 0 : i32
      %dma_start3A_822 = tpu.memref_slice %arg4[%add3A_699, %dma_start3A_812, %add3A, %dma_start3A_820, %dma_start3A_821] : memref<200x8x32x8x128xf32, #tpu.memory_space<hbm>> -> memref<1x1x1x8x128xf32, #tpu.memory_space<hbm>>
      %dma_start3A_823 = tpu.memref_squeeze %dma_start3A_822 : memref<1x1x1x8x128xf32, #tpu.memory_space<hbm>> -> memref<8x128xf32, #tpu.memory_space<hbm>>
      %dma_start3A_824 = arith.constant 40 : i32
      %dma_start3A_825 = arith.constant 0 : i32
      %dma_start3A_826 = tpu.memref_slice %arg11[%dma_start3A_824, %dma_start3A_825] : memref<64x129xf32, #tpu.memory_space<vmem>> -> memref<8x128xf32, #tpu.memory_space<vmem>>
      tpu.enqueue_dma source(%dma_start3A_826 : memref<8x128xf32, #tpu.memory_space<vmem>>) target(%dma_start3A_823 : memref<8x128xf32, #tpu.memory_space<hbm>>) target_semaphore(%arg21 : memref<!tpu.dma_semaphore, #tpu.memory_space<semaphore_mem>>)
      %dma_start3A_827 = arith.constant 6 : i32
      %dma_start3A_828 = arith.constant 48 : i32
      %dma_start3A_829 = arith.constant 0 : i32
      %dma_start3A_830 = tpu.memref_slice %arg11[%dma_start3A_828, %dma_start3A_829] : memref<64x129xf32, #tpu.memory_space<vmem>> -> memref<8x128xf32, #tpu.memory_space<vmem>>
      %dma_start3A_831 = arith.constant 0 : i32
      %dma_start3A_832 = arith.constant 0 : i32
      %dma_start3A_833 = tpu.memref_slice %arg4[%add3A_699, %dma_start3A_827, %add3A, %dma_start3A_831, %dma_start3A_832] : memref<200x8x32x8x128xf32, #tpu.memory_space<hbm>> -> memref<1x1x1x8x128xf32, #tpu.memory_space<hbm>>
      %dma_start3A_834 = tpu.memref_squeeze %dma_start3A_833 : memref<1x1x1x8x128xf32, #tpu.memory_space<hbm>> -> memref<8x128xf32, #tpu.memory_space<hbm>>
      %dma_start3A_835 = arith.constant 0 : i32
      %dma_start3A_836 = arith.constant 0 : i32
      %dma_start3A_837 = tpu.memref_slice %arg4[%add3A_699, %dma_start3A_827, %add3A, %dma_start3A_835, %dma_start3A_836] : memref<200x8x32x8x128xf32, #tpu.memory_space<hbm>> -> memref<1x1x1x8x128xf32, #tpu.memory_space<hbm>>
      %dma_start3A_838 = tpu.memref_squeeze %dma_start3A_837 : memref<1x1x1x8x128xf32, #tpu.memory_space<hbm>> -> memref<8x128xf32, #tpu.memory_space<hbm>>
      %dma_start3A_839 = arith.constant 48 : i32
      %dma_start3A_840 = arith.constant 0 : i32
      %dma_start3A_841 = tpu.memref_slice %arg11[%dma_start3A_839, %dma_start3A_840] : memref<64x129xf32, #tpu.memory_space<vmem>> -> memref<8x128xf32, #tpu.memory_space<vmem>>
      tpu.enqueue_dma source(%dma_start3A_841 : memref<8x128xf32, #tpu.memory_space<vmem>>) target(%dma_start3A_838 : memref<8x128xf32, #tpu.memory_space<hbm>>) target_semaphore(%arg21 : memref<!tpu.dma_semaphore, #tpu.memory_space<semaphore_mem>>)
      %dma_start3A_842 = arith.constant 7 : i32
      %dma_start3A_843 = arith.constant 56 : i32
      %dma_start3A_844 = arith.constant 0 : i32
      %dma_start3A_845 = tpu.memref_slice %arg11[%dma_start3A_843, %dma_start3A_844] : memref<64x129xf32, #tpu.memory_space<vmem>> -> memref<8x128xf32, #tpu.memory_space<vmem>>
      %dma_start3A_846 = arith.constant 0 : i32
      %dma_start3A_847 = arith.constant 0 : i32
      %dma_start3A_848 = tpu.memref_slice %arg4[%add3A_699, %dma_start3A_842, %add3A, %dma_start3A_846, %dma_start3A_847] : memref<200x8x32x8x128xf32, #tpu.memory_space<hbm>> -> memref<1x1x1x8x128xf32, #tpu.memory_space<hbm>>
      %dma_start3A_849 = tpu.memref_squeeze %dma_start3A_848 : memref<1x1x1x8x128xf32, #tpu.memory_space<hbm>> -> memref<8x128xf32, #tpu.memory_space<hbm>>
      %dma_start3A_850 = arith.constant 0 : i32
      %dma_start3A_851 = arith.constant 0 : i32
      %dma_start3A_852 = tpu.memref_slice %arg4[%add3A_699, %dma_start3A_842, %add3A, %dma_start3A_850, %dma_start3A_851] : memref<200x8x32x8x128xf32, #tpu.memory_space<hbm>> -> memref<1x1x1x8x128xf32, #tpu.memory_space<hbm>>
      %dma_start3A_853 = tpu.memref_squeeze %dma_start3A_852 : memref<1x1x1x8x128xf32, #tpu.memory_space<hbm>> -> memref<8x128xf32, #tpu.memory_space<hbm>>
      %dma_start3A_854 = arith.constant 56 : i32
      %dma_start3A_855 = arith.constant 0 : i32
      %dma_start3A_856 = tpu.memref_slice %arg11[%dma_start3A_854, %dma_start3A_855] : memref<64x129xf32, #tpu.memory_space<vmem>> -> memref<8x128xf32, #tpu.memory_space<vmem>>
      tpu.enqueue_dma source(%dma_start3A_856 : memref<8x128xf32, #tpu.memory_space<vmem>>) target(%dma_start3A_853 : memref<8x128xf32, #tpu.memory_space<hbm>>) target_semaphore(%arg21 : memref<!tpu.dma_semaphore, #tpu.memory_space<semaphore_mem>>)
      %mul3A_857 = arith.constant 5 : i32
      %mul3A_858 = arith.muli %scan3A_695, %mul3A_857 : i32
      %add3A_859 = arith.constant 1 : i32
      %add3A_860 = arith.addi %mul3A_858, %add3A_859 : i32
      %add3A_861 = arith.constant 5 : i32
      %add3A_862 = arith.addi %add3A_860, %add3A_861 : i32
      %sub3A_863 = arith.constant 1 : i32
      %sub3A_864 = arith.subi %add3A_862, %sub3A_863 : i32
      %lt3A_865 = arith.constant 200 : i32
      %lt3A_866 = arith.cmpi slt, %sub3A_864, %lt3A_865 : i32
      %convert_element_type3A_867 = arith.extui %lt3A_866 : i1 to i32
      %cond3A_868 = arith.constant 0 : i32
      %cond3A_869 = arith.cmpi ne, %convert_element_type3A_867, %cond3A_868 : i32
      scf.if %cond3A_869 {
        %dma_wait3A_1541 = arith.constant 0 : i32
        %dma_wait3A_1542 = arith.constant 0 : i32
        %dma_wait3A_1543 = arith.constant 0 : i32
        %dma_wait3A_1544 = arith.constant 0 : i32
        %dma_wait3A_1545 = tpu.memref_slice %arg11[%dma_wait3A_1543, %dma_wait3A_1544] : memref<64x129xf32, #tpu.memory_space<vmem>> -> memref<8x128xf32, #tpu.memory_space<vmem>>
        %dma_wait3A_1546 = arith.constant 0 : i32
        %dma_wait3A_1547 = arith.constant 0 : i32
        %dma_wait3A_1548 = tpu.memref_slice %arg4[%dma_wait3A_1541, %dma_wait3A_1542, %add3A, %dma_wait3A_1546, %dma_wait3A_1547] : memref<200x8x32x8x128xf32, #tpu.memory_space<hbm>> -> memref<1x1x1x8x128xf32, #tpu.memory_space<hbm>>
        %dma_wait3A_1549 = tpu.memref_squeeze %dma_wait3A_1548 : memref<1x1x1x8x128xf32, #tpu.memory_space<hbm>> -> memref<8x128xf32, #tpu.memory_space<hbm>>
        %dma_wait3A_1550 = arith.constant 0 : i32
        %dma_wait3A_1551 = arith.constant 0 : i32
        %dma_wait3A_1552 = tpu.memref_slice %arg4[%dma_wait3A_1541, %dma_wait3A_1542, %add3A, %dma_wait3A_1550, %dma_wait3A_1551] : memref<200x8x32x8x128xf32, #tpu.memory_space<hbm>> -> memref<1x1x1x8x128xf32, #tpu.memory_space<hbm>>
        %dma_wait3A_1553 = tpu.memref_squeeze %dma_wait3A_1552 : memref<1x1x1x8x128xf32, #tpu.memory_space<hbm>> -> memref<8x128xf32, #tpu.memory_space<hbm>>
        %dma_wait3A_1554 = arith.constant 0 : i32
        %dma_wait3A_1555 = arith.constant 0 : i32
        %dma_wait3A_1556 = tpu.memref_slice %arg11[%dma_wait3A_1554, %dma_wait3A_1555] : memref<64x129xf32, #tpu.memory_space<vmem>> -> memref<8x128xf32, #tpu.memory_space<vmem>>
        tpu.wait_dma2 semaphore(%arg21 : memref<!tpu.dma_semaphore, #tpu.memory_space<semaphore_mem>>) src(%dma_wait3A_1556 : memref<8x128xf32, #tpu.memory_space<vmem>>) dst(%dma_wait3A_1553 : memref<8x128xf32, #tpu.memory_space<hbm>>)
        %dma_wait3A_1557 = arith.constant 0 : i32
        %dma_wait3A_1558 = arith.constant 1 : i32
        %dma_wait3A_1559 = arith.constant 8 : i32
        %dma_wait3A_1560 = arith.constant 0 : i32
        %dma_wait3A_1561 = tpu.memref_slice %arg11[%dma_wait3A_1559, %dma_wait3A_1560] : memref<64x129xf32, #tpu.memory_space<vmem>> -> memref<8x128xf32, #tpu.memory_space<vmem>>
        %dma_wait3A_1562 = arith.constant 0 : i32
        %dma_wait3A_1563 = arith.constant 0 : i32
        %dma_wait3A_1564 = tpu.memref_slice %arg4[%dma_wait3A_1557, %dma_wait3A_1558, %add3A, %dma_wait3A_1562, %dma_wait3A_1563] : memref<200x8x32x8x128xf32, #tpu.memory_space<hbm>> -> memref<1x1x1x8x128xf32, #tpu.memory_space<hbm>>
        %dma_wait3A_1565 = tpu.memref_squeeze %dma_wait3A_1564 : memref<1x1x1x8x128xf32, #tpu.memory_space<hbm>> -> memref<8x128xf32, #tpu.memory_space<hbm>>
        %dma_wait3A_1566 = arith.constant 0 : i32
        %dma_wait3A_1567 = arith.constant 0 : i32
        %dma_wait3A_1568 = tpu.memref_slice %arg4[%dma_wait3A_1557, %dma_wait3A_1558, %add3A, %dma_wait3A_1566, %dma_wait3A_1567] : memref<200x8x32x8x128xf32, #tpu.memory_space<hbm>> -> memref<1x1x1x8x128xf32, #tpu.memory_space<hbm>>
        %dma_wait3A_1569 = tpu.memref_squeeze %dma_wait3A_1568 : memref<1x1x1x8x128xf32, #tpu.memory_space<hbm>> -> memref<8x128xf32, #tpu.memory_space<hbm>>
        %dma_wait3A_1570 = arith.constant 8 : i32
        %dma_wait3A_1571 = arith.constant 0 : i32
        %dma_wait3A_1572 = tpu.memref_slice %arg11[%dma_wait3A_1570, %dma_wait3A_1571] : memref<64x129xf32, #tpu.memory_space<vmem>> -> memref<8x128xf32, #tpu.memory_space<vmem>>
        tpu.wait_dma2 semaphore(%arg21 : memref<!tpu.dma_semaphore, #tpu.memory_space<semaphore_mem>>) src(%dma_wait3A_1572 : memref<8x128xf32, #tpu.memory_space<vmem>>) dst(%dma_wait3A_1569 : memref<8x128xf32, #tpu.memory_space<hbm>>)
        %dma_wait3A_1573 = arith.constant 0 : i32
        %dma_wait3A_1574 = arith.constant 2 : i32
        %dma_wait3A_1575 = arith.constant 16 : i32
        %dma_wait3A_1576 = arith.constant 0 : i32
        %dma_wait3A_1577 = tpu.memref_slice %arg11[%dma_wait3A_1575, %dma_wait3A_1576] : memref<64x129xf32, #tpu.memory_space<vmem>> -> memref<8x128xf32, #tpu.memory_space<vmem>>
        %dma_wait3A_1578 = arith.constant 0 : i32
        %dma_wait3A_1579 = arith.constant 0 : i32
        %dma_wait3A_1580 = tpu.memref_slice %arg4[%dma_wait3A_1573, %dma_wait3A_1574, %add3A, %dma_wait3A_1578, %dma_wait3A_1579] : memref<200x8x32x8x128xf32, #tpu.memory_space<hbm>> -> memref<1x1x1x8x128xf32, #tpu.memory_space<hbm>>
        %dma_wait3A_1581 = tpu.memref_squeeze %dma_wait3A_1580 : memref<1x1x1x8x128xf32, #tpu.memory_space<hbm>> -> memref<8x128xf32, #tpu.memory_space<hbm>>
        %dma_wait3A_1582 = arith.constant 0 : i32
        %dma_wait3A_1583 = arith.constant 0 : i32
        %dma_wait3A_1584 = tpu.memref_slice %arg4[%dma_wait3A_1573, %dma_wait3A_1574, %add3A, %dma_wait3A_1582, %dma_wait3A_1583] : memref<200x8x32x8x128xf32, #tpu.memory_space<hbm>> -> memref<1x1x1x8x128xf32, #tpu.memory_space<hbm>>
        %dma_wait3A_1585 = tpu.memref_squeeze %dma_wait3A_1584 : memref<1x1x1x8x128xf32, #tpu.memory_space<hbm>> -> memref<8x128xf32, #tpu.memory_space<hbm>>
        %dma_wait3A_1586 = arith.constant 16 : i32
        %dma_wait3A_1587 = arith.constant 0 : i32
        %dma_wait3A_1588 = tpu.memref_slice %arg11[%dma_wait3A_1586, %dma_wait3A_1587] : memref<64x129xf32, #tpu.memory_space<vmem>> -> memref<8x128xf32, #tpu.memory_space<vmem>>
        tpu.wait_dma2 semaphore(%arg21 : memref<!tpu.dma_semaphore, #tpu.memory_space<semaphore_mem>>) src(%dma_wait3A_1588 : memref<8x128xf32, #tpu.memory_space<vmem>>) dst(%dma_wait3A_1585 : memref<8x128xf32, #tpu.memory_space<hbm>>)
        %dma_wait3A_1589 = arith.constant 0 : i32
        %dma_wait3A_1590 = arith.constant 3 : i32
        %dma_wait3A_1591 = arith.constant 24 : i32
        %dma_wait3A_1592 = arith.constant 0 : i32
        %dma_wait3A_1593 = tpu.memref_slice %arg11[%dma_wait3A_1591, %dma_wait3A_1592] : memref<64x129xf32, #tpu.memory_space<vmem>> -> memref<8x128xf32, #tpu.memory_space<vmem>>
        %dma_wait3A_1594 = arith.constant 0 : i32
        %dma_wait3A_1595 = arith.constant 0 : i32
        %dma_wait3A_1596 = tpu.memref_slice %arg4[%dma_wait3A_1589, %dma_wait3A_1590, %add3A, %dma_wait3A_1594, %dma_wait3A_1595] : memref<200x8x32x8x128xf32, #tpu.memory_space<hbm>> -> memref<1x1x1x8x128xf32, #tpu.memory_space<hbm>>
        %dma_wait3A_1597 = tpu.memref_squeeze %dma_wait3A_1596 : memref<1x1x1x8x128xf32, #tpu.memory_space<hbm>> -> memref<8x128xf32, #tpu.memory_space<hbm>>
        %dma_wait3A_1598 = arith.constant 0 : i32
        %dma_wait3A_1599 = arith.constant 0 : i32
        %dma_wait3A_1600 = tpu.memref_slice %arg4[%dma_wait3A_1589, %dma_wait3A_1590, %add3A, %dma_wait3A_1598, %dma_wait3A_1599] : memref<200x8x32x8x128xf32, #tpu.memory_space<hbm>> -> memref<1x1x1x8x128xf32, #tpu.memory_space<hbm>>
        %dma_wait3A_1601 = tpu.memref_squeeze %dma_wait3A_1600 : memref<1x1x1x8x128xf32, #tpu.memory_space<hbm>> -> memref<8x128xf32, #tpu.memory_space<hbm>>
        %dma_wait3A_1602 = arith.constant 24 : i32
        %dma_wait3A_1603 = arith.constant 0 : i32
        %dma_wait3A_1604 = tpu.memref_slice %arg11[%dma_wait3A_1602, %dma_wait3A_1603] : memref<64x129xf32, #tpu.memory_space<vmem>> -> memref<8x128xf32, #tpu.memory_space<vmem>>
        tpu.wait_dma2 semaphore(%arg21 : memref<!tpu.dma_semaphore, #tpu.memory_space<semaphore_mem>>) src(%dma_wait3A_1604 : memref<8x128xf32, #tpu.memory_space<vmem>>) dst(%dma_wait3A_1601 : memref<8x128xf32, #tpu.memory_space<hbm>>)
        %dma_wait3A_1605 = arith.constant 0 : i32
        %dma_wait3A_1606 = arith.constant 4 : i32
        %dma_wait3A_1607 = arith.constant 32 : i32
        %dma_wait3A_1608 = arith.constant 0 : i32
        %dma_wait3A_1609 = tpu.memref_slice %arg11[%dma_wait3A_1607, %dma_wait3A_1608] : memref<64x129xf32, #tpu.memory_space<vmem>> -> memref<8x128xf32, #tpu.memory_space<vmem>>
        %dma_wait3A_1610 = arith.constant 0 : i32
        %dma_wait3A_1611 = arith.constant 0 : i32
        %dma_wait3A_1612 = tpu.memref_slice %arg4[%dma_wait3A_1605, %dma_wait3A_1606, %add3A, %dma_wait3A_1610, %dma_wait3A_1611] : memref<200x8x32x8x128xf32, #tpu.memory_space<hbm>> -> memref<1x1x1x8x128xf32, #tpu.memory_space<hbm>>
        %dma_wait3A_1613 = tpu.memref_squeeze %dma_wait3A_1612 : memref<1x1x1x8x128xf32, #tpu.memory_space<hbm>> -> memref<8x128xf32, #tpu.memory_space<hbm>>
        %dma_wait3A_1614 = arith.constant 0 : i32
        %dma_wait3A_1615 = arith.constant 0 : i32
        %dma_wait3A_1616 = tpu.memref_slice %arg4[%dma_wait3A_1605, %dma_wait3A_1606, %add3A, %dma_wait3A_1614, %dma_wait3A_1615] : memref<200x8x32x8x128xf32, #tpu.memory_space<hbm>> -> memref<1x1x1x8x128xf32, #tpu.memory_space<hbm>>
        %dma_wait3A_1617 = tpu.memref_squeeze %dma_wait3A_1616 : memref<1x1x1x8x128xf32, #tpu.memory_space<hbm>> -> memref<8x128xf32, #tpu.memory_space<hbm>>
        %dma_wait3A_1618 = arith.constant 32 : i32
        %dma_wait3A_1619 = arith.constant 0 : i32
        %dma_wait3A_1620 = tpu.memref_slice %arg11[%dma_wait3A_1618, %dma_wait3A_1619] : memref<64x129xf32, #tpu.memory_space<vmem>> -> memref<8x128xf32, #tpu.memory_space<vmem>>
        tpu.wait_dma2 semaphore(%arg21 : memref<!tpu.dma_semaphore, #tpu.memory_space<semaphore_mem>>) src(%dma_wait3A_1620 : memref<8x128xf32, #tpu.memory_space<vmem>>) dst(%dma_wait3A_1617 : memref<8x128xf32, #tpu.memory_space<hbm>>)
        %dma_wait3A_1621 = arith.constant 0 : i32
        %dma_wait3A_1622 = arith.constant 5 : i32
        %dma_wait3A_1623 = arith.constant 40 : i32
        %dma_wait3A_1624 = arith.constant 0 : i32
        %dma_wait3A_1625 = tpu.memref_slice %arg11[%dma_wait3A_1623, %dma_wait3A_1624] : memref<64x129xf32, #tpu.memory_space<vmem>> -> memref<8x128xf32, #tpu.memory_space<vmem>>
        %dma_wait3A_1626 = arith.constant 0 : i32
        %dma_wait3A_1627 = arith.constant 0 : i32
        %dma_wait3A_1628 = tpu.memref_slice %arg4[%dma_wait3A_1621, %dma_wait3A_1622, %add3A, %dma_wait3A_1626, %dma_wait3A_1627] : memref<200x8x32x8x128xf32, #tpu.memory_space<hbm>> -> memref<1x1x1x8x128xf32, #tpu.memory_space<hbm>>
        %dma_wait3A_1629 = tpu.memref_squeeze %dma_wait3A_1628 : memref<1x1x1x8x128xf32, #tpu.memory_space<hbm>> -> memref<8x128xf32, #tpu.memory_space<hbm>>
        %dma_wait3A_1630 = arith.constant 0 : i32
        %dma_wait3A_1631 = arith.constant 0 : i32
        %dma_wait3A_1632 = tpu.memref_slice %arg4[%dma_wait3A_1621, %dma_wait3A_1622, %add3A, %dma_wait3A_1630, %dma_wait3A_1631] : memref<200x8x32x8x128xf32, #tpu.memory_space<hbm>> -> memref<1x1x1x8x128xf32, #tpu.memory_space<hbm>>
        %dma_wait3A_1633 = tpu.memref_squeeze %dma_wait3A_1632 : memref<1x1x1x8x128xf32, #tpu.memory_space<hbm>> -> memref<8x128xf32, #tpu.memory_space<hbm>>
        %dma_wait3A_1634 = arith.constant 40 : i32
        %dma_wait3A_1635 = arith.constant 0 : i32
        %dma_wait3A_1636 = tpu.memref_slice %arg11[%dma_wait3A_1634, %dma_wait3A_1635] : memref<64x129xf32, #tpu.memory_space<vmem>> -> memref<8x128xf32, #tpu.memory_space<vmem>>
        tpu.wait_dma2 semaphore(%arg21 : memref<!tpu.dma_semaphore, #tpu.memory_space<semaphore_mem>>) src(%dma_wait3A_1636 : memref<8x128xf32, #tpu.memory_space<vmem>>) dst(%dma_wait3A_1633 : memref<8x128xf32, #tpu.memory_space<hbm>>)
        %dma_wait3A_1637 = arith.constant 0 : i32
        %dma_wait3A_1638 = arith.constant 6 : i32
        %dma_wait3A_1639 = arith.constant 48 : i32
        %dma_wait3A_1640 = arith.constant 0 : i32
        %dma_wait3A_1641 = tpu.memref_slice %arg11[%dma_wait3A_1639, %dma_wait3A_1640] : memref<64x129xf32, #tpu.memory_space<vmem>> -> memref<8x128xf32, #tpu.memory_space<vmem>>
        %dma_wait3A_1642 = arith.constant 0 : i32
        %dma_wait3A_1643 = arith.constant 0 : i32
        %dma_wait3A_1644 = tpu.memref_slice %arg4[%dma_wait3A_1637, %dma_wait3A_1638, %add3A, %dma_wait3A_1642, %dma_wait3A_1643] : memref<200x8x32x8x128xf32, #tpu.memory_space<hbm>> -> memref<1x1x1x8x128xf32, #tpu.memory_space<hbm>>
        %dma_wait3A_1645 = tpu.memref_squeeze %dma_wait3A_1644 : memref<1x1x1x8x128xf32, #tpu.memory_space<hbm>> -> memref<8x128xf32, #tpu.memory_space<hbm>>
        %dma_wait3A_1646 = arith.constant 0 : i32
        %dma_wait3A_1647 = arith.constant 0 : i32
        %dma_wait3A_1648 = tpu.memref_slice %arg4[%dma_wait3A_1637, %dma_wait3A_1638, %add3A, %dma_wait3A_1646, %dma_wait3A_1647] : memref<200x8x32x8x128xf32, #tpu.memory_space<hbm>> -> memref<1x1x1x8x128xf32, #tpu.memory_space<hbm>>
        %dma_wait3A_1649 = tpu.memref_squeeze %dma_wait3A_1648 : memref<1x1x1x8x128xf32, #tpu.memory_space<hbm>> -> memref<8x128xf32, #tpu.memory_space<hbm>>
        %dma_wait3A_1650 = arith.constant 48 : i32
        %dma_wait3A_1651 = arith.constant 0 : i32
        %dma_wait3A_1652 = tpu.memref_slice %arg11[%dma_wait3A_1650, %dma_wait3A_1651] : memref<64x129xf32, #tpu.memory_space<vmem>> -> memref<8x128xf32, #tpu.memory_space<vmem>>
        tpu.wait_dma2 semaphore(%arg21 : memref<!tpu.dma_semaphore, #tpu.memory_space<semaphore_mem>>) src(%dma_wait3A_1652 : memref<8x128xf32, #tpu.memory_space<vmem>>) dst(%dma_wait3A_1649 : memref<8x128xf32, #tpu.memory_space<hbm>>)
        %dma_wait3A_1653 = arith.constant 0 : i32
        %dma_wait3A_1654 = arith.constant 7 : i32
        %dma_wait3A_1655 = arith.constant 56 : i32
        %dma_wait3A_1656 = arith.constant 0 : i32
        %dma_wait3A_1657 = tpu.memref_slice %arg11[%dma_wait3A_1655, %dma_wait3A_1656] : memref<64x129xf32, #tpu.memory_space<vmem>> -> memref<8x128xf32, #tpu.memory_space<vmem>>
        %dma_wait3A_1658 = arith.constant 0 : i32
        %dma_wait3A_1659 = arith.constant 0 : i32
        %dma_wait3A_1660 = tpu.memref_slice %arg4[%dma_wait3A_1653, %dma_wait3A_1654, %add3A, %dma_wait3A_1658, %dma_wait3A_1659] : memref<200x8x32x8x128xf32, #tpu.memory_space<hbm>> -> memref<1x1x1x8x128xf32, #tpu.memory_space<hbm>>
        %dma_wait3A_1661 = tpu.memref_squeeze %dma_wait3A_1660 : memref<1x1x1x8x128xf32, #tpu.memory_space<hbm>> -> memref<8x128xf32, #tpu.memory_space<hbm>>
        %dma_wait3A_1662 = arith.constant 0 : i32
        %dma_wait3A_1663 = arith.constant 0 : i32
        %dma_wait3A_1664 = tpu.memref_slice %arg4[%dma_wait3A_1653, %dma_wait3A_1654, %add3A, %dma_wait3A_1662, %dma_wait3A_1663] : memref<200x8x32x8x128xf32, #tpu.memory_space<hbm>> -> memref<1x1x1x8x128xf32, #tpu.memory_space<hbm>>
        %dma_wait3A_1665 = tpu.memref_squeeze %dma_wait3A_1664 : memref<1x1x1x8x128xf32, #tpu.memory_space<hbm>> -> memref<8x128xf32, #tpu.memory_space<hbm>>
        %dma_wait3A_1666 = arith.constant 56 : i32
        %dma_wait3A_1667 = arith.constant 0 : i32
        %dma_wait3A_1668 = tpu.memref_slice %arg11[%dma_wait3A_1666, %dma_wait3A_1667] : memref<64x129xf32, #tpu.memory_space<vmem>> -> memref<8x128xf32, #tpu.memory_space<vmem>>
        tpu.wait_dma2 semaphore(%arg21 : memref<!tpu.dma_semaphore, #tpu.memory_space<semaphore_mem>>) src(%dma_wait3A_1668 : memref<8x128xf32, #tpu.memory_space<vmem>>) dst(%dma_wait3A_1665 : memref<8x128xf32, #tpu.memory_space<hbm>>)
        %jit3A_1669 = arith.constant 8 : i32
        %div3A_1670 = arith.divsi %sub3A_864, %jit3A_1669 : i32
        %sign3A_1671 = arith.constant 0 : i32
        %sign3A_1672 = arith.cmpi sgt, %sub3A_864, %sign3A_1671 : i32
        %sign3A_1673 = arith.extui %sign3A_1672 : i1 to i32
        %sign3A_1674 = arith.constant 0 : i32
        %sign3A_1675 = arith.cmpi slt, %sub3A_864, %sign3A_1674 : i32
        %sign3A_1676 = arith.extui %sign3A_1675 : i1 to i32
        %sign3A_1677 = arith.subi %sign3A_1673, %sign3A_1676 : i32
        %sign3A_1678 = arith.constant 0 : i32
        %sign3A_1679 = arith.cmpi sgt, %jit3A_1669, %sign3A_1678 : i32
        %sign3A_1680 = arith.extui %sign3A_1679 : i1 to i32
        %sign3A_1681 = arith.constant 0 : i32
        %sign3A_1682 = arith.cmpi slt, %jit3A_1669, %sign3A_1681 : i32
        %sign3A_1683 = arith.extui %sign3A_1682 : i1 to i32
        %sign3A_1684 = arith.subi %sign3A_1680, %sign3A_1683 : i32
        %ne3A_1685 = arith.cmpi ne, %sign3A_1677, %sign3A_1684 : i32
        %rem3A_1686 = arith.remsi %sub3A_864, %jit3A_1669 : i32
        %ne3A_1687 = arith.constant 0 : i32
        %ne3A_1688 = arith.cmpi ne, %rem3A_1686, %ne3A_1687 : i32
        %and3A_1689 = arith.andi %ne3A_1685, %ne3A_1688 : i1
        %sub3A_1690 = arith.constant 1 : i32
        %sub3A_1691 = arith.subi %div3A_1670, %sub3A_1690 : i32
        %select_n3A_1692 = arith.select %and3A_1689, %sub3A_1691, %div3A_1670 : i32
        %rem3A_1693 = arith.constant 8 : i32
        %rem3A_1694 = arith.remsi %sub3A_864, %rem3A_1693 : i32
        %dma_start3A_1695 = arith.constant 0 : i32
        %dma_start3A_1696 = tpu.memref_slice %arg5[%select_n3A_1692, %rem3A_1694, %dma_start3A_1695] : memref<25x8x128xi32, #tpu.memory_space<vmem>> -> memref<1x1x128xi32, #tpu.memory_space<vmem>>
        %dma_start3A_1697 = tpu.memref_squeeze %dma_start3A_1696 : memref<1x1x128xi32, #tpu.memory_space<vmem>> -> memref<128xi32, #tpu.memory_space<vmem>>
        %dma_start3A_1698 = arith.constant 0 : i32
        %dma_start3A_1699 = arith.constant 0 : i32
        %dma_start3A_1700 = tpu.memref_slice %arg3[%dma_start3A_1698, %dma_start3A_1699] : memref<1000000x64xf32, #tpu.memory_space<hbm>> -> memref<1000000x64xf32, #tpu.memory_space<hbm>>
        tpu.enqueue_indirect_dma source(%dma_start3A_1700 : memref<1000000x64xf32, #tpu.memory_space<hbm>>) target(%arg6 : memref<128x64xf32, #tpu.memory_space<vmem>>) offsets(%dma_start3A_1697 : memref<128xi32, #tpu.memory_space<vmem>>) semaphore(%arg16 : memref<!tpu.dma_semaphore, #tpu.memory_space<semaphore_mem>>)
      } else {
      }
      %jit3A_870 = arith.constant 8 : i32
      %div3A_871 = arith.divsi %add3A_860, %jit3A_870 : i32
      %sign3A_872 = arith.constant 0 : i32
      %sign3A_873 = arith.cmpi sgt, %add3A_860, %sign3A_872 : i32
      %sign3A_874 = arith.extui %sign3A_873 : i1 to i32
      %sign3A_875 = arith.constant 0 : i32
      %sign3A_876 = arith.cmpi slt, %add3A_860, %sign3A_875 : i32
      %sign3A_877 = arith.extui %sign3A_876 : i1 to i32
      %sign3A_878 = arith.subi %sign3A_874, %sign3A_877 : i32
      %sign3A_879 = arith.constant 0 : i32
      %sign3A_880 = arith.cmpi sgt, %jit3A_870, %sign3A_879 : i32
      %sign3A_881 = arith.extui %sign3A_880 : i1 to i32
      %sign3A_882 = arith.constant 0 : i32
      %sign3A_883 = arith.cmpi slt, %jit3A_870, %sign3A_882 : i32
      %sign3A_884 = arith.extui %sign3A_883 : i1 to i32
      %sign3A_885 = arith.subi %sign3A_881, %sign3A_884 : i32
      %ne3A_886 = arith.cmpi ne, %sign3A_878, %sign3A_885 : i32
      %rem3A_887 = arith.remsi %add3A_860, %jit3A_870 : i32
      %ne3A_888 = arith.constant 0 : i32
      %ne3A_889 = arith.cmpi ne, %rem3A_887, %ne3A_888 : i32
      %and3A_890 = arith.andi %ne3A_886, %ne3A_889 : i1
      %sub3A_891 = arith.constant 1 : i32
      %sub3A_892 = arith.subi %div3A_871, %sub3A_891 : i32
      %select_n3A_893 = arith.select %and3A_890, %sub3A_892, %div3A_871 : i32
      %rem3A_894 = arith.constant 8 : i32
      %rem3A_895 = arith.remsi %add3A_860, %rem3A_894 : i32
      %dma_wait3A_896 = arith.constant 0 : i32
      %dma_wait3A_897 = tpu.memref_slice %arg5[%select_n3A_893, %rem3A_895, %dma_wait3A_896] : memref<25x8x128xi32, #tpu.memory_space<vmem>> -> memref<1x1x128xi32, #tpu.memory_space<vmem>>
      %dma_wait3A_898 = tpu.memref_squeeze %dma_wait3A_897 : memref<1x1x128xi32, #tpu.memory_space<vmem>> -> memref<128xi32, #tpu.memory_space<vmem>>
      %dma_wait3A_899 = arith.constant 0 : i32
      %dma_wait3A_900 = arith.constant 0 : i32
      %dma_wait3A_901 = tpu.memref_slice %arg3[%dma_wait3A_899, %dma_wait3A_900] : memref<1000000x64xf32, #tpu.memory_space<hbm>> -> memref<1000000x64xf32, #tpu.memory_space<hbm>>
      tpu.wait_indirect_dma semaphore(%arg17 : memref<!tpu.dma_semaphore, #tpu.memory_space<semaphore_mem>>) src(%dma_wait3A_901 : memref<1000000x64xf32, #tpu.memory_space<hbm>>) dst(%arg7 : memref<128x64xf32, #tpu.memory_space<vmem>>)
      %scan3A_902 = arith.constant 0 : i32
      %scan3A_903 = arith.constant 0 : i32
      %scan3A_904 = arith.constant 32 : i32
      %scan3A_905 = arith.addi %scan3A_903, %scan3A_904 : i32
      %scan3A_906 = arith.constant 1 : i32
      scf.for %scan3A_1541 = %scan3A_903 to %scan3A_905 step %scan3A_906  : i32 {
        %mul3A_1542 = arith.constant 4 : i32
        %mul3A_1543 = arith.muli %scan3A_1541, %mul3A_1542 : i32
        %broadcast_in_dim3A = arith.constant 0 : i32
        %broadcast_in_dim3A_1544 = vector.broadcast %broadcast_in_dim3A : i32 to vector<16xi32>
        %add3A_1545 = arith.constant 0 : i32
        %add3A_1546 = arith.addi %mul3A_1543, %add3A_1545 : i32
        %add3A_1547 = vector.broadcast %add3A_1546 : i32 to vector<16xi32>
        %add3A_1548 = arith.addi %broadcast_in_dim3A_1544, %add3A_1547 : vector<16xi32>
        %broadcast_in_dim3A_1549 = arith.constant 0 : i32
        %broadcast_in_dim3A_1550 = vector.broadcast %broadcast_in_dim3A_1549 : i32 to vector<16xi32>
        %add3A_1551 = arith.constant 1 : i32
        %add3A_1552 = arith.addi %mul3A_1543, %add3A_1551 : i32
        %add3A_1553 = vector.broadcast %add3A_1552 : i32 to vector<16xi32>
        %add3A_1554 = arith.addi %broadcast_in_dim3A_1550, %add3A_1553 : vector<16xi32>
        %broadcast_in_dim3A_1555 = arith.constant 0 : i32
        %broadcast_in_dim3A_1556 = vector.broadcast %broadcast_in_dim3A_1555 : i32 to vector<16xi32>
        %add3A_1557 = arith.constant 2 : i32
        %add3A_1558 = arith.addi %mul3A_1543, %add3A_1557 : i32
        %add3A_1559 = vector.broadcast %add3A_1558 : i32 to vector<16xi32>
        %add3A_1560 = arith.addi %broadcast_in_dim3A_1556, %add3A_1559 : vector<16xi32>
        %broadcast_in_dim3A_1561 = arith.constant 0 : i32
        %broadcast_in_dim3A_1562 = vector.broadcast %broadcast_in_dim3A_1561 : i32 to vector<16xi32>
        %add3A_1563 = arith.constant 3 : i32
        %add3A_1564 = arith.addi %mul3A_1543, %add3A_1563 : i32
        %add3A_1565 = vector.broadcast %add3A_1564 : i32 to vector<16xi32>
        %add3A_1566 = arith.addi %broadcast_in_dim3A_1562, %add3A_1565 : vector<16xi32>
        %add3A_1567 = arith.constant 0 : i32
        %add3A_1568 = arith.addi %mul3A_1543, %add3A_1567 : i32
        %get3A = arith.index_cast %add3A_1568 : i32 to index
        %get3A_1569 = arith.constant 0 : index
        %get3A_1570 = tpu.vector_load %arg7[%get3A, %get3A_1569] {strides = array<i32>} : memref<128x64xf32, #tpu.memory_space<vmem>>, vector<16xf32>,
        %mul3A_1571 = arith.constant 8.000000e+00 : f32
        %mul3A_1572 = vector.broadcast %mul3A_1571 : f32 to vector<16xf32>
        %mul3A_1573 = arith.mulf %get3A_1570, %mul3A_1572 : vector<16xf32>
        %add3A_1574 = arith.constant 0 : i32
        %add3A_1575 = arith.addi %mul3A_1543, %add3A_1574 : i32
        %get3A_1576 = arith.index_cast %add3A_1575 : i32 to index
        %get3A_1577 = arith.constant 16 : index
        %get3A_1578 = tpu.vector_load %arg7[%get3A_1576, %get3A_1577] {strides = array<i32>} : memref<128x64xf32, #tpu.memory_space<vmem>>, vector<16xf32>,
        %mul3A_1579 = arith.constant 8.000000e+00 : f32
        %mul3A_1580 = vector.broadcast %mul3A_1579 : f32 to vector<16xf32>
        %mul3A_1581 = arith.mulf %get3A_1578, %mul3A_1580 : vector<16xf32>
        %add3A_1582 = arith.constant 0 : i32
        %add3A_1583 = arith.addi %mul3A_1543, %add3A_1582 : i32
        %get3A_1584 = arith.index_cast %add3A_1583 : i32 to index
        %get3A_1585 = arith.constant 32 : index
        %get3A_1586 = tpu.vector_load %arg7[%get3A_1584, %get3A_1585] {strides = array<i32>} : memref<128x64xf32, #tpu.memory_space<vmem>>, vector<16xf32>,
        %mul3A_1587 = arith.constant 8.000000e+00 : f32
        %mul3A_1588 = vector.broadcast %mul3A_1587 : f32 to vector<16xf32>
        %mul3A_1589 = arith.mulf %get3A_1586, %mul3A_1588 : vector<16xf32>
        %add3A_1590 = arith.constant 0 : i32
        %add3A_1591 = arith.addi %mul3A_1543, %add3A_1590 : i32
        %get3A_1592 = arith.index_cast %add3A_1591 : i32 to index
        %get3A_1593 = arith.constant 48 : index
        %get3A_1594 = tpu.vector_load %arg7[%get3A_1592, %get3A_1593] {strides = array<i32>} : memref<128x64xf32, #tpu.memory_space<vmem>>, vector<16xf32>,
        %mul3A_1595 = arith.constant 8.000000e+00 : f32
        %mul3A_1596 = vector.broadcast %mul3A_1595 : f32 to vector<16xf32>
        %mul3A_1597 = arith.mulf %get3A_1594, %mul3A_1596 : vector<16xf32>
        %add3A_1598 = arith.constant 1 : i32
        %add3A_1599 = arith.addi %mul3A_1543, %add3A_1598 : i32
        %get3A_1600 = arith.index_cast %add3A_1599 : i32 to index
        %get3A_1601 = arith.constant 0 : index
        %get3A_1602 = tpu.vector_load %arg7[%get3A_1600, %get3A_1601] {strides = array<i32>} : memref<128x64xf32, #tpu.memory_space<vmem>>, vector<16xf32>,
        %mul3A_1603 = arith.constant 8.000000e+00 : f32
        %mul3A_1604 = vector.broadcast %mul3A_1603 : f32 to vector<16xf32>
        %mul3A_1605 = arith.mulf %get3A_1602, %mul3A_1604 : vector<16xf32>
        %add3A_1606 = arith.constant 1 : i32
        %add3A_1607 = arith.addi %mul3A_1543, %add3A_1606 : i32
        %get3A_1608 = arith.index_cast %add3A_1607 : i32 to index
        %get3A_1609 = arith.constant 16 : index
        %get3A_1610 = tpu.vector_load %arg7[%get3A_1608, %get3A_1609] {strides = array<i32>} : memref<128x64xf32, #tpu.memory_space<vmem>>, vector<16xf32>,
        %mul3A_1611 = arith.constant 8.000000e+00 : f32
        %mul3A_1612 = vector.broadcast %mul3A_1611 : f32 to vector<16xf32>
        %mul3A_1613 = arith.mulf %get3A_1610, %mul3A_1612 : vector<16xf32>
        %add3A_1614 = arith.constant 1 : i32
        %add3A_1615 = arith.addi %mul3A_1543, %add3A_1614 : i32
        %get3A_1616 = arith.index_cast %add3A_1615 : i32 to index
        %get3A_1617 = arith.constant 32 : index
        %get3A_1618 = tpu.vector_load %arg7[%get3A_1616, %get3A_1617] {strides = array<i32>} : memref<128x64xf32, #tpu.memory_space<vmem>>, vector<16xf32>,
        %mul3A_1619 = arith.constant 8.000000e+00 : f32
        %mul3A_1620 = vector.broadcast %mul3A_1619 : f32 to vector<16xf32>
        %mul3A_1621 = arith.mulf %get3A_1618, %mul3A_1620 : vector<16xf32>
        %add3A_1622 = arith.constant 1 : i32
        %add3A_1623 = arith.addi %mul3A_1543, %add3A_1622 : i32
        %get3A_1624 = arith.index_cast %add3A_1623 : i32 to index
        %get3A_1625 = arith.constant 48 : index
        %get3A_1626 = tpu.vector_load %arg7[%get3A_1624, %get3A_1625] {strides = array<i32>} : memref<128x64xf32, #tpu.memory_space<vmem>>, vector<16xf32>,
        %mul3A_1627 = arith.constant 8.000000e+00 : f32
        %mul3A_1628 = vector.broadcast %mul3A_1627 : f32 to vector<16xf32>
        %mul3A_1629 = arith.mulf %get3A_1626, %mul3A_1628 : vector<16xf32>
        %add3A_1630 = arith.constant 2 : i32
        %add3A_1631 = arith.addi %mul3A_1543, %add3A_1630 : i32
        %get3A_1632 = arith.index_cast %add3A_1631 : i32 to index
        %get3A_1633 = arith.constant 0 : index
        %get3A_1634 = tpu.vector_load %arg7[%get3A_1632, %get3A_1633] {strides = array<i32>} : memref<128x64xf32, #tpu.memory_space<vmem>>, vector<16xf32>,
        %mul3A_1635 = arith.constant 8.000000e+00 : f32
        %mul3A_1636 = vector.broadcast %mul3A_1635 : f32 to vector<16xf32>
        %mul3A_1637 = arith.mulf %get3A_1634, %mul3A_1636 : vector<16xf32>
        %add3A_1638 = arith.constant 2 : i32
        %add3A_1639 = arith.addi %mul3A_1543, %add3A_1638 : i32
        %get3A_1640 = arith.index_cast %add3A_1639 : i32 to index
        %get3A_1641 = arith.constant 16 : index
        %get3A_1642 = tpu.vector_load %arg7[%get3A_1640, %get3A_1641] {strides = array<i32>} : memref<128x64xf32, #tpu.memory_space<vmem>>, vector<16xf32>,
        %mul3A_1643 = arith.constant 8.000000e+00 : f32
        %mul3A_1644 = vector.broadcast %mul3A_1643 : f32 to vector<16xf32>
        %mul3A_1645 = arith.mulf %get3A_1642, %mul3A_1644 : vector<16xf32>
        %add3A_1646 = arith.constant 2 : i32
        %add3A_1647 = arith.addi %mul3A_1543, %add3A_1646 : i32
        %get3A_1648 = arith.index_cast %add3A_1647 : i32 to index
        %get3A_1649 = arith.constant 32 : index
        %get3A_1650 = tpu.vector_load %arg7[%get3A_1648, %get3A_1649] {strides = array<i32>} : memref<128x64xf32, #tpu.memory_space<vmem>>, vector<16xf32>,
        %mul3A_1651 = arith.constant 8.000000e+00 : f32
        %mul3A_1652 = vector.broadcast %mul3A_1651 : f32 to vector<16xf32>
        %mul3A_1653 = arith.mulf %get3A_1650, %mul3A_1652 : vector<16xf32>
        %add3A_1654 = arith.constant 2 : i32
        %add3A_1655 = arith.addi %mul3A_1543, %add3A_1654 : i32
        %get3A_1656 = arith.index_cast %add3A_1655 : i32 to index
        %get3A_1657 = arith.constant 48 : index
        %get3A_1658 = tpu.vector_load %arg7[%get3A_1656, %get3A_1657] {strides = array<i32>} : memref<128x64xf32, #tpu.memory_space<vmem>>, vector<16xf32>,
        %mul3A_1659 = arith.constant 8.000000e+00 : f32
        %mul3A_1660 = vector.broadcast %mul3A_1659 : f32 to vector<16xf32>
        %mul3A_1661 = arith.mulf %get3A_1658, %mul3A_1660 : vector<16xf32>
        %add3A_1662 = arith.constant 3 : i32
        %add3A_1663 = arith.addi %mul3A_1543, %add3A_1662 : i32
        %get3A_1664 = arith.index_cast %add3A_1663 : i32 to index
        %get3A_1665 = arith.constant 0 : index
        %get3A_1666 = tpu.vector_load %arg7[%get3A_1664, %get3A_1665] {strides = array<i32>} : memref<128x64xf32, #tpu.memory_space<vmem>>, vector<16xf32>,
        %mul3A_1667 = arith.constant 8.000000e+00 : f32
        %mul3A_1668 = vector.broadcast %mul3A_1667 : f32 to vector<16xf32>
        %mul3A_1669 = arith.mulf %get3A_1666, %mul3A_1668 : vector<16xf32>
        %add3A_1670 = arith.constant 3 : i32
        %add3A_1671 = arith.addi %mul3A_1543, %add3A_1670 : i32
        %get3A_1672 = arith.index_cast %add3A_1671 : i32 to index
        %get3A_1673 = arith.constant 16 : index
        %get3A_1674 = tpu.vector_load %arg7[%get3A_1672, %get3A_1673] {strides = array<i32>} : memref<128x64xf32, #tpu.memory_space<vmem>>, vector<16xf32>,
        %mul3A_1675 = arith.constant 8.000000e+00 : f32
        %mul3A_1676 = vector.broadcast %mul3A_1675 : f32 to vector<16xf32>
        %mul3A_1677 = arith.mulf %get3A_1674, %mul3A_1676 : vector<16xf32>
        %add3A_1678 = arith.constant 3 : i32
        %add3A_1679 = arith.addi %mul3A_1543, %add3A_1678 : i32
        %get3A_1680 = arith.index_cast %add3A_1679 : i32 to index
        %get3A_1681 = arith.constant 32 : index
        %get3A_1682 = tpu.vector_load %arg7[%get3A_1680, %get3A_1681] {strides = array<i32>} : memref<128x64xf32, #tpu.memory_space<vmem>>, vector<16xf32>,
        %mul3A_1683 = arith.constant 8.000000e+00 : f32
        %mul3A_1684 = vector.broadcast %mul3A_1683 : f32 to vector<16xf32>
        %mul3A_1685 = arith.mulf %get3A_1682, %mul3A_1684 : vector<16xf32>
        %add3A_1686 = arith.constant 3 : i32
        %add3A_1687 = arith.addi %mul3A_1543, %add3A_1686 : i32
        %get3A_1688 = arith.index_cast %add3A_1687 : i32 to index
        %get3A_1689 = arith.constant 48 : index
        %get3A_1690 = tpu.vector_load %arg7[%get3A_1688, %get3A_1689] {strides = array<i32>} : memref<128x64xf32, #tpu.memory_space<vmem>>, vector<16xf32>,
        %mul3A_1691 = arith.constant 8.000000e+00 : f32
        %mul3A_1692 = vector.broadcast %mul3A_1691 : f32 to vector<16xf32>
        %mul3A_1693 = arith.mulf %get3A_1690, %mul3A_1692 : vector<16xf32>
        tpu.vector_store_idx %arg12[%add3A_3, %add3A_1548], %mul3A_1573 : memref<64x129xf32, #tpu.memory_space<vmem>>[vector<16xi32>, vector<16xi32>], vector<16xf32>,
        tpu.vector_store_idx %arg12[%add3A_6, %add3A_1548], %mul3A_1581 : memref<64x129xf32, #tpu.memory_space<vmem>>[vector<16xi32>, vector<16xi32>], vector<16xf32>,
        tpu.vector_store_idx %arg12[%add3A_9, %add3A_1548], %mul3A_1589 : memref<64x129xf32, #tpu.memory_space<vmem>>[vector<16xi32>, vector<16xi32>], vector<16xf32>,
        tpu.vector_store_idx %arg12[%add3A_12, %add3A_1548], %mul3A_1597 : memref<64x129xf32, #tpu.memory_space<vmem>>[vector<16xi32>, vector<16xi32>], vector<16xf32>,
        tpu.vector_store_idx %arg12[%add3A_3, %add3A_1554], %mul3A_1605 : memref<64x129xf32, #tpu.memory_space<vmem>>[vector<16xi32>, vector<16xi32>], vector<16xf32>,
        tpu.vector_store_idx %arg12[%add3A_6, %add3A_1554], %mul3A_1613 : memref<64x129xf32, #tpu.memory_space<vmem>>[vector<16xi32>, vector<16xi32>], vector<16xf32>,
        tpu.vector_store_idx %arg12[%add3A_9, %add3A_1554], %mul3A_1621 : memref<64x129xf32, #tpu.memory_space<vmem>>[vector<16xi32>, vector<16xi32>], vector<16xf32>,
        tpu.vector_store_idx %arg12[%add3A_12, %add3A_1554], %mul3A_1629 : memref<64x129xf32, #tpu.memory_space<vmem>>[vector<16xi32>, vector<16xi32>], vector<16xf32>,
        tpu.vector_store_idx %arg12[%add3A_3, %add3A_1560], %mul3A_1637 : memref<64x129xf32, #tpu.memory_space<vmem>>[vector<16xi32>, vector<16xi32>], vector<16xf32>,
        tpu.vector_store_idx %arg12[%add3A_6, %add3A_1560], %mul3A_1645 : memref<64x129xf32, #tpu.memory_space<vmem>>[vector<16xi32>, vector<16xi32>], vector<16xf32>,
        tpu.vector_store_idx %arg12[%add3A_9, %add3A_1560], %mul3A_1653 : memref<64x129xf32, #tpu.memory_space<vmem>>[vector<16xi32>, vector<16xi32>], vector<16xf32>,
        tpu.vector_store_idx %arg12[%add3A_12, %add3A_1560], %mul3A_1661 : memref<64x129xf32, #tpu.memory_space<vmem>>[vector<16xi32>, vector<16xi32>], vector<16xf32>,
        tpu.vector_store_idx %arg12[%add3A_3, %add3A_1566], %mul3A_1669 : memref<64x129xf32, #tpu.memory_space<vmem>>[vector<16xi32>, vector<16xi32>], vector<16xf32>,
        tpu.vector_store_idx %arg12[%add3A_6, %add3A_1566], %mul3A_1677 : memref<64x129xf32, #tpu.memory_space<vmem>>[vector<16xi32>, vector<16xi32>], vector<16xf32>,
        tpu.vector_store_idx %arg12[%add3A_9, %add3A_1566], %mul3A_1685 : memref<64x129xf32, #tpu.memory_space<vmem>>[vector<16xi32>, vector<16xi32>], vector<16xf32>,
        tpu.vector_store_idx %arg12[%add3A_12, %add3A_1566], %mul3A_1693 : memref<64x129xf32, #tpu.memory_space<vmem>>[vector<16xi32>, vector<16xi32>], vector<16xf32>,
      }
      %scan3A_907 = arith.constant 32 : i32
      %dma_start3A_908 = arith.constant 0 : i32
      %dma_start3A_909 = arith.constant 0 : i32
      %dma_start3A_910 = arith.constant 0 : i32
      %dma_start3A_911 = tpu.memref_slice %arg12[%dma_start3A_909, %dma_start3A_910] : memref<64x129xf32, #tpu.memory_space<vmem>> -> memref<8x128xf32, #tpu.memory_space<vmem>>
      %dma_start3A_912 = arith.constant 0 : i32
      %dma_start3A_913 = arith.constant 0 : i32
      %dma_start3A_914 = tpu.memref_slice %arg4[%add3A_860, %dma_start3A_908, %add3A, %dma_start3A_912, %dma_start3A_913] : memref<200x8x32x8x128xf32, #tpu.memory_space<hbm>> -> memref<1x1x1x8x128xf32, #tpu.memory_space<hbm>>
      %dma_start3A_915 = tpu.memref_squeeze %dma_start3A_914 : memref<1x1x1x8x128xf32, #tpu.memory_space<hbm>> -> memref<8x128xf32, #tpu.memory_space<hbm>>
      %dma_start3A_916 = arith.constant 0 : i32
      %dma_start3A_917 = arith.constant 0 : i32
      %dma_start3A_918 = tpu.memref_slice %arg4[%add3A_860, %dma_start3A_908, %add3A, %dma_start3A_916, %dma_start3A_917] : memref<200x8x32x8x128xf32, #tpu.memory_space<hbm>> -> memref<1x1x1x8x128xf32, #tpu.memory_space<hbm>>
      %dma_start3A_919 = tpu.memref_squeeze %dma_start3A_918 : memref<1x1x1x8x128xf32, #tpu.memory_space<hbm>> -> memref<8x128xf32, #tpu.memory_space<hbm>>
      %dma_start3A_920 = arith.constant 0 : i32
      %dma_start3A_921 = arith.constant 0 : i32
      %dma_start3A_922 = tpu.memref_slice %arg12[%dma_start3A_920, %dma_start3A_921] : memref<64x129xf32, #tpu.memory_space<vmem>> -> memref<8x128xf32, #tpu.memory_space<vmem>>
      tpu.enqueue_dma source(%dma_start3A_922 : memref<8x128xf32, #tpu.memory_space<vmem>>) target(%dma_start3A_919 : memref<8x128xf32, #tpu.memory_space<hbm>>) target_semaphore(%arg22 : memref<!tpu.dma_semaphore, #tpu.memory_space<semaphore_mem>>)
      %dma_start3A_923 = arith.constant 1 : i32
      %dma_start3A_924 = arith.constant 8 : i32
      %dma_start3A_925 = arith.constant 0 : i32
      %dma_start3A_926 = tpu.memref_slice %arg12[%dma_start3A_924, %dma_start3A_925] : memref<64x129xf32, #tpu.memory_space<vmem>> -> memref<8x128xf32, #tpu.memory_space<vmem>>
      %dma_start3A_927 = arith.constant 0 : i32
      %dma_start3A_928 = arith.constant 0 : i32
      %dma_start3A_929 = tpu.memref_slice %arg4[%add3A_860, %dma_start3A_923, %add3A, %dma_start3A_927, %dma_start3A_928] : memref<200x8x32x8x128xf32, #tpu.memory_space<hbm>> -> memref<1x1x1x8x128xf32, #tpu.memory_space<hbm>>
      %dma_start3A_930 = tpu.memref_squeeze %dma_start3A_929 : memref<1x1x1x8x128xf32, #tpu.memory_space<hbm>> -> memref<8x128xf32, #tpu.memory_space<hbm>>
      %dma_start3A_931 = arith.constant 0 : i32
      %dma_start3A_932 = arith.constant 0 : i32
      %dma_start3A_933 = tpu.memref_slice %arg4[%add3A_860, %dma_start3A_923, %add3A, %dma_start3A_931, %dma_start3A_932] : memref<200x8x32x8x128xf32, #tpu.memory_space<hbm>> -> memref<1x1x1x8x128xf32, #tpu.memory_space<hbm>>
      %dma_start3A_934 = tpu.memref_squeeze %dma_start3A_933 : memref<1x1x1x8x128xf32, #tpu.memory_space<hbm>> -> memref<8x128xf32, #tpu.memory_space<hbm>>
      %dma_start3A_935 = arith.constant 8 : i32
      %dma_start3A_936 = arith.constant 0 : i32
      %dma_start3A_937 = tpu.memref_slice %arg12[%dma_start3A_935, %dma_start3A_936] : memref<64x129xf32, #tpu.memory_space<vmem>> -> memref<8x128xf32, #tpu.memory_space<vmem>>
      tpu.enqueue_dma source(%dma_start3A_937 : memref<8x128xf32, #tpu.memory_space<vmem>>) target(%dma_start3A_934 : memref<8x128xf32, #tpu.memory_space<hbm>>) target_semaphore(%arg22 : memref<!tpu.dma_semaphore, #tpu.memory_space<semaphore_mem>>)
      %dma_start3A_938 = arith.constant 2 : i32
      %dma_start3A_939 = arith.constant 16 : i32
      %dma_start3A_940 = arith.constant 0 : i32
      %dma_start3A_941 = tpu.memref_slice %arg12[%dma_start3A_939, %dma_start3A_940] : memref<64x129xf32, #tpu.memory_space<vmem>> -> memref<8x128xf32, #tpu.memory_space<vmem>>
      %dma_start3A_942 = arith.constant 0 : i32
      %dma_start3A_943 = arith.constant 0 : i32
      %dma_start3A_944 = tpu.memref_slice %arg4[%add3A_860, %dma_start3A_938, %add3A, %dma_start3A_942, %dma_start3A_943] : memref<200x8x32x8x128xf32, #tpu.memory_space<hbm>> -> memref<1x1x1x8x128xf32, #tpu.memory_space<hbm>>
      %dma_start3A_945 = tpu.memref_squeeze %dma_start3A_944 : memref<1x1x1x8x128xf32, #tpu.memory_space<hbm>> -> memref<8x128xf32, #tpu.memory_space<hbm>>
      %dma_start3A_946 = arith.constant 0 : i32
      %dma_start3A_947 = arith.constant 0 : i32
      %dma_start3A_948 = tpu.memref_slice %arg4[%add3A_860, %dma_start3A_938, %add3A, %dma_start3A_946, %dma_start3A_947] : memref<200x8x32x8x128xf32, #tpu.memory_space<hbm>> -> memref<1x1x1x8x128xf32, #tpu.memory_space<hbm>>
      %dma_start3A_949 = tpu.memref_squeeze %dma_start3A_948 : memref<1x1x1x8x128xf32, #tpu.memory_space<hbm>> -> memref<8x128xf32, #tpu.memory_space<hbm>>
      %dma_start3A_950 = arith.constant 16 : i32
      %dma_start3A_951 = arith.constant 0 : i32
      %dma_start3A_952 = tpu.memref_slice %arg12[%dma_start3A_950, %dma_start3A_951] : memref<64x129xf32, #tpu.memory_space<vmem>> -> memref<8x128xf32, #tpu.memory_space<vmem>>
      tpu.enqueue_dma source(%dma_start3A_952 : memref<8x128xf32, #tpu.memory_space<vmem>>) target(%dma_start3A_949 : memref<8x128xf32, #tpu.memory_space<hbm>>) target_semaphore(%arg22 : memref<!tpu.dma_semaphore, #tpu.memory_space<semaphore_mem>>)
      %dma_start3A_953 = arith.constant 3 : i32
      %dma_start3A_954 = arith.constant 24 : i32
      %dma_start3A_955 = arith.constant 0 : i32
      %dma_start3A_956 = tpu.memref_slice %arg12[%dma_start3A_954, %dma_start3A_955] : memref<64x129xf32, #tpu.memory_space<vmem>> -> memref<8x128xf32, #tpu.memory_space<vmem>>
      %dma_start3A_957 = arith.constant 0 : i32
      %dma_start3A_958 = arith.constant 0 : i32
      %dma_start3A_959 = tpu.memref_slice %arg4[%add3A_860, %dma_start3A_953, %add3A, %dma_start3A_957, %dma_start3A_958] : memref<200x8x32x8x128xf32, #tpu.memory_space<hbm>> -> memref<1x1x1x8x128xf32, #tpu.memory_space<hbm>>
      %dma_start3A_960 = tpu.memref_squeeze %dma_start3A_959 : memref<1x1x1x8x128xf32, #tpu.memory_space<hbm>> -> memref<8x128xf32, #tpu.memory_space<hbm>>
      %dma_start3A_961 = arith.constant 0 : i32
      %dma_start3A_962 = arith.constant 0 : i32
      %dma_start3A_963 = tpu.memref_slice %arg4[%add3A_860, %dma_start3A_953, %add3A, %dma_start3A_961, %dma_start3A_962] : memref<200x8x32x8x128xf32, #tpu.memory_space<hbm>> -> memref<1x1x1x8x128xf32, #tpu.memory_space<hbm>>
      %dma_start3A_964 = tpu.memref_squeeze %dma_start3A_963 : memref<1x1x1x8x128xf32, #tpu.memory_space<hbm>> -> memref<8x128xf32, #tpu.memory_space<hbm>>
      %dma_start3A_965 = arith.constant 24 : i32
      %dma_start3A_966 = arith.constant 0 : i32
      %dma_start3A_967 = tpu.memref_slice %arg12[%dma_start3A_965, %dma_start3A_966] : memref<64x129xf32, #tpu.memory_space<vmem>> -> memref<8x128xf32, #tpu.memory_space<vmem>>
      tpu.enqueue_dma source(%dma_start3A_967 : memref<8x128xf32, #tpu.memory_space<vmem>>) target(%dma_start3A_964 : memref<8x128xf32, #tpu.memory_space<hbm>>) target_semaphore(%arg22 : memref<!tpu.dma_semaphore, #tpu.memory_space<semaphore_mem>>)
      %dma_start3A_968 = arith.constant 4 : i32
      %dma_start3A_969 = arith.constant 32 : i32
      %dma_start3A_970 = arith.constant 0 : i32
      %dma_start3A_971 = tpu.memref_slice %arg12[%dma_start3A_969, %dma_start3A_970] : memref<64x129xf32, #tpu.memory_space<vmem>> -> memref<8x128xf32, #tpu.memory_space<vmem>>
      %dma_start3A_972 = arith.constant 0 : i32
      %dma_start3A_973 = arith.constant 0 : i32
      %dma_start3A_974 = tpu.memref_slice %arg4[%add3A_860, %dma_start3A_968, %add3A, %dma_start3A_972, %dma_start3A_973] : memref<200x8x32x8x128xf32, #tpu.memory_space<hbm>> -> memref<1x1x1x8x128xf32, #tpu.memory_space<hbm>>
      %dma_start3A_975 = tpu.memref_squeeze %dma_start3A_974 : memref<1x1x1x8x128xf32, #tpu.memory_space<hbm>> -> memref<8x128xf32, #tpu.memory_space<hbm>>
      %dma_start3A_976 = arith.constant 0 : i32
      %dma_start3A_977 = arith.constant 0 : i32
      %dma_start3A_978 = tpu.memref_slice %arg4[%add3A_860, %dma_start3A_968, %add3A, %dma_start3A_976, %dma_start3A_977] : memref<200x8x32x8x128xf32, #tpu.memory_space<hbm>> -> memref<1x1x1x8x128xf32, #tpu.memory_space<hbm>>
      %dma_start3A_979 = tpu.memref_squeeze %dma_start3A_978 : memref<1x1x1x8x128xf32, #tpu.memory_space<hbm>> -> memref<8x128xf32, #tpu.memory_space<hbm>>
      %dma_start3A_980 = arith.constant 32 : i32
      %dma_start3A_981 = arith.constant 0 : i32
      %dma_start3A_982 = tpu.memref_slice %arg12[%dma_start3A_980, %dma_start3A_981] : memref<64x129xf32, #tpu.memory_space<vmem>> -> memref<8x128xf32, #tpu.memory_space<vmem>>
      tpu.enqueue_dma source(%dma_start3A_982 : memref<8x128xf32, #tpu.memory_space<vmem>>) target(%dma_start3A_979 : memref<8x128xf32, #tpu.memory_space<hbm>>) target_semaphore(%arg22 : memref<!tpu.dma_semaphore, #tpu.memory_space<semaphore_mem>>)
      %dma_start3A_983 = arith.constant 5 : i32
      %dma_start3A_984 = arith.constant 40 : i32
      %dma_start3A_985 = arith.constant 0 : i32
      %dma_start3A_986 = tpu.memref_slice %arg12[%dma_start3A_984, %dma_start3A_985] : memref<64x129xf32, #tpu.memory_space<vmem>> -> memref<8x128xf32, #tpu.memory_space<vmem>>
      %dma_start3A_987 = arith.constant 0 : i32
      %dma_start3A_988 = arith.constant 0 : i32
      %dma_start3A_989 = tpu.memref_slice %arg4[%add3A_860, %dma_start3A_983, %add3A, %dma_start3A_987, %dma_start3A_988] : memref<200x8x32x8x128xf32, #tpu.memory_space<hbm>> -> memref<1x1x1x8x128xf32, #tpu.memory_space<hbm>>
      %dma_start3A_990 = tpu.memref_squeeze %dma_start3A_989 : memref<1x1x1x8x128xf32, #tpu.memory_space<hbm>> -> memref<8x128xf32, #tpu.memory_space<hbm>>
      %dma_start3A_991 = arith.constant 0 : i32
      %dma_start3A_992 = arith.constant 0 : i32
      %dma_start3A_993 = tpu.memref_slice %arg4[%add3A_860, %dma_start3A_983, %add3A, %dma_start3A_991, %dma_start3A_992] : memref<200x8x32x8x128xf32, #tpu.memory_space<hbm>> -> memref<1x1x1x8x128xf32, #tpu.memory_space<hbm>>
      %dma_start3A_994 = tpu.memref_squeeze %dma_start3A_993 : memref<1x1x1x8x128xf32, #tpu.memory_space<hbm>> -> memref<8x128xf32, #tpu.memory_space<hbm>>
      %dma_start3A_995 = arith.constant 40 : i32
      %dma_start3A_996 = arith.constant 0 : i32
      %dma_start3A_997 = tpu.memref_slice %arg12[%dma_start3A_995, %dma_start3A_996] : memref<64x129xf32, #tpu.memory_space<vmem>> -> memref<8x128xf32, #tpu.memory_space<vmem>>
      tpu.enqueue_dma source(%dma_start3A_997 : memref<8x128xf32, #tpu.memory_space<vmem>>) target(%dma_start3A_994 : memref<8x128xf32, #tpu.memory_space<hbm>>) target_semaphore(%arg22 : memref<!tpu.dma_semaphore, #tpu.memory_space<semaphore_mem>>)
      %dma_start3A_998 = arith.constant 6 : i32
      %dma_start3A_999 = arith.constant 48 : i32
      %dma_start3A_1000 = arith.constant 0 : i32
      %dma_start3A_1001 = tpu.memref_slice %arg12[%dma_start3A_999, %dma_start3A_1000] : memref<64x129xf32, #tpu.memory_space<vmem>> -> memref<8x128xf32, #tpu.memory_space<vmem>>
      %dma_start3A_1002 = arith.constant 0 : i32
      %dma_start3A_1003 = arith.constant 0 : i32
      %dma_start3A_1004 = tpu.memref_slice %arg4[%add3A_860, %dma_start3A_998, %add3A, %dma_start3A_1002, %dma_start3A_1003] : memref<200x8x32x8x128xf32, #tpu.memory_space<hbm>> -> memref<1x1x1x8x128xf32, #tpu.memory_space<hbm>>
      %dma_start3A_1005 = tpu.memref_squeeze %dma_start3A_1004 : memref<1x1x1x8x128xf32, #tpu.memory_space<hbm>> -> memref<8x128xf32, #tpu.memory_space<hbm>>
      %dma_start3A_1006 = arith.constant 0 : i32
      %dma_start3A_1007 = arith.constant 0 : i32
      %dma_start3A_1008 = tpu.memref_slice %arg4[%add3A_860, %dma_start3A_998, %add3A, %dma_start3A_1006, %dma_start3A_1007] : memref<200x8x32x8x128xf32, #tpu.memory_space<hbm>> -> memref<1x1x1x8x128xf32, #tpu.memory_space<hbm>>
      %dma_start3A_1009 = tpu.memref_squeeze %dma_start3A_1008 : memref<1x1x1x8x128xf32, #tpu.memory_space<hbm>> -> memref<8x128xf32, #tpu.memory_space<hbm>>
      %dma_start3A_1010 = arith.constant 48 : i32
      %dma_start3A_1011 = arith.constant 0 : i32
      %dma_start3A_1012 = tpu.memref_slice %arg12[%dma_start3A_1010, %dma_start3A_1011] : memref<64x129xf32, #tpu.memory_space<vmem>> -> memref<8x128xf32, #tpu.memory_space<vmem>>
      tpu.enqueue_dma source(%dma_start3A_1012 : memref<8x128xf32, #tpu.memory_space<vmem>>) target(%dma_start3A_1009 : memref<8x128xf32, #tpu.memory_space<hbm>>) target_semaphore(%arg22 : memref<!tpu.dma_semaphore, #tpu.memory_space<semaphore_mem>>)
      %dma_start3A_1013 = arith.constant 7 : i32
      %dma_start3A_1014 = arith.constant 56 : i32
      %dma_start3A_1015 = arith.constant 0 : i32
      %dma_start3A_1016 = tpu.memref_slice %arg12[%dma_start3A_1014, %dma_start3A_1015] : memref<64x129xf32, #tpu.memory_space<vmem>> -> memref<8x128xf32, #tpu.memory_space<vmem>>
      %dma_start3A_1017 = arith.constant 0 : i32
      %dma_start3A_1018 = arith.constant 0 : i32
      %dma_start3A_1019 = tpu.memref_slice %arg4[%add3A_860, %dma_start3A_1013, %add3A, %dma_start3A_1017, %dma_start3A_1018] : memref<200x8x32x8x128xf32, #tpu.memory_space<hbm>> -> memref<1x1x1x8x128xf32, #tpu.memory_space<hbm>>
      %dma_start3A_1020 = tpu.memref_squeeze %dma_start3A_1019 : memref<1x1x1x8x128xf32, #tpu.memory_space<hbm>> -> memref<8x128xf32, #tpu.memory_space<hbm>>
      %dma_start3A_1021 = arith.constant 0 : i32
      %dma_start3A_1022 = arith.constant 0 : i32
      %dma_start3A_1023 = tpu.memref_slice %arg4[%add3A_860, %dma_start3A_1013, %add3A, %dma_start3A_1021, %dma_start3A_1022] : memref<200x8x32x8x128xf32, #tpu.memory_space<hbm>> -> memref<1x1x1x8x128xf32, #tpu.memory_space<hbm>>
      %dma_start3A_1024 = tpu.memref_squeeze %dma_start3A_1023 : memref<1x1x1x8x128xf32, #tpu.memory_space<hbm>> -> memref<8x128xf32, #tpu.memory_space<hbm>>
      %dma_start3A_1025 = arith.constant 56 : i32
      %dma_start3A_1026 = arith.constant 0 : i32
      %dma_start3A_1027 = tpu.memref_slice %arg12[%dma_start3A_1025, %dma_start3A_1026] : memref<64x129xf32, #tpu.memory_space<vmem>> -> memref<8x128xf32, #tpu.memory_space<vmem>>
      tpu.enqueue_dma source(%dma_start3A_1027 : memref<8x128xf32, #tpu.memory_space<vmem>>) target(%dma_start3A_1024 : memref<8x128xf32, #tpu.memory_space<hbm>>) target_semaphore(%arg22 : memref<!tpu.dma_semaphore, #tpu.memory_space<semaphore_mem>>)
      %mul3A_1028 = arith.constant 5 : i32
      %mul3A_1029 = arith.muli %scan3A_695, %mul3A_1028 : i32
      %add3A_1030 = arith.constant 2 : i32
      %add3A_1031 = arith.addi %mul3A_1029, %add3A_1030 : i32
      %add3A_1032 = arith.constant 5 : i32
      %add3A_1033 = arith.addi %add3A_1031, %add3A_1032 : i32
      %sub3A_1034 = arith.constant 1 : i32
      %sub3A_1035 = arith.subi %add3A_1033, %sub3A_1034 : i32
      %lt3A_1036 = arith.constant 200 : i32
      %lt3A_1037 = arith.cmpi slt, %sub3A_1035, %lt3A_1036 : i32
      %convert_element_type3A_1038 = arith.extui %lt3A_1037 : i1 to i32
      %cond3A_1039 = arith.constant 0 : i32
      %cond3A_1040 = arith.cmpi ne, %convert_element_type3A_1038, %cond3A_1039 : i32
      scf.if %cond3A_1040 {
        %dma_wait3A_1541 = arith.constant 0 : i32
        %dma_wait3A_1542 = arith.constant 0 : i32
        %dma_wait3A_1543 = arith.constant 0 : i32
        %dma_wait3A_1544 = arith.constant 0 : i32
        %dma_wait3A_1545 = tpu.memref_slice %arg12[%dma_wait3A_1543, %dma_wait3A_1544] : memref<64x129xf32, #tpu.memory_space<vmem>> -> memref<8x128xf32, #tpu.memory_space<vmem>>
        %dma_wait3A_1546 = arith.constant 0 : i32
        %dma_wait3A_1547 = arith.constant 0 : i32
        %dma_wait3A_1548 = tpu.memref_slice %arg4[%dma_wait3A_1541, %dma_wait3A_1542, %add3A, %dma_wait3A_1546, %dma_wait3A_1547] : memref<200x8x32x8x128xf32, #tpu.memory_space<hbm>> -> memref<1x1x1x8x128xf32, #tpu.memory_space<hbm>>
        %dma_wait3A_1549 = tpu.memref_squeeze %dma_wait3A_1548 : memref<1x1x1x8x128xf32, #tpu.memory_space<hbm>> -> memref<8x128xf32, #tpu.memory_space<hbm>>
        %dma_wait3A_1550 = arith.constant 0 : i32
        %dma_wait3A_1551 = arith.constant 0 : i32
        %dma_wait3A_1552 = tpu.memref_slice %arg4[%dma_wait3A_1541, %dma_wait3A_1542, %add3A, %dma_wait3A_1550, %dma_wait3A_1551] : memref<200x8x32x8x128xf32, #tpu.memory_space<hbm>> -> memref<1x1x1x8x128xf32, #tpu.memory_space<hbm>>
        %dma_wait3A_1553 = tpu.memref_squeeze %dma_wait3A_1552 : memref<1x1x1x8x128xf32, #tpu.memory_space<hbm>> -> memref<8x128xf32, #tpu.memory_space<hbm>>
        %dma_wait3A_1554 = arith.constant 0 : i32
        %dma_wait3A_1555 = arith.constant 0 : i32
        %dma_wait3A_1556 = tpu.memref_slice %arg12[%dma_wait3A_1554, %dma_wait3A_1555] : memref<64x129xf32, #tpu.memory_space<vmem>> -> memref<8x128xf32, #tpu.memory_space<vmem>>
        tpu.wait_dma2 semaphore(%arg22 : memref<!tpu.dma_semaphore, #tpu.memory_space<semaphore_mem>>) src(%dma_wait3A_1556 : memref<8x128xf32, #tpu.memory_space<vmem>>) dst(%dma_wait3A_1553 : memref<8x128xf32, #tpu.memory_space<hbm>>)
        %dma_wait3A_1557 = arith.constant 0 : i32
        %dma_wait3A_1558 = arith.constant 1 : i32
        %dma_wait3A_1559 = arith.constant 8 : i32
        %dma_wait3A_1560 = arith.constant 0 : i32
        %dma_wait3A_1561 = tpu.memref_slice %arg12[%dma_wait3A_1559, %dma_wait3A_1560] : memref<64x129xf32, #tpu.memory_space<vmem>> -> memref<8x128xf32, #tpu.memory_space<vmem>>
        %dma_wait3A_1562 = arith.constant 0 : i32
        %dma_wait3A_1563 = arith.constant 0 : i32
        %dma_wait3A_1564 = tpu.memref_slice %arg4[%dma_wait3A_1557, %dma_wait3A_1558, %add3A, %dma_wait3A_1562, %dma_wait3A_1563] : memref<200x8x32x8x128xf32, #tpu.memory_space<hbm>> -> memref<1x1x1x8x128xf32, #tpu.memory_space<hbm>>
        %dma_wait3A_1565 = tpu.memref_squeeze %dma_wait3A_1564 : memref<1x1x1x8x128xf32, #tpu.memory_space<hbm>> -> memref<8x128xf32, #tpu.memory_space<hbm>>
        %dma_wait3A_1566 = arith.constant 0 : i32
        %dma_wait3A_1567 = arith.constant 0 : i32
        %dma_wait3A_1568 = tpu.memref_slice %arg4[%dma_wait3A_1557, %dma_wait3A_1558, %add3A, %dma_wait3A_1566, %dma_wait3A_1567] : memref<200x8x32x8x128xf32, #tpu.memory_space<hbm>> -> memref<1x1x1x8x128xf32, #tpu.memory_space<hbm>>
        %dma_wait3A_1569 = tpu.memref_squeeze %dma_wait3A_1568 : memref<1x1x1x8x128xf32, #tpu.memory_space<hbm>> -> memref<8x128xf32, #tpu.memory_space<hbm>>
        %dma_wait3A_1570 = arith.constant 8 : i32
        %dma_wait3A_1571 = arith.constant 0 : i32
        %dma_wait3A_1572 = tpu.memref_slice %arg12[%dma_wait3A_1570, %dma_wait3A_1571] : memref<64x129xf32, #tpu.memory_space<vmem>> -> memref<8x128xf32, #tpu.memory_space<vmem>>
        tpu.wait_dma2 semaphore(%arg22 : memref<!tpu.dma_semaphore, #tpu.memory_space<semaphore_mem>>) src(%dma_wait3A_1572 : memref<8x128xf32, #tpu.memory_space<vmem>>) dst(%dma_wait3A_1569 : memref<8x128xf32, #tpu.memory_space<hbm>>)
        %dma_wait3A_1573 = arith.constant 0 : i32
        %dma_wait3A_1574 = arith.constant 2 : i32
        %dma_wait3A_1575 = arith.constant 16 : i32
        %dma_wait3A_1576 = arith.constant 0 : i32
        %dma_wait3A_1577 = tpu.memref_slice %arg12[%dma_wait3A_1575, %dma_wait3A_1576] : memref<64x129xf32, #tpu.memory_space<vmem>> -> memref<8x128xf32, #tpu.memory_space<vmem>>
        %dma_wait3A_1578 = arith.constant 0 : i32
        %dma_wait3A_1579 = arith.constant 0 : i32
        %dma_wait3A_1580 = tpu.memref_slice %arg4[%dma_wait3A_1573, %dma_wait3A_1574, %add3A, %dma_wait3A_1578, %dma_wait3A_1579] : memref<200x8x32x8x128xf32, #tpu.memory_space<hbm>> -> memref<1x1x1x8x128xf32, #tpu.memory_space<hbm>>
        %dma_wait3A_1581 = tpu.memref_squeeze %dma_wait3A_1580 : memref<1x1x1x8x128xf32, #tpu.memory_space<hbm>> -> memref<8x128xf32, #tpu.memory_space<hbm>>
        %dma_wait3A_1582 = arith.constant 0 : i32
        %dma_wait3A_1583 = arith.constant 0 : i32
        %dma_wait3A_1584 = tpu.memref_slice %arg4[%dma_wait3A_1573, %dma_wait3A_1574, %add3A, %dma_wait3A_1582, %dma_wait3A_1583] : memref<200x8x32x8x128xf32, #tpu.memory_space<hbm>> -> memref<1x1x1x8x128xf32, #tpu.memory_space<hbm>>
        %dma_wait3A_1585 = tpu.memref_squeeze %dma_wait3A_1584 : memref<1x1x1x8x128xf32, #tpu.memory_space<hbm>> -> memref<8x128xf32, #tpu.memory_space<hbm>>
        %dma_wait3A_1586 = arith.constant 16 : i32
        %dma_wait3A_1587 = arith.constant 0 : i32
        %dma_wait3A_1588 = tpu.memref_slice %arg12[%dma_wait3A_1586, %dma_wait3A_1587] : memref<64x129xf32, #tpu.memory_space<vmem>> -> memref<8x128xf32, #tpu.memory_space<vmem>>
        tpu.wait_dma2 semaphore(%arg22 : memref<!tpu.dma_semaphore, #tpu.memory_space<semaphore_mem>>) src(%dma_wait3A_1588 : memref<8x128xf32, #tpu.memory_space<vmem>>) dst(%dma_wait3A_1585 : memref<8x128xf32, #tpu.memory_space<hbm>>)
        %dma_wait3A_1589 = arith.constant 0 : i32
        %dma_wait3A_1590 = arith.constant 3 : i32
        %dma_wait3A_1591 = arith.constant 24 : i32
        %dma_wait3A_1592 = arith.constant 0 : i32
        %dma_wait3A_1593 = tpu.memref_slice %arg12[%dma_wait3A_1591, %dma_wait3A_1592] : memref<64x129xf32, #tpu.memory_space<vmem>> -> memref<8x128xf32, #tpu.memory_space<vmem>>
        %dma_wait3A_1594 = arith.constant 0 : i32
        %dma_wait3A_1595 = arith.constant 0 : i32
        %dma_wait3A_1596 = tpu.memref_slice %arg4[%dma_wait3A_1589, %dma_wait3A_1590, %add3A, %dma_wait3A_1594, %dma_wait3A_1595] : memref<200x8x32x8x128xf32, #tpu.memory_space<hbm>> -> memref<1x1x1x8x128xf32, #tpu.memory_space<hbm>>
        %dma_wait3A_1597 = tpu.memref_squeeze %dma_wait3A_1596 : memref<1x1x1x8x128xf32, #tpu.memory_space<hbm>> -> memref<8x128xf32, #tpu.memory_space<hbm>>
        %dma_wait3A_1598 = arith.constant 0 : i32
        %dma_wait3A_1599 = arith.constant 0 : i32
        %dma_wait3A_1600 = tpu.memref_slice %arg4[%dma_wait3A_1589, %dma_wait3A_1590, %add3A, %dma_wait3A_1598, %dma_wait3A_1599] : memref<200x8x32x8x128xf32, #tpu.memory_space<hbm>> -> memref<1x1x1x8x128xf32, #tpu.memory_space<hbm>>
        %dma_wait3A_1601 = tpu.memref_squeeze %dma_wait3A_1600 : memref<1x1x1x8x128xf32, #tpu.memory_space<hbm>> -> memref<8x128xf32, #tpu.memory_space<hbm>>
        %dma_wait3A_1602 = arith.constant 24 : i32
        %dma_wait3A_1603 = arith.constant 0 : i32
        %dma_wait3A_1604 = tpu.memref_slice %arg12[%dma_wait3A_1602, %dma_wait3A_1603] : memref<64x129xf32, #tpu.memory_space<vmem>> -> memref<8x128xf32, #tpu.memory_space<vmem>>
        tpu.wait_dma2 semaphore(%arg22 : memref<!tpu.dma_semaphore, #tpu.memory_space<semaphore_mem>>) src(%dma_wait3A_1604 : memref<8x128xf32, #tpu.memory_space<vmem>>) dst(%dma_wait3A_1601 : memref<8x128xf32, #tpu.memory_space<hbm>>)
        %dma_wait3A_1605 = arith.constant 0 : i32
        %dma_wait3A_1606 = arith.constant 4 : i32
        %dma_wait3A_1607 = arith.constant 32 : i32
        %dma_wait3A_1608 = arith.constant 0 : i32
        %dma_wait3A_1609 = tpu.memref_slice %arg12[%dma_wait3A_1607, %dma_wait3A_1608] : memref<64x129xf32, #tpu.memory_space<vmem>> -> memref<8x128xf32, #tpu.memory_space<vmem>>
        %dma_wait3A_1610 = arith.constant 0 : i32
        %dma_wait3A_1611 = arith.constant 0 : i32
        %dma_wait3A_1612 = tpu.memref_slice %arg4[%dma_wait3A_1605, %dma_wait3A_1606, %add3A, %dma_wait3A_1610, %dma_wait3A_1611] : memref<200x8x32x8x128xf32, #tpu.memory_space<hbm>> -> memref<1x1x1x8x128xf32, #tpu.memory_space<hbm>>
        %dma_wait3A_1613 = tpu.memref_squeeze %dma_wait3A_1612 : memref<1x1x1x8x128xf32, #tpu.memory_space<hbm>> -> memref<8x128xf32, #tpu.memory_space<hbm>>
        %dma_wait3A_1614 = arith.constant 0 : i32
        %dma_wait3A_1615 = arith.constant 0 : i32
        %dma_wait3A_1616 = tpu.memref_slice %arg4[%dma_wait3A_1605, %dma_wait3A_1606, %add3A, %dma_wait3A_1614, %dma_wait3A_1615] : memref<200x8x32x8x128xf32, #tpu.memory_space<hbm>> -> memref<1x1x1x8x128xf32, #tpu.memory_space<hbm>>
        %dma_wait3A_1617 = tpu.memref_squeeze %dma_wait3A_1616 : memref<1x1x1x8x128xf32, #tpu.memory_space<hbm>> -> memref<8x128xf32, #tpu.memory_space<hbm>>
        %dma_wait3A_1618 = arith.constant 32 : i32
        %dma_wait3A_1619 = arith.constant 0 : i32
        %dma_wait3A_1620 = tpu.memref_slice %arg12[%dma_wait3A_1618, %dma_wait3A_1619] : memref<64x129xf32, #tpu.memory_space<vmem>> -> memref<8x128xf32, #tpu.memory_space<vmem>>
        tpu.wait_dma2 semaphore(%arg22 : memref<!tpu.dma_semaphore, #tpu.memory_space<semaphore_mem>>) src(%dma_wait3A_1620 : memref<8x128xf32, #tpu.memory_space<vmem>>) dst(%dma_wait3A_1617 : memref<8x128xf32, #tpu.memory_space<hbm>>)
        %dma_wait3A_1621 = arith.constant 0 : i32
        %dma_wait3A_1622 = arith.constant 5 : i32
        %dma_wait3A_1623 = arith.constant 40 : i32
        %dma_wait3A_1624 = arith.constant 0 : i32
        %dma_wait3A_1625 = tpu.memref_slice %arg12[%dma_wait3A_1623, %dma_wait3A_1624] : memref<64x129xf32, #tpu.memory_space<vmem>> -> memref<8x128xf32, #tpu.memory_space<vmem>>
        %dma_wait3A_1626 = arith.constant 0 : i32
        %dma_wait3A_1627 = arith.constant 0 : i32
        %dma_wait3A_1628 = tpu.memref_slice %arg4[%dma_wait3A_1621, %dma_wait3A_1622, %add3A, %dma_wait3A_1626, %dma_wait3A_1627] : memref<200x8x32x8x128xf32, #tpu.memory_space<hbm>> -> memref<1x1x1x8x128xf32, #tpu.memory_space<hbm>>
        %dma_wait3A_1629 = tpu.memref_squeeze %dma_wait3A_1628 : memref<1x1x1x8x128xf32, #tpu.memory_space<hbm>> -> memref<8x128xf32, #tpu.memory_space<hbm>>
        %dma_wait3A_1630 = arith.constant 0 : i32
        %dma_wait3A_1631 = arith.constant 0 : i32
        %dma_wait3A_1632 = tpu.memref_slice %arg4[%dma_wait3A_1621, %dma_wait3A_1622, %add3A, %dma_wait3A_1630, %dma_wait3A_1631] : memref<200x8x32x8x128xf32, #tpu.memory_space<hbm>> -> memref<1x1x1x8x128xf32, #tpu.memory_space<hbm>>
        %dma_wait3A_1633 = tpu.memref_squeeze %dma_wait3A_1632 : memref<1x1x1x8x128xf32, #tpu.memory_space<hbm>> -> memref<8x128xf32, #tpu.memory_space<hbm>>
        %dma_wait3A_1634 = arith.constant 40 : i32
        %dma_wait3A_1635 = arith.constant 0 : i32
        %dma_wait3A_1636 = tpu.memref_slice %arg12[%dma_wait3A_1634, %dma_wait3A_1635] : memref<64x129xf32, #tpu.memory_space<vmem>> -> memref<8x128xf32, #tpu.memory_space<vmem>>
        tpu.wait_dma2 semaphore(%arg22 : memref<!tpu.dma_semaphore, #tpu.memory_space<semaphore_mem>>) src(%dma_wait3A_1636 : memref<8x128xf32, #tpu.memory_space<vmem>>) dst(%dma_wait3A_1633 : memref<8x128xf32, #tpu.memory_space<hbm>>)
        %dma_wait3A_1637 = arith.constant 0 : i32
        %dma_wait3A_1638 = arith.constant 6 : i32
        %dma_wait3A_1639 = arith.constant 48 : i32
        %dma_wait3A_1640 = arith.constant 0 : i32
        %dma_wait3A_1641 = tpu.memref_slice %arg12[%dma_wait3A_1639, %dma_wait3A_1640] : memref<64x129xf32, #tpu.memory_space<vmem>> -> memref<8x128xf32, #tpu.memory_space<vmem>>
        %dma_wait3A_1642 = arith.constant 0 : i32
        %dma_wait3A_1643 = arith.constant 0 : i32
        %dma_wait3A_1644 = tpu.memref_slice %arg4[%dma_wait3A_1637, %dma_wait3A_1638, %add3A, %dma_wait3A_1642, %dma_wait3A_1643] : memref<200x8x32x8x128xf32, #tpu.memory_space<hbm>> -> memref<1x1x1x8x128xf32, #tpu.memory_space<hbm>>
        %dma_wait3A_1645 = tpu.memref_squeeze %dma_wait3A_1644 : memref<1x1x1x8x128xf32, #tpu.memory_space<hbm>> -> memref<8x128xf32, #tpu.memory_space<hbm>>
        %dma_wait3A_1646 = arith.constant 0 : i32
        %dma_wait3A_1647 = arith.constant 0 : i32
        %dma_wait3A_1648 = tpu.memref_slice %arg4[%dma_wait3A_1637, %dma_wait3A_1638, %add3A, %dma_wait3A_1646, %dma_wait3A_1647] : memref<200x8x32x8x128xf32, #tpu.memory_space<hbm>> -> memref<1x1x1x8x128xf32, #tpu.memory_space<hbm>>
        %dma_wait3A_1649 = tpu.memref_squeeze %dma_wait3A_1648 : memref<1x1x1x8x128xf32, #tpu.memory_space<hbm>> -> memref<8x128xf32, #tpu.memory_space<hbm>>
        %dma_wait3A_1650 = arith.constant 48 : i32
        %dma_wait3A_1651 = arith.constant 0 : i32
        %dma_wait3A_1652 = tpu.memref_slice %arg12[%dma_wait3A_1650, %dma_wait3A_1651] : memref<64x129xf32, #tpu.memory_space<vmem>> -> memref<8x128xf32, #tpu.memory_space<vmem>>
        tpu.wait_dma2 semaphore(%arg22 : memref<!tpu.dma_semaphore, #tpu.memory_space<semaphore_mem>>) src(%dma_wait3A_1652 : memref<8x128xf32, #tpu.memory_space<vmem>>) dst(%dma_wait3A_1649 : memref<8x128xf32, #tpu.memory_space<hbm>>)
        %dma_wait3A_1653 = arith.constant 0 : i32
        %dma_wait3A_1654 = arith.constant 7 : i32
        %dma_wait3A_1655 = arith.constant 56 : i32
        %dma_wait3A_1656 = arith.constant 0 : i32
        %dma_wait3A_1657 = tpu.memref_slice %arg12[%dma_wait3A_1655, %dma_wait3A_1656] : memref<64x129xf32, #tpu.memory_space<vmem>> -> memref<8x128xf32, #tpu.memory_space<vmem>>
        %dma_wait3A_1658 = arith.constant 0 : i32
        %dma_wait3A_1659 = arith.constant 0 : i32
        %dma_wait3A_1660 = tpu.memref_slice %arg4[%dma_wait3A_1653, %dma_wait3A_1654, %add3A, %dma_wait3A_1658, %dma_wait3A_1659] : memref<200x8x32x8x128xf32, #tpu.memory_space<hbm>> -> memref<1x1x1x8x128xf32, #tpu.memory_space<hbm>>
        %dma_wait3A_1661 = tpu.memref_squeeze %dma_wait3A_1660 : memref<1x1x1x8x128xf32, #tpu.memory_space<hbm>> -> memref<8x128xf32, #tpu.memory_space<hbm>>
        %dma_wait3A_1662 = arith.constant 0 : i32
        %dma_wait3A_1663 = arith.constant 0 : i32
        %dma_wait3A_1664 = tpu.memref_slice %arg4[%dma_wait3A_1653, %dma_wait3A_1654, %add3A, %dma_wait3A_1662, %dma_wait3A_1663] : memref<200x8x32x8x128xf32, #tpu.memory_space<hbm>> -> memref<1x1x1x8x128xf32, #tpu.memory_space<hbm>>
        %dma_wait3A_1665 = tpu.memref_squeeze %dma_wait3A_1664 : memref<1x1x1x8x128xf32, #tpu.memory_space<hbm>> -> memref<8x128xf32, #tpu.memory_space<hbm>>
        %dma_wait3A_1666 = arith.constant 56 : i32
        %dma_wait3A_1667 = arith.constant 0 : i32
        %dma_wait3A_1668 = tpu.memref_slice %arg12[%dma_wait3A_1666, %dma_wait3A_1667] : memref<64x129xf32, #tpu.memory_space<vmem>> -> memref<8x128xf32, #tpu.memory_space<vmem>>
        tpu.wait_dma2 semaphore(%arg22 : memref<!tpu.dma_semaphore, #tpu.memory_space<semaphore_mem>>) src(%dma_wait3A_1668 : memref<8x128xf32, #tpu.memory_space<vmem>>) dst(%dma_wait3A_1665 : memref<8x128xf32, #tpu.memory_space<hbm>>)
        %jit3A_1669 = arith.constant 8 : i32
        %div3A_1670 = arith.divsi %sub3A_1035, %jit3A_1669 : i32
        %sign3A_1671 = arith.constant 0 : i32
        %sign3A_1672 = arith.cmpi sgt, %sub3A_1035, %sign3A_1671 : i32
        %sign3A_1673 = arith.extui %sign3A_1672 : i1 to i32
        %sign3A_1674 = arith.constant 0 : i32
        %sign3A_1675 = arith.cmpi slt, %sub3A_1035, %sign3A_1674 : i32
        %sign3A_1676 = arith.extui %sign3A_1675 : i1 to i32
        %sign3A_1677 = arith.subi %sign3A_1673, %sign3A_1676 : i32
        %sign3A_1678 = arith.constant 0 : i32
        %sign3A_1679 = arith.cmpi sgt, %jit3A_1669, %sign3A_1678 : i32
        %sign3A_1680 = arith.extui %sign3A_1679 : i1 to i32
        %sign3A_1681 = arith.constant 0 : i32
        %sign3A_1682 = arith.cmpi slt, %jit3A_1669, %sign3A_1681 : i32
        %sign3A_1683 = arith.extui %sign3A_1682 : i1 to i32
        %sign3A_1684 = arith.subi %sign3A_1680, %sign3A_1683 : i32
        %ne3A_1685 = arith.cmpi ne, %sign3A_1677, %sign3A_1684 : i32
        %rem3A_1686 = arith.remsi %sub3A_1035, %jit3A_1669 : i32
        %ne3A_1687 = arith.constant 0 : i32
        %ne3A_1688 = arith.cmpi ne, %rem3A_1686, %ne3A_1687 : i32
        %and3A_1689 = arith.andi %ne3A_1685, %ne3A_1688 : i1
        %sub3A_1690 = arith.constant 1 : i32
        %sub3A_1691 = arith.subi %div3A_1670, %sub3A_1690 : i32
        %select_n3A_1692 = arith.select %and3A_1689, %sub3A_1691, %div3A_1670 : i32
        %rem3A_1693 = arith.constant 8 : i32
        %rem3A_1694 = arith.remsi %sub3A_1035, %rem3A_1693 : i32
        %dma_start3A_1695 = arith.constant 0 : i32
        %dma_start3A_1696 = tpu.memref_slice %arg5[%select_n3A_1692, %rem3A_1694, %dma_start3A_1695] : memref<25x8x128xi32, #tpu.memory_space<vmem>> -> memref<1x1x128xi32, #tpu.memory_space<vmem>>
        %dma_start3A_1697 = tpu.memref_squeeze %dma_start3A_1696 : memref<1x1x128xi32, #tpu.memory_space<vmem>> -> memref<128xi32, #tpu.memory_space<vmem>>
        %dma_start3A_1698 = arith.constant 0 : i32
        %dma_start3A_1699 = arith.constant 0 : i32
        %dma_start3A_1700 = tpu.memref_slice %arg3[%dma_start3A_1698, %dma_start3A_1699] : memref<1000000x64xf32, #tpu.memory_space<hbm>> -> memref<1000000x64xf32, #tpu.memory_space<hbm>>
        tpu.enqueue_indirect_dma source(%dma_start3A_1700 : memref<1000000x64xf32, #tpu.memory_space<hbm>>) target(%arg7 : memref<128x64xf32, #tpu.memory_space<vmem>>) offsets(%dma_start3A_1697 : memref<128xi32, #tpu.memory_space<vmem>>) semaphore(%arg17 : memref<!tpu.dma_semaphore, #tpu.memory_space<semaphore_mem>>)
      } else {
      }
      %jit3A_1041 = arith.constant 8 : i32
      %div3A_1042 = arith.divsi %add3A_1031, %jit3A_1041 : i32
      %sign3A_1043 = arith.constant 0 : i32
      %sign3A_1044 = arith.cmpi sgt, %add3A_1031, %sign3A_1043 : i32
      %sign3A_1045 = arith.extui %sign3A_1044 : i1 to i32
      %sign3A_1046 = arith.constant 0 : i32
      %sign3A_1047 = arith.cmpi slt, %add3A_1031, %sign3A_1046 : i32
      %sign3A_1048 = arith.extui %sign3A_1047 : i1 to i32
      %sign3A_1049 = arith.subi %sign3A_1045, %sign3A_1048 : i32
      %sign3A_1050 = arith.constant 0 : i32
      %sign3A_1051 = arith.cmpi sgt, %jit3A_1041, %sign3A_1050 : i32
      %sign3A_1052 = arith.extui %sign3A_1051 : i1 to i32
      %sign3A_1053 = arith.constant 0 : i32
      %sign3A_1054 = arith.cmpi slt, %jit3A_1041, %sign3A_1053 : i32
      %sign3A_1055 = arith.extui %sign3A_1054 : i1 to i32
      %sign3A_1056 = arith.subi %sign3A_1052, %sign3A_1055 : i32
      %ne3A_1057 = arith.cmpi ne, %sign3A_1049, %sign3A_1056 : i32
      %rem3A_1058 = arith.remsi %add3A_1031, %jit3A_1041 : i32
      %ne3A_1059 = arith.constant 0 : i32
      %ne3A_1060 = arith.cmpi ne, %rem3A_1058, %ne3A_1059 : i32
      %and3A_1061 = arith.andi %ne3A_1057, %ne3A_1060 : i1
      %sub3A_1062 = arith.constant 1 : i32
      %sub3A_1063 = arith.subi %div3A_1042, %sub3A_1062 : i32
      %select_n3A_1064 = arith.select %and3A_1061, %sub3A_1063, %div3A_1042 : i32
      %rem3A_1065 = arith.constant 8 : i32
      %rem3A_1066 = arith.remsi %add3A_1031, %rem3A_1065 : i32
      %dma_wait3A_1067 = arith.constant 0 : i32
      %dma_wait3A_1068 = tpu.memref_slice %arg5[%select_n3A_1064, %rem3A_1066, %dma_wait3A_1067] : memref<25x8x128xi32, #tpu.memory_space<vmem>> -> memref<1x1x128xi32, #tpu.memory_space<vmem>>
      %dma_wait3A_1069 = tpu.memref_squeeze %dma_wait3A_1068 : memref<1x1x128xi32, #tpu.memory_space<vmem>> -> memref<128xi32, #tpu.memory_space<vmem>>
      %dma_wait3A_1070 = arith.constant 0 : i32
      %dma_wait3A_1071 = arith.constant 0 : i32
      %dma_wait3A_1072 = tpu.memref_slice %arg3[%dma_wait3A_1070, %dma_wait3A_1071] : memref<1000000x64xf32, #tpu.memory_space<hbm>> -> memref<1000000x64xf32, #tpu.memory_space<hbm>>
      tpu.wait_indirect_dma semaphore(%arg18 : memref<!tpu.dma_semaphore, #tpu.memory_space<semaphore_mem>>) src(%dma_wait3A_1072 : memref<1000000x64xf32, #tpu.memory_space<hbm>>) dst(%arg8 : memref<128x64xf32, #tpu.memory_space<vmem>>)
      %scan3A_1073 = arith.constant 0 : i32
      %scan3A_1074 = arith.constant 0 : i32
      %scan3A_1075 = arith.constant 32 : i32
      %scan3A_1076 = arith.addi %scan3A_1074, %scan3A_1075 : i32
      %scan3A_1077 = arith.constant 1 : i32
      scf.for %scan3A_1541 = %scan3A_1074 to %scan3A_1076 step %scan3A_1077  : i32 {
        %mul3A_1542 = arith.constant 4 : i32
        %mul3A_1543 = arith.muli %scan3A_1541, %mul3A_1542 : i32
        %broadcast_in_dim3A = arith.constant 0 : i32
        %broadcast_in_dim3A_1544 = vector.broadcast %broadcast_in_dim3A : i32 to vector<16xi32>
        %add3A_1545 = arith.constant 0 : i32
        %add3A_1546 = arith.addi %mul3A_1543, %add3A_1545 : i32
        %add3A_1547 = vector.broadcast %add3A_1546 : i32 to vector<16xi32>
        %add3A_1548 = arith.addi %broadcast_in_dim3A_1544, %add3A_1547 : vector<16xi32>
        %broadcast_in_dim3A_1549 = arith.constant 0 : i32
        %broadcast_in_dim3A_1550 = vector.broadcast %broadcast_in_dim3A_1549 : i32 to vector<16xi32>
        %add3A_1551 = arith.constant 1 : i32
        %add3A_1552 = arith.addi %mul3A_1543, %add3A_1551 : i32
        %add3A_1553 = vector.broadcast %add3A_1552 : i32 to vector<16xi32>
        %add3A_1554 = arith.addi %broadcast_in_dim3A_1550, %add3A_1553 : vector<16xi32>
        %broadcast_in_dim3A_1555 = arith.constant 0 : i32
        %broadcast_in_dim3A_1556 = vector.broadcast %broadcast_in_dim3A_1555 : i32 to vector<16xi32>
        %add3A_1557 = arith.constant 2 : i32
        %add3A_1558 = arith.addi %mul3A_1543, %add3A_1557 : i32
        %add3A_1559 = vector.broadcast %add3A_1558 : i32 to vector<16xi32>
        %add3A_1560 = arith.addi %broadcast_in_dim3A_1556, %add3A_1559 : vector<16xi32>
        %broadcast_in_dim3A_1561 = arith.constant 0 : i32
        %broadcast_in_dim3A_1562 = vector.broadcast %broadcast_in_dim3A_1561 : i32 to vector<16xi32>
        %add3A_1563 = arith.constant 3 : i32
        %add3A_1564 = arith.addi %mul3A_1543, %add3A_1563 : i32
        %add3A_1565 = vector.broadcast %add3A_1564 : i32 to vector<16xi32>
        %add3A_1566 = arith.addi %broadcast_in_dim3A_1562, %add3A_1565 : vector<16xi32>
        %add3A_1567 = arith.constant 0 : i32
        %add3A_1568 = arith.addi %mul3A_1543, %add3A_1567 : i32
        %get3A = arith.index_cast %add3A_1568 : i32 to index
        %get3A_1569 = arith.constant 0 : index
        %get3A_1570 = tpu.vector_load %arg8[%get3A, %get3A_1569] {strides = array<i32>} : memref<128x64xf32, #tpu.memory_space<vmem>>, vector<16xf32>,
        %mul3A_1571 = arith.constant 8.000000e+00 : f32
        %mul3A_1572 = vector.broadcast %mul3A_1571 : f32 to vector<16xf32>
        %mul3A_1573 = arith.mulf %get3A_1570, %mul3A_1572 : vector<16xf32>
        %add3A_1574 = arith.constant 0 : i32
        %add3A_1575 = arith.addi %mul3A_1543, %add3A_1574 : i32
        %get3A_1576 = arith.index_cast %add3A_1575 : i32 to index
        %get3A_1577 = arith.constant 16 : index
        %get3A_1578 = tpu.vector_load %arg8[%get3A_1576, %get3A_1577] {strides = array<i32>} : memref<128x64xf32, #tpu.memory_space<vmem>>, vector<16xf32>,
        %mul3A_1579 = arith.constant 8.000000e+00 : f32
        %mul3A_1580 = vector.broadcast %mul3A_1579 : f32 to vector<16xf32>
        %mul3A_1581 = arith.mulf %get3A_1578, %mul3A_1580 : vector<16xf32>
        %add3A_1582 = arith.constant 0 : i32
        %add3A_1583 = arith.addi %mul3A_1543, %add3A_1582 : i32
        %get3A_1584 = arith.index_cast %add3A_1583 : i32 to index
        %get3A_1585 = arith.constant 32 : index
        %get3A_1586 = tpu.vector_load %arg8[%get3A_1584, %get3A_1585] {strides = array<i32>} : memref<128x64xf32, #tpu.memory_space<vmem>>, vector<16xf32>,
        %mul3A_1587 = arith.constant 8.000000e+00 : f32
        %mul3A_1588 = vector.broadcast %mul3A_1587 : f32 to vector<16xf32>
        %mul3A_1589 = arith.mulf %get3A_1586, %mul3A_1588 : vector<16xf32>
        %add3A_1590 = arith.constant 0 : i32
        %add3A_1591 = arith.addi %mul3A_1543, %add3A_1590 : i32
        %get3A_1592 = arith.index_cast %add3A_1591 : i32 to index
        %get3A_1593 = arith.constant 48 : index
        %get3A_1594 = tpu.vector_load %arg8[%get3A_1592, %get3A_1593] {strides = array<i32>} : memref<128x64xf32, #tpu.memory_space<vmem>>, vector<16xf32>,
        %mul3A_1595 = arith.constant 8.000000e+00 : f32
        %mul3A_1596 = vector.broadcast %mul3A_1595 : f32 to vector<16xf32>
        %mul3A_1597 = arith.mulf %get3A_1594, %mul3A_1596 : vector<16xf32>
        %add3A_1598 = arith.constant 1 : i32
        %add3A_1599 = arith.addi %mul3A_1543, %add3A_1598 : i32
        %get3A_1600 = arith.index_cast %add3A_1599 : i32 to index
        %get3A_1601 = arith.constant 0 : index
        %get3A_1602 = tpu.vector_load %arg8[%get3A_1600, %get3A_1601] {strides = array<i32>} : memref<128x64xf32, #tpu.memory_space<vmem>>, vector<16xf32>,
        %mul3A_1603 = arith.constant 8.000000e+00 : f32
        %mul3A_1604 = vector.broadcast %mul3A_1603 : f32 to vector<16xf32>
        %mul3A_1605 = arith.mulf %get3A_1602, %mul3A_1604 : vector<16xf32>
        %add3A_1606 = arith.constant 1 : i32
        %add3A_1607 = arith.addi %mul3A_1543, %add3A_1606 : i32
        %get3A_1608 = arith.index_cast %add3A_1607 : i32 to index
        %get3A_1609 = arith.constant 16 : index
        %get3A_1610 = tpu.vector_load %arg8[%get3A_1608, %get3A_1609] {strides = array<i32>} : memref<128x64xf32, #tpu.memory_space<vmem>>, vector<16xf32>,
        %mul3A_1611 = arith.constant 8.000000e+00 : f32
        %mul3A_1612 = vector.broadcast %mul3A_1611 : f32 to vector<16xf32>
        %mul3A_1613 = arith.mulf %get3A_1610, %mul3A_1612 : vector<16xf32>
        %add3A_1614 = arith.constant 1 : i32
        %add3A_1615 = arith.addi %mul3A_1543, %add3A_1614 : i32
        %get3A_1616 = arith.index_cast %add3A_1615 : i32 to index
        %get3A_1617 = arith.constant 32 : index
        %get3A_1618 = tpu.vector_load %arg8[%get3A_1616, %get3A_1617] {strides = array<i32>} : memref<128x64xf32, #tpu.memory_space<vmem>>, vector<16xf32>,
        %mul3A_1619 = arith.constant 8.000000e+00 : f32
        %mul3A_1620 = vector.broadcast %mul3A_1619 : f32 to vector<16xf32>
        %mul3A_1621 = arith.mulf %get3A_1618, %mul3A_1620 : vector<16xf32>
        %add3A_1622 = arith.constant 1 : i32
        %add3A_1623 = arith.addi %mul3A_1543, %add3A_1622 : i32
        %get3A_1624 = arith.index_cast %add3A_1623 : i32 to index
        %get3A_1625 = arith.constant 48 : index
        %get3A_1626 = tpu.vector_load %arg8[%get3A_1624, %get3A_1625] {strides = array<i32>} : memref<128x64xf32, #tpu.memory_space<vmem>>, vector<16xf32>,
        %mul3A_1627 = arith.constant 8.000000e+00 : f32
        %mul3A_1628 = vector.broadcast %mul3A_1627 : f32 to vector<16xf32>
        %mul3A_1629 = arith.mulf %get3A_1626, %mul3A_1628 : vector<16xf32>
        %add3A_1630 = arith.constant 2 : i32
        %add3A_1631 = arith.addi %mul3A_1543, %add3A_1630 : i32
        %get3A_1632 = arith.index_cast %add3A_1631 : i32 to index
        %get3A_1633 = arith.constant 0 : index
        %get3A_1634 = tpu.vector_load %arg8[%get3A_1632, %get3A_1633] {strides = array<i32>} : memref<128x64xf32, #tpu.memory_space<vmem>>, vector<16xf32>,
        %mul3A_1635 = arith.constant 8.000000e+00 : f32
        %mul3A_1636 = vector.broadcast %mul3A_1635 : f32 to vector<16xf32>
        %mul3A_1637 = arith.mulf %get3A_1634, %mul3A_1636 : vector<16xf32>
        %add3A_1638 = arith.constant 2 : i32
        %add3A_1639 = arith.addi %mul3A_1543, %add3A_1638 : i32
        %get3A_1640 = arith.index_cast %add3A_1639 : i32 to index
        %get3A_1641 = arith.constant 16 : index
        %get3A_1642 = tpu.vector_load %arg8[%get3A_1640, %get3A_1641] {strides = array<i32>} : memref<128x64xf32, #tpu.memory_space<vmem>>, vector<16xf32>,
        %mul3A_1643 = arith.constant 8.000000e+00 : f32
        %mul3A_1644 = vector.broadcast %mul3A_1643 : f32 to vector<16xf32>
        %mul3A_1645 = arith.mulf %get3A_1642, %mul3A_1644 : vector<16xf32>
        %add3A_1646 = arith.constant 2 : i32
        %add3A_1647 = arith.addi %mul3A_1543, %add3A_1646 : i32
        %get3A_1648 = arith.index_cast %add3A_1647 : i32 to index
        %get3A_1649 = arith.constant 32 : index
        %get3A_1650 = tpu.vector_load %arg8[%get3A_1648, %get3A_1649] {strides = array<i32>} : memref<128x64xf32, #tpu.memory_space<vmem>>, vector<16xf32>,
        %mul3A_1651 = arith.constant 8.000000e+00 : f32
        %mul3A_1652 = vector.broadcast %mul3A_1651 : f32 to vector<16xf32>
        %mul3A_1653 = arith.mulf %get3A_1650, %mul3A_1652 : vector<16xf32>
        %add3A_1654 = arith.constant 2 : i32
        %add3A_1655 = arith.addi %mul3A_1543, %add3A_1654 : i32
        %get3A_1656 = arith.index_cast %add3A_1655 : i32 to index
        %get3A_1657 = arith.constant 48 : index
        %get3A_1658 = tpu.vector_load %arg8[%get3A_1656, %get3A_1657] {strides = array<i32>} : memref<128x64xf32, #tpu.memory_space<vmem>>, vector<16xf32>,
        %mul3A_1659 = arith.constant 8.000000e+00 : f32
        %mul3A_1660 = vector.broadcast %mul3A_1659 : f32 to vector<16xf32>
        %mul3A_1661 = arith.mulf %get3A_1658, %mul3A_1660 : vector<16xf32>
        %add3A_1662 = arith.constant 3 : i32
        %add3A_1663 = arith.addi %mul3A_1543, %add3A_1662 : i32
        %get3A_1664 = arith.index_cast %add3A_1663 : i32 to index
        %get3A_1665 = arith.constant 0 : index
        %get3A_1666 = tpu.vector_load %arg8[%get3A_1664, %get3A_1665] {strides = array<i32>} : memref<128x64xf32, #tpu.memory_space<vmem>>, vector<16xf32>,
        %mul3A_1667 = arith.constant 8.000000e+00 : f32
        %mul3A_1668 = vector.broadcast %mul3A_1667 : f32 to vector<16xf32>
        %mul3A_1669 = arith.mulf %get3A_1666, %mul3A_1668 : vector<16xf32>
        %add3A_1670 = arith.constant 3 : i32
        %add3A_1671 = arith.addi %mul3A_1543, %add3A_1670 : i32
        %get3A_1672 = arith.index_cast %add3A_1671 : i32 to index
        %get3A_1673 = arith.constant 16 : index
        %get3A_1674 = tpu.vector_load %arg8[%get3A_1672, %get3A_1673] {strides = array<i32>} : memref<128x64xf32, #tpu.memory_space<vmem>>, vector<16xf32>,
        %mul3A_1675 = arith.constant 8.000000e+00 : f32
        %mul3A_1676 = vector.broadcast %mul3A_1675 : f32 to vector<16xf32>
        %mul3A_1677 = arith.mulf %get3A_1674, %mul3A_1676 : vector<16xf32>
        %add3A_1678 = arith.constant 3 : i32
        %add3A_1679 = arith.addi %mul3A_1543, %add3A_1678 : i32
        %get3A_1680 = arith.index_cast %add3A_1679 : i32 to index
        %get3A_1681 = arith.constant 32 : index
        %get3A_1682 = tpu.vector_load %arg8[%get3A_1680, %get3A_1681] {strides = array<i32>} : memref<128x64xf32, #tpu.memory_space<vmem>>, vector<16xf32>,
        %mul3A_1683 = arith.constant 8.000000e+00 : f32
        %mul3A_1684 = vector.broadcast %mul3A_1683 : f32 to vector<16xf32>
        %mul3A_1685 = arith.mulf %get3A_1682, %mul3A_1684 : vector<16xf32>
        %add3A_1686 = arith.constant 3 : i32
        %add3A_1687 = arith.addi %mul3A_1543, %add3A_1686 : i32
        %get3A_1688 = arith.index_cast %add3A_1687 : i32 to index
        %get3A_1689 = arith.constant 48 : index
        %get3A_1690 = tpu.vector_load %arg8[%get3A_1688, %get3A_1689] {strides = array<i32>} : memref<128x64xf32, #tpu.memory_space<vmem>>, vector<16xf32>,
        %mul3A_1691 = arith.constant 8.000000e+00 : f32
        %mul3A_1692 = vector.broadcast %mul3A_1691 : f32 to vector<16xf32>
        %mul3A_1693 = arith.mulf %get3A_1690, %mul3A_1692 : vector<16xf32>
        tpu.vector_store_idx %arg13[%add3A_3, %add3A_1548], %mul3A_1573 : memref<64x129xf32, #tpu.memory_space<vmem>>[vector<16xi32>, vector<16xi32>], vector<16xf32>,
        tpu.vector_store_idx %arg13[%add3A_6, %add3A_1548], %mul3A_1581 : memref<64x129xf32, #tpu.memory_space<vmem>>[vector<16xi32>, vector<16xi32>], vector<16xf32>,
        tpu.vector_store_idx %arg13[%add3A_9, %add3A_1548], %mul3A_1589 : memref<64x129xf32, #tpu.memory_space<vmem>>[vector<16xi32>, vector<16xi32>], vector<16xf32>,
        tpu.vector_store_idx %arg13[%add3A_12, %add3A_1548], %mul3A_1597 : memref<64x129xf32, #tpu.memory_space<vmem>>[vector<16xi32>, vector<16xi32>], vector<16xf32>,
        tpu.vector_store_idx %arg13[%add3A_3, %add3A_1554], %mul3A_1605 : memref<64x129xf32, #tpu.memory_space<vmem>>[vector<16xi32>, vector<16xi32>], vector<16xf32>,
        tpu.vector_store_idx %arg13[%add3A_6, %add3A_1554], %mul3A_1613 : memref<64x129xf32, #tpu.memory_space<vmem>>[vector<16xi32>, vector<16xi32>], vector<16xf32>,
        tpu.vector_store_idx %arg13[%add3A_9, %add3A_1554], %mul3A_1621 : memref<64x129xf32, #tpu.memory_space<vmem>>[vector<16xi32>, vector<16xi32>], vector<16xf32>,
        tpu.vector_store_idx %arg13[%add3A_12, %add3A_1554], %mul3A_1629 : memref<64x129xf32, #tpu.memory_space<vmem>>[vector<16xi32>, vector<16xi32>], vector<16xf32>,
        tpu.vector_store_idx %arg13[%add3A_3, %add3A_1560], %mul3A_1637 : memref<64x129xf32, #tpu.memory_space<vmem>>[vector<16xi32>, vector<16xi32>], vector<16xf32>,
        tpu.vector_store_idx %arg13[%add3A_6, %add3A_1560], %mul3A_1645 : memref<64x129xf32, #tpu.memory_space<vmem>>[vector<16xi32>, vector<16xi32>], vector<16xf32>,
        tpu.vector_store_idx %arg13[%add3A_9, %add3A_1560], %mul3A_1653 : memref<64x129xf32, #tpu.memory_space<vmem>>[vector<16xi32>, vector<16xi32>], vector<16xf32>,
        tpu.vector_store_idx %arg13[%add3A_12, %add3A_1560], %mul3A_1661 : memref<64x129xf32, #tpu.memory_space<vmem>>[vector<16xi32>, vector<16xi32>], vector<16xf32>,
        tpu.vector_store_idx %arg13[%add3A_3, %add3A_1566], %mul3A_1669 : memref<64x129xf32, #tpu.memory_space<vmem>>[vector<16xi32>, vector<16xi32>], vector<16xf32>,
        tpu.vector_store_idx %arg13[%add3A_6, %add3A_1566], %mul3A_1677 : memref<64x129xf32, #tpu.memory_space<vmem>>[vector<16xi32>, vector<16xi32>], vector<16xf32>,
        tpu.vector_store_idx %arg13[%add3A_9, %add3A_1566], %mul3A_1685 : memref<64x129xf32, #tpu.memory_space<vmem>>[vector<16xi32>, vector<16xi32>], vector<16xf32>,
        tpu.vector_store_idx %arg13[%add3A_12, %add3A_1566], %mul3A_1693 : memref<64x129xf32, #tpu.memory_space<vmem>>[vector<16xi32>, vector<16xi32>], vector<16xf32>,
      }
      %scan3A_1078 = arith.constant 32 : i32
      %dma_start3A_1079 = arith.constant 0 : i32
      %dma_start3A_1080 = arith.constant 0 : i32
      %dma_start3A_1081 = arith.constant 0 : i32
      %dma_start3A_1082 = tpu.memref_slice %arg13[%dma_start3A_1080, %dma_start3A_1081] : memref<64x129xf32, #tpu.memory_space<vmem>> -> memref<8x128xf32, #tpu.memory_space<vmem>>
      %dma_start3A_1083 = arith.constant 0 : i32
      %dma_start3A_1084 = arith.constant 0 : i32
      %dma_start3A_1085 = tpu.memref_slice %arg4[%add3A_1031, %dma_start3A_1079, %add3A, %dma_start3A_1083, %dma_start3A_1084] : memref<200x8x32x8x128xf32, #tpu.memory_space<hbm>> -> memref<1x1x1x8x128xf32, #tpu.memory_space<hbm>>
      %dma_start3A_1086 = tpu.memref_squeeze %dma_start3A_1085 : memref<1x1x1x8x128xf32, #tpu.memory_space<hbm>> -> memref<8x128xf32, #tpu.memory_space<hbm>>
      %dma_start3A_1087 = arith.constant 0 : i32
      %dma_start3A_1088 = arith.constant 0 : i32
      %dma_start3A_1089 = tpu.memref_slice %arg4[%add3A_1031, %dma_start3A_1079, %add3A, %dma_start3A_1087, %dma_start3A_1088] : memref<200x8x32x8x128xf32, #tpu.memory_space<hbm>> -> memref<1x1x1x8x128xf32, #tpu.memory_space<hbm>>
      %dma_start3A_1090 = tpu.memref_squeeze %dma_start3A_1089 : memref<1x1x1x8x128xf32, #tpu.memory_space<hbm>> -> memref<8x128xf32, #tpu.memory_space<hbm>>
      %dma_start3A_1091 = arith.constant 0 : i32
      %dma_start3A_1092 = arith.constant 0 : i32
      %dma_start3A_1093 = tpu.memref_slice %arg13[%dma_start3A_1091, %dma_start3A_1092] : memref<64x129xf32, #tpu.memory_space<vmem>> -> memref<8x128xf32, #tpu.memory_space<vmem>>
      tpu.enqueue_dma source(%dma_start3A_1093 : memref<8x128xf32, #tpu.memory_space<vmem>>) target(%dma_start3A_1090 : memref<8x128xf32, #tpu.memory_space<hbm>>) target_semaphore(%arg23 : memref<!tpu.dma_semaphore, #tpu.memory_space<semaphore_mem>>)
      %dma_start3A_1094 = arith.constant 1 : i32
      %dma_start3A_1095 = arith.constant 8 : i32
      %dma_start3A_1096 = arith.constant 0 : i32
      %dma_start3A_1097 = tpu.memref_slice %arg13[%dma_start3A_1095, %dma_start3A_1096] : memref<64x129xf32, #tpu.memory_space<vmem>> -> memref<8x128xf32, #tpu.memory_space<vmem>>
      %dma_start3A_1098 = arith.constant 0 : i32
      %dma_start3A_1099 = arith.constant 0 : i32
      %dma_start3A_1100 = tpu.memref_slice %arg4[%add3A_1031, %dma_start3A_1094, %add3A, %dma_start3A_1098, %dma_start3A_1099] : memref<200x8x32x8x128xf32, #tpu.memory_space<hbm>> -> memref<1x1x1x8x128xf32, #tpu.memory_space<hbm>>
      %dma_start3A_1101 = tpu.memref_squeeze %dma_start3A_1100 : memref<1x1x1x8x128xf32, #tpu.memory_space<hbm>> -> memref<8x128xf32, #tpu.memory_space<hbm>>
      %dma_start3A_1102 = arith.constant 0 : i32
      %dma_start3A_1103 = arith.constant 0 : i32
      %dma_start3A_1104 = tpu.memref_slice %arg4[%add3A_1031, %dma_start3A_1094, %add3A, %dma_start3A_1102, %dma_start3A_1103] : memref<200x8x32x8x128xf32, #tpu.memory_space<hbm>> -> memref<1x1x1x8x128xf32, #tpu.memory_space<hbm>>
      %dma_start3A_1105 = tpu.memref_squeeze %dma_start3A_1104 : memref<1x1x1x8x128xf32, #tpu.memory_space<hbm>> -> memref<8x128xf32, #tpu.memory_space<hbm>>
      %dma_start3A_1106 = arith.constant 8 : i32
      %dma_start3A_1107 = arith.constant 0 : i32
      %dma_start3A_1108 = tpu.memref_slice %arg13[%dma_start3A_1106, %dma_start3A_1107] : memref<64x129xf32, #tpu.memory_space<vmem>> -> memref<8x128xf32, #tpu.memory_space<vmem>>
      tpu.enqueue_dma source(%dma_start3A_1108 : memref<8x128xf32, #tpu.memory_space<vmem>>) target(%dma_start3A_1105 : memref<8x128xf32, #tpu.memory_space<hbm>>) target_semaphore(%arg23 : memref<!tpu.dma_semaphore, #tpu.memory_space<semaphore_mem>>)
      %dma_start3A_1109 = arith.constant 2 : i32
      %dma_start3A_1110 = arith.constant 16 : i32
      %dma_start3A_1111 = arith.constant 0 : i32
      %dma_start3A_1112 = tpu.memref_slice %arg13[%dma_start3A_1110, %dma_start3A_1111] : memref<64x129xf32, #tpu.memory_space<vmem>> -> memref<8x128xf32, #tpu.memory_space<vmem>>
      %dma_start3A_1113 = arith.constant 0 : i32
      %dma_start3A_1114 = arith.constant 0 : i32
      %dma_start3A_1115 = tpu.memref_slice %arg4[%add3A_1031, %dma_start3A_1109, %add3A, %dma_start3A_1113, %dma_start3A_1114] : memref<200x8x32x8x128xf32, #tpu.memory_space<hbm>> -> memref<1x1x1x8x128xf32, #tpu.memory_space<hbm>>
      %dma_start3A_1116 = tpu.memref_squeeze %dma_start3A_1115 : memref<1x1x1x8x128xf32, #tpu.memory_space<hbm>> -> memref<8x128xf32, #tpu.memory_space<hbm>>
      %dma_start3A_1117 = arith.constant 0 : i32
      %dma_start3A_1118 = arith.constant 0 : i32
      %dma_start3A_1119 = tpu.memref_slice %arg4[%add3A_1031, %dma_start3A_1109, %add3A, %dma_start3A_1117, %dma_start3A_1118] : memref<200x8x32x8x128xf32, #tpu.memory_space<hbm>> -> memref<1x1x1x8x128xf32, #tpu.memory_space<hbm>>
      %dma_start3A_1120 = tpu.memref_squeeze %dma_start3A_1119 : memref<1x1x1x8x128xf32, #tpu.memory_space<hbm>> -> memref<8x128xf32, #tpu.memory_space<hbm>>
      %dma_start3A_1121 = arith.constant 16 : i32
      %dma_start3A_1122 = arith.constant 0 : i32
      %dma_start3A_1123 = tpu.memref_slice %arg13[%dma_start3A_1121, %dma_start3A_1122] : memref<64x129xf32, #tpu.memory_space<vmem>> -> memref<8x128xf32, #tpu.memory_space<vmem>>
      tpu.enqueue_dma source(%dma_start3A_1123 : memref<8x128xf32, #tpu.memory_space<vmem>>) target(%dma_start3A_1120 : memref<8x128xf32, #tpu.memory_space<hbm>>) target_semaphore(%arg23 : memref<!tpu.dma_semaphore, #tpu.memory_space<semaphore_mem>>)
      %dma_start3A_1124 = arith.constant 3 : i32
      %dma_start3A_1125 = arith.constant 24 : i32
      %dma_start3A_1126 = arith.constant 0 : i32
      %dma_start3A_1127 = tpu.memref_slice %arg13[%dma_start3A_1125, %dma_start3A_1126] : memref<64x129xf32, #tpu.memory_space<vmem>> -> memref<8x128xf32, #tpu.memory_space<vmem>>
      %dma_start3A_1128 = arith.constant 0 : i32
      %dma_start3A_1129 = arith.constant 0 : i32
      %dma_start3A_1130 = tpu.memref_slice %arg4[%add3A_1031, %dma_start3A_1124, %add3A, %dma_start3A_1128, %dma_start3A_1129] : memref<200x8x32x8x128xf32, #tpu.memory_space<hbm>> -> memref<1x1x1x8x128xf32, #tpu.memory_space<hbm>>
      %dma_start3A_1131 = tpu.memref_squeeze %dma_start3A_1130 : memref<1x1x1x8x128xf32, #tpu.memory_space<hbm>> -> memref<8x128xf32, #tpu.memory_space<hbm>>
      %dma_start3A_1132 = arith.constant 0 : i32
      %dma_start3A_1133 = arith.constant 0 : i32
      %dma_start3A_1134 = tpu.memref_slice %arg4[%add3A_1031, %dma_start3A_1124, %add3A, %dma_start3A_1132, %dma_start3A_1133] : memref<200x8x32x8x128xf32, #tpu.memory_space<hbm>> -> memref<1x1x1x8x128xf32, #tpu.memory_space<hbm>>
      %dma_start3A_1135 = tpu.memref_squeeze %dma_start3A_1134 : memref<1x1x1x8x128xf32, #tpu.memory_space<hbm>> -> memref<8x128xf32, #tpu.memory_space<hbm>>
      %dma_start3A_1136 = arith.constant 24 : i32
      %dma_start3A_1137 = arith.constant 0 : i32
      %dma_start3A_1138 = tpu.memref_slice %arg13[%dma_start3A_1136, %dma_start3A_1137] : memref<64x129xf32, #tpu.memory_space<vmem>> -> memref<8x128xf32, #tpu.memory_space<vmem>>
      tpu.enqueue_dma source(%dma_start3A_1138 : memref<8x128xf32, #tpu.memory_space<vmem>>) target(%dma_start3A_1135 : memref<8x128xf32, #tpu.memory_space<hbm>>) target_semaphore(%arg23 : memref<!tpu.dma_semaphore, #tpu.memory_space<semaphore_mem>>)
      %dma_start3A_1139 = arith.constant 4 : i32
      %dma_start3A_1140 = arith.constant 32 : i32
      %dma_start3A_1141 = arith.constant 0 : i32
      %dma_start3A_1142 = tpu.memref_slice %arg13[%dma_start3A_1140, %dma_start3A_1141] : memref<64x129xf32, #tpu.memory_space<vmem>> -> memref<8x128xf32, #tpu.memory_space<vmem>>
      %dma_start3A_1143 = arith.constant 0 : i32
      %dma_start3A_1144 = arith.constant 0 : i32
      %dma_start3A_1145 = tpu.memref_slice %arg4[%add3A_1031, %dma_start3A_1139, %add3A, %dma_start3A_1143, %dma_start3A_1144] : memref<200x8x32x8x128xf32, #tpu.memory_space<hbm>> -> memref<1x1x1x8x128xf32, #tpu.memory_space<hbm>>
      %dma_start3A_1146 = tpu.memref_squeeze %dma_start3A_1145 : memref<1x1x1x8x128xf32, #tpu.memory_space<hbm>> -> memref<8x128xf32, #tpu.memory_space<hbm>>
      %dma_start3A_1147 = arith.constant 0 : i32
      %dma_start3A_1148 = arith.constant 0 : i32
      %dma_start3A_1149 = tpu.memref_slice %arg4[%add3A_1031, %dma_start3A_1139, %add3A, %dma_start3A_1147, %dma_start3A_1148] : memref<200x8x32x8x128xf32, #tpu.memory_space<hbm>> -> memref<1x1x1x8x128xf32, #tpu.memory_space<hbm>>
      %dma_start3A_1150 = tpu.memref_squeeze %dma_start3A_1149 : memref<1x1x1x8x128xf32, #tpu.memory_space<hbm>> -> memref<8x128xf32, #tpu.memory_space<hbm>>
      %dma_start3A_1151 = arith.constant 32 : i32
      %dma_start3A_1152 = arith.constant 0 : i32
      %dma_start3A_1153 = tpu.memref_slice %arg13[%dma_start3A_1151, %dma_start3A_1152] : memref<64x129xf32, #tpu.memory_space<vmem>> -> memref<8x128xf32, #tpu.memory_space<vmem>>
      tpu.enqueue_dma source(%dma_start3A_1153 : memref<8x128xf32, #tpu.memory_space<vmem>>) target(%dma_start3A_1150 : memref<8x128xf32, #tpu.memory_space<hbm>>) target_semaphore(%arg23 : memref<!tpu.dma_semaphore, #tpu.memory_space<semaphore_mem>>)
      %dma_start3A_1154 = arith.constant 5 : i32
      %dma_start3A_1155 = arith.constant 40 : i32
      %dma_start3A_1156 = arith.constant 0 : i32
      %dma_start3A_1157 = tpu.memref_slice %arg13[%dma_start3A_1155, %dma_start3A_1156] : memref<64x129xf32, #tpu.memory_space<vmem>> -> memref<8x128xf32, #tpu.memory_space<vmem>>
      %dma_start3A_1158 = arith.constant 0 : i32
      %dma_start3A_1159 = arith.constant 0 : i32
      %dma_start3A_1160 = tpu.memref_slice %arg4[%add3A_1031, %dma_start3A_1154, %add3A, %dma_start3A_1158, %dma_start3A_1159] : memref<200x8x32x8x128xf32, #tpu.memory_space<hbm>> -> memref<1x1x1x8x128xf32, #tpu.memory_space<hbm>>
      %dma_start3A_1161 = tpu.memref_squeeze %dma_start3A_1160 : memref<1x1x1x8x128xf32, #tpu.memory_space<hbm>> -> memref<8x128xf32, #tpu.memory_space<hbm>>
      %dma_start3A_1162 = arith.constant 0 : i32
      %dma_start3A_1163 = arith.constant 0 : i32
      %dma_start3A_1164 = tpu.memref_slice %arg4[%add3A_1031, %dma_start3A_1154, %add3A, %dma_start3A_1162, %dma_start3A_1163] : memref<200x8x32x8x128xf32, #tpu.memory_space<hbm>> -> memref<1x1x1x8x128xf32, #tpu.memory_space<hbm>>
      %dma_start3A_1165 = tpu.memref_squeeze %dma_start3A_1164 : memref<1x1x1x8x128xf32, #tpu.memory_space<hbm>> -> memref<8x128xf32, #tpu.memory_space<hbm>>
      %dma_start3A_1166 = arith.constant 40 : i32
      %dma_start3A_1167 = arith.constant 0 : i32
      %dma_start3A_1168 = tpu.memref_slice %arg13[%dma_start3A_1166, %dma_start3A_1167] : memref<64x129xf32, #tpu.memory_space<vmem>> -> memref<8x128xf32, #tpu.memory_space<vmem>>
      tpu.enqueue_dma source(%dma_start3A_1168 : memref<8x128xf32, #tpu.memory_space<vmem>>) target(%dma_start3A_1165 : memref<8x128xf32, #tpu.memory_space<hbm>>) target_semaphore(%arg23 : memref<!tpu.dma_semaphore, #tpu.memory_space<semaphore_mem>>)
      %dma_start3A_1169 = arith.constant 6 : i32
      %dma_start3A_1170 = arith.constant 48 : i32
      %dma_start3A_1171 = arith.constant 0 : i32
      %dma_start3A_1172 = tpu.memref_slice %arg13[%dma_start3A_1170, %dma_start3A_1171] : memref<64x129xf32, #tpu.memory_space<vmem>> -> memref<8x128xf32, #tpu.memory_space<vmem>>
      %dma_start3A_1173 = arith.constant 0 : i32
      %dma_start3A_1174 = arith.constant 0 : i32
      %dma_start3A_1175 = tpu.memref_slice %arg4[%add3A_1031, %dma_start3A_1169, %add3A, %dma_start3A_1173, %dma_start3A_1174] : memref<200x8x32x8x128xf32, #tpu.memory_space<hbm>> -> memref<1x1x1x8x128xf32, #tpu.memory_space<hbm>>
      %dma_start3A_1176 = tpu.memref_squeeze %dma_start3A_1175 : memref<1x1x1x8x128xf32, #tpu.memory_space<hbm>> -> memref<8x128xf32, #tpu.memory_space<hbm>>
      %dma_start3A_1177 = arith.constant 0 : i32
      %dma_start3A_1178 = arith.constant 0 : i32
      %dma_start3A_1179 = tpu.memref_slice %arg4[%add3A_1031, %dma_start3A_1169, %add3A, %dma_start3A_1177, %dma_start3A_1178] : memref<200x8x32x8x128xf32, #tpu.memory_space<hbm>> -> memref<1x1x1x8x128xf32, #tpu.memory_space<hbm>>
      %dma_start3A_1180 = tpu.memref_squeeze %dma_start3A_1179 : memref<1x1x1x8x128xf32, #tpu.memory_space<hbm>> -> memref<8x128xf32, #tpu.memory_space<hbm>>
      %dma_start3A_1181 = arith.constant 48 : i32
      %dma_start3A_1182 = arith.constant 0 : i32
      %dma_start3A_1183 = tpu.memref_slice %arg13[%dma_start3A_1181, %dma_start3A_1182] : memref<64x129xf32, #tpu.memory_space<vmem>> -> memref<8x128xf32, #tpu.memory_space<vmem>>
      tpu.enqueue_dma source(%dma_start3A_1183 : memref<8x128xf32, #tpu.memory_space<vmem>>) target(%dma_start3A_1180 : memref<8x128xf32, #tpu.memory_space<hbm>>) target_semaphore(%arg23 : memref<!tpu.dma_semaphore, #tpu.memory_space<semaphore_mem>>)
      %dma_start3A_1184 = arith.constant 7 : i32
      %dma_start3A_1185 = arith.constant 56 : i32
      %dma_start3A_1186 = arith.constant 0 : i32
      %dma_start3A_1187 = tpu.memref_slice %arg13[%dma_start3A_1185, %dma_start3A_1186] : memref<64x129xf32, #tpu.memory_space<vmem>> -> memref<8x128xf32, #tpu.memory_space<vmem>>
      %dma_start3A_1188 = arith.constant 0 : i32
      %dma_start3A_1189 = arith.constant 0 : i32
      %dma_start3A_1190 = tpu.memref_slice %arg4[%add3A_1031, %dma_start3A_1184, %add3A, %dma_start3A_1188, %dma_start3A_1189] : memref<200x8x32x8x128xf32, #tpu.memory_space<hbm>> -> memref<1x1x1x8x128xf32, #tpu.memory_space<hbm>>
      %dma_start3A_1191 = tpu.memref_squeeze %dma_start3A_1190 : memref<1x1x1x8x128xf32, #tpu.memory_space<hbm>> -> memref<8x128xf32, #tpu.memory_space<hbm>>
      %dma_start3A_1192 = arith.constant 0 : i32
      %dma_start3A_1193 = arith.constant 0 : i32
      %dma_start3A_1194 = tpu.memref_slice %arg4[%add3A_1031, %dma_start3A_1184, %add3A, %dma_start3A_1192, %dma_start3A_1193] : memref<200x8x32x8x128xf32, #tpu.memory_space<hbm>> -> memref<1x1x1x8x128xf32, #tpu.memory_space<hbm>>
      %dma_start3A_1195 = tpu.memref_squeeze %dma_start3A_1194 : memref<1x1x1x8x128xf32, #tpu.memory_space<hbm>> -> memref<8x128xf32, #tpu.memory_space<hbm>>
      %dma_start3A_1196 = arith.constant 56 : i32
      %dma_start3A_1197 = arith.constant 0 : i32
      %dma_start3A_1198 = tpu.memref_slice %arg13[%dma_start3A_1196, %dma_start3A_1197] : memref<64x129xf32, #tpu.memory_space<vmem>> -> memref<8x128xf32, #tpu.memory_space<vmem>>
      tpu.enqueue_dma source(%dma_start3A_1198 : memref<8x128xf32, #tpu.memory_space<vmem>>) target(%dma_start3A_1195 : memref<8x128xf32, #tpu.memory_space<hbm>>) target_semaphore(%arg23 : memref<!tpu.dma_semaphore, #tpu.memory_space<semaphore_mem>>)
      %mul3A_1199 = arith.constant 5 : i32
      %mul3A_1200 = arith.muli %scan3A_695, %mul3A_1199 : i32
      %add3A_1201 = arith.constant 3 : i32
      %add3A_1202 = arith.addi %mul3A_1200, %add3A_1201 : i32
      %add3A_1203 = arith.constant 5 : i32
      %add3A_1204 = arith.addi %add3A_1202, %add3A_1203 : i32
      %sub3A_1205 = arith.constant 1 : i32
      %sub3A_1206 = arith.subi %add3A_1204, %sub3A_1205 : i32
      %lt3A_1207 = arith.constant 200 : i32
      %lt3A_1208 = arith.cmpi slt, %sub3A_1206, %lt3A_1207 : i32
      %convert_element_type3A_1209 = arith.extui %lt3A_1208 : i1 to i32
      %cond3A_1210 = arith.constant 0 : i32
      %cond3A_1211 = arith.cmpi ne, %convert_element_type3A_1209, %cond3A_1210 : i32
      scf.if %cond3A_1211 {
        %dma_wait3A_1541 = arith.constant 0 : i32
        %dma_wait3A_1542 = arith.constant 0 : i32
        %dma_wait3A_1543 = arith.constant 0 : i32
        %dma_wait3A_1544 = arith.constant 0 : i32
        %dma_wait3A_1545 = tpu.memref_slice %arg13[%dma_wait3A_1543, %dma_wait3A_1544] : memref<64x129xf32, #tpu.memory_space<vmem>> -> memref<8x128xf32, #tpu.memory_space<vmem>>
        %dma_wait3A_1546 = arith.constant 0 : i32
        %dma_wait3A_1547 = arith.constant 0 : i32
        %dma_wait3A_1548 = tpu.memref_slice %arg4[%dma_wait3A_1541, %dma_wait3A_1542, %add3A, %dma_wait3A_1546, %dma_wait3A_1547] : memref<200x8x32x8x128xf32, #tpu.memory_space<hbm>> -> memref<1x1x1x8x128xf32, #tpu.memory_space<hbm>>
        %dma_wait3A_1549 = tpu.memref_squeeze %dma_wait3A_1548 : memref<1x1x1x8x128xf32, #tpu.memory_space<hbm>> -> memref<8x128xf32, #tpu.memory_space<hbm>>
        %dma_wait3A_1550 = arith.constant 0 : i32
        %dma_wait3A_1551 = arith.constant 0 : i32
        %dma_wait3A_1552 = tpu.memref_slice %arg4[%dma_wait3A_1541, %dma_wait3A_1542, %add3A, %dma_wait3A_1550, %dma_wait3A_1551] : memref<200x8x32x8x128xf32, #tpu.memory_space<hbm>> -> memref<1x1x1x8x128xf32, #tpu.memory_space<hbm>>
        %dma_wait3A_1553 = tpu.memref_squeeze %dma_wait3A_1552 : memref<1x1x1x8x128xf32, #tpu.memory_space<hbm>> -> memref<8x128xf32, #tpu.memory_space<hbm>>
        %dma_wait3A_1554 = arith.constant 0 : i32
        %dma_wait3A_1555 = arith.constant 0 : i32
        %dma_wait3A_1556 = tpu.memref_slice %arg13[%dma_wait3A_1554, %dma_wait3A_1555] : memref<64x129xf32, #tpu.memory_space<vmem>> -> memref<8x128xf32, #tpu.memory_space<vmem>>
        tpu.wait_dma2 semaphore(%arg23 : memref<!tpu.dma_semaphore, #tpu.memory_space<semaphore_mem>>) src(%dma_wait3A_1556 : memref<8x128xf32, #tpu.memory_space<vmem>>) dst(%dma_wait3A_1553 : memref<8x128xf32, #tpu.memory_space<hbm>>)
        %dma_wait3A_1557 = arith.constant 0 : i32
        %dma_wait3A_1558 = arith.constant 1 : i32
        %dma_wait3A_1559 = arith.constant 8 : i32
        %dma_wait3A_1560 = arith.constant 0 : i32
        %dma_wait3A_1561 = tpu.memref_slice %arg13[%dma_wait3A_1559, %dma_wait3A_1560] : memref<64x129xf32, #tpu.memory_space<vmem>> -> memref<8x128xf32, #tpu.memory_space<vmem>>
        %dma_wait3A_1562 = arith.constant 0 : i32
        %dma_wait3A_1563 = arith.constant 0 : i32
        %dma_wait3A_1564 = tpu.memref_slice %arg4[%dma_wait3A_1557, %dma_wait3A_1558, %add3A, %dma_wait3A_1562, %dma_wait3A_1563] : memref<200x8x32x8x128xf32, #tpu.memory_space<hbm>> -> memref<1x1x1x8x128xf32, #tpu.memory_space<hbm>>
        %dma_wait3A_1565 = tpu.memref_squeeze %dma_wait3A_1564 : memref<1x1x1x8x128xf32, #tpu.memory_space<hbm>> -> memref<8x128xf32, #tpu.memory_space<hbm>>
        %dma_wait3A_1566 = arith.constant 0 : i32
        %dma_wait3A_1567 = arith.constant 0 : i32
        %dma_wait3A_1568 = tpu.memref_slice %arg4[%dma_wait3A_1557, %dma_wait3A_1558, %add3A, %dma_wait3A_1566, %dma_wait3A_1567] : memref<200x8x32x8x128xf32, #tpu.memory_space<hbm>> -> memref<1x1x1x8x128xf32, #tpu.memory_space<hbm>>
        %dma_wait3A_1569 = tpu.memref_squeeze %dma_wait3A_1568 : memref<1x1x1x8x128xf32, #tpu.memory_space<hbm>> -> memref<8x128xf32, #tpu.memory_space<hbm>>
        %dma_wait3A_1570 = arith.constant 8 : i32
        %dma_wait3A_1571 = arith.constant 0 : i32
        %dma_wait3A_1572 = tpu.memref_slice %arg13[%dma_wait3A_1570, %dma_wait3A_1571] : memref<64x129xf32, #tpu.memory_space<vmem>> -> memref<8x128xf32, #tpu.memory_space<vmem>>
        tpu.wait_dma2 semaphore(%arg23 : memref<!tpu.dma_semaphore, #tpu.memory_space<semaphore_mem>>) src(%dma_wait3A_1572 : memref<8x128xf32, #tpu.memory_space<vmem>>) dst(%dma_wait3A_1569 : memref<8x128xf32, #tpu.memory_space<hbm>>)
        %dma_wait3A_1573 = arith.constant 0 : i32
        %dma_wait3A_1574 = arith.constant 2 : i32
        %dma_wait3A_1575 = arith.constant 16 : i32
        %dma_wait3A_1576 = arith.constant 0 : i32
        %dma_wait3A_1577 = tpu.memref_slice %arg13[%dma_wait3A_1575, %dma_wait3A_1576] : memref<64x129xf32, #tpu.memory_space<vmem>> -> memref<8x128xf32, #tpu.memory_space<vmem>>
        %dma_wait3A_1578 = arith.constant 0 : i32
        %dma_wait3A_1579 = arith.constant 0 : i32
        %dma_wait3A_1580 = tpu.memref_slice %arg4[%dma_wait3A_1573, %dma_wait3A_1574, %add3A, %dma_wait3A_1578, %dma_wait3A_1579] : memref<200x8x32x8x128xf32, #tpu.memory_space<hbm>> -> memref<1x1x1x8x128xf32, #tpu.memory_space<hbm>>
        %dma_wait3A_1581 = tpu.memref_squeeze %dma_wait3A_1580 : memref<1x1x1x8x128xf32, #tpu.memory_space<hbm>> -> memref<8x128xf32, #tpu.memory_space<hbm>>
        %dma_wait3A_1582 = arith.constant 0 : i32
        %dma_wait3A_1583 = arith.constant 0 : i32
        %dma_wait3A_1584 = tpu.memref_slice %arg4[%dma_wait3A_1573, %dma_wait3A_1574, %add3A, %dma_wait3A_1582, %dma_wait3A_1583] : memref<200x8x32x8x128xf32, #tpu.memory_space<hbm>> -> memref<1x1x1x8x128xf32, #tpu.memory_space<hbm>>
        %dma_wait3A_1585 = tpu.memref_squeeze %dma_wait3A_1584 : memref<1x1x1x8x128xf32, #tpu.memory_space<hbm>> -> memref<8x128xf32, #tpu.memory_space<hbm>>
        %dma_wait3A_1586 = arith.constant 16 : i32
        %dma_wait3A_1587 = arith.constant 0 : i32
        %dma_wait3A_1588 = tpu.memref_slice %arg13[%dma_wait3A_1586, %dma_wait3A_1587] : memref<64x129xf32, #tpu.memory_space<vmem>> -> memref<8x128xf32, #tpu.memory_space<vmem>>
        tpu.wait_dma2 semaphore(%arg23 : memref<!tpu.dma_semaphore, #tpu.memory_space<semaphore_mem>>) src(%dma_wait3A_1588 : memref<8x128xf32, #tpu.memory_space<vmem>>) dst(%dma_wait3A_1585 : memref<8x128xf32, #tpu.memory_space<hbm>>)
        %dma_wait3A_1589 = arith.constant 0 : i32
        %dma_wait3A_1590 = arith.constant 3 : i32
        %dma_wait3A_1591 = arith.constant 24 : i32
        %dma_wait3A_1592 = arith.constant 0 : i32
        %dma_wait3A_1593 = tpu.memref_slice %arg13[%dma_wait3A_1591, %dma_wait3A_1592] : memref<64x129xf32, #tpu.memory_space<vmem>> -> memref<8x128xf32, #tpu.memory_space<vmem>>
        %dma_wait3A_1594 = arith.constant 0 : i32
        %dma_wait3A_1595 = arith.constant 0 : i32
        %dma_wait3A_1596 = tpu.memref_slice %arg4[%dma_wait3A_1589, %dma_wait3A_1590, %add3A, %dma_wait3A_1594, %dma_wait3A_1595] : memref<200x8x32x8x128xf32, #tpu.memory_space<hbm>> -> memref<1x1x1x8x128xf32, #tpu.memory_space<hbm>>
        %dma_wait3A_1597 = tpu.memref_squeeze %dma_wait3A_1596 : memref<1x1x1x8x128xf32, #tpu.memory_space<hbm>> -> memref<8x128xf32, #tpu.memory_space<hbm>>
        %dma_wait3A_1598 = arith.constant 0 : i32
        %dma_wait3A_1599 = arith.constant 0 : i32
        %dma_wait3A_1600 = tpu.memref_slice %arg4[%dma_wait3A_1589, %dma_wait3A_1590, %add3A, %dma_wait3A_1598, %dma_wait3A_1599] : memref<200x8x32x8x128xf32, #tpu.memory_space<hbm>> -> memref<1x1x1x8x128xf32, #tpu.memory_space<hbm>>
        %dma_wait3A_1601 = tpu.memref_squeeze %dma_wait3A_1600 : memref<1x1x1x8x128xf32, #tpu.memory_space<hbm>> -> memref<8x128xf32, #tpu.memory_space<hbm>>
        %dma_wait3A_1602 = arith.constant 24 : i32
        %dma_wait3A_1603 = arith.constant 0 : i32
        %dma_wait3A_1604 = tpu.memref_slice %arg13[%dma_wait3A_1602, %dma_wait3A_1603] : memref<64x129xf32, #tpu.memory_space<vmem>> -> memref<8x128xf32, #tpu.memory_space<vmem>>
        tpu.wait_dma2 semaphore(%arg23 : memref<!tpu.dma_semaphore, #tpu.memory_space<semaphore_mem>>) src(%dma_wait3A_1604 : memref<8x128xf32, #tpu.memory_space<vmem>>) dst(%dma_wait3A_1601 : memref<8x128xf32, #tpu.memory_space<hbm>>)
        %dma_wait3A_1605 = arith.constant 0 : i32
        %dma_wait3A_1606 = arith.constant 4 : i32
        %dma_wait3A_1607 = arith.constant 32 : i32
        %dma_wait3A_1608 = arith.constant 0 : i32
        %dma_wait3A_1609 = tpu.memref_slice %arg13[%dma_wait3A_1607, %dma_wait3A_1608] : memref<64x129xf32, #tpu.memory_space<vmem>> -> memref<8x128xf32, #tpu.memory_space<vmem>>
        %dma_wait3A_1610 = arith.constant 0 : i32
        %dma_wait3A_1611 = arith.constant 0 : i32
        %dma_wait3A_1612 = tpu.memref_slice %arg4[%dma_wait3A_1605, %dma_wait3A_1606, %add3A, %dma_wait3A_1610, %dma_wait3A_1611] : memref<200x8x32x8x128xf32, #tpu.memory_space<hbm>> -> memref<1x1x1x8x128xf32, #tpu.memory_space<hbm>>
        %dma_wait3A_1613 = tpu.memref_squeeze %dma_wait3A_1612 : memref<1x1x1x8x128xf32, #tpu.memory_space<hbm>> -> memref<8x128xf32, #tpu.memory_space<hbm>>
        %dma_wait3A_1614 = arith.constant 0 : i32
        %dma_wait3A_1615 = arith.constant 0 : i32
        %dma_wait3A_1616 = tpu.memref_slice %arg4[%dma_wait3A_1605, %dma_wait3A_1606, %add3A, %dma_wait3A_1614, %dma_wait3A_1615] : memref<200x8x32x8x128xf32, #tpu.memory_space<hbm>> -> memref<1x1x1x8x128xf32, #tpu.memory_space<hbm>>
        %dma_wait3A_1617 = tpu.memref_squeeze %dma_wait3A_1616 : memref<1x1x1x8x128xf32, #tpu.memory_space<hbm>> -> memref<8x128xf32, #tpu.memory_space<hbm>>
        %dma_wait3A_1618 = arith.constant 32 : i32
        %dma_wait3A_1619 = arith.constant 0 : i32
        %dma_wait3A_1620 = tpu.memref_slice %arg13[%dma_wait3A_1618, %dma_wait3A_1619] : memref<64x129xf32, #tpu.memory_space<vmem>> -> memref<8x128xf32, #tpu.memory_space<vmem>>
        tpu.wait_dma2 semaphore(%arg23 : memref<!tpu.dma_semaphore, #tpu.memory_space<semaphore_mem>>) src(%dma_wait3A_1620 : memref<8x128xf32, #tpu.memory_space<vmem>>) dst(%dma_wait3A_1617 : memref<8x128xf32, #tpu.memory_space<hbm>>)
        %dma_wait3A_1621 = arith.constant 0 : i32
        %dma_wait3A_1622 = arith.constant 5 : i32
        %dma_wait3A_1623 = arith.constant 40 : i32
        %dma_wait3A_1624 = arith.constant 0 : i32
        %dma_wait3A_1625 = tpu.memref_slice %arg13[%dma_wait3A_1623, %dma_wait3A_1624] : memref<64x129xf32, #tpu.memory_space<vmem>> -> memref<8x128xf32, #tpu.memory_space<vmem>>
        %dma_wait3A_1626 = arith.constant 0 : i32
        %dma_wait3A_1627 = arith.constant 0 : i32
        %dma_wait3A_1628 = tpu.memref_slice %arg4[%dma_wait3A_1621, %dma_wait3A_1622, %add3A, %dma_wait3A_1626, %dma_wait3A_1627] : memref<200x8x32x8x128xf32, #tpu.memory_space<hbm>> -> memref<1x1x1x8x128xf32, #tpu.memory_space<hbm>>
        %dma_wait3A_1629 = tpu.memref_squeeze %dma_wait3A_1628 : memref<1x1x1x8x128xf32, #tpu.memory_space<hbm>> -> memref<8x128xf32, #tpu.memory_space<hbm>>
        %dma_wait3A_1630 = arith.constant 0 : i32
        %dma_wait3A_1631 = arith.constant 0 : i32
        %dma_wait3A_1632 = tpu.memref_slice %arg4[%dma_wait3A_1621, %dma_wait3A_1622, %add3A, %dma_wait3A_1630, %dma_wait3A_1631] : memref<200x8x32x8x128xf32, #tpu.memory_space<hbm>> -> memref<1x1x1x8x128xf32, #tpu.memory_space<hbm>>
        %dma_wait3A_1633 = tpu.memref_squeeze %dma_wait3A_1632 : memref<1x1x1x8x128xf32, #tpu.memory_space<hbm>> -> memref<8x128xf32, #tpu.memory_space<hbm>>
        %dma_wait3A_1634 = arith.constant 40 : i32
        %dma_wait3A_1635 = arith.constant 0 : i32
        %dma_wait3A_1636 = tpu.memref_slice %arg13[%dma_wait3A_1634, %dma_wait3A_1635] : memref<64x129xf32, #tpu.memory_space<vmem>> -> memref<8x128xf32, #tpu.memory_space<vmem>>
        tpu.wait_dma2 semaphore(%arg23 : memref<!tpu.dma_semaphore, #tpu.memory_space<semaphore_mem>>) src(%dma_wait3A_1636 : memref<8x128xf32, #tpu.memory_space<vmem>>) dst(%dma_wait3A_1633 : memref<8x128xf32, #tpu.memory_space<hbm>>)
        %dma_wait3A_1637 = arith.constant 0 : i32
        %dma_wait3A_1638 = arith.constant 6 : i32
        %dma_wait3A_1639 = arith.constant 48 : i32
        %dma_wait3A_1640 = arith.constant 0 : i32
        %dma_wait3A_1641 = tpu.memref_slice %arg13[%dma_wait3A_1639, %dma_wait3A_1640] : memref<64x129xf32, #tpu.memory_space<vmem>> -> memref<8x128xf32, #tpu.memory_space<vmem>>
        %dma_wait3A_1642 = arith.constant 0 : i32
        %dma_wait3A_1643 = arith.constant 0 : i32
        %dma_wait3A_1644 = tpu.memref_slice %arg4[%dma_wait3A_1637, %dma_wait3A_1638, %add3A, %dma_wait3A_1642, %dma_wait3A_1643] : memref<200x8x32x8x128xf32, #tpu.memory_space<hbm>> -> memref<1x1x1x8x128xf32, #tpu.memory_space<hbm>>
        %dma_wait3A_1645 = tpu.memref_squeeze %dma_wait3A_1644 : memref<1x1x1x8x128xf32, #tpu.memory_space<hbm>> -> memref<8x128xf32, #tpu.memory_space<hbm>>
        %dma_wait3A_1646 = arith.constant 0 : i32
        %dma_wait3A_1647 = arith.constant 0 : i32
        %dma_wait3A_1648 = tpu.memref_slice %arg4[%dma_wait3A_1637, %dma_wait3A_1638, %add3A, %dma_wait3A_1646, %dma_wait3A_1647] : memref<200x8x32x8x128xf32, #tpu.memory_space<hbm>> -> memref<1x1x1x8x128xf32, #tpu.memory_space<hbm>>
        %dma_wait3A_1649 = tpu.memref_squeeze %dma_wait3A_1648 : memref<1x1x1x8x128xf32, #tpu.memory_space<hbm>> -> memref<8x128xf32, #tpu.memory_space<hbm>>
        %dma_wait3A_1650 = arith.constant 48 : i32
        %dma_wait3A_1651 = arith.constant 0 : i32
        %dma_wait3A_1652 = tpu.memref_slice %arg13[%dma_wait3A_1650, %dma_wait3A_1651] : memref<64x129xf32, #tpu.memory_space<vmem>> -> memref<8x128xf32, #tpu.memory_space<vmem>>
        tpu.wait_dma2 semaphore(%arg23 : memref<!tpu.dma_semaphore, #tpu.memory_space<semaphore_mem>>) src(%dma_wait3A_1652 : memref<8x128xf32, #tpu.memory_space<vmem>>) dst(%dma_wait3A_1649 : memref<8x128xf32, #tpu.memory_space<hbm>>)
        %dma_wait3A_1653 = arith.constant 0 : i32
        %dma_wait3A_1654 = arith.constant 7 : i32
        %dma_wait3A_1655 = arith.constant 56 : i32
        %dma_wait3A_1656 = arith.constant 0 : i32
        %dma_wait3A_1657 = tpu.memref_slice %arg13[%dma_wait3A_1655, %dma_wait3A_1656] : memref<64x129xf32, #tpu.memory_space<vmem>> -> memref<8x128xf32, #tpu.memory_space<vmem>>
        %dma_wait3A_1658 = arith.constant 0 : i32
        %dma_wait3A_1659 = arith.constant 0 : i32
        %dma_wait3A_1660 = tpu.memref_slice %arg4[%dma_wait3A_1653, %dma_wait3A_1654, %add3A, %dma_wait3A_1658, %dma_wait3A_1659] : memref<200x8x32x8x128xf32, #tpu.memory_space<hbm>> -> memref<1x1x1x8x128xf32, #tpu.memory_space<hbm>>
        %dma_wait3A_1661 = tpu.memref_squeeze %dma_wait3A_1660 : memref<1x1x1x8x128xf32, #tpu.memory_space<hbm>> -> memref<8x128xf32, #tpu.memory_space<hbm>>
        %dma_wait3A_1662 = arith.constant 0 : i32
        %dma_wait3A_1663 = arith.constant 0 : i32
        %dma_wait3A_1664 = tpu.memref_slice %arg4[%dma_wait3A_1653, %dma_wait3A_1654, %add3A, %dma_wait3A_1662, %dma_wait3A_1663] : memref<200x8x32x8x128xf32, #tpu.memory_space<hbm>> -> memref<1x1x1x8x128xf32, #tpu.memory_space<hbm>>
        %dma_wait3A_1665 = tpu.memref_squeeze %dma_wait3A_1664 : memref<1x1x1x8x128xf32, #tpu.memory_space<hbm>> -> memref<8x128xf32, #tpu.memory_space<hbm>>
        %dma_wait3A_1666 = arith.constant 56 : i32
        %dma_wait3A_1667 = arith.constant 0 : i32
        %dma_wait3A_1668 = tpu.memref_slice %arg13[%dma_wait3A_1666, %dma_wait3A_1667] : memref<64x129xf32, #tpu.memory_space<vmem>> -> memref<8x128xf32, #tpu.memory_space<vmem>>
        tpu.wait_dma2 semaphore(%arg23 : memref<!tpu.dma_semaphore, #tpu.memory_space<semaphore_mem>>) src(%dma_wait3A_1668 : memref<8x128xf32, #tpu.memory_space<vmem>>) dst(%dma_wait3A_1665 : memref<8x128xf32, #tpu.memory_space<hbm>>)
        %jit3A_1669 = arith.constant 8 : i32
        %div3A_1670 = arith.divsi %sub3A_1206, %jit3A_1669 : i32
        %sign3A_1671 = arith.constant 0 : i32
        %sign3A_1672 = arith.cmpi sgt, %sub3A_1206, %sign3A_1671 : i32
        %sign3A_1673 = arith.extui %sign3A_1672 : i1 to i32
        %sign3A_1674 = arith.constant 0 : i32
        %sign3A_1675 = arith.cmpi slt, %sub3A_1206, %sign3A_1674 : i32
        %sign3A_1676 = arith.extui %sign3A_1675 : i1 to i32
        %sign3A_1677 = arith.subi %sign3A_1673, %sign3A_1676 : i32
        %sign3A_1678 = arith.constant 0 : i32
        %sign3A_1679 = arith.cmpi sgt, %jit3A_1669, %sign3A_1678 : i32
        %sign3A_1680 = arith.extui %sign3A_1679 : i1 to i32
        %sign3A_1681 = arith.constant 0 : i32
        %sign3A_1682 = arith.cmpi slt, %jit3A_1669, %sign3A_1681 : i32
        %sign3A_1683 = arith.extui %sign3A_1682 : i1 to i32
        %sign3A_1684 = arith.subi %sign3A_1680, %sign3A_1683 : i32
        %ne3A_1685 = arith.cmpi ne, %sign3A_1677, %sign3A_1684 : i32
        %rem3A_1686 = arith.remsi %sub3A_1206, %jit3A_1669 : i32
        %ne3A_1687 = arith.constant 0 : i32
        %ne3A_1688 = arith.cmpi ne, %rem3A_1686, %ne3A_1687 : i32
        %and3A_1689 = arith.andi %ne3A_1685, %ne3A_1688 : i1
        %sub3A_1690 = arith.constant 1 : i32
        %sub3A_1691 = arith.subi %div3A_1670, %sub3A_1690 : i32
        %select_n3A_1692 = arith.select %and3A_1689, %sub3A_1691, %div3A_1670 : i32
        %rem3A_1693 = arith.constant 8 : i32
        %rem3A_1694 = arith.remsi %sub3A_1206, %rem3A_1693 : i32
        %dma_start3A_1695 = arith.constant 0 : i32
        %dma_start3A_1696 = tpu.memref_slice %arg5[%select_n3A_1692, %rem3A_1694, %dma_start3A_1695] : memref<25x8x128xi32, #tpu.memory_space<vmem>> -> memref<1x1x128xi32, #tpu.memory_space<vmem>>
        %dma_start3A_1697 = tpu.memref_squeeze %dma_start3A_1696 : memref<1x1x128xi32, #tpu.memory_space<vmem>> -> memref<128xi32, #tpu.memory_space<vmem>>
        %dma_start3A_1698 = arith.constant 0 : i32
        %dma_start3A_1699 = arith.constant 0 : i32
        %dma_start3A_1700 = tpu.memref_slice %arg3[%dma_start3A_1698, %dma_start3A_1699] : memref<1000000x64xf32, #tpu.memory_space<hbm>> -> memref<1000000x64xf32, #tpu.memory_space<hbm>>
        tpu.enqueue_indirect_dma source(%dma_start3A_1700 : memref<1000000x64xf32, #tpu.memory_space<hbm>>) target(%arg8 : memref<128x64xf32, #tpu.memory_space<vmem>>) offsets(%dma_start3A_1697 : memref<128xi32, #tpu.memory_space<vmem>>) semaphore(%arg18 : memref<!tpu.dma_semaphore, #tpu.memory_space<semaphore_mem>>)
      } else {
      }
      %jit3A_1212 = arith.constant 8 : i32
      %div3A_1213 = arith.divsi %add3A_1202, %jit3A_1212 : i32
      %sign3A_1214 = arith.constant 0 : i32
      %sign3A_1215 = arith.cmpi sgt, %add3A_1202, %sign3A_1214 : i32
      %sign3A_1216 = arith.extui %sign3A_1215 : i1 to i32
      %sign3A_1217 = arith.constant 0 : i32
      %sign3A_1218 = arith.cmpi slt, %add3A_1202, %sign3A_1217 : i32
      %sign3A_1219 = arith.extui %sign3A_1218 : i1 to i32
      %sign3A_1220 = arith.subi %sign3A_1216, %sign3A_1219 : i32
      %sign3A_1221 = arith.constant 0 : i32
      %sign3A_1222 = arith.cmpi sgt, %jit3A_1212, %sign3A_1221 : i32
      %sign3A_1223 = arith.extui %sign3A_1222 : i1 to i32
      %sign3A_1224 = arith.constant 0 : i32
      %sign3A_1225 = arith.cmpi slt, %jit3A_1212, %sign3A_1224 : i32
      %sign3A_1226 = arith.extui %sign3A_1225 : i1 to i32
      %sign3A_1227 = arith.subi %sign3A_1223, %sign3A_1226 : i32
      %ne3A_1228 = arith.cmpi ne, %sign3A_1220, %sign3A_1227 : i32
      %rem3A_1229 = arith.remsi %add3A_1202, %jit3A_1212 : i32
      %ne3A_1230 = arith.constant 0 : i32
      %ne3A_1231 = arith.cmpi ne, %rem3A_1229, %ne3A_1230 : i32
      %and3A_1232 = arith.andi %ne3A_1228, %ne3A_1231 : i1
      %sub3A_1233 = arith.constant 1 : i32
      %sub3A_1234 = arith.subi %div3A_1213, %sub3A_1233 : i32
      %select_n3A_1235 = arith.select %and3A_1232, %sub3A_1234, %div3A_1213 : i32
      %rem3A_1236 = arith.constant 8 : i32
      %rem3A_1237 = arith.remsi %add3A_1202, %rem3A_1236 : i32
      %dma_wait3A_1238 = arith.constant 0 : i32
      %dma_wait3A_1239 = tpu.memref_slice %arg5[%select_n3A_1235, %rem3A_1237, %dma_wait3A_1238] : memref<25x8x128xi32, #tpu.memory_space<vmem>> -> memref<1x1x128xi32, #tpu.memory_space<vmem>>
      %dma_wait3A_1240 = tpu.memref_squeeze %dma_wait3A_1239 : memref<1x1x128xi32, #tpu.memory_space<vmem>> -> memref<128xi32, #tpu.memory_space<vmem>>
      %dma_wait3A_1241 = arith.constant 0 : i32
      %dma_wait3A_1242 = arith.constant 0 : i32
      %dma_wait3A_1243 = tpu.memref_slice %arg3[%dma_wait3A_1241, %dma_wait3A_1242] : memref<1000000x64xf32, #tpu.memory_space<hbm>> -> memref<1000000x64xf32, #tpu.memory_space<hbm>>
      tpu.wait_indirect_dma semaphore(%arg19 : memref<!tpu.dma_semaphore, #tpu.memory_space<semaphore_mem>>) src(%dma_wait3A_1243 : memref<1000000x64xf32, #tpu.memory_space<hbm>>) dst(%arg9 : memref<128x64xf32, #tpu.memory_space<vmem>>)
      %scan3A_1244 = arith.constant 0 : i32
      %scan3A_1245 = arith.constant 0 : i32
      %scan3A_1246 = arith.constant 32 : i32
      %scan3A_1247 = arith.addi %scan3A_1245, %scan3A_1246 : i32
      %scan3A_1248 = arith.constant 1 : i32
      scf.for %scan3A_1541 = %scan3A_1245 to %scan3A_1247 step %scan3A_1248  : i32 {
        %mul3A_1542 = arith.constant 4 : i32
        %mul3A_1543 = arith.muli %scan3A_1541, %mul3A_1542 : i32
        %broadcast_in_dim3A = arith.constant 0 : i32
        %broadcast_in_dim3A_1544 = vector.broadcast %broadcast_in_dim3A : i32 to vector<16xi32>
        %add3A_1545 = arith.constant 0 : i32
        %add3A_1546 = arith.addi %mul3A_1543, %add3A_1545 : i32
        %add3A_1547 = vector.broadcast %add3A_1546 : i32 to vector<16xi32>
        %add3A_1548 = arith.addi %broadcast_in_dim3A_1544, %add3A_1547 : vector<16xi32>
        %broadcast_in_dim3A_1549 = arith.constant 0 : i32
        %broadcast_in_dim3A_1550 = vector.broadcast %broadcast_in_dim3A_1549 : i32 to vector<16xi32>
        %add3A_1551 = arith.constant 1 : i32
        %add3A_1552 = arith.addi %mul3A_1543, %add3A_1551 : i32
        %add3A_1553 = vector.broadcast %add3A_1552 : i32 to vector<16xi32>
        %add3A_1554 = arith.addi %broadcast_in_dim3A_1550, %add3A_1553 : vector<16xi32>
        %broadcast_in_dim3A_1555 = arith.constant 0 : i32
        %broadcast_in_dim3A_1556 = vector.broadcast %broadcast_in_dim3A_1555 : i32 to vector<16xi32>
        %add3A_1557 = arith.constant 2 : i32
        %add3A_1558 = arith.addi %mul3A_1543, %add3A_1557 : i32
        %add3A_1559 = vector.broadcast %add3A_1558 : i32 to vector<16xi32>
        %add3A_1560 = arith.addi %broadcast_in_dim3A_1556, %add3A_1559 : vector<16xi32>
        %broadcast_in_dim3A_1561 = arith.constant 0 : i32
        %broadcast_in_dim3A_1562 = vector.broadcast %broadcast_in_dim3A_1561 : i32 to vector<16xi32>
        %add3A_1563 = arith.constant 3 : i32
        %add3A_1564 = arith.addi %mul3A_1543, %add3A_1563 : i32
        %add3A_1565 = vector.broadcast %add3A_1564 : i32 to vector<16xi32>
        %add3A_1566 = arith.addi %broadcast_in_dim3A_1562, %add3A_1565 : vector<16xi32>
        %add3A_1567 = arith.constant 0 : i32
        %add3A_1568 = arith.addi %mul3A_1543, %add3A_1567 : i32
        %get3A = arith.index_cast %add3A_1568 : i32 to index
        %get3A_1569 = arith.constant 0 : index
        %get3A_1570 = tpu.vector_load %arg9[%get3A, %get3A_1569] {strides = array<i32>} : memref<128x64xf32, #tpu.memory_space<vmem>>, vector<16xf32>,
        %mul3A_1571 = arith.constant 8.000000e+00 : f32
        %mul3A_1572 = vector.broadcast %mul3A_1571 : f32 to vector<16xf32>
        %mul3A_1573 = arith.mulf %get3A_1570, %mul3A_1572 : vector<16xf32>
        %add3A_1574 = arith.constant 0 : i32
        %add3A_1575 = arith.addi %mul3A_1543, %add3A_1574 : i32
        %get3A_1576 = arith.index_cast %add3A_1575 : i32 to index
        %get3A_1577 = arith.constant 16 : index
        %get3A_1578 = tpu.vector_load %arg9[%get3A_1576, %get3A_1577] {strides = array<i32>} : memref<128x64xf32, #tpu.memory_space<vmem>>, vector<16xf32>,
        %mul3A_1579 = arith.constant 8.000000e+00 : f32
        %mul3A_1580 = vector.broadcast %mul3A_1579 : f32 to vector<16xf32>
        %mul3A_1581 = arith.mulf %get3A_1578, %mul3A_1580 : vector<16xf32>
        %add3A_1582 = arith.constant 0 : i32
        %add3A_1583 = arith.addi %mul3A_1543, %add3A_1582 : i32
        %get3A_1584 = arith.index_cast %add3A_1583 : i32 to index
        %get3A_1585 = arith.constant 32 : index
        %get3A_1586 = tpu.vector_load %arg9[%get3A_1584, %get3A_1585] {strides = array<i32>} : memref<128x64xf32, #tpu.memory_space<vmem>>, vector<16xf32>,
        %mul3A_1587 = arith.constant 8.000000e+00 : f32
        %mul3A_1588 = vector.broadcast %mul3A_1587 : f32 to vector<16xf32>
        %mul3A_1589 = arith.mulf %get3A_1586, %mul3A_1588 : vector<16xf32>
        %add3A_1590 = arith.constant 0 : i32
        %add3A_1591 = arith.addi %mul3A_1543, %add3A_1590 : i32
        %get3A_1592 = arith.index_cast %add3A_1591 : i32 to index
        %get3A_1593 = arith.constant 48 : index
        %get3A_1594 = tpu.vector_load %arg9[%get3A_1592, %get3A_1593] {strides = array<i32>} : memref<128x64xf32, #tpu.memory_space<vmem>>, vector<16xf32>,
        %mul3A_1595 = arith.constant 8.000000e+00 : f32
        %mul3A_1596 = vector.broadcast %mul3A_1595 : f32 to vector<16xf32>
        %mul3A_1597 = arith.mulf %get3A_1594, %mul3A_1596 : vector<16xf32>
        %add3A_1598 = arith.constant 1 : i32
        %add3A_1599 = arith.addi %mul3A_1543, %add3A_1598 : i32
        %get3A_1600 = arith.index_cast %add3A_1599 : i32 to index
        %get3A_1601 = arith.constant 0 : index
        %get3A_1602 = tpu.vector_load %arg9[%get3A_1600, %get3A_1601] {strides = array<i32>} : memref<128x64xf32, #tpu.memory_space<vmem>>, vector<16xf32>,
        %mul3A_1603 = arith.constant 8.000000e+00 : f32
        %mul3A_1604 = vector.broadcast %mul3A_1603 : f32 to vector<16xf32>
        %mul3A_1605 = arith.mulf %get3A_1602, %mul3A_1604 : vector<16xf32>
        %add3A_1606 = arith.constant 1 : i32
        %add3A_1607 = arith.addi %mul3A_1543, %add3A_1606 : i32
        %get3A_1608 = arith.index_cast %add3A_1607 : i32 to index
        %get3A_1609 = arith.constant 16 : index
        %get3A_1610 = tpu.vector_load %arg9[%get3A_1608, %get3A_1609] {strides = array<i32>} : memref<128x64xf32, #tpu.memory_space<vmem>>, vector<16xf32>,
        %mul3A_1611 = arith.constant 8.000000e+00 : f32
        %mul3A_1612 = vector.broadcast %mul3A_1611 : f32 to vector<16xf32>
        %mul3A_1613 = arith.mulf %get3A_1610, %mul3A_1612 : vector<16xf32>
        %add3A_1614 = arith.constant 1 : i32
        %add3A_1615 = arith.addi %mul3A_1543, %add3A_1614 : i32
        %get3A_1616 = arith.index_cast %add3A_1615 : i32 to index
        %get3A_1617 = arith.constant 32 : index
        %get3A_1618 = tpu.vector_load %arg9[%get3A_1616, %get3A_1617] {strides = array<i32>} : memref<128x64xf32, #tpu.memory_space<vmem>>, vector<16xf32>,
        %mul3A_1619 = arith.constant 8.000000e+00 : f32
        %mul3A_1620 = vector.broadcast %mul3A_1619 : f32 to vector<16xf32>
        %mul3A_1621 = arith.mulf %get3A_1618, %mul3A_1620 : vector<16xf32>
        %add3A_1622 = arith.constant 1 : i32
        %add3A_1623 = arith.addi %mul3A_1543, %add3A_1622 : i32
        %get3A_1624 = arith.index_cast %add3A_1623 : i32 to index
        %get3A_1625 = arith.constant 48 : index
        %get3A_1626 = tpu.vector_load %arg9[%get3A_1624, %get3A_1625] {strides = array<i32>} : memref<128x64xf32, #tpu.memory_space<vmem>>, vector<16xf32>,
        %mul3A_1627 = arith.constant 8.000000e+00 : f32
        %mul3A_1628 = vector.broadcast %mul3A_1627 : f32 to vector<16xf32>
        %mul3A_1629 = arith.mulf %get3A_1626, %mul3A_1628 : vector<16xf32>
        %add3A_1630 = arith.constant 2 : i32
        %add3A_1631 = arith.addi %mul3A_1543, %add3A_1630 : i32
        %get3A_1632 = arith.index_cast %add3A_1631 : i32 to index
        %get3A_1633 = arith.constant 0 : index
        %get3A_1634 = tpu.vector_load %arg9[%get3A_1632, %get3A_1633] {strides = array<i32>} : memref<128x64xf32, #tpu.memory_space<vmem>>, vector<16xf32>,
        %mul3A_1635 = arith.constant 8.000000e+00 : f32
        %mul3A_1636 = vector.broadcast %mul3A_1635 : f32 to vector<16xf32>
        %mul3A_1637 = arith.mulf %get3A_1634, %mul3A_1636 : vector<16xf32>
        %add3A_1638 = arith.constant 2 : i32
        %add3A_1639 = arith.addi %mul3A_1543, %add3A_1638 : i32
        %get3A_1640 = arith.index_cast %add3A_1639 : i32 to index
        %get3A_1641 = arith.constant 16 : index
        %get3A_1642 = tpu.vector_load %arg9[%get3A_1640, %get3A_1641] {strides = array<i32>} : memref<128x64xf32, #tpu.memory_space<vmem>>, vector<16xf32>,
        %mul3A_1643 = arith.constant 8.000000e+00 : f32
        %mul3A_1644 = vector.broadcast %mul3A_1643 : f32 to vector<16xf32>
        %mul3A_1645 = arith.mulf %get3A_1642, %mul3A_1644 : vector<16xf32>
        %add3A_1646 = arith.constant 2 : i32
        %add3A_1647 = arith.addi %mul3A_1543, %add3A_1646 : i32
        %get3A_1648 = arith.index_cast %add3A_1647 : i32 to index
        %get3A_1649 = arith.constant 32 : index
        %get3A_1650 = tpu.vector_load %arg9[%get3A_1648, %get3A_1649] {strides = array<i32>} : memref<128x64xf32, #tpu.memory_space<vmem>>, vector<16xf32>,
        %mul3A_1651 = arith.constant 8.000000e+00 : f32
        %mul3A_1652 = vector.broadcast %mul3A_1651 : f32 to vector<16xf32>
        %mul3A_1653 = arith.mulf %get3A_1650, %mul3A_1652 : vector<16xf32>
        %add3A_1654 = arith.constant 2 : i32
        %add3A_1655 = arith.addi %mul3A_1543, %add3A_1654 : i32
        %get3A_1656 = arith.index_cast %add3A_1655 : i32 to index
        %get3A_1657 = arith.constant 48 : index
        %get3A_1658 = tpu.vector_load %arg9[%get3A_1656, %get3A_1657] {strides = array<i32>} : memref<128x64xf32, #tpu.memory_space<vmem>>, vector<16xf32>,
        %mul3A_1659 = arith.constant 8.000000e+00 : f32
        %mul3A_1660 = vector.broadcast %mul3A_1659 : f32 to vector<16xf32>
        %mul3A_1661 = arith.mulf %get3A_1658, %mul3A_1660 : vector<16xf32>
        %add3A_1662 = arith.constant 3 : i32
        %add3A_1663 = arith.addi %mul3A_1543, %add3A_1662 : i32
        %get3A_1664 = arith.index_cast %add3A_1663 : i32 to index
        %get3A_1665 = arith.constant 0 : index
        %get3A_1666 = tpu.vector_load %arg9[%get3A_1664, %get3A_1665] {strides = array<i32>} : memref<128x64xf32, #tpu.memory_space<vmem>>, vector<16xf32>,
        %mul3A_1667 = arith.constant 8.000000e+00 : f32
        %mul3A_1668 = vector.broadcast %mul3A_1667 : f32 to vector<16xf32>
        %mul3A_1669 = arith.mulf %get3A_1666, %mul3A_1668 : vector<16xf32>
        %add3A_1670 = arith.constant 3 : i32
        %add3A_1671 = arith.addi %mul3A_1543, %add3A_1670 : i32
        %get3A_1672 = arith.index_cast %add3A_1671 : i32 to index
        %get3A_1673 = arith.constant 16 : index
        %get3A_1674 = tpu.vector_load %arg9[%get3A_1672, %get3A_1673] {strides = array<i32>} : memref<128x64xf32, #tpu.memory_space<vmem>>, vector<16xf32>,
        %mul3A_1675 = arith.constant 8.000000e+00 : f32
        %mul3A_1676 = vector.broadcast %mul3A_1675 : f32 to vector<16xf32>
        %mul3A_1677 = arith.mulf %get3A_1674, %mul3A_1676 : vector<16xf32>
        %add3A_1678 = arith.constant 3 : i32
        %add3A_1679 = arith.addi %mul3A_1543, %add3A_1678 : i32
        %get3A_1680 = arith.index_cast %add3A_1679 : i32 to index
        %get3A_1681 = arith.constant 32 : index
        %get3A_1682 = tpu.vector_load %arg9[%get3A_1680, %get3A_1681] {strides = array<i32>} : memref<128x64xf32, #tpu.memory_space<vmem>>, vector<16xf32>,
        %mul3A_1683 = arith.constant 8.000000e+00 : f32
        %mul3A_1684 = vector.broadcast %mul3A_1683 : f32 to vector<16xf32>
        %mul3A_1685 = arith.mulf %get3A_1682, %mul3A_1684 : vector<16xf32>
        %add3A_1686 = arith.constant 3 : i32
        %add3A_1687 = arith.addi %mul3A_1543, %add3A_1686 : i32
        %get3A_1688 = arith.index_cast %add3A_1687 : i32 to index
        %get3A_1689 = arith.constant 48 : index
        %get3A_1690 = tpu.vector_load %arg9[%get3A_1688, %get3A_1689] {strides = array<i32>} : memref<128x64xf32, #tpu.memory_space<vmem>>, vector<16xf32>,
        %mul3A_1691 = arith.constant 8.000000e+00 : f32
        %mul3A_1692 = vector.broadcast %mul3A_1691 : f32 to vector<16xf32>
        %mul3A_1693 = arith.mulf %get3A_1690, %mul3A_1692 : vector<16xf32>
        tpu.vector_store_idx %arg14[%add3A_3, %add3A_1548], %mul3A_1573 : memref<64x129xf32, #tpu.memory_space<vmem>>[vector<16xi32>, vector<16xi32>], vector<16xf32>,
        tpu.vector_store_idx %arg14[%add3A_6, %add3A_1548], %mul3A_1581 : memref<64x129xf32, #tpu.memory_space<vmem>>[vector<16xi32>, vector<16xi32>], vector<16xf32>,
        tpu.vector_store_idx %arg14[%add3A_9, %add3A_1548], %mul3A_1589 : memref<64x129xf32, #tpu.memory_space<vmem>>[vector<16xi32>, vector<16xi32>], vector<16xf32>,
        tpu.vector_store_idx %arg14[%add3A_12, %add3A_1548], %mul3A_1597 : memref<64x129xf32, #tpu.memory_space<vmem>>[vector<16xi32>, vector<16xi32>], vector<16xf32>,
        tpu.vector_store_idx %arg14[%add3A_3, %add3A_1554], %mul3A_1605 : memref<64x129xf32, #tpu.memory_space<vmem>>[vector<16xi32>, vector<16xi32>], vector<16xf32>,
        tpu.vector_store_idx %arg14[%add3A_6, %add3A_1554], %mul3A_1613 : memref<64x129xf32, #tpu.memory_space<vmem>>[vector<16xi32>, vector<16xi32>], vector<16xf32>,
        tpu.vector_store_idx %arg14[%add3A_9, %add3A_1554], %mul3A_1621 : memref<64x129xf32, #tpu.memory_space<vmem>>[vector<16xi32>, vector<16xi32>], vector<16xf32>,
        tpu.vector_store_idx %arg14[%add3A_12, %add3A_1554], %mul3A_1629 : memref<64x129xf32, #tpu.memory_space<vmem>>[vector<16xi32>, vector<16xi32>], vector<16xf32>,
        tpu.vector_store_idx %arg14[%add3A_3, %add3A_1560], %mul3A_1637 : memref<64x129xf32, #tpu.memory_space<vmem>>[vector<16xi32>, vector<16xi32>], vector<16xf32>,
        tpu.vector_store_idx %arg14[%add3A_6, %add3A_1560], %mul3A_1645 : memref<64x129xf32, #tpu.memory_space<vmem>>[vector<16xi32>, vector<16xi32>], vector<16xf32>,
        tpu.vector_store_idx %arg14[%add3A_9, %add3A_1560], %mul3A_1653 : memref<64x129xf32, #tpu.memory_space<vmem>>[vector<16xi32>, vector<16xi32>], vector<16xf32>,
        tpu.vector_store_idx %arg14[%add3A_12, %add3A_1560], %mul3A_1661 : memref<64x129xf32, #tpu.memory_space<vmem>>[vector<16xi32>, vector<16xi32>], vector<16xf32>,
        tpu.vector_store_idx %arg14[%add3A_3, %add3A_1566], %mul3A_1669 : memref<64x129xf32, #tpu.memory_space<vmem>>[vector<16xi32>, vector<16xi32>], vector<16xf32>,
        tpu.vector_store_idx %arg14[%add3A_6, %add3A_1566], %mul3A_1677 : memref<64x129xf32, #tpu.memory_space<vmem>>[vector<16xi32>, vector<16xi32>], vector<16xf32>,
        tpu.vector_store_idx %arg14[%add3A_9, %add3A_1566], %mul3A_1685 : memref<64x129xf32, #tpu.memory_space<vmem>>[vector<16xi32>, vector<16xi32>], vector<16xf32>,
        tpu.vector_store_idx %arg14[%add3A_12, %add3A_1566], %mul3A_1693 : memref<64x129xf32, #tpu.memory_space<vmem>>[vector<16xi32>, vector<16xi32>], vector<16xf32>,
      }
      %scan3A_1249 = arith.constant 32 : i32
      %dma_start3A_1250 = arith.constant 0 : i32
      %dma_start3A_1251 = arith.constant 0 : i32
      %dma_start3A_1252 = arith.constant 0 : i32
      %dma_start3A_1253 = tpu.memref_slice %arg14[%dma_start3A_1251, %dma_start3A_1252] : memref<64x129xf32, #tpu.memory_space<vmem>> -> memref<8x128xf32, #tpu.memory_space<vmem>>
      %dma_start3A_1254 = arith.constant 0 : i32
      %dma_start3A_1255 = arith.constant 0 : i32
      %dma_start3A_1256 = tpu.memref_slice %arg4[%add3A_1202, %dma_start3A_1250, %add3A, %dma_start3A_1254, %dma_start3A_1255] : memref<200x8x32x8x128xf32, #tpu.memory_space<hbm>> -> memref<1x1x1x8x128xf32, #tpu.memory_space<hbm>>
      %dma_start3A_1257 = tpu.memref_squeeze %dma_start3A_1256 : memref<1x1x1x8x128xf32, #tpu.memory_space<hbm>> -> memref<8x128xf32, #tpu.memory_space<hbm>>
      %dma_start3A_1258 = arith.constant 0 : i32
      %dma_start3A_1259 = arith.constant 0 : i32
      %dma_start3A_1260 = tpu.memref_slice %arg4[%add3A_1202, %dma_start3A_1250, %add3A, %dma_start3A_1258, %dma_start3A_1259] : memref<200x8x32x8x128xf32, #tpu.memory_space<hbm>> -> memref<1x1x1x8x128xf32, #tpu.memory_space<hbm>>
      %dma_start3A_1261 = tpu.memref_squeeze %dma_start3A_1260 : memref<1x1x1x8x128xf32, #tpu.memory_space<hbm>> -> memref<8x128xf32, #tpu.memory_space<hbm>>
      %dma_start3A_1262 = arith.constant 0 : i32
      %dma_start3A_1263 = arith.constant 0 : i32
      %dma_start3A_1264 = tpu.memref_slice %arg14[%dma_start3A_1262, %dma_start3A_1263] : memref<64x129xf32, #tpu.memory_space<vmem>> -> memref<8x128xf32, #tpu.memory_space<vmem>>
      tpu.enqueue_dma source(%dma_start3A_1264 : memref<8x128xf32, #tpu.memory_space<vmem>>) target(%dma_start3A_1261 : memref<8x128xf32, #tpu.memory_space<hbm>>) target_semaphore(%arg24 : memref<!tpu.dma_semaphore, #tpu.memory_space<semaphore_mem>>)
      %dma_start3A_1265 = arith.constant 1 : i32
      %dma_start3A_1266 = arith.constant 8 : i32
      %dma_start3A_1267 = arith.constant 0 : i32
      %dma_start3A_1268 = tpu.memref_slice %arg14[%dma_start3A_1266, %dma_start3A_1267] : memref<64x129xf32, #tpu.memory_space<vmem>> -> memref<8x128xf32, #tpu.memory_space<vmem>>
      %dma_start3A_1269 = arith.constant 0 : i32
      %dma_start3A_1270 = arith.constant 0 : i32
      %dma_start3A_1271 = tpu.memref_slice %arg4[%add3A_1202, %dma_start3A_1265, %add3A, %dma_start3A_1269, %dma_start3A_1270] : memref<200x8x32x8x128xf32, #tpu.memory_space<hbm>> -> memref<1x1x1x8x128xf32, #tpu.memory_space<hbm>>
      %dma_start3A_1272 = tpu.memref_squeeze %dma_start3A_1271 : memref<1x1x1x8x128xf32, #tpu.memory_space<hbm>> -> memref<8x128xf32, #tpu.memory_space<hbm>>
      %dma_start3A_1273 = arith.constant 0 : i32
      %dma_start3A_1274 = arith.constant 0 : i32
      %dma_start3A_1275 = tpu.memref_slice %arg4[%add3A_1202, %dma_start3A_1265, %add3A, %dma_start3A_1273, %dma_start3A_1274] : memref<200x8x32x8x128xf32, #tpu.memory_space<hbm>> -> memref<1x1x1x8x128xf32, #tpu.memory_space<hbm>>
      %dma_start3A_1276 = tpu.memref_squeeze %dma_start3A_1275 : memref<1x1x1x8x128xf32, #tpu.memory_space<hbm>> -> memref<8x128xf32, #tpu.memory_space<hbm>>
      %dma_start3A_1277 = arith.constant 8 : i32
      %dma_start3A_1278 = arith.constant 0 : i32
      %dma_start3A_1279 = tpu.memref_slice %arg14[%dma_start3A_1277, %dma_start3A_1278] : memref<64x129xf32, #tpu.memory_space<vmem>> -> memref<8x128xf32, #tpu.memory_space<vmem>>
      tpu.enqueue_dma source(%dma_start3A_1279 : memref<8x128xf32, #tpu.memory_space<vmem>>) target(%dma_start3A_1276 : memref<8x128xf32, #tpu.memory_space<hbm>>) target_semaphore(%arg24 : memref<!tpu.dma_semaphore, #tpu.memory_space<semaphore_mem>>)
      %dma_start3A_1280 = arith.constant 2 : i32
      %dma_start3A_1281 = arith.constant 16 : i32
      %dma_start3A_1282 = arith.constant 0 : i32
      %dma_start3A_1283 = tpu.memref_slice %arg14[%dma_start3A_1281, %dma_start3A_1282] : memref<64x129xf32, #tpu.memory_space<vmem>> -> memref<8x128xf32, #tpu.memory_space<vmem>>
      %dma_start3A_1284 = arith.constant 0 : i32
      %dma_start3A_1285 = arith.constant 0 : i32
      %dma_start3A_1286 = tpu.memref_slice %arg4[%add3A_1202, %dma_start3A_1280, %add3A, %dma_start3A_1284, %dma_start3A_1285] : memref<200x8x32x8x128xf32, #tpu.memory_space<hbm>> -> memref<1x1x1x8x128xf32, #tpu.memory_space<hbm>>
      %dma_start3A_1287 = tpu.memref_squeeze %dma_start3A_1286 : memref<1x1x1x8x128xf32, #tpu.memory_space<hbm>> -> memref<8x128xf32, #tpu.memory_space<hbm>>
      %dma_start3A_1288 = arith.constant 0 : i32
      %dma_start3A_1289 = arith.constant 0 : i32
      %dma_start3A_1290 = tpu.memref_slice %arg4[%add3A_1202, %dma_start3A_1280, %add3A, %dma_start3A_1288, %dma_start3A_1289] : memref<200x8x32x8x128xf32, #tpu.memory_space<hbm>> -> memref<1x1x1x8x128xf32, #tpu.memory_space<hbm>>
      %dma_start3A_1291 = tpu.memref_squeeze %dma_start3A_1290 : memref<1x1x1x8x128xf32, #tpu.memory_space<hbm>> -> memref<8x128xf32, #tpu.memory_space<hbm>>
      %dma_start3A_1292 = arith.constant 16 : i32
      %dma_start3A_1293 = arith.constant 0 : i32
      %dma_start3A_1294 = tpu.memref_slice %arg14[%dma_start3A_1292, %dma_start3A_1293] : memref<64x129xf32, #tpu.memory_space<vmem>> -> memref<8x128xf32, #tpu.memory_space<vmem>>
      tpu.enqueue_dma source(%dma_start3A_1294 : memref<8x128xf32, #tpu.memory_space<vmem>>) target(%dma_start3A_1291 : memref<8x128xf32, #tpu.memory_space<hbm>>) target_semaphore(%arg24 : memref<!tpu.dma_semaphore, #tpu.memory_space<semaphore_mem>>)
      %dma_start3A_1295 = arith.constant 3 : i32
      %dma_start3A_1296 = arith.constant 24 : i32
      %dma_start3A_1297 = arith.constant 0 : i32
      %dma_start3A_1298 = tpu.memref_slice %arg14[%dma_start3A_1296, %dma_start3A_1297] : memref<64x129xf32, #tpu.memory_space<vmem>> -> memref<8x128xf32, #tpu.memory_space<vmem>>
      %dma_start3A_1299 = arith.constant 0 : i32
      %dma_start3A_1300 = arith.constant 0 : i32
      %dma_start3A_1301 = tpu.memref_slice %arg4[%add3A_1202, %dma_start3A_1295, %add3A, %dma_start3A_1299, %dma_start3A_1300] : memref<200x8x32x8x128xf32, #tpu.memory_space<hbm>> -> memref<1x1x1x8x128xf32, #tpu.memory_space<hbm>>
      %dma_start3A_1302 = tpu.memref_squeeze %dma_start3A_1301 : memref<1x1x1x8x128xf32, #tpu.memory_space<hbm>> -> memref<8x128xf32, #tpu.memory_space<hbm>>
      %dma_start3A_1303 = arith.constant 0 : i32
      %dma_start3A_1304 = arith.constant 0 : i32
      %dma_start3A_1305 = tpu.memref_slice %arg4[%add3A_1202, %dma_start3A_1295, %add3A, %dma_start3A_1303, %dma_start3A_1304] : memref<200x8x32x8x128xf32, #tpu.memory_space<hbm>> -> memref<1x1x1x8x128xf32, #tpu.memory_space<hbm>>
      %dma_start3A_1306 = tpu.memref_squeeze %dma_start3A_1305 : memref<1x1x1x8x128xf32, #tpu.memory_space<hbm>> -> memref<8x128xf32, #tpu.memory_space<hbm>>
      %dma_start3A_1307 = arith.constant 24 : i32
      %dma_start3A_1308 = arith.constant 0 : i32
      %dma_start3A_1309 = tpu.memref_slice %arg14[%dma_start3A_1307, %dma_start3A_1308] : memref<64x129xf32, #tpu.memory_space<vmem>> -> memref<8x128xf32, #tpu.memory_space<vmem>>
      tpu.enqueue_dma source(%dma_start3A_1309 : memref<8x128xf32, #tpu.memory_space<vmem>>) target(%dma_start3A_1306 : memref<8x128xf32, #tpu.memory_space<hbm>>) target_semaphore(%arg24 : memref<!tpu.dma_semaphore, #tpu.memory_space<semaphore_mem>>)
      %dma_start3A_1310 = arith.constant 4 : i32
      %dma_start3A_1311 = arith.constant 32 : i32
      %dma_start3A_1312 = arith.constant 0 : i32
      %dma_start3A_1313 = tpu.memref_slice %arg14[%dma_start3A_1311, %dma_start3A_1312] : memref<64x129xf32, #tpu.memory_space<vmem>> -> memref<8x128xf32, #tpu.memory_space<vmem>>
      %dma_start3A_1314 = arith.constant 0 : i32
      %dma_start3A_1315 = arith.constant 0 : i32
      %dma_start3A_1316 = tpu.memref_slice %arg4[%add3A_1202, %dma_start3A_1310, %add3A, %dma_start3A_1314, %dma_start3A_1315] : memref<200x8x32x8x128xf32, #tpu.memory_space<hbm>> -> memref<1x1x1x8x128xf32, #tpu.memory_space<hbm>>
      %dma_start3A_1317 = tpu.memref_squeeze %dma_start3A_1316 : memref<1x1x1x8x128xf32, #tpu.memory_space<hbm>> -> memref<8x128xf32, #tpu.memory_space<hbm>>
      %dma_start3A_1318 = arith.constant 0 : i32
      %dma_start3A_1319 = arith.constant 0 : i32
      %dma_start3A_1320 = tpu.memref_slice %arg4[%add3A_1202, %dma_start3A_1310, %add3A, %dma_start3A_1318, %dma_start3A_1319] : memref<200x8x32x8x128xf32, #tpu.memory_space<hbm>> -> memref<1x1x1x8x128xf32, #tpu.memory_space<hbm>>
      %dma_start3A_1321 = tpu.memref_squeeze %dma_start3A_1320 : memref<1x1x1x8x128xf32, #tpu.memory_space<hbm>> -> memref<8x128xf32, #tpu.memory_space<hbm>>
      %dma_start3A_1322 = arith.constant 32 : i32
      %dma_start3A_1323 = arith.constant 0 : i32
      %dma_start3A_1324 = tpu.memref_slice %arg14[%dma_start3A_1322, %dma_start3A_1323] : memref<64x129xf32, #tpu.memory_space<vmem>> -> memref<8x128xf32, #tpu.memory_space<vmem>>
      tpu.enqueue_dma source(%dma_start3A_1324 : memref<8x128xf32, #tpu.memory_space<vmem>>) target(%dma_start3A_1321 : memref<8x128xf32, #tpu.memory_space<hbm>>) target_semaphore(%arg24 : memref<!tpu.dma_semaphore, #tpu.memory_space<semaphore_mem>>)
      %dma_start3A_1325 = arith.constant 5 : i32
      %dma_start3A_1326 = arith.constant 40 : i32
      %dma_start3A_1327 = arith.constant 0 : i32
      %dma_start3A_1328 = tpu.memref_slice %arg14[%dma_start3A_1326, %dma_start3A_1327] : memref<64x129xf32, #tpu.memory_space<vmem>> -> memref<8x128xf32, #tpu.memory_space<vmem>>
      %dma_start3A_1329 = arith.constant 0 : i32
      %dma_start3A_1330 = arith.constant 0 : i32
      %dma_start3A_1331 = tpu.memref_slice %arg4[%add3A_1202, %dma_start3A_1325, %add3A, %dma_start3A_1329, %dma_start3A_1330] : memref<200x8x32x8x128xf32, #tpu.memory_space<hbm>> -> memref<1x1x1x8x128xf32, #tpu.memory_space<hbm>>
      %dma_start3A_1332 = tpu.memref_squeeze %dma_start3A_1331 : memref<1x1x1x8x128xf32, #tpu.memory_space<hbm>> -> memref<8x128xf32, #tpu.memory_space<hbm>>
      %dma_start3A_1333 = arith.constant 0 : i32
      %dma_start3A_1334 = arith.constant 0 : i32
      %dma_start3A_1335 = tpu.memref_slice %arg4[%add3A_1202, %dma_start3A_1325, %add3A, %dma_start3A_1333, %dma_start3A_1334] : memref<200x8x32x8x128xf32, #tpu.memory_space<hbm>> -> memref<1x1x1x8x128xf32, #tpu.memory_space<hbm>>
      %dma_start3A_1336 = tpu.memref_squeeze %dma_start3A_1335 : memref<1x1x1x8x128xf32, #tpu.memory_space<hbm>> -> memref<8x128xf32, #tpu.memory_space<hbm>>
      %dma_start3A_1337 = arith.constant 40 : i32
      %dma_start3A_1338 = arith.constant 0 : i32
      %dma_start3A_1339 = tpu.memref_slice %arg14[%dma_start3A_1337, %dma_start3A_1338] : memref<64x129xf32, #tpu.memory_space<vmem>> -> memref<8x128xf32, #tpu.memory_space<vmem>>
      tpu.enqueue_dma source(%dma_start3A_1339 : memref<8x128xf32, #tpu.memory_space<vmem>>) target(%dma_start3A_1336 : memref<8x128xf32, #tpu.memory_space<hbm>>) target_semaphore(%arg24 : memref<!tpu.dma_semaphore, #tpu.memory_space<semaphore_mem>>)
      %dma_start3A_1340 = arith.constant 6 : i32
      %dma_start3A_1341 = arith.constant 48 : i32
      %dma_start3A_1342 = arith.constant 0 : i32
      %dma_start3A_1343 = tpu.memref_slice %arg14[%dma_start3A_1341, %dma_start3A_1342] : memref<64x129xf32, #tpu.memory_space<vmem>> -> memref<8x128xf32, #tpu.memory_space<vmem>>
      %dma_start3A_1344 = arith.constant 0 : i32
      %dma_start3A_1345 = arith.constant 0 : i32
      %dma_start3A_1346 = tpu.memref_slice %arg4[%add3A_1202, %dma_start3A_1340, %add3A, %dma_start3A_1344, %dma_start3A_1345] : memref<200x8x32x8x128xf32, #tpu.memory_space<hbm>> -> memref<1x1x1x8x128xf32, #tpu.memory_space<hbm>>
      %dma_start3A_1347 = tpu.memref_squeeze %dma_start3A_1346 : memref<1x1x1x8x128xf32, #tpu.memory_space<hbm>> -> memref<8x128xf32, #tpu.memory_space<hbm>>
      %dma_start3A_1348 = arith.constant 0 : i32
      %dma_start3A_1349 = arith.constant 0 : i32
      %dma_start3A_1350 = tpu.memref_slice %arg4[%add3A_1202, %dma_start3A_1340, %add3A, %dma_start3A_1348, %dma_start3A_1349] : memref<200x8x32x8x128xf32, #tpu.memory_space<hbm>> -> memref<1x1x1x8x128xf32, #tpu.memory_space<hbm>>
      %dma_start3A_1351 = tpu.memref_squeeze %dma_start3A_1350 : memref<1x1x1x8x128xf32, #tpu.memory_space<hbm>> -> memref<8x128xf32, #tpu.memory_space<hbm>>
      %dma_start3A_1352 = arith.constant 48 : i32
      %dma_start3A_1353 = arith.constant 0 : i32
      %dma_start3A_1354 = tpu.memref_slice %arg14[%dma_start3A_1352, %dma_start3A_1353] : memref<64x129xf32, #tpu.memory_space<vmem>> -> memref<8x128xf32, #tpu.memory_space<vmem>>
      tpu.enqueue_dma source(%dma_start3A_1354 : memref<8x128xf32, #tpu.memory_space<vmem>>) target(%dma_start3A_1351 : memref<8x128xf32, #tpu.memory_space<hbm>>) target_semaphore(%arg24 : memref<!tpu.dma_semaphore, #tpu.memory_space<semaphore_mem>>)
      %dma_start3A_1355 = arith.constant 7 : i32
      %dma_start3A_1356 = arith.constant 56 : i32
      %dma_start3A_1357 = arith.constant 0 : i32
      %dma_start3A_1358 = tpu.memref_slice %arg14[%dma_start3A_1356, %dma_start3A_1357] : memref<64x129xf32, #tpu.memory_space<vmem>> -> memref<8x128xf32, #tpu.memory_space<vmem>>
      %dma_start3A_1359 = arith.constant 0 : i32
      %dma_start3A_1360 = arith.constant 0 : i32
      %dma_start3A_1361 = tpu.memref_slice %arg4[%add3A_1202, %dma_start3A_1355, %add3A, %dma_start3A_1359, %dma_start3A_1360] : memref<200x8x32x8x128xf32, #tpu.memory_space<hbm>> -> memref<1x1x1x8x128xf32, #tpu.memory_space<hbm>>
      %dma_start3A_1362 = tpu.memref_squeeze %dma_start3A_1361 : memref<1x1x1x8x128xf32, #tpu.memory_space<hbm>> -> memref<8x128xf32, #tpu.memory_space<hbm>>
      %dma_start3A_1363 = arith.constant 0 : i32
      %dma_start3A_1364 = arith.constant 0 : i32
      %dma_start3A_1365 = tpu.memref_slice %arg4[%add3A_1202, %dma_start3A_1355, %add3A, %dma_start3A_1363, %dma_start3A_1364] : memref<200x8x32x8x128xf32, #tpu.memory_space<hbm>> -> memref<1x1x1x8x128xf32, #tpu.memory_space<hbm>>
      %dma_start3A_1366 = tpu.memref_squeeze %dma_start3A_1365 : memref<1x1x1x8x128xf32, #tpu.memory_space<hbm>> -> memref<8x128xf32, #tpu.memory_space<hbm>>
      %dma_start3A_1367 = arith.constant 56 : i32
      %dma_start3A_1368 = arith.constant 0 : i32
      %dma_start3A_1369 = tpu.memref_slice %arg14[%dma_start3A_1367, %dma_start3A_1368] : memref<64x129xf32, #tpu.memory_space<vmem>> -> memref<8x128xf32, #tpu.memory_space<vmem>>
      tpu.enqueue_dma source(%dma_start3A_1369 : memref<8x128xf32, #tpu.memory_space<vmem>>) target(%dma_start3A_1366 : memref<8x128xf32, #tpu.memory_space<hbm>>) target_semaphore(%arg24 : memref<!tpu.dma_semaphore, #tpu.memory_space<semaphore_mem>>)
      %mul3A_1370 = arith.constant 5 : i32
      %mul3A_1371 = arith.muli %scan3A_695, %mul3A_1370 : i32
      %add3A_1372 = arith.constant 4 : i32
      %add3A_1373 = arith.addi %mul3A_1371, %add3A_1372 : i32
      %add3A_1374 = arith.constant 5 : i32
      %add3A_1375 = arith.addi %add3A_1373, %add3A_1374 : i32
      %sub3A_1376 = arith.constant 1 : i32
      %sub3A_1377 = arith.subi %add3A_1375, %sub3A_1376 : i32
      %lt3A_1378 = arith.constant 200 : i32
      %lt3A_1379 = arith.cmpi slt, %sub3A_1377, %lt3A_1378 : i32
      %convert_element_type3A_1380 = arith.extui %lt3A_1379 : i1 to i32
      %cond3A_1381 = arith.constant 0 : i32
      %cond3A_1382 = arith.cmpi ne, %convert_element_type3A_1380, %cond3A_1381 : i32
      scf.if %cond3A_1382 {
        %dma_wait3A_1541 = arith.constant 0 : i32
        %dma_wait3A_1542 = arith.constant 0 : i32
        %dma_wait3A_1543 = arith.constant 0 : i32
        %dma_wait3A_1544 = arith.constant 0 : i32
        %dma_wait3A_1545 = tpu.memref_slice %arg14[%dma_wait3A_1543, %dma_wait3A_1544] : memref<64x129xf32, #tpu.memory_space<vmem>> -> memref<8x128xf32, #tpu.memory_space<vmem>>
        %dma_wait3A_1546 = arith.constant 0 : i32
        %dma_wait3A_1547 = arith.constant 0 : i32
        %dma_wait3A_1548 = tpu.memref_slice %arg4[%dma_wait3A_1541, %dma_wait3A_1542, %add3A, %dma_wait3A_1546, %dma_wait3A_1547] : memref<200x8x32x8x128xf32, #tpu.memory_space<hbm>> -> memref<1x1x1x8x128xf32, #tpu.memory_space<hbm>>
        %dma_wait3A_1549 = tpu.memref_squeeze %dma_wait3A_1548 : memref<1x1x1x8x128xf32, #tpu.memory_space<hbm>> -> memref<8x128xf32, #tpu.memory_space<hbm>>
        %dma_wait3A_1550 = arith.constant 0 : i32
        %dma_wait3A_1551 = arith.constant 0 : i32
        %dma_wait3A_1552 = tpu.memref_slice %arg4[%dma_wait3A_1541, %dma_wait3A_1542, %add3A, %dma_wait3A_1550, %dma_wait3A_1551] : memref<200x8x32x8x128xf32, #tpu.memory_space<hbm>> -> memref<1x1x1x8x128xf32, #tpu.memory_space<hbm>>
        %dma_wait3A_1553 = tpu.memref_squeeze %dma_wait3A_1552 : memref<1x1x1x8x128xf32, #tpu.memory_space<hbm>> -> memref<8x128xf32, #tpu.memory_space<hbm>>
        %dma_wait3A_1554 = arith.constant 0 : i32
        %dma_wait3A_1555 = arith.constant 0 : i32
        %dma_wait3A_1556 = tpu.memref_slice %arg14[%dma_wait3A_1554, %dma_wait3A_1555] : memref<64x129xf32, #tpu.memory_space<vmem>> -> memref<8x128xf32, #tpu.memory_space<vmem>>
        tpu.wait_dma2 semaphore(%arg24 : memref<!tpu.dma_semaphore, #tpu.memory_space<semaphore_mem>>) src(%dma_wait3A_1556 : memref<8x128xf32, #tpu.memory_space<vmem>>) dst(%dma_wait3A_1553 : memref<8x128xf32, #tpu.memory_space<hbm>>)
        %dma_wait3A_1557 = arith.constant 0 : i32
        %dma_wait3A_1558 = arith.constant 1 : i32
        %dma_wait3A_1559 = arith.constant 8 : i32
        %dma_wait3A_1560 = arith.constant 0 : i32
        %dma_wait3A_1561 = tpu.memref_slice %arg14[%dma_wait3A_1559, %dma_wait3A_1560] : memref<64x129xf32, #tpu.memory_space<vmem>> -> memref<8x128xf32, #tpu.memory_space<vmem>>
        %dma_wait3A_1562 = arith.constant 0 : i32
        %dma_wait3A_1563 = arith.constant 0 : i32
        %dma_wait3A_1564 = tpu.memref_slice %arg4[%dma_wait3A_1557, %dma_wait3A_1558, %add3A, %dma_wait3A_1562, %dma_wait3A_1563] : memref<200x8x32x8x128xf32, #tpu.memory_space<hbm>> -> memref<1x1x1x8x128xf32, #tpu.memory_space<hbm>>
        %dma_wait3A_1565 = tpu.memref_squeeze %dma_wait3A_1564 : memref<1x1x1x8x128xf32, #tpu.memory_space<hbm>> -> memref<8x128xf32, #tpu.memory_space<hbm>>
        %dma_wait3A_1566 = arith.constant 0 : i32
        %dma_wait3A_1567 = arith.constant 0 : i32
        %dma_wait3A_1568 = tpu.memref_slice %arg4[%dma_wait3A_1557, %dma_wait3A_1558, %add3A, %dma_wait3A_1566, %dma_wait3A_1567] : memref<200x8x32x8x128xf32, #tpu.memory_space<hbm>> -> memref<1x1x1x8x128xf32, #tpu.memory_space<hbm>>
        %dma_wait3A_1569 = tpu.memref_squeeze %dma_wait3A_1568 : memref<1x1x1x8x128xf32, #tpu.memory_space<hbm>> -> memref<8x128xf32, #tpu.memory_space<hbm>>
        %dma_wait3A_1570 = arith.constant 8 : i32
        %dma_wait3A_1571 = arith.constant 0 : i32
        %dma_wait3A_1572 = tpu.memref_slice %arg14[%dma_wait3A_1570, %dma_wait3A_1571] : memref<64x129xf32, #tpu.memory_space<vmem>> -> memref<8x128xf32, #tpu.memory_space<vmem>>
        tpu.wait_dma2 semaphore(%arg24 : memref<!tpu.dma_semaphore, #tpu.memory_space<semaphore_mem>>) src(%dma_wait3A_1572 : memref<8x128xf32, #tpu.memory_space<vmem>>) dst(%dma_wait3A_1569 : memref<8x128xf32, #tpu.memory_space<hbm>>)
        %dma_wait3A_1573 = arith.constant 0 : i32
        %dma_wait3A_1574 = arith.constant 2 : i32
        %dma_wait3A_1575 = arith.constant 16 : i32
        %dma_wait3A_1576 = arith.constant 0 : i32
        %dma_wait3A_1577 = tpu.memref_slice %arg14[%dma_wait3A_1575, %dma_wait3A_1576] : memref<64x129xf32, #tpu.memory_space<vmem>> -> memref<8x128xf32, #tpu.memory_space<vmem>>
        %dma_wait3A_1578 = arith.constant 0 : i32
        %dma_wait3A_1579 = arith.constant 0 : i32
        %dma_wait3A_1580 = tpu.memref_slice %arg4[%dma_wait3A_1573, %dma_wait3A_1574, %add3A, %dma_wait3A_1578, %dma_wait3A_1579] : memref<200x8x32x8x128xf32, #tpu.memory_space<hbm>> -> memref<1x1x1x8x128xf32, #tpu.memory_space<hbm>>
        %dma_wait3A_1581 = tpu.memref_squeeze %dma_wait3A_1580 : memref<1x1x1x8x128xf32, #tpu.memory_space<hbm>> -> memref<8x128xf32, #tpu.memory_space<hbm>>
        %dma_wait3A_1582 = arith.constant 0 : i32
        %dma_wait3A_1583 = arith.constant 0 : i32
        %dma_wait3A_1584 = tpu.memref_slice %arg4[%dma_wait3A_1573, %dma_wait3A_1574, %add3A, %dma_wait3A_1582, %dma_wait3A_1583] : memref<200x8x32x8x128xf32, #tpu.memory_space<hbm>> -> memref<1x1x1x8x128xf32, #tpu.memory_space<hbm>>
        %dma_wait3A_1585 = tpu.memref_squeeze %dma_wait3A_1584 : memref<1x1x1x8x128xf32, #tpu.memory_space<hbm>> -> memref<8x128xf32, #tpu.memory_space<hbm>>
        %dma_wait3A_1586 = arith.constant 16 : i32
        %dma_wait3A_1587 = arith.constant 0 : i32
        %dma_wait3A_1588 = tpu.memref_slice %arg14[%dma_wait3A_1586, %dma_wait3A_1587] : memref<64x129xf32, #tpu.memory_space<vmem>> -> memref<8x128xf32, #tpu.memory_space<vmem>>
        tpu.wait_dma2 semaphore(%arg24 : memref<!tpu.dma_semaphore, #tpu.memory_space<semaphore_mem>>) src(%dma_wait3A_1588 : memref<8x128xf32, #tpu.memory_space<vmem>>) dst(%dma_wait3A_1585 : memref<8x128xf32, #tpu.memory_space<hbm>>)
        %dma_wait3A_1589 = arith.constant 0 : i32
        %dma_wait3A_1590 = arith.constant 3 : i32
        %dma_wait3A_1591 = arith.constant 24 : i32
        %dma_wait3A_1592 = arith.constant 0 : i32
        %dma_wait3A_1593 = tpu.memref_slice %arg14[%dma_wait3A_1591, %dma_wait3A_1592] : memref<64x129xf32, #tpu.memory_space<vmem>> -> memref<8x128xf32, #tpu.memory_space<vmem>>
        %dma_wait3A_1594 = arith.constant 0 : i32
        %dma_wait3A_1595 = arith.constant 0 : i32
        %dma_wait3A_1596 = tpu.memref_slice %arg4[%dma_wait3A_1589, %dma_wait3A_1590, %add3A, %dma_wait3A_1594, %dma_wait3A_1595] : memref<200x8x32x8x128xf32, #tpu.memory_space<hbm>> -> memref<1x1x1x8x128xf32, #tpu.memory_space<hbm>>
        %dma_wait3A_1597 = tpu.memref_squeeze %dma_wait3A_1596 : memref<1x1x1x8x128xf32, #tpu.memory_space<hbm>> -> memref<8x128xf32, #tpu.memory_space<hbm>>
        %dma_wait3A_1598 = arith.constant 0 : i32
        %dma_wait3A_1599 = arith.constant 0 : i32
        %dma_wait3A_1600 = tpu.memref_slice %arg4[%dma_wait3A_1589, %dma_wait3A_1590, %add3A, %dma_wait3A_1598, %dma_wait3A_1599] : memref<200x8x32x8x128xf32, #tpu.memory_space<hbm>> -> memref<1x1x1x8x128xf32, #tpu.memory_space<hbm>>
        %dma_wait3A_1601 = tpu.memref_squeeze %dma_wait3A_1600 : memref<1x1x1x8x128xf32, #tpu.memory_space<hbm>> -> memref<8x128xf32, #tpu.memory_space<hbm>>
        %dma_wait3A_1602 = arith.constant 24 : i32
        %dma_wait3A_1603 = arith.constant 0 : i32
        %dma_wait3A_1604 = tpu.memref_slice %arg14[%dma_wait3A_1602, %dma_wait3A_1603] : memref<64x129xf32, #tpu.memory_space<vmem>> -> memref<8x128xf32, #tpu.memory_space<vmem>>
        tpu.wait_dma2 semaphore(%arg24 : memref<!tpu.dma_semaphore, #tpu.memory_space<semaphore_mem>>) src(%dma_wait3A_1604 : memref<8x128xf32, #tpu.memory_space<vmem>>) dst(%dma_wait3A_1601 : memref<8x128xf32, #tpu.memory_space<hbm>>)
        %dma_wait3A_1605 = arith.constant 0 : i32
        %dma_wait3A_1606 = arith.constant 4 : i32
        %dma_wait3A_1607 = arith.constant 32 : i32
        %dma_wait3A_1608 = arith.constant 0 : i32
        %dma_wait3A_1609 = tpu.memref_slice %arg14[%dma_wait3A_1607, %dma_wait3A_1608] : memref<64x129xf32, #tpu.memory_space<vmem>> -> memref<8x128xf32, #tpu.memory_space<vmem>>
        %dma_wait3A_1610 = arith.constant 0 : i32
        %dma_wait3A_1611 = arith.constant 0 : i32
        %dma_wait3A_1612 = tpu.memref_slice %arg4[%dma_wait3A_1605, %dma_wait3A_1606, %add3A, %dma_wait3A_1610, %dma_wait3A_1611] : memref<200x8x32x8x128xf32, #tpu.memory_space<hbm>> -> memref<1x1x1x8x128xf32, #tpu.memory_space<hbm>>
        %dma_wait3A_1613 = tpu.memref_squeeze %dma_wait3A_1612 : memref<1x1x1x8x128xf32, #tpu.memory_space<hbm>> -> memref<8x128xf32, #tpu.memory_space<hbm>>
        %dma_wait3A_1614 = arith.constant 0 : i32
        %dma_wait3A_1615 = arith.constant 0 : i32
        %dma_wait3A_1616 = tpu.memref_slice %arg4[%dma_wait3A_1605, %dma_wait3A_1606, %add3A, %dma_wait3A_1614, %dma_wait3A_1615] : memref<200x8x32x8x128xf32, #tpu.memory_space<hbm>> -> memref<1x1x1x8x128xf32, #tpu.memory_space<hbm>>
        %dma_wait3A_1617 = tpu.memref_squeeze %dma_wait3A_1616 : memref<1x1x1x8x128xf32, #tpu.memory_space<hbm>> -> memref<8x128xf32, #tpu.memory_space<hbm>>
        %dma_wait3A_1618 = arith.constant 32 : i32
        %dma_wait3A_1619 = arith.constant 0 : i32
        %dma_wait3A_1620 = tpu.memref_slice %arg14[%dma_wait3A_1618, %dma_wait3A_1619] : memref<64x129xf32, #tpu.memory_space<vmem>> -> memref<8x128xf32, #tpu.memory_space<vmem>>
        tpu.wait_dma2 semaphore(%arg24 : memref<!tpu.dma_semaphore, #tpu.memory_space<semaphore_mem>>) src(%dma_wait3A_1620 : memref<8x128xf32, #tpu.memory_space<vmem>>) dst(%dma_wait3A_1617 : memref<8x128xf32, #tpu.memory_space<hbm>>)
        %dma_wait3A_1621 = arith.constant 0 : i32
        %dma_wait3A_1622 = arith.constant 5 : i32
        %dma_wait3A_1623 = arith.constant 40 : i32
        %dma_wait3A_1624 = arith.constant 0 : i32
        %dma_wait3A_1625 = tpu.memref_slice %arg14[%dma_wait3A_1623, %dma_wait3A_1624] : memref<64x129xf32, #tpu.memory_space<vmem>> -> memref<8x128xf32, #tpu.memory_space<vmem>>
        %dma_wait3A_1626 = arith.constant 0 : i32
        %dma_wait3A_1627 = arith.constant 0 : i32
        %dma_wait3A_1628 = tpu.memref_slice %arg4[%dma_wait3A_1621, %dma_wait3A_1622, %add3A, %dma_wait3A_1626, %dma_wait3A_1627] : memref<200x8x32x8x128xf32, #tpu.memory_space<hbm>> -> memref<1x1x1x8x128xf32, #tpu.memory_space<hbm>>
        %dma_wait3A_1629 = tpu.memref_squeeze %dma_wait3A_1628 : memref<1x1x1x8x128xf32, #tpu.memory_space<hbm>> -> memref<8x128xf32, #tpu.memory_space<hbm>>
        %dma_wait3A_1630 = arith.constant 0 : i32
        %dma_wait3A_1631 = arith.constant 0 : i32
        %dma_wait3A_1632 = tpu.memref_slice %arg4[%dma_wait3A_1621, %dma_wait3A_1622, %add3A, %dma_wait3A_1630, %dma_wait3A_1631] : memref<200x8x32x8x128xf32, #tpu.memory_space<hbm>> -> memref<1x1x1x8x128xf32, #tpu.memory_space<hbm>>
        %dma_wait3A_1633 = tpu.memref_squeeze %dma_wait3A_1632 : memref<1x1x1x8x128xf32, #tpu.memory_space<hbm>> -> memref<8x128xf32, #tpu.memory_space<hbm>>
        %dma_wait3A_1634 = arith.constant 40 : i32
        %dma_wait3A_1635 = arith.constant 0 : i32
        %dma_wait3A_1636 = tpu.memref_slice %arg14[%dma_wait3A_1634, %dma_wait3A_1635] : memref<64x129xf32, #tpu.memory_space<vmem>> -> memref<8x128xf32, #tpu.memory_space<vmem>>
        tpu.wait_dma2 semaphore(%arg24 : memref<!tpu.dma_semaphore, #tpu.memory_space<semaphore_mem>>) src(%dma_wait3A_1636 : memref<8x128xf32, #tpu.memory_space<vmem>>) dst(%dma_wait3A_1633 : memref<8x128xf32, #tpu.memory_space<hbm>>)
        %dma_wait3A_1637 = arith.constant 0 : i32
        %dma_wait3A_1638 = arith.constant 6 : i32
        %dma_wait3A_1639 = arith.constant 48 : i32
        %dma_wait3A_1640 = arith.constant 0 : i32
        %dma_wait3A_1641 = tpu.memref_slice %arg14[%dma_wait3A_1639, %dma_wait3A_1640] : memref<64x129xf32, #tpu.memory_space<vmem>> -> memref<8x128xf32, #tpu.memory_space<vmem>>
        %dma_wait3A_1642 = arith.constant 0 : i32
        %dma_wait3A_1643 = arith.constant 0 : i32
        %dma_wait3A_1644 = tpu.memref_slice %arg4[%dma_wait3A_1637, %dma_wait3A_1638, %add3A, %dma_wait3A_1642, %dma_wait3A_1643] : memref<200x8x32x8x128xf32, #tpu.memory_space<hbm>> -> memref<1x1x1x8x128xf32, #tpu.memory_space<hbm>>
        %dma_wait3A_1645 = tpu.memref_squeeze %dma_wait3A_1644 : memref<1x1x1x8x128xf32, #tpu.memory_space<hbm>> -> memref<8x128xf32, #tpu.memory_space<hbm>>
        %dma_wait3A_1646 = arith.constant 0 : i32
        %dma_wait3A_1647 = arith.constant 0 : i32
        %dma_wait3A_1648 = tpu.memref_slice %arg4[%dma_wait3A_1637, %dma_wait3A_1638, %add3A, %dma_wait3A_1646, %dma_wait3A_1647] : memref<200x8x32x8x128xf32, #tpu.memory_space<hbm>> -> memref<1x1x1x8x128xf32, #tpu.memory_space<hbm>>
        %dma_wait3A_1649 = tpu.memref_squeeze %dma_wait3A_1648 : memref<1x1x1x8x128xf32, #tpu.memory_space<hbm>> -> memref<8x128xf32, #tpu.memory_space<hbm>>
        %dma_wait3A_1650 = arith.constant 48 : i32
        %dma_wait3A_1651 = arith.constant 0 : i32
        %dma_wait3A_1652 = tpu.memref_slice %arg14[%dma_wait3A_1650, %dma_wait3A_1651] : memref<64x129xf32, #tpu.memory_space<vmem>> -> memref<8x128xf32, #tpu.memory_space<vmem>>
        tpu.wait_dma2 semaphore(%arg24 : memref<!tpu.dma_semaphore, #tpu.memory_space<semaphore_mem>>) src(%dma_wait3A_1652 : memref<8x128xf32, #tpu.memory_space<vmem>>) dst(%dma_wait3A_1649 : memref<8x128xf32, #tpu.memory_space<hbm>>)
        %dma_wait3A_1653 = arith.constant 0 : i32
        %dma_wait3A_1654 = arith.constant 7 : i32
        %dma_wait3A_1655 = arith.constant 56 : i32
        %dma_wait3A_1656 = arith.constant 0 : i32
        %dma_wait3A_1657 = tpu.memref_slice %arg14[%dma_wait3A_1655, %dma_wait3A_1656] : memref<64x129xf32, #tpu.memory_space<vmem>> -> memref<8x128xf32, #tpu.memory_space<vmem>>
        %dma_wait3A_1658 = arith.constant 0 : i32
        %dma_wait3A_1659 = arith.constant 0 : i32
        %dma_wait3A_1660 = tpu.memref_slice %arg4[%dma_wait3A_1653, %dma_wait3A_1654, %add3A, %dma_wait3A_1658, %dma_wait3A_1659] : memref<200x8x32x8x128xf32, #tpu.memory_space<hbm>> -> memref<1x1x1x8x128xf32, #tpu.memory_space<hbm>>
        %dma_wait3A_1661 = tpu.memref_squeeze %dma_wait3A_1660 : memref<1x1x1x8x128xf32, #tpu.memory_space<hbm>> -> memref<8x128xf32, #tpu.memory_space<hbm>>
        %dma_wait3A_1662 = arith.constant 0 : i32
        %dma_wait3A_1663 = arith.constant 0 : i32
        %dma_wait3A_1664 = tpu.memref_slice %arg4[%dma_wait3A_1653, %dma_wait3A_1654, %add3A, %dma_wait3A_1662, %dma_wait3A_1663] : memref<200x8x32x8x128xf32, #tpu.memory_space<hbm>> -> memref<1x1x1x8x128xf32, #tpu.memory_space<hbm>>
        %dma_wait3A_1665 = tpu.memref_squeeze %dma_wait3A_1664 : memref<1x1x1x8x128xf32, #tpu.memory_space<hbm>> -> memref<8x128xf32, #tpu.memory_space<hbm>>
        %dma_wait3A_1666 = arith.constant 56 : i32
        %dma_wait3A_1667 = arith.constant 0 : i32
        %dma_wait3A_1668 = tpu.memref_slice %arg14[%dma_wait3A_1666, %dma_wait3A_1667] : memref<64x129xf32, #tpu.memory_space<vmem>> -> memref<8x128xf32, #tpu.memory_space<vmem>>
        tpu.wait_dma2 semaphore(%arg24 : memref<!tpu.dma_semaphore, #tpu.memory_space<semaphore_mem>>) src(%dma_wait3A_1668 : memref<8x128xf32, #tpu.memory_space<vmem>>) dst(%dma_wait3A_1665 : memref<8x128xf32, #tpu.memory_space<hbm>>)
        %jit3A_1669 = arith.constant 8 : i32
        %div3A_1670 = arith.divsi %sub3A_1377, %jit3A_1669 : i32
        %sign3A_1671 = arith.constant 0 : i32
        %sign3A_1672 = arith.cmpi sgt, %sub3A_1377, %sign3A_1671 : i32
        %sign3A_1673 = arith.extui %sign3A_1672 : i1 to i32
        %sign3A_1674 = arith.constant 0 : i32
        %sign3A_1675 = arith.cmpi slt, %sub3A_1377, %sign3A_1674 : i32
        %sign3A_1676 = arith.extui %sign3A_1675 : i1 to i32
        %sign3A_1677 = arith.subi %sign3A_1673, %sign3A_1676 : i32
        %sign3A_1678 = arith.constant 0 : i32
        %sign3A_1679 = arith.cmpi sgt, %jit3A_1669, %sign3A_1678 : i32
        %sign3A_1680 = arith.extui %sign3A_1679 : i1 to i32
        %sign3A_1681 = arith.constant 0 : i32
        %sign3A_1682 = arith.cmpi slt, %jit3A_1669, %sign3A_1681 : i32
        %sign3A_1683 = arith.extui %sign3A_1682 : i1 to i32
        %sign3A_1684 = arith.subi %sign3A_1680, %sign3A_1683 : i32
        %ne3A_1685 = arith.cmpi ne, %sign3A_1677, %sign3A_1684 : i32
        %rem3A_1686 = arith.remsi %sub3A_1377, %jit3A_1669 : i32
        %ne3A_1687 = arith.constant 0 : i32
        %ne3A_1688 = arith.cmpi ne, %rem3A_1686, %ne3A_1687 : i32
        %and3A_1689 = arith.andi %ne3A_1685, %ne3A_1688 : i1
        %sub3A_1690 = arith.constant 1 : i32
        %sub3A_1691 = arith.subi %div3A_1670, %sub3A_1690 : i32
        %select_n3A_1692 = arith.select %and3A_1689, %sub3A_1691, %div3A_1670 : i32
        %rem3A_1693 = arith.constant 8 : i32
        %rem3A_1694 = arith.remsi %sub3A_1377, %rem3A_1693 : i32
        %dma_start3A_1695 = arith.constant 0 : i32
        %dma_start3A_1696 = tpu.memref_slice %arg5[%select_n3A_1692, %rem3A_1694, %dma_start3A_1695] : memref<25x8x128xi32, #tpu.memory_space<vmem>> -> memref<1x1x128xi32, #tpu.memory_space<vmem>>
        %dma_start3A_1697 = tpu.memref_squeeze %dma_start3A_1696 : memref<1x1x128xi32, #tpu.memory_space<vmem>> -> memref<128xi32, #tpu.memory_space<vmem>>
        %dma_start3A_1698 = arith.constant 0 : i32
        %dma_start3A_1699 = arith.constant 0 : i32
        %dma_start3A_1700 = tpu.memref_slice %arg3[%dma_start3A_1698, %dma_start3A_1699] : memref<1000000x64xf32, #tpu.memory_space<hbm>> -> memref<1000000x64xf32, #tpu.memory_space<hbm>>
        tpu.enqueue_indirect_dma source(%dma_start3A_1700 : memref<1000000x64xf32, #tpu.memory_space<hbm>>) target(%arg9 : memref<128x64xf32, #tpu.memory_space<vmem>>) offsets(%dma_start3A_1697 : memref<128xi32, #tpu.memory_space<vmem>>) semaphore(%arg19 : memref<!tpu.dma_semaphore, #tpu.memory_space<semaphore_mem>>)
      } else {
      }
      %jit3A_1383 = arith.constant 8 : i32
      %div3A_1384 = arith.divsi %add3A_1373, %jit3A_1383 : i32
      %sign3A_1385 = arith.constant 0 : i32
      %sign3A_1386 = arith.cmpi sgt, %add3A_1373, %sign3A_1385 : i32
      %sign3A_1387 = arith.extui %sign3A_1386 : i1 to i32
      %sign3A_1388 = arith.constant 0 : i32
      %sign3A_1389 = arith.cmpi slt, %add3A_1373, %sign3A_1388 : i32
      %sign3A_1390 = arith.extui %sign3A_1389 : i1 to i32
      %sign3A_1391 = arith.subi %sign3A_1387, %sign3A_1390 : i32
      %sign3A_1392 = arith.constant 0 : i32
      %sign3A_1393 = arith.cmpi sgt, %jit3A_1383, %sign3A_1392 : i32
      %sign3A_1394 = arith.extui %sign3A_1393 : i1 to i32
      %sign3A_1395 = arith.constant 0 : i32
      %sign3A_1396 = arith.cmpi slt, %jit3A_1383, %sign3A_1395 : i32
      %sign3A_1397 = arith.extui %sign3A_1396 : i1 to i32
      %sign3A_1398 = arith.subi %sign3A_1394, %sign3A_1397 : i32
      %ne3A_1399 = arith.cmpi ne, %sign3A_1391, %sign3A_1398 : i32
      %rem3A_1400 = arith.remsi %add3A_1373, %jit3A_1383 : i32
      %ne3A_1401 = arith.constant 0 : i32
      %ne3A_1402 = arith.cmpi ne, %rem3A_1400, %ne3A_1401 : i32
      %and3A_1403 = arith.andi %ne3A_1399, %ne3A_1402 : i1
      %sub3A_1404 = arith.constant 1 : i32
      %sub3A_1405 = arith.subi %div3A_1384, %sub3A_1404 : i32
      %select_n3A_1406 = arith.select %and3A_1403, %sub3A_1405, %div3A_1384 : i32
      %rem3A_1407 = arith.constant 8 : i32
      %rem3A_1408 = arith.remsi %add3A_1373, %rem3A_1407 : i32
      %dma_wait3A_1409 = arith.constant 0 : i32
      %dma_wait3A_1410 = tpu.memref_slice %arg5[%select_n3A_1406, %rem3A_1408, %dma_wait3A_1409] : memref<25x8x128xi32, #tpu.memory_space<vmem>> -> memref<1x1x128xi32, #tpu.memory_space<vmem>>
      %dma_wait3A_1411 = tpu.memref_squeeze %dma_wait3A_1410 : memref<1x1x128xi32, #tpu.memory_space<vmem>> -> memref<128xi32, #tpu.memory_space<vmem>>
      %dma_wait3A_1412 = arith.constant 0 : i32
      %dma_wait3A_1413 = arith.constant 0 : i32
      %dma_wait3A_1414 = tpu.memref_slice %arg3[%dma_wait3A_1412, %dma_wait3A_1413] : memref<1000000x64xf32, #tpu.memory_space<hbm>> -> memref<1000000x64xf32, #tpu.memory_space<hbm>>
      tpu.wait_indirect_dma semaphore(%arg20 : memref<!tpu.dma_semaphore, #tpu.memory_space<semaphore_mem>>) src(%dma_wait3A_1414 : memref<1000000x64xf32, #tpu.memory_space<hbm>>) dst(%arg10 : memref<128x64xf32, #tpu.memory_space<vmem>>)
      %scan3A_1415 = arith.constant 0 : i32
      %scan3A_1416 = arith.constant 0 : i32
      %scan3A_1417 = arith.constant 32 : i32
      %scan3A_1418 = arith.addi %scan3A_1416, %scan3A_1417 : i32
      %scan3A_1419 = arith.constant 1 : i32
      scf.for %scan3A_1541 = %scan3A_1416 to %scan3A_1418 step %scan3A_1419  : i32 {
        %mul3A_1542 = arith.constant 4 : i32
        %mul3A_1543 = arith.muli %scan3A_1541, %mul3A_1542 : i32
        %broadcast_in_dim3A = arith.constant 0 : i32
        %broadcast_in_dim3A_1544 = vector.broadcast %broadcast_in_dim3A : i32 to vector<16xi32>
        %add3A_1545 = arith.constant 0 : i32
        %add3A_1546 = arith.addi %mul3A_1543, %add3A_1545 : i32
        %add3A_1547 = vector.broadcast %add3A_1546 : i32 to vector<16xi32>
        %add3A_1548 = arith.addi %broadcast_in_dim3A_1544, %add3A_1547 : vector<16xi32>
        %broadcast_in_dim3A_1549 = arith.constant 0 : i32
        %broadcast_in_dim3A_1550 = vector.broadcast %broadcast_in_dim3A_1549 : i32 to vector<16xi32>
        %add3A_1551 = arith.constant 1 : i32
        %add3A_1552 = arith.addi %mul3A_1543, %add3A_1551 : i32
        %add3A_1553 = vector.broadcast %add3A_1552 : i32 to vector<16xi32>
        %add3A_1554 = arith.addi %broadcast_in_dim3A_1550, %add3A_1553 : vector<16xi32>
        %broadcast_in_dim3A_1555 = arith.constant 0 : i32
        %broadcast_in_dim3A_1556 = vector.broadcast %broadcast_in_dim3A_1555 : i32 to vector<16xi32>
        %add3A_1557 = arith.constant 2 : i32
        %add3A_1558 = arith.addi %mul3A_1543, %add3A_1557 : i32
        %add3A_1559 = vector.broadcast %add3A_1558 : i32 to vector<16xi32>
        %add3A_1560 = arith.addi %broadcast_in_dim3A_1556, %add3A_1559 : vector<16xi32>
        %broadcast_in_dim3A_1561 = arith.constant 0 : i32
        %broadcast_in_dim3A_1562 = vector.broadcast %broadcast_in_dim3A_1561 : i32 to vector<16xi32>
        %add3A_1563 = arith.constant 3 : i32
        %add3A_1564 = arith.addi %mul3A_1543, %add3A_1563 : i32
        %add3A_1565 = vector.broadcast %add3A_1564 : i32 to vector<16xi32>
        %add3A_1566 = arith.addi %broadcast_in_dim3A_1562, %add3A_1565 : vector<16xi32>
        %add3A_1567 = arith.constant 0 : i32
        %add3A_1568 = arith.addi %mul3A_1543, %add3A_1567 : i32
        %get3A = arith.index_cast %add3A_1568 : i32 to index
        %get3A_1569 = arith.constant 0 : index
        %get3A_1570 = tpu.vector_load %arg10[%get3A, %get3A_1569] {strides = array<i32>} : memref<128x64xf32, #tpu.memory_space<vmem>>, vector<16xf32>,
        %mul3A_1571 = arith.constant 8.000000e+00 : f32
        %mul3A_1572 = vector.broadcast %mul3A_1571 : f32 to vector<16xf32>
        %mul3A_1573 = arith.mulf %get3A_1570, %mul3A_1572 : vector<16xf32>
        %add3A_1574 = arith.constant 0 : i32
        %add3A_1575 = arith.addi %mul3A_1543, %add3A_1574 : i32
        %get3A_1576 = arith.index_cast %add3A_1575 : i32 to index
        %get3A_1577 = arith.constant 16 : index
        %get3A_1578 = tpu.vector_load %arg10[%get3A_1576, %get3A_1577] {strides = array<i32>} : memref<128x64xf32, #tpu.memory_space<vmem>>, vector<16xf32>,
        %mul3A_1579 = arith.constant 8.000000e+00 : f32
        %mul3A_1580 = vector.broadcast %mul3A_1579 : f32 to vector<16xf32>
        %mul3A_1581 = arith.mulf %get3A_1578, %mul3A_1580 : vector<16xf32>
        %add3A_1582 = arith.constant 0 : i32
        %add3A_1583 = arith.addi %mul3A_1543, %add3A_1582 : i32
        %get3A_1584 = arith.index_cast %add3A_1583 : i32 to index
        %get3A_1585 = arith.constant 32 : index
        %get3A_1586 = tpu.vector_load %arg10[%get3A_1584, %get3A_1585] {strides = array<i32>} : memref<128x64xf32, #tpu.memory_space<vmem>>, vector<16xf32>,
        %mul3A_1587 = arith.constant 8.000000e+00 : f32
        %mul3A_1588 = vector.broadcast %mul3A_1587 : f32 to vector<16xf32>
        %mul3A_1589 = arith.mulf %get3A_1586, %mul3A_1588 : vector<16xf32>
        %add3A_1590 = arith.constant 0 : i32
        %add3A_1591 = arith.addi %mul3A_1543, %add3A_1590 : i32
        %get3A_1592 = arith.index_cast %add3A_1591 : i32 to index
        %get3A_1593 = arith.constant 48 : index
        %get3A_1594 = tpu.vector_load %arg10[%get3A_1592, %get3A_1593] {strides = array<i32>} : memref<128x64xf32, #tpu.memory_space<vmem>>, vector<16xf32>,
        %mul3A_1595 = arith.constant 8.000000e+00 : f32
        %mul3A_1596 = vector.broadcast %mul3A_1595 : f32 to vector<16xf32>
        %mul3A_1597 = arith.mulf %get3A_1594, %mul3A_1596 : vector<16xf32>
        %add3A_1598 = arith.constant 1 : i32
        %add3A_1599 = arith.addi %mul3A_1543, %add3A_1598 : i32
        %get3A_1600 = arith.index_cast %add3A_1599 : i32 to index
        %get3A_1601 = arith.constant 0 : index
        %get3A_1602 = tpu.vector_load %arg10[%get3A_1600, %get3A_1601] {strides = array<i32>} : memref<128x64xf32, #tpu.memory_space<vmem>>, vector<16xf32>,
        %mul3A_1603 = arith.constant 8.000000e+00 : f32
        %mul3A_1604 = vector.broadcast %mul3A_1603 : f32 to vector<16xf32>
        %mul3A_1605 = arith.mulf %get3A_1602, %mul3A_1604 : vector<16xf32>
        %add3A_1606 = arith.constant 1 : i32
        %add3A_1607 = arith.addi %mul3A_1543, %add3A_1606 : i32
        %get3A_1608 = arith.index_cast %add3A_1607 : i32 to index
        %get3A_1609 = arith.constant 16 : index
        %get3A_1610 = tpu.vector_load %arg10[%get3A_1608, %get3A_1609] {strides = array<i32>} : memref<128x64xf32, #tpu.memory_space<vmem>>, vector<16xf32>,
        %mul3A_1611 = arith.constant 8.000000e+00 : f32
        %mul3A_1612 = vector.broadcast %mul3A_1611 : f32 to vector<16xf32>
        %mul3A_1613 = arith.mulf %get3A_1610, %mul3A_1612 : vector<16xf32>
        %add3A_1614 = arith.constant 1 : i32
        %add3A_1615 = arith.addi %mul3A_1543, %add3A_1614 : i32
        %get3A_1616 = arith.index_cast %add3A_1615 : i32 to index
        %get3A_1617 = arith.constant 32 : index
        %get3A_1618 = tpu.vector_load %arg10[%get3A_1616, %get3A_1617] {strides = array<i32>} : memref<128x64xf32, #tpu.memory_space<vmem>>, vector<16xf32>,
        %mul3A_1619 = arith.constant 8.000000e+00 : f32
        %mul3A_1620 = vector.broadcast %mul3A_1619 : f32 to vector<16xf32>
        %mul3A_1621 = arith.mulf %get3A_1618, %mul3A_1620 : vector<16xf32>
        %add3A_1622 = arith.constant 1 : i32
        %add3A_1623 = arith.addi %mul3A_1543, %add3A_1622 : i32
        %get3A_1624 = arith.index_cast %add3A_1623 : i32 to index
        %get3A_1625 = arith.constant 48 : index
        %get3A_1626 = tpu.vector_load %arg10[%get3A_1624, %get3A_1625] {strides = array<i32>} : memref<128x64xf32, #tpu.memory_space<vmem>>, vector<16xf32>,
        %mul3A_1627 = arith.constant 8.000000e+00 : f32
        %mul3A_1628 = vector.broadcast %mul3A_1627 : f32 to vector<16xf32>
        %mul3A_1629 = arith.mulf %get3A_1626, %mul3A_1628 : vector<16xf32>
        %add3A_1630 = arith.constant 2 : i32
        %add3A_1631 = arith.addi %mul3A_1543, %add3A_1630 : i32
        %get3A_1632 = arith.index_cast %add3A_1631 : i32 to index
        %get3A_1633 = arith.constant 0 : index
        %get3A_1634 = tpu.vector_load %arg10[%get3A_1632, %get3A_1633] {strides = array<i32>} : memref<128x64xf32, #tpu.memory_space<vmem>>, vector<16xf32>,
        %mul3A_1635 = arith.constant 8.000000e+00 : f32
        %mul3A_1636 = vector.broadcast %mul3A_1635 : f32 to vector<16xf32>
        %mul3A_1637 = arith.mulf %get3A_1634, %mul3A_1636 : vector<16xf32>
        %add3A_1638 = arith.constant 2 : i32
        %add3A_1639 = arith.addi %mul3A_1543, %add3A_1638 : i32
        %get3A_1640 = arith.index_cast %add3A_1639 : i32 to index
        %get3A_1641 = arith.constant 16 : index
        %get3A_1642 = tpu.vector_load %arg10[%get3A_1640, %get3A_1641] {strides = array<i32>} : memref<128x64xf32, #tpu.memory_space<vmem>>, vector<16xf32>,
        %mul3A_1643 = arith.constant 8.000000e+00 : f32
        %mul3A_1644 = vector.broadcast %mul3A_1643 : f32 to vector<16xf32>
        %mul3A_1645 = arith.mulf %get3A_1642, %mul3A_1644 : vector<16xf32>
        %add3A_1646 = arith.constant 2 : i32
        %add3A_1647 = arith.addi %mul3A_1543, %add3A_1646 : i32
        %get3A_1648 = arith.index_cast %add3A_1647 : i32 to index
        %get3A_1649 = arith.constant 32 : index
        %get3A_1650 = tpu.vector_load %arg10[%get3A_1648, %get3A_1649] {strides = array<i32>} : memref<128x64xf32, #tpu.memory_space<vmem>>, vector<16xf32>,
        %mul3A_1651 = arith.constant 8.000000e+00 : f32
        %mul3A_1652 = vector.broadcast %mul3A_1651 : f32 to vector<16xf32>
        %mul3A_1653 = arith.mulf %get3A_1650, %mul3A_1652 : vector<16xf32>
        %add3A_1654 = arith.constant 2 : i32
        %add3A_1655 = arith.addi %mul3A_1543, %add3A_1654 : i32
        %get3A_1656 = arith.index_cast %add3A_1655 : i32 to index
        %get3A_1657 = arith.constant 48 : index
        %get3A_1658 = tpu.vector_load %arg10[%get3A_1656, %get3A_1657] {strides = array<i32>} : memref<128x64xf32, #tpu.memory_space<vmem>>, vector<16xf32>,
        %mul3A_1659 = arith.constant 8.000000e+00 : f32
        %mul3A_1660 = vector.broadcast %mul3A_1659 : f32 to vector<16xf32>
        %mul3A_1661 = arith.mulf %get3A_1658, %mul3A_1660 : vector<16xf32>
        %add3A_1662 = arith.constant 3 : i32
        %add3A_1663 = arith.addi %mul3A_1543, %add3A_1662 : i32
        %get3A_1664 = arith.index_cast %add3A_1663 : i32 to index
        %get3A_1665 = arith.constant 0 : index
        %get3A_1666 = tpu.vector_load %arg10[%get3A_1664, %get3A_1665] {strides = array<i32>} : memref<128x64xf32, #tpu.memory_space<vmem>>, vector<16xf32>,
        %mul3A_1667 = arith.constant 8.000000e+00 : f32
        %mul3A_1668 = vector.broadcast %mul3A_1667 : f32 to vector<16xf32>
        %mul3A_1669 = arith.mulf %get3A_1666, %mul3A_1668 : vector<16xf32>
        %add3A_1670 = arith.constant 3 : i32
        %add3A_1671 = arith.addi %mul3A_1543, %add3A_1670 : i32
        %get3A_1672 = arith.index_cast %add3A_1671 : i32 to index
        %get3A_1673 = arith.constant 16 : index
        %get3A_1674 = tpu.vector_load %arg10[%get3A_1672, %get3A_1673] {strides = array<i32>} : memref<128x64xf32, #tpu.memory_space<vmem>>, vector<16xf32>,
        %mul3A_1675 = arith.constant 8.000000e+00 : f32
        %mul3A_1676 = vector.broadcast %mul3A_1675 : f32 to vector<16xf32>
        %mul3A_1677 = arith.mulf %get3A_1674, %mul3A_1676 : vector<16xf32>
        %add3A_1678 = arith.constant 3 : i32
        %add3A_1679 = arith.addi %mul3A_1543, %add3A_1678 : i32
        %get3A_1680 = arith.index_cast %add3A_1679 : i32 to index
        %get3A_1681 = arith.constant 32 : index
        %get3A_1682 = tpu.vector_load %arg10[%get3A_1680, %get3A_1681] {strides = array<i32>} : memref<128x64xf32, #tpu.memory_space<vmem>>, vector<16xf32>,
        %mul3A_1683 = arith.constant 8.000000e+00 : f32
        %mul3A_1684 = vector.broadcast %mul3A_1683 : f32 to vector<16xf32>
        %mul3A_1685 = arith.mulf %get3A_1682, %mul3A_1684 : vector<16xf32>
        %add3A_1686 = arith.constant 3 : i32
        %add3A_1687 = arith.addi %mul3A_1543, %add3A_1686 : i32
        %get3A_1688 = arith.index_cast %add3A_1687 : i32 to index
        %get3A_1689 = arith.constant 48 : index
        %get3A_1690 = tpu.vector_load %arg10[%get3A_1688, %get3A_1689] {strides = array<i32>} : memref<128x64xf32, #tpu.memory_space<vmem>>, vector<16xf32>,
        %mul3A_1691 = arith.constant 8.000000e+00 : f32
        %mul3A_1692 = vector.broadcast %mul3A_1691 : f32 to vector<16xf32>
        %mul3A_1693 = arith.mulf %get3A_1690, %mul3A_1692 : vector<16xf32>
        tpu.vector_store_idx %arg15[%add3A_3, %add3A_1548], %mul3A_1573 : memref<64x129xf32, #tpu.memory_space<vmem>>[vector<16xi32>, vector<16xi32>], vector<16xf32>,
        tpu.vector_store_idx %arg15[%add3A_6, %add3A_1548], %mul3A_1581 : memref<64x129xf32, #tpu.memory_space<vmem>>[vector<16xi32>, vector<16xi32>], vector<16xf32>,
        tpu.vector_store_idx %arg15[%add3A_9, %add3A_1548], %mul3A_1589 : memref<64x129xf32, #tpu.memory_space<vmem>>[vector<16xi32>, vector<16xi32>], vector<16xf32>,
        tpu.vector_store_idx %arg15[%add3A_12, %add3A_1548], %mul3A_1597 : memref<64x129xf32, #tpu.memory_space<vmem>>[vector<16xi32>, vector<16xi32>], vector<16xf32>,
        tpu.vector_store_idx %arg15[%add3A_3, %add3A_1554], %mul3A_1605 : memref<64x129xf32, #tpu.memory_space<vmem>>[vector<16xi32>, vector<16xi32>], vector<16xf32>,
        tpu.vector_store_idx %arg15[%add3A_6, %add3A_1554], %mul3A_1613 : memref<64x129xf32, #tpu.memory_space<vmem>>[vector<16xi32>, vector<16xi32>], vector<16xf32>,
        tpu.vector_store_idx %arg15[%add3A_9, %add3A_1554], %mul3A_1621 : memref<64x129xf32, #tpu.memory_space<vmem>>[vector<16xi32>, vector<16xi32>], vector<16xf32>,
        tpu.vector_store_idx %arg15[%add3A_12, %add3A_1554], %mul3A_1629 : memref<64x129xf32, #tpu.memory_space<vmem>>[vector<16xi32>, vector<16xi32>], vector<16xf32>,
        tpu.vector_store_idx %arg15[%add3A_3, %add3A_1560], %mul3A_1637 : memref<64x129xf32, #tpu.memory_space<vmem>>[vector<16xi32>, vector<16xi32>], vector<16xf32>,
        tpu.vector_store_idx %arg15[%add3A_6, %add3A_1560], %mul3A_1645 : memref<64x129xf32, #tpu.memory_space<vmem>>[vector<16xi32>, vector<16xi32>], vector<16xf32>,
        tpu.vector_store_idx %arg15[%add3A_9, %add3A_1560], %mul3A_1653 : memref<64x129xf32, #tpu.memory_space<vmem>>[vector<16xi32>, vector<16xi32>], vector<16xf32>,
        tpu.vector_store_idx %arg15[%add3A_12, %add3A_1560], %mul3A_1661 : memref<64x129xf32, #tpu.memory_space<vmem>>[vector<16xi32>, vector<16xi32>], vector<16xf32>,
        tpu.vector_store_idx %arg15[%add3A_3, %add3A_1566], %mul3A_1669 : memref<64x129xf32, #tpu.memory_space<vmem>>[vector<16xi32>, vector<16xi32>], vector<16xf32>,
        tpu.vector_store_idx %arg15[%add3A_6, %add3A_1566], %mul3A_1677 : memref<64x129xf32, #tpu.memory_space<vmem>>[vector<16xi32>, vector<16xi32>], vector<16xf32>,
        tpu.vector_store_idx %arg15[%add3A_9, %add3A_1566], %mul3A_1685 : memref<64x129xf32, #tpu.memory_space<vmem>>[vector<16xi32>, vector<16xi32>], vector<16xf32>,
        tpu.vector_store_idx %arg15[%add3A_12, %add3A_1566], %mul3A_1693 : memref<64x129xf32, #tpu.memory_space<vmem>>[vector<16xi32>, vector<16xi32>], vector<16xf32>,
      }
      %scan3A_1420 = arith.constant 32 : i32
      %dma_start3A_1421 = arith.constant 0 : i32
      %dma_start3A_1422 = arith.constant 0 : i32
      %dma_start3A_1423 = arith.constant 0 : i32
      %dma_start3A_1424 = tpu.memref_slice %arg15[%dma_start3A_1422, %dma_start3A_1423] : memref<64x129xf32, #tpu.memory_space<vmem>> -> memref<8x128xf32, #tpu.memory_space<vmem>>
      %dma_start3A_1425 = arith.constant 0 : i32
      %dma_start3A_1426 = arith.constant 0 : i32
      %dma_start3A_1427 = tpu.memref_slice %arg4[%add3A_1373, %dma_start3A_1421, %add3A, %dma_start3A_1425, %dma_start3A_1426] : memref<200x8x32x8x128xf32, #tpu.memory_space<hbm>> -> memref<1x1x1x8x128xf32, #tpu.memory_space<hbm>>
      %dma_start3A_1428 = tpu.memref_squeeze %dma_start3A_1427 : memref<1x1x1x8x128xf32, #tpu.memory_space<hbm>> -> memref<8x128xf32, #tpu.memory_space<hbm>>
      %dma_start3A_1429 = arith.constant 0 : i32
      %dma_start3A_1430 = arith.constant 0 : i32
      %dma_start3A_1431 = tpu.memref_slice %arg4[%add3A_1373, %dma_start3A_1421, %add3A, %dma_start3A_1429, %dma_start3A_1430] : memref<200x8x32x8x128xf32, #tpu.memory_space<hbm>> -> memref<1x1x1x8x128xf32, #tpu.memory_space<hbm>>
      %dma_start3A_1432 = tpu.memref_squeeze %dma_start3A_1431 : memref<1x1x1x8x128xf32, #tpu.memory_space<hbm>> -> memref<8x128xf32, #tpu.memory_space<hbm>>
      %dma_start3A_1433 = arith.constant 0 : i32
      %dma_start3A_1434 = arith.constant 0 : i32
      %dma_start3A_1435 = tpu.memref_slice %arg15[%dma_start3A_1433, %dma_start3A_1434] : memref<64x129xf32, #tpu.memory_space<vmem>> -> memref<8x128xf32, #tpu.memory_space<vmem>>
      tpu.enqueue_dma source(%dma_start3A_1435 : memref<8x128xf32, #tpu.memory_space<vmem>>) target(%dma_start3A_1432 : memref<8x128xf32, #tpu.memory_space<hbm>>) target_semaphore(%arg25 : memref<!tpu.dma_semaphore, #tpu.memory_space<semaphore_mem>>)
      %dma_start3A_1436 = arith.constant 1 : i32
      %dma_start3A_1437 = arith.constant 8 : i32
      %dma_start3A_1438 = arith.constant 0 : i32
      %dma_start3A_1439 = tpu.memref_slice %arg15[%dma_start3A_1437, %dma_start3A_1438] : memref<64x129xf32, #tpu.memory_space<vmem>> -> memref<8x128xf32, #tpu.memory_space<vmem>>
      %dma_start3A_1440 = arith.constant 0 : i32
      %dma_start3A_1441 = arith.constant 0 : i32
      %dma_start3A_1442 = tpu.memref_slice %arg4[%add3A_1373, %dma_start3A_1436, %add3A, %dma_start3A_1440, %dma_start3A_1441] : memref<200x8x32x8x128xf32, #tpu.memory_space<hbm>> -> memref<1x1x1x8x128xf32, #tpu.memory_space<hbm>>
      %dma_start3A_1443 = tpu.memref_squeeze %dma_start3A_1442 : memref<1x1x1x8x128xf32, #tpu.memory_space<hbm>> -> memref<8x128xf32, #tpu.memory_space<hbm>>
      %dma_start3A_1444 = arith.constant 0 : i32
      %dma_start3A_1445 = arith.constant 0 : i32
      %dma_start3A_1446 = tpu.memref_slice %arg4[%add3A_1373, %dma_start3A_1436, %add3A, %dma_start3A_1444, %dma_start3A_1445] : memref<200x8x32x8x128xf32, #tpu.memory_space<hbm>> -> memref<1x1x1x8x128xf32, #tpu.memory_space<hbm>>
      %dma_start3A_1447 = tpu.memref_squeeze %dma_start3A_1446 : memref<1x1x1x8x128xf32, #tpu.memory_space<hbm>> -> memref<8x128xf32, #tpu.memory_space<hbm>>
      %dma_start3A_1448 = arith.constant 8 : i32
      %dma_start3A_1449 = arith.constant 0 : i32
      %dma_start3A_1450 = tpu.memref_slice %arg15[%dma_start3A_1448, %dma_start3A_1449] : memref<64x129xf32, #tpu.memory_space<vmem>> -> memref<8x128xf32, #tpu.memory_space<vmem>>
      tpu.enqueue_dma source(%dma_start3A_1450 : memref<8x128xf32, #tpu.memory_space<vmem>>) target(%dma_start3A_1447 : memref<8x128xf32, #tpu.memory_space<hbm>>) target_semaphore(%arg25 : memref<!tpu.dma_semaphore, #tpu.memory_space<semaphore_mem>>)
      %dma_start3A_1451 = arith.constant 2 : i32
      %dma_start3A_1452 = arith.constant 16 : i32
      %dma_start3A_1453 = arith.constant 0 : i32
      %dma_start3A_1454 = tpu.memref_slice %arg15[%dma_start3A_1452, %dma_start3A_1453] : memref<64x129xf32, #tpu.memory_space<vmem>> -> memref<8x128xf32, #tpu.memory_space<vmem>>
      %dma_start3A_1455 = arith.constant 0 : i32
      %dma_start3A_1456 = arith.constant 0 : i32
      %dma_start3A_1457 = tpu.memref_slice %arg4[%add3A_1373, %dma_start3A_1451, %add3A, %dma_start3A_1455, %dma_start3A_1456] : memref<200x8x32x8x128xf32, #tpu.memory_space<hbm>> -> memref<1x1x1x8x128xf32, #tpu.memory_space<hbm>>
      %dma_start3A_1458 = tpu.memref_squeeze %dma_start3A_1457 : memref<1x1x1x8x128xf32, #tpu.memory_space<hbm>> -> memref<8x128xf32, #tpu.memory_space<hbm>>
      %dma_start3A_1459 = arith.constant 0 : i32
      %dma_start3A_1460 = arith.constant 0 : i32
      %dma_start3A_1461 = tpu.memref_slice %arg4[%add3A_1373, %dma_start3A_1451, %add3A, %dma_start3A_1459, %dma_start3A_1460] : memref<200x8x32x8x128xf32, #tpu.memory_space<hbm>> -> memref<1x1x1x8x128xf32, #tpu.memory_space<hbm>>
      %dma_start3A_1462 = tpu.memref_squeeze %dma_start3A_1461 : memref<1x1x1x8x128xf32, #tpu.memory_space<hbm>> -> memref<8x128xf32, #tpu.memory_space<hbm>>
      %dma_start3A_1463 = arith.constant 16 : i32
      %dma_start3A_1464 = arith.constant 0 : i32
      %dma_start3A_1465 = tpu.memref_slice %arg15[%dma_start3A_1463, %dma_start3A_1464] : memref<64x129xf32, #tpu.memory_space<vmem>> -> memref<8x128xf32, #tpu.memory_space<vmem>>
      tpu.enqueue_dma source(%dma_start3A_1465 : memref<8x128xf32, #tpu.memory_space<vmem>>) target(%dma_start3A_1462 : memref<8x128xf32, #tpu.memory_space<hbm>>) target_semaphore(%arg25 : memref<!tpu.dma_semaphore, #tpu.memory_space<semaphore_mem>>)
      %dma_start3A_1466 = arith.constant 3 : i32
      %dma_start3A_1467 = arith.constant 24 : i32
      %dma_start3A_1468 = arith.constant 0 : i32
      %dma_start3A_1469 = tpu.memref_slice %arg15[%dma_start3A_1467, %dma_start3A_1468] : memref<64x129xf32, #tpu.memory_space<vmem>> -> memref<8x128xf32, #tpu.memory_space<vmem>>
      %dma_start3A_1470 = arith.constant 0 : i32
      %dma_start3A_1471 = arith.constant 0 : i32
      %dma_start3A_1472 = tpu.memref_slice %arg4[%add3A_1373, %dma_start3A_1466, %add3A, %dma_start3A_1470, %dma_start3A_1471] : memref<200x8x32x8x128xf32, #tpu.memory_space<hbm>> -> memref<1x1x1x8x128xf32, #tpu.memory_space<hbm>>
      %dma_start3A_1473 = tpu.memref_squeeze %dma_start3A_1472 : memref<1x1x1x8x128xf32, #tpu.memory_space<hbm>> -> memref<8x128xf32, #tpu.memory_space<hbm>>
      %dma_start3A_1474 = arith.constant 0 : i32
      %dma_start3A_1475 = arith.constant 0 : i32
      %dma_start3A_1476 = tpu.memref_slice %arg4[%add3A_1373, %dma_start3A_1466, %add3A, %dma_start3A_1474, %dma_start3A_1475] : memref<200x8x32x8x128xf32, #tpu.memory_space<hbm>> -> memref<1x1x1x8x128xf32, #tpu.memory_space<hbm>>
      %dma_start3A_1477 = tpu.memref_squeeze %dma_start3A_1476 : memref<1x1x1x8x128xf32, #tpu.memory_space<hbm>> -> memref<8x128xf32, #tpu.memory_space<hbm>>
      %dma_start3A_1478 = arith.constant 24 : i32
      %dma_start3A_1479 = arith.constant 0 : i32
      %dma_start3A_1480 = tpu.memref_slice %arg15[%dma_start3A_1478, %dma_start3A_1479] : memref<64x129xf32, #tpu.memory_space<vmem>> -> memref<8x128xf32, #tpu.memory_space<vmem>>
      tpu.enqueue_dma source(%dma_start3A_1480 : memref<8x128xf32, #tpu.memory_space<vmem>>) target(%dma_start3A_1477 : memref<8x128xf32, #tpu.memory_space<hbm>>) target_semaphore(%arg25 : memref<!tpu.dma_semaphore, #tpu.memory_space<semaphore_mem>>)
      %dma_start3A_1481 = arith.constant 4 : i32
      %dma_start3A_1482 = arith.constant 32 : i32
      %dma_start3A_1483 = arith.constant 0 : i32
      %dma_start3A_1484 = tpu.memref_slice %arg15[%dma_start3A_1482, %dma_start3A_1483] : memref<64x129xf32, #tpu.memory_space<vmem>> -> memref<8x128xf32, #tpu.memory_space<vmem>>
      %dma_start3A_1485 = arith.constant 0 : i32
      %dma_start3A_1486 = arith.constant 0 : i32
      %dma_start3A_1487 = tpu.memref_slice %arg4[%add3A_1373, %dma_start3A_1481, %add3A, %dma_start3A_1485, %dma_start3A_1486] : memref<200x8x32x8x128xf32, #tpu.memory_space<hbm>> -> memref<1x1x1x8x128xf32, #tpu.memory_space<hbm>>
      %dma_start3A_1488 = tpu.memref_squeeze %dma_start3A_1487 : memref<1x1x1x8x128xf32, #tpu.memory_space<hbm>> -> memref<8x128xf32, #tpu.memory_space<hbm>>
      %dma_start3A_1489 = arith.constant 0 : i32
      %dma_start3A_1490 = arith.constant 0 : i32
      %dma_start3A_1491 = tpu.memref_slice %arg4[%add3A_1373, %dma_start3A_1481, %add3A, %dma_start3A_1489, %dma_start3A_1490] : memref<200x8x32x8x128xf32, #tpu.memory_space<hbm>> -> memref<1x1x1x8x128xf32, #tpu.memory_space<hbm>>
      %dma_start3A_1492 = tpu.memref_squeeze %dma_start3A_1491 : memref<1x1x1x8x128xf32, #tpu.memory_space<hbm>> -> memref<8x128xf32, #tpu.memory_space<hbm>>
      %dma_start3A_1493 = arith.constant 32 : i32
      %dma_start3A_1494 = arith.constant 0 : i32
      %dma_start3A_1495 = tpu.memref_slice %arg15[%dma_start3A_1493, %dma_start3A_1494] : memref<64x129xf32, #tpu.memory_space<vmem>> -> memref<8x128xf32, #tpu.memory_space<vmem>>
      tpu.enqueue_dma source(%dma_start3A_1495 : memref<8x128xf32, #tpu.memory_space<vmem>>) target(%dma_start3A_1492 : memref<8x128xf32, #tpu.memory_space<hbm>>) target_semaphore(%arg25 : memref<!tpu.dma_semaphore, #tpu.memory_space<semaphore_mem>>)
      %dma_start3A_1496 = arith.constant 5 : i32
      %dma_start3A_1497 = arith.constant 40 : i32
      %dma_start3A_1498 = arith.constant 0 : i32
      %dma_start3A_1499 = tpu.memref_slice %arg15[%dma_start3A_1497, %dma_start3A_1498] : memref<64x129xf32, #tpu.memory_space<vmem>> -> memref<8x128xf32, #tpu.memory_space<vmem>>
      %dma_start3A_1500 = arith.constant 0 : i32
      %dma_start3A_1501 = arith.constant 0 : i32
      %dma_start3A_1502 = tpu.memref_slice %arg4[%add3A_1373, %dma_start3A_1496, %add3A, %dma_start3A_1500, %dma_start3A_1501] : memref<200x8x32x8x128xf32, #tpu.memory_space<hbm>> -> memref<1x1x1x8x128xf32, #tpu.memory_space<hbm>>
      %dma_start3A_1503 = tpu.memref_squeeze %dma_start3A_1502 : memref<1x1x1x8x128xf32, #tpu.memory_space<hbm>> -> memref<8x128xf32, #tpu.memory_space<hbm>>
      %dma_start3A_1504 = arith.constant 0 : i32
      %dma_start3A_1505 = arith.constant 0 : i32
      %dma_start3A_1506 = tpu.memref_slice %arg4[%add3A_1373, %dma_start3A_1496, %add3A, %dma_start3A_1504, %dma_start3A_1505] : memref<200x8x32x8x128xf32, #tpu.memory_space<hbm>> -> memref<1x1x1x8x128xf32, #tpu.memory_space<hbm>>
      %dma_start3A_1507 = tpu.memref_squeeze %dma_start3A_1506 : memref<1x1x1x8x128xf32, #tpu.memory_space<hbm>> -> memref<8x128xf32, #tpu.memory_space<hbm>>
      %dma_start3A_1508 = arith.constant 40 : i32
      %dma_start3A_1509 = arith.constant 0 : i32
      %dma_start3A_1510 = tpu.memref_slice %arg15[%dma_start3A_1508, %dma_start3A_1509] : memref<64x129xf32, #tpu.memory_space<vmem>> -> memref<8x128xf32, #tpu.memory_space<vmem>>
      tpu.enqueue_dma source(%dma_start3A_1510 : memref<8x128xf32, #tpu.memory_space<vmem>>) target(%dma_start3A_1507 : memref<8x128xf32, #tpu.memory_space<hbm>>) target_semaphore(%arg25 : memref<!tpu.dma_semaphore, #tpu.memory_space<semaphore_mem>>)
      %dma_start3A_1511 = arith.constant 6 : i32
      %dma_start3A_1512 = arith.constant 48 : i32
      %dma_start3A_1513 = arith.constant 0 : i32
      %dma_start3A_1514 = tpu.memref_slice %arg15[%dma_start3A_1512, %dma_start3A_1513] : memref<64x129xf32, #tpu.memory_space<vmem>> -> memref<8x128xf32, #tpu.memory_space<vmem>>
      %dma_start3A_1515 = arith.constant 0 : i32
      %dma_start3A_1516 = arith.constant 0 : i32
      %dma_start3A_1517 = tpu.memref_slice %arg4[%add3A_1373, %dma_start3A_1511, %add3A, %dma_start3A_1515, %dma_start3A_1516] : memref<200x8x32x8x128xf32, #tpu.memory_space<hbm>> -> memref<1x1x1x8x128xf32, #tpu.memory_space<hbm>>
      %dma_start3A_1518 = tpu.memref_squeeze %dma_start3A_1517 : memref<1x1x1x8x128xf32, #tpu.memory_space<hbm>> -> memref<8x128xf32, #tpu.memory_space<hbm>>
      %dma_start3A_1519 = arith.constant 0 : i32
      %dma_start3A_1520 = arith.constant 0 : i32
      %dma_start3A_1521 = tpu.memref_slice %arg4[%add3A_1373, %dma_start3A_1511, %add3A, %dma_start3A_1519, %dma_start3A_1520] : memref<200x8x32x8x128xf32, #tpu.memory_space<hbm>> -> memref<1x1x1x8x128xf32, #tpu.memory_space<hbm>>
      %dma_start3A_1522 = tpu.memref_squeeze %dma_start3A_1521 : memref<1x1x1x8x128xf32, #tpu.memory_space<hbm>> -> memref<8x128xf32, #tpu.memory_space<hbm>>
      %dma_start3A_1523 = arith.constant 48 : i32
      %dma_start3A_1524 = arith.constant 0 : i32
      %dma_start3A_1525 = tpu.memref_slice %arg15[%dma_start3A_1523, %dma_start3A_1524] : memref<64x129xf32, #tpu.memory_space<vmem>> -> memref<8x128xf32, #tpu.memory_space<vmem>>
      tpu.enqueue_dma source(%dma_start3A_1525 : memref<8x128xf32, #tpu.memory_space<vmem>>) target(%dma_start3A_1522 : memref<8x128xf32, #tpu.memory_space<hbm>>) target_semaphore(%arg25 : memref<!tpu.dma_semaphore, #tpu.memory_space<semaphore_mem>>)
      %dma_start3A_1526 = arith.constant 7 : i32
      %dma_start3A_1527 = arith.constant 56 : i32
      %dma_start3A_1528 = arith.constant 0 : i32
      %dma_start3A_1529 = tpu.memref_slice %arg15[%dma_start3A_1527, %dma_start3A_1528] : memref<64x129xf32, #tpu.memory_space<vmem>> -> memref<8x128xf32, #tpu.memory_space<vmem>>
      %dma_start3A_1530 = arith.constant 0 : i32
      %dma_start3A_1531 = arith.constant 0 : i32
      %dma_start3A_1532 = tpu.memref_slice %arg4[%add3A_1373, %dma_start3A_1526, %add3A, %dma_start3A_1530, %dma_start3A_1531] : memref<200x8x32x8x128xf32, #tpu.memory_space<hbm>> -> memref<1x1x1x8x128xf32, #tpu.memory_space<hbm>>
      %dma_start3A_1533 = tpu.memref_squeeze %dma_start3A_1532 : memref<1x1x1x8x128xf32, #tpu.memory_space<hbm>> -> memref<8x128xf32, #tpu.memory_space<hbm>>
      %dma_start3A_1534 = arith.constant 0 : i32
      %dma_start3A_1535 = arith.constant 0 : i32
      %dma_start3A_1536 = tpu.memref_slice %arg4[%add3A_1373, %dma_start3A_1526, %add3A, %dma_start3A_1534, %dma_start3A_1535] : memref<200x8x32x8x128xf32, #tpu.memory_space<hbm>> -> memref<1x1x1x8x128xf32, #tpu.memory_space<hbm>>
      %dma_start3A_1537 = tpu.memref_squeeze %dma_start3A_1536 : memref<1x1x1x8x128xf32, #tpu.memory_space<hbm>> -> memref<8x128xf32, #tpu.memory_space<hbm>>
      %dma_start3A_1538 = arith.constant 56 : i32
      %dma_start3A_1539 = arith.constant 0 : i32
      %dma_start3A_1540 = tpu.memref_slice %arg15[%dma_start3A_1538, %dma_start3A_1539] : memref<64x129xf32, #tpu.memory_space<vmem>> -> memref<8x128xf32, #tpu.memory_space<vmem>>
      tpu.enqueue_dma source(%dma_start3A_1540 : memref<8x128xf32, #tpu.memory_space<vmem>>) target(%dma_start3A_1537 : memref<8x128xf32, #tpu.memory_space<hbm>>) target_semaphore(%arg25 : memref<!tpu.dma_semaphore, #tpu.memory_space<semaphore_mem>>)
    }
    %scan3A_55 = arith.constant 40 : i32
    %dma_wait3A = arith.constant 0 : i32
    %dma_wait3A_56 = arith.constant 0 : i32
    %dma_wait3A_57 = arith.constant 0 : i32
    %dma_wait3A_58 = arith.constant 0 : i32
    %dma_wait3A_59 = tpu.memref_slice %arg11[%dma_wait3A_57, %dma_wait3A_58] : memref<64x129xf32, #tpu.memory_space<vmem>> -> memref<8x128xf32, #tpu.memory_space<vmem>>
    %dma_wait3A_60 = arith.constant 0 : i32
    %dma_wait3A_61 = arith.constant 0 : i32
    %dma_wait3A_62 = tpu.memref_slice %arg4[%dma_wait3A, %dma_wait3A_56, %add3A, %dma_wait3A_60, %dma_wait3A_61] : memref<200x8x32x8x128xf32, #tpu.memory_space<hbm>> -> memref<1x1x1x8x128xf32, #tpu.memory_space<hbm>>
    %dma_wait3A_63 = tpu.memref_squeeze %dma_wait3A_62 : memref<1x1x1x8x128xf32, #tpu.memory_space<hbm>> -> memref<8x128xf32, #tpu.memory_space<hbm>>
    %dma_wait3A_64 = arith.constant 0 : i32
    %dma_wait3A_65 = arith.constant 0 : i32
    %dma_wait3A_66 = tpu.memref_slice %arg4[%dma_wait3A, %dma_wait3A_56, %add3A, %dma_wait3A_64, %dma_wait3A_65] : memref<200x8x32x8x128xf32, #tpu.memory_space<hbm>> -> memref<1x1x1x8x128xf32, #tpu.memory_space<hbm>>
    %dma_wait3A_67 = tpu.memref_squeeze %dma_wait3A_66 : memref<1x1x1x8x128xf32, #tpu.memory_space<hbm>> -> memref<8x128xf32, #tpu.memory_space<hbm>>
    %dma_wait3A_68 = arith.constant 0 : i32
    %dma_wait3A_69 = arith.constant 0 : i32
    %dma_wait3A_70 = tpu.memref_slice %arg11[%dma_wait3A_68, %dma_wait3A_69] : memref<64x129xf32, #tpu.memory_space<vmem>> -> memref<8x128xf32, #tpu.memory_space<vmem>>
    tpu.wait_dma2 semaphore(%arg21 : memref<!tpu.dma_semaphore, #tpu.memory_space<semaphore_mem>>) src(%dma_wait3A_70 : memref<8x128xf32, #tpu.memory_space<vmem>>) dst(%dma_wait3A_67 : memref<8x128xf32, #tpu.memory_space<hbm>>)
    %dma_wait3A_71 = arith.constant 0 : i32
    %dma_wait3A_72 = arith.constant 1 : i32
    %dma_wait3A_73 = arith.constant 8 : i32
    %dma_wait3A_74 = arith.constant 0 : i32
    %dma_wait3A_75 = tpu.memref_slice %arg11[%dma_wait3A_73, %dma_wait3A_74] : memref<64x129xf32, #tpu.memory_space<vmem>> -> memref<8x128xf32, #tpu.memory_space<vmem>>
    %dma_wait3A_76 = arith.constant 0 : i32
    %dma_wait3A_77 = arith.constant 0 : i32
    %dma_wait3A_78 = tpu.memref_slice %arg4[%dma_wait3A_71, %dma_wait3A_72, %add3A, %dma_wait3A_76, %dma_wait3A_77] : memref<200x8x32x8x128xf32, #tpu.memory_space<hbm>> -> memref<1x1x1x8x128xf32, #tpu.memory_space<hbm>>
    %dma_wait3A_79 = tpu.memref_squeeze %dma_wait3A_78 : memref<1x1x1x8x128xf32, #tpu.memory_space<hbm>> -> memref<8x128xf32, #tpu.memory_space<hbm>>
    %dma_wait3A_80 = arith.constant 0 : i32
    %dma_wait3A_81 = arith.constant 0 : i32
    %dma_wait3A_82 = tpu.memref_slice %arg4[%dma_wait3A_71, %dma_wait3A_72, %add3A, %dma_wait3A_80, %dma_wait3A_81] : memref<200x8x32x8x128xf32, #tpu.memory_space<hbm>> -> memref<1x1x1x8x128xf32, #tpu.memory_space<hbm>>
    %dma_wait3A_83 = tpu.memref_squeeze %dma_wait3A_82 : memref<1x1x1x8x128xf32, #tpu.memory_space<hbm>> -> memref<8x128xf32, #tpu.memory_space<hbm>>
    %dma_wait3A_84 = arith.constant 8 : i32
    %dma_wait3A_85 = arith.constant 0 : i32
    %dma_wait3A_86 = tpu.memref_slice %arg11[%dma_wait3A_84, %dma_wait3A_85] : memref<64x129xf32, #tpu.memory_space<vmem>> -> memref<8x128xf32, #tpu.memory_space<vmem>>
    tpu.wait_dma2 semaphore(%arg21 : memref<!tpu.dma_semaphore, #tpu.memory_space<semaphore_mem>>) src(%dma_wait3A_86 : memref<8x128xf32, #tpu.memory_space<vmem>>) dst(%dma_wait3A_83 : memref<8x128xf32, #tpu.memory_space<hbm>>)
    %dma_wait3A_87 = arith.constant 0 : i32
    %dma_wait3A_88 = arith.constant 2 : i32
    %dma_wait3A_89 = arith.constant 16 : i32
    %dma_wait3A_90 = arith.constant 0 : i32
    %dma_wait3A_91 = tpu.memref_slice %arg11[%dma_wait3A_89, %dma_wait3A_90] : memref<64x129xf32, #tpu.memory_space<vmem>> -> memref<8x128xf32, #tpu.memory_space<vmem>>
    %dma_wait3A_92 = arith.constant 0 : i32
    %dma_wait3A_93 = arith.constant 0 : i32
    %dma_wait3A_94 = tpu.memref_slice %arg4[%dma_wait3A_87, %dma_wait3A_88, %add3A, %dma_wait3A_92, %dma_wait3A_93] : memref<200x8x32x8x128xf32, #tpu.memory_space<hbm>> -> memref<1x1x1x8x128xf32, #tpu.memory_space<hbm>>
    %dma_wait3A_95 = tpu.memref_squeeze %dma_wait3A_94 : memref<1x1x1x8x128xf32, #tpu.memory_space<hbm>> -> memref<8x128xf32, #tpu.memory_space<hbm>>
    %dma_wait3A_96 = arith.constant 0 : i32
    %dma_wait3A_97 = arith.constant 0 : i32
    %dma_wait3A_98 = tpu.memref_slice %arg4[%dma_wait3A_87, %dma_wait3A_88, %add3A, %dma_wait3A_96, %dma_wait3A_97] : memref<200x8x32x8x128xf32, #tpu.memory_space<hbm>> -> memref<1x1x1x8x128xf32, #tpu.memory_space<hbm>>
    %dma_wait3A_99 = tpu.memref_squeeze %dma_wait3A_98 : memref<1x1x1x8x128xf32, #tpu.memory_space<hbm>> -> memref<8x128xf32, #tpu.memory_space<hbm>>
    %dma_wait3A_100 = arith.constant 16 : i32
    %dma_wait3A_101 = arith.constant 0 : i32
    %dma_wait3A_102 = tpu.memref_slice %arg11[%dma_wait3A_100, %dma_wait3A_101] : memref<64x129xf32, #tpu.memory_space<vmem>> -> memref<8x128xf32, #tpu.memory_space<vmem>>
    tpu.wait_dma2 semaphore(%arg21 : memref<!tpu.dma_semaphore, #tpu.memory_space<semaphore_mem>>) src(%dma_wait3A_102 : memref<8x128xf32, #tpu.memory_space<vmem>>) dst(%dma_wait3A_99 : memref<8x128xf32, #tpu.memory_space<hbm>>)
    %dma_wait3A_103 = arith.constant 0 : i32
    %dma_wait3A_104 = arith.constant 3 : i32
    %dma_wait3A_105 = arith.constant 24 : i32
    %dma_wait3A_106 = arith.constant 0 : i32
    %dma_wait3A_107 = tpu.memref_slice %arg11[%dma_wait3A_105, %dma_wait3A_106] : memref<64x129xf32, #tpu.memory_space<vmem>> -> memref<8x128xf32, #tpu.memory_space<vmem>>
    %dma_wait3A_108 = arith.constant 0 : i32
    %dma_wait3A_109 = arith.constant 0 : i32
    %dma_wait3A_110 = tpu.memref_slice %arg4[%dma_wait3A_103, %dma_wait3A_104, %add3A, %dma_wait3A_108, %dma_wait3A_109] : memref<200x8x32x8x128xf32, #tpu.memory_space<hbm>> -> memref<1x1x1x8x128xf32, #tpu.memory_space<hbm>>
    %dma_wait3A_111 = tpu.memref_squeeze %dma_wait3A_110 : memref<1x1x1x8x128xf32, #tpu.memory_space<hbm>> -> memref<8x128xf32, #tpu.memory_space<hbm>>
    %dma_wait3A_112 = arith.constant 0 : i32
    %dma_wait3A_113 = arith.constant 0 : i32
    %dma_wait3A_114 = tpu.memref_slice %arg4[%dma_wait3A_103, %dma_wait3A_104, %add3A, %dma_wait3A_112, %dma_wait3A_113] : memref<200x8x32x8x128xf32, #tpu.memory_space<hbm>> -> memref<1x1x1x8x128xf32, #tpu.memory_space<hbm>>
    %dma_wait3A_115 = tpu.memref_squeeze %dma_wait3A_114 : memref<1x1x1x8x128xf32, #tpu.memory_space<hbm>> -> memref<8x128xf32, #tpu.memory_space<hbm>>
    %dma_wait3A_116 = arith.constant 24 : i32
    %dma_wait3A_117 = arith.constant 0 : i32
    %dma_wait3A_118 = tpu.memref_slice %arg11[%dma_wait3A_116, %dma_wait3A_117] : memref<64x129xf32, #tpu.memory_space<vmem>> -> memref<8x128xf32, #tpu.memory_space<vmem>>
    tpu.wait_dma2 semaphore(%arg21 : memref<!tpu.dma_semaphore, #tpu.memory_space<semaphore_mem>>) src(%dma_wait3A_118 : memref<8x128xf32, #tpu.memory_space<vmem>>) dst(%dma_wait3A_115 : memref<8x128xf32, #tpu.memory_space<hbm>>)
    %dma_wait3A_119 = arith.constant 0 : i32
    %dma_wait3A_120 = arith.constant 4 : i32
    %dma_wait3A_121 = arith.constant 32 : i32
    %dma_wait3A_122 = arith.constant 0 : i32
    %dma_wait3A_123 = tpu.memref_slice %arg11[%dma_wait3A_121, %dma_wait3A_122] : memref<64x129xf32, #tpu.memory_space<vmem>> -> memref<8x128xf32, #tpu.memory_space<vmem>>
    %dma_wait3A_124 = arith.constant 0 : i32
    %dma_wait3A_125 = arith.constant 0 : i32
    %dma_wait3A_126 = tpu.memref_slice %arg4[%dma_wait3A_119, %dma_wait3A_120, %add3A, %dma_wait3A_124, %dma_wait3A_125] : memref<200x8x32x8x128xf32, #tpu.memory_space<hbm>> -> memref<1x1x1x8x128xf32, #tpu.memory_space<hbm>>
    %dma_wait3A_127 = tpu.memref_squeeze %dma_wait3A_126 : memref<1x1x1x8x128xf32, #tpu.memory_space<hbm>> -> memref<8x128xf32, #tpu.memory_space<hbm>>
    %dma_wait3A_128 = arith.constant 0 : i32
    %dma_wait3A_129 = arith.constant 0 : i32
    %dma_wait3A_130 = tpu.memref_slice %arg4[%dma_wait3A_119, %dma_wait3A_120, %add3A, %dma_wait3A_128, %dma_wait3A_129] : memref<200x8x32x8x128xf32, #tpu.memory_space<hbm>> -> memref<1x1x1x8x128xf32, #tpu.memory_space<hbm>>
    %dma_wait3A_131 = tpu.memref_squeeze %dma_wait3A_130 : memref<1x1x1x8x128xf32, #tpu.memory_space<hbm>> -> memref<8x128xf32, #tpu.memory_space<hbm>>
    %dma_wait3A_132 = arith.constant 32 : i32
    %dma_wait3A_133 = arith.constant 0 : i32
    %dma_wait3A_134 = tpu.memref_slice %arg11[%dma_wait3A_132, %dma_wait3A_133] : memref<64x129xf32, #tpu.memory_space<vmem>> -> memref<8x128xf32, #tpu.memory_space<vmem>>
    tpu.wait_dma2 semaphore(%arg21 : memref<!tpu.dma_semaphore, #tpu.memory_space<semaphore_mem>>) src(%dma_wait3A_134 : memref<8x128xf32, #tpu.memory_space<vmem>>) dst(%dma_wait3A_131 : memref<8x128xf32, #tpu.memory_space<hbm>>)
    %dma_wait3A_135 = arith.constant 0 : i32
    %dma_wait3A_136 = arith.constant 5 : i32
    %dma_wait3A_137 = arith.constant 40 : i32
    %dma_wait3A_138 = arith.constant 0 : i32
    %dma_wait3A_139 = tpu.memref_slice %arg11[%dma_wait3A_137, %dma_wait3A_138] : memref<64x129xf32, #tpu.memory_space<vmem>> -> memref<8x128xf32, #tpu.memory_space<vmem>>
    %dma_wait3A_140 = arith.constant 0 : i32
    %dma_wait3A_141 = arith.constant 0 : i32
    %dma_wait3A_142 = tpu.memref_slice %arg4[%dma_wait3A_135, %dma_wait3A_136, %add3A, %dma_wait3A_140, %dma_wait3A_141] : memref<200x8x32x8x128xf32, #tpu.memory_space<hbm>> -> memref<1x1x1x8x128xf32, #tpu.memory_space<hbm>>
    %dma_wait3A_143 = tpu.memref_squeeze %dma_wait3A_142 : memref<1x1x1x8x128xf32, #tpu.memory_space<hbm>> -> memref<8x128xf32, #tpu.memory_space<hbm>>
    %dma_wait3A_144 = arith.constant 0 : i32
    %dma_wait3A_145 = arith.constant 0 : i32
    %dma_wait3A_146 = tpu.memref_slice %arg4[%dma_wait3A_135, %dma_wait3A_136, %add3A, %dma_wait3A_144, %dma_wait3A_145] : memref<200x8x32x8x128xf32, #tpu.memory_space<hbm>> -> memref<1x1x1x8x128xf32, #tpu.memory_space<hbm>>
    %dma_wait3A_147 = tpu.memref_squeeze %dma_wait3A_146 : memref<1x1x1x8x128xf32, #tpu.memory_space<hbm>> -> memref<8x128xf32, #tpu.memory_space<hbm>>
    %dma_wait3A_148 = arith.constant 40 : i32
    %dma_wait3A_149 = arith.constant 0 : i32
    %dma_wait3A_150 = tpu.memref_slice %arg11[%dma_wait3A_148, %dma_wait3A_149] : memref<64x129xf32, #tpu.memory_space<vmem>> -> memref<8x128xf32, #tpu.memory_space<vmem>>
    tpu.wait_dma2 semaphore(%arg21 : memref<!tpu.dma_semaphore, #tpu.memory_space<semaphore_mem>>) src(%dma_wait3A_150 : memref<8x128xf32, #tpu.memory_space<vmem>>) dst(%dma_wait3A_147 : memref<8x128xf32, #tpu.memory_space<hbm>>)
    %dma_wait3A_151 = arith.constant 0 : i32
    %dma_wait3A_152 = arith.constant 6 : i32
    %dma_wait3A_153 = arith.constant 48 : i32
    %dma_wait3A_154 = arith.constant 0 : i32
    %dma_wait3A_155 = tpu.memref_slice %arg11[%dma_wait3A_153, %dma_wait3A_154] : memref<64x129xf32, #tpu.memory_space<vmem>> -> memref<8x128xf32, #tpu.memory_space<vmem>>
    %dma_wait3A_156 = arith.constant 0 : i32
    %dma_wait3A_157 = arith.constant 0 : i32
    %dma_wait3A_158 = tpu.memref_slice %arg4[%dma_wait3A_151, %dma_wait3A_152, %add3A, %dma_wait3A_156, %dma_wait3A_157] : memref<200x8x32x8x128xf32, #tpu.memory_space<hbm>> -> memref<1x1x1x8x128xf32, #tpu.memory_space<hbm>>
    %dma_wait3A_159 = tpu.memref_squeeze %dma_wait3A_158 : memref<1x1x1x8x128xf32, #tpu.memory_space<hbm>> -> memref<8x128xf32, #tpu.memory_space<hbm>>
    %dma_wait3A_160 = arith.constant 0 : i32
    %dma_wait3A_161 = arith.constant 0 : i32
    %dma_wait3A_162 = tpu.memref_slice %arg4[%dma_wait3A_151, %dma_wait3A_152, %add3A, %dma_wait3A_160, %dma_wait3A_161] : memref<200x8x32x8x128xf32, #tpu.memory_space<hbm>> -> memref<1x1x1x8x128xf32, #tpu.memory_space<hbm>>
    %dma_wait3A_163 = tpu.memref_squeeze %dma_wait3A_162 : memref<1x1x1x8x128xf32, #tpu.memory_space<hbm>> -> memref<8x128xf32, #tpu.memory_space<hbm>>
    %dma_wait3A_164 = arith.constant 48 : i32
    %dma_wait3A_165 = arith.constant 0 : i32
    %dma_wait3A_166 = tpu.memref_slice %arg11[%dma_wait3A_164, %dma_wait3A_165] : memref<64x129xf32, #tpu.memory_space<vmem>> -> memref<8x128xf32, #tpu.memory_space<vmem>>
    tpu.wait_dma2 semaphore(%arg21 : memref<!tpu.dma_semaphore, #tpu.memory_space<semaphore_mem>>) src(%dma_wait3A_166 : memref<8x128xf32, #tpu.memory_space<vmem>>) dst(%dma_wait3A_163 : memref<8x128xf32, #tpu.memory_space<hbm>>)
    %dma_wait3A_167 = arith.constant 0 : i32
    %dma_wait3A_168 = arith.constant 7 : i32
    %dma_wait3A_169 = arith.constant 56 : i32
    %dma_wait3A_170 = arith.constant 0 : i32
    %dma_wait3A_171 = tpu.memref_slice %arg11[%dma_wait3A_169, %dma_wait3A_170] : memref<64x129xf32, #tpu.memory_space<vmem>> -> memref<8x128xf32, #tpu.memory_space<vmem>>
    %dma_wait3A_172 = arith.constant 0 : i32
    %dma_wait3A_173 = arith.constant 0 : i32
    %dma_wait3A_174 = tpu.memref_slice %arg4[%dma_wait3A_167, %dma_wait3A_168, %add3A, %dma_wait3A_172, %dma_wait3A_173] : memref<200x8x32x8x128xf32, #tpu.memory_space<hbm>> -> memref<1x1x1x8x128xf32, #tpu.memory_space<hbm>>
    %dma_wait3A_175 = tpu.memref_squeeze %dma_wait3A_174 : memref<1x1x1x8x128xf32, #tpu.memory_space<hbm>> -> memref<8x128xf32, #tpu.memory_space<hbm>>
    %dma_wait3A_176 = arith.constant 0 : i32
    %dma_wait3A_177 = arith.constant 0 : i32
    %dma_wait3A_178 = tpu.memref_slice %arg4[%dma_wait3A_167, %dma_wait3A_168, %add3A, %dma_wait3A_176, %dma_wait3A_177] : memref<200x8x32x8x128xf32, #tpu.memory_space<hbm>> -> memref<1x1x1x8x128xf32, #tpu.memory_space<hbm>>
    %dma_wait3A_179 = tpu.memref_squeeze %dma_wait3A_178 : memref<1x1x1x8x128xf32, #tpu.memory_space<hbm>> -> memref<8x128xf32, #tpu.memory_space<hbm>>
    %dma_wait3A_180 = arith.constant 56 : i32
    %dma_wait3A_181 = arith.constant 0 : i32
    %dma_wait3A_182 = tpu.memref_slice %arg11[%dma_wait3A_180, %dma_wait3A_181] : memref<64x129xf32, #tpu.memory_space<vmem>> -> memref<8x128xf32, #tpu.memory_space<vmem>>
    tpu.wait_dma2 semaphore(%arg21 : memref<!tpu.dma_semaphore, #tpu.memory_space<semaphore_mem>>) src(%dma_wait3A_182 : memref<8x128xf32, #tpu.memory_space<vmem>>) dst(%dma_wait3A_179 : memref<8x128xf32, #tpu.memory_space<hbm>>)
    %dma_wait3A_183 = arith.constant 0 : i32
    %dma_wait3A_184 = arith.constant 0 : i32
    %dma_wait3A_185 = arith.constant 0 : i32
    %dma_wait3A_186 = arith.constant 0 : i32
    %dma_wait3A_187 = tpu.memref_slice %arg12[%dma_wait3A_185, %dma_wait3A_186] : memref<64x129xf32, #tpu.memory_space<vmem>> -> memref<8x128xf32, #tpu.memory_space<vmem>>
    %dma_wait3A_188 = arith.constant 0 : i32
    %dma_wait3A_189 = arith.constant 0 : i32
    %dma_wait3A_190 = tpu.memref_slice %arg4[%dma_wait3A_183, %dma_wait3A_184, %add3A, %dma_wait3A_188, %dma_wait3A_189] : memref<200x8x32x8x128xf32, #tpu.memory_space<hbm>> -> memref<1x1x1x8x128xf32, #tpu.memory_space<hbm>>
    %dma_wait3A_191 = tpu.memref_squeeze %dma_wait3A_190 : memref<1x1x1x8x128xf32, #tpu.memory_space<hbm>> -> memref<8x128xf32, #tpu.memory_space<hbm>>
    %dma_wait3A_192 = arith.constant 0 : i32
    %dma_wait3A_193 = arith.constant 0 : i32
    %dma_wait3A_194 = tpu.memref_slice %arg4[%dma_wait3A_183, %dma_wait3A_184, %add3A, %dma_wait3A_192, %dma_wait3A_193] : memref<200x8x32x8x128xf32, #tpu.memory_space<hbm>> -> memref<1x1x1x8x128xf32, #tpu.memory_space<hbm>>
    %dma_wait3A_195 = tpu.memref_squeeze %dma_wait3A_194 : memref<1x1x1x8x128xf32, #tpu.memory_space<hbm>> -> memref<8x128xf32, #tpu.memory_space<hbm>>
    %dma_wait3A_196 = arith.constant 0 : i32
    %dma_wait3A_197 = arith.constant 0 : i32
    %dma_wait3A_198 = tpu.memref_slice %arg12[%dma_wait3A_196, %dma_wait3A_197] : memref<64x129xf32, #tpu.memory_space<vmem>> -> memref<8x128xf32, #tpu.memory_space<vmem>>
    tpu.wait_dma2 semaphore(%arg22 : memref<!tpu.dma_semaphore, #tpu.memory_space<semaphore_mem>>) src(%dma_wait3A_198 : memref<8x128xf32, #tpu.memory_space<vmem>>) dst(%dma_wait3A_195 : memref<8x128xf32, #tpu.memory_space<hbm>>)
    %dma_wait3A_199 = arith.constant 0 : i32
    %dma_wait3A_200 = arith.constant 1 : i32
    %dma_wait3A_201 = arith.constant 8 : i32
    %dma_wait3A_202 = arith.constant 0 : i32
    %dma_wait3A_203 = tpu.memref_slice %arg12[%dma_wait3A_201, %dma_wait3A_202] : memref<64x129xf32, #tpu.memory_space<vmem>> -> memref<8x128xf32, #tpu.memory_space<vmem>>
    %dma_wait3A_204 = arith.constant 0 : i32
    %dma_wait3A_205 = arith.constant 0 : i32
    %dma_wait3A_206 = tpu.memref_slice %arg4[%dma_wait3A_199, %dma_wait3A_200, %add3A, %dma_wait3A_204, %dma_wait3A_205] : memref<200x8x32x8x128xf32, #tpu.memory_space<hbm>> -> memref<1x1x1x8x128xf32, #tpu.memory_space<hbm>>
    %dma_wait3A_207 = tpu.memref_squeeze %dma_wait3A_206 : memref<1x1x1x8x128xf32, #tpu.memory_space<hbm>> -> memref<8x128xf32, #tpu.memory_space<hbm>>
    %dma_wait3A_208 = arith.constant 0 : i32
    %dma_wait3A_209 = arith.constant 0 : i32
    %dma_wait3A_210 = tpu.memref_slice %arg4[%dma_wait3A_199, %dma_wait3A_200, %add3A, %dma_wait3A_208, %dma_wait3A_209] : memref<200x8x32x8x128xf32, #tpu.memory_space<hbm>> -> memref<1x1x1x8x128xf32, #tpu.memory_space<hbm>>
    %dma_wait3A_211 = tpu.memref_squeeze %dma_wait3A_210 : memref<1x1x1x8x128xf32, #tpu.memory_space<hbm>> -> memref<8x128xf32, #tpu.memory_space<hbm>>
    %dma_wait3A_212 = arith.constant 8 : i32
    %dma_wait3A_213 = arith.constant 0 : i32
    %dma_wait3A_214 = tpu.memref_slice %arg12[%dma_wait3A_212, %dma_wait3A_213] : memref<64x129xf32, #tpu.memory_space<vmem>> -> memref<8x128xf32, #tpu.memory_space<vmem>>
    tpu.wait_dma2 semaphore(%arg22 : memref<!tpu.dma_semaphore, #tpu.memory_space<semaphore_mem>>) src(%dma_wait3A_214 : memref<8x128xf32, #tpu.memory_space<vmem>>) dst(%dma_wait3A_211 : memref<8x128xf32, #tpu.memory_space<hbm>>)
    %dma_wait3A_215 = arith.constant 0 : i32
    %dma_wait3A_216 = arith.constant 2 : i32
    %dma_wait3A_217 = arith.constant 16 : i32
    %dma_wait3A_218 = arith.constant 0 : i32
    %dma_wait3A_219 = tpu.memref_slice %arg12[%dma_wait3A_217, %dma_wait3A_218] : memref<64x129xf32, #tpu.memory_space<vmem>> -> memref<8x128xf32, #tpu.memory_space<vmem>>
    %dma_wait3A_220 = arith.constant 0 : i32
    %dma_wait3A_221 = arith.constant 0 : i32
    %dma_wait3A_222 = tpu.memref_slice %arg4[%dma_wait3A_215, %dma_wait3A_216, %add3A, %dma_wait3A_220, %dma_wait3A_221] : memref<200x8x32x8x128xf32, #tpu.memory_space<hbm>> -> memref<1x1x1x8x128xf32, #tpu.memory_space<hbm>>
    %dma_wait3A_223 = tpu.memref_squeeze %dma_wait3A_222 : memref<1x1x1x8x128xf32, #tpu.memory_space<hbm>> -> memref<8x128xf32, #tpu.memory_space<hbm>>
    %dma_wait3A_224 = arith.constant 0 : i32
    %dma_wait3A_225 = arith.constant 0 : i32
    %dma_wait3A_226 = tpu.memref_slice %arg4[%dma_wait3A_215, %dma_wait3A_216, %add3A, %dma_wait3A_224, %dma_wait3A_225] : memref<200x8x32x8x128xf32, #tpu.memory_space<hbm>> -> memref<1x1x1x8x128xf32, #tpu.memory_space<hbm>>
    %dma_wait3A_227 = tpu.memref_squeeze %dma_wait3A_226 : memref<1x1x1x8x128xf32, #tpu.memory_space<hbm>> -> memref<8x128xf32, #tpu.memory_space<hbm>>
    %dma_wait3A_228 = arith.constant 16 : i32
    %dma_wait3A_229 = arith.constant 0 : i32
    %dma_wait3A_230 = tpu.memref_slice %arg12[%dma_wait3A_228, %dma_wait3A_229] : memref<64x129xf32, #tpu.memory_space<vmem>> -> memref<8x128xf32, #tpu.memory_space<vmem>>
    tpu.wait_dma2 semaphore(%arg22 : memref<!tpu.dma_semaphore, #tpu.memory_space<semaphore_mem>>) src(%dma_wait3A_230 : memref<8x128xf32, #tpu.memory_space<vmem>>) dst(%dma_wait3A_227 : memref<8x128xf32, #tpu.memory_space<hbm>>)
    %dma_wait3A_231 = arith.constant 0 : i32
    %dma_wait3A_232 = arith.constant 3 : i32
    %dma_wait3A_233 = arith.constant 24 : i32
    %dma_wait3A_234 = arith.constant 0 : i32
    %dma_wait3A_235 = tpu.memref_slice %arg12[%dma_wait3A_233, %dma_wait3A_234] : memref<64x129xf32, #tpu.memory_space<vmem>> -> memref<8x128xf32, #tpu.memory_space<vmem>>
    %dma_wait3A_236 = arith.constant 0 : i32
    %dma_wait3A_237 = arith.constant 0 : i32
    %dma_wait3A_238 = tpu.memref_slice %arg4[%dma_wait3A_231, %dma_wait3A_232, %add3A, %dma_wait3A_236, %dma_wait3A_237] : memref<200x8x32x8x128xf32, #tpu.memory_space<hbm>> -> memref<1x1x1x8x128xf32, #tpu.memory_space<hbm>>
    %dma_wait3A_239 = tpu.memref_squeeze %dma_wait3A_238 : memref<1x1x1x8x128xf32, #tpu.memory_space<hbm>> -> memref<8x128xf32, #tpu.memory_space<hbm>>
    %dma_wait3A_240 = arith.constant 0 : i32
    %dma_wait3A_241 = arith.constant 0 : i32
    %dma_wait3A_242 = tpu.memref_slice %arg4[%dma_wait3A_231, %dma_wait3A_232, %add3A, %dma_wait3A_240, %dma_wait3A_241] : memref<200x8x32x8x128xf32, #tpu.memory_space<hbm>> -> memref<1x1x1x8x128xf32, #tpu.memory_space<hbm>>
    %dma_wait3A_243 = tpu.memref_squeeze %dma_wait3A_242 : memref<1x1x1x8x128xf32, #tpu.memory_space<hbm>> -> memref<8x128xf32, #tpu.memory_space<hbm>>
    %dma_wait3A_244 = arith.constant 24 : i32
    %dma_wait3A_245 = arith.constant 0 : i32
    %dma_wait3A_246 = tpu.memref_slice %arg12[%dma_wait3A_244, %dma_wait3A_245] : memref<64x129xf32, #tpu.memory_space<vmem>> -> memref<8x128xf32, #tpu.memory_space<vmem>>
    tpu.wait_dma2 semaphore(%arg22 : memref<!tpu.dma_semaphore, #tpu.memory_space<semaphore_mem>>) src(%dma_wait3A_246 : memref<8x128xf32, #tpu.memory_space<vmem>>) dst(%dma_wait3A_243 : memref<8x128xf32, #tpu.memory_space<hbm>>)
    %dma_wait3A_247 = arith.constant 0 : i32
    %dma_wait3A_248 = arith.constant 4 : i32
    %dma_wait3A_249 = arith.constant 32 : i32
    %dma_wait3A_250 = arith.constant 0 : i32
    %dma_wait3A_251 = tpu.memref_slice %arg12[%dma_wait3A_249, %dma_wait3A_250] : memref<64x129xf32, #tpu.memory_space<vmem>> -> memref<8x128xf32, #tpu.memory_space<vmem>>
    %dma_wait3A_252 = arith.constant 0 : i32
    %dma_wait3A_253 = arith.constant 0 : i32
    %dma_wait3A_254 = tpu.memref_slice %arg4[%dma_wait3A_247, %dma_wait3A_248, %add3A, %dma_wait3A_252, %dma_wait3A_253] : memref<200x8x32x8x128xf32, #tpu.memory_space<hbm>> -> memref<1x1x1x8x128xf32, #tpu.memory_space<hbm>>
    %dma_wait3A_255 = tpu.memref_squeeze %dma_wait3A_254 : memref<1x1x1x8x128xf32, #tpu.memory_space<hbm>> -> memref<8x128xf32, #tpu.memory_space<hbm>>
    %dma_wait3A_256 = arith.constant 0 : i32
    %dma_wait3A_257 = arith.constant 0 : i32
    %dma_wait3A_258 = tpu.memref_slice %arg4[%dma_wait3A_247, %dma_wait3A_248, %add3A, %dma_wait3A_256, %dma_wait3A_257] : memref<200x8x32x8x128xf32, #tpu.memory_space<hbm>> -> memref<1x1x1x8x128xf32, #tpu.memory_space<hbm>>
    %dma_wait3A_259 = tpu.memref_squeeze %dma_wait3A_258 : memref<1x1x1x8x128xf32, #tpu.memory_space<hbm>> -> memref<8x128xf32, #tpu.memory_space<hbm>>
    %dma_wait3A_260 = arith.constant 32 : i32
    %dma_wait3A_261 = arith.constant 0 : i32
    %dma_wait3A_262 = tpu.memref_slice %arg12[%dma_wait3A_260, %dma_wait3A_261] : memref<64x129xf32, #tpu.memory_space<vmem>> -> memref<8x128xf32, #tpu.memory_space<vmem>>
    tpu.wait_dma2 semaphore(%arg22 : memref<!tpu.dma_semaphore, #tpu.memory_space<semaphore_mem>>) src(%dma_wait3A_262 : memref<8x128xf32, #tpu.memory_space<vmem>>) dst(%dma_wait3A_259 : memref<8x128xf32, #tpu.memory_space<hbm>>)
    %dma_wait3A_263 = arith.constant 0 : i32
    %dma_wait3A_264 = arith.constant 5 : i32
    %dma_wait3A_265 = arith.constant 40 : i32
    %dma_wait3A_266 = arith.constant 0 : i32
    %dma_wait3A_267 = tpu.memref_slice %arg12[%dma_wait3A_265, %dma_wait3A_266] : memref<64x129xf32, #tpu.memory_space<vmem>> -> memref<8x128xf32, #tpu.memory_space<vmem>>
    %dma_wait3A_268 = arith.constant 0 : i32
    %dma_wait3A_269 = arith.constant 0 : i32
    %dma_wait3A_270 = tpu.memref_slice %arg4[%dma_wait3A_263, %dma_wait3A_264, %add3A, %dma_wait3A_268, %dma_wait3A_269] : memref<200x8x32x8x128xf32, #tpu.memory_space<hbm>> -> memref<1x1x1x8x128xf32, #tpu.memory_space<hbm>>
    %dma_wait3A_271 = tpu.memref_squeeze %dma_wait3A_270 : memref<1x1x1x8x128xf32, #tpu.memory_space<hbm>> -> memref<8x128xf32, #tpu.memory_space<hbm>>
    %dma_wait3A_272 = arith.constant 0 : i32
    %dma_wait3A_273 = arith.constant 0 : i32
    %dma_wait3A_274 = tpu.memref_slice %arg4[%dma_wait3A_263, %dma_wait3A_264, %add3A, %dma_wait3A_272, %dma_wait3A_273] : memref<200x8x32x8x128xf32, #tpu.memory_space<hbm>> -> memref<1x1x1x8x128xf32, #tpu.memory_space<hbm>>
    %dma_wait3A_275 = tpu.memref_squeeze %dma_wait3A_274 : memref<1x1x1x8x128xf32, #tpu.memory_space<hbm>> -> memref<8x128xf32, #tpu.memory_space<hbm>>
    %dma_wait3A_276 = arith.constant 40 : i32
    %dma_wait3A_277 = arith.constant 0 : i32
    %dma_wait3A_278 = tpu.memref_slice %arg12[%dma_wait3A_276, %dma_wait3A_277] : memref<64x129xf32, #tpu.memory_space<vmem>> -> memref<8x128xf32, #tpu.memory_space<vmem>>
    tpu.wait_dma2 semaphore(%arg22 : memref<!tpu.dma_semaphore, #tpu.memory_space<semaphore_mem>>) src(%dma_wait3A_278 : memref<8x128xf32, #tpu.memory_space<vmem>>) dst(%dma_wait3A_275 : memref<8x128xf32, #tpu.memory_space<hbm>>)
    %dma_wait3A_279 = arith.constant 0 : i32
    %dma_wait3A_280 = arith.constant 6 : i32
    %dma_wait3A_281 = arith.constant 48 : i32
    %dma_wait3A_282 = arith.constant 0 : i32
    %dma_wait3A_283 = tpu.memref_slice %arg12[%dma_wait3A_281, %dma_wait3A_282] : memref<64x129xf32, #tpu.memory_space<vmem>> -> memref<8x128xf32, #tpu.memory_space<vmem>>
    %dma_wait3A_284 = arith.constant 0 : i32
    %dma_wait3A_285 = arith.constant 0 : i32
    %dma_wait3A_286 = tpu.memref_slice %arg4[%dma_wait3A_279, %dma_wait3A_280, %add3A, %dma_wait3A_284, %dma_wait3A_285] : memref<200x8x32x8x128xf32, #tpu.memory_space<hbm>> -> memref<1x1x1x8x128xf32, #tpu.memory_space<hbm>>
    %dma_wait3A_287 = tpu.memref_squeeze %dma_wait3A_286 : memref<1x1x1x8x128xf32, #tpu.memory_space<hbm>> -> memref<8x128xf32, #tpu.memory_space<hbm>>
    %dma_wait3A_288 = arith.constant 0 : i32
    %dma_wait3A_289 = arith.constant 0 : i32
    %dma_wait3A_290 = tpu.memref_slice %arg4[%dma_wait3A_279, %dma_wait3A_280, %add3A, %dma_wait3A_288, %dma_wait3A_289] : memref<200x8x32x8x128xf32, #tpu.memory_space<hbm>> -> memref<1x1x1x8x128xf32, #tpu.memory_space<hbm>>
    %dma_wait3A_291 = tpu.memref_squeeze %dma_wait3A_290 : memref<1x1x1x8x128xf32, #tpu.memory_space<hbm>> -> memref<8x128xf32, #tpu.memory_space<hbm>>
    %dma_wait3A_292 = arith.constant 48 : i32
    %dma_wait3A_293 = arith.constant 0 : i32
    %dma_wait3A_294 = tpu.memref_slice %arg12[%dma_wait3A_292, %dma_wait3A_293] : memref<64x129xf32, #tpu.memory_space<vmem>> -> memref<8x128xf32, #tpu.memory_space<vmem>>
    tpu.wait_dma2 semaphore(%arg22 : memref<!tpu.dma_semaphore, #tpu.memory_space<semaphore_mem>>) src(%dma_wait3A_294 : memref<8x128xf32, #tpu.memory_space<vmem>>) dst(%dma_wait3A_291 : memref<8x128xf32, #tpu.memory_space<hbm>>)
    %dma_wait3A_295 = arith.constant 0 : i32
    %dma_wait3A_296 = arith.constant 7 : i32
    %dma_wait3A_297 = arith.constant 56 : i32
    %dma_wait3A_298 = arith.constant 0 : i32
    %dma_wait3A_299 = tpu.memref_slice %arg12[%dma_wait3A_297, %dma_wait3A_298] : memref<64x129xf32, #tpu.memory_space<vmem>> -> memref<8x128xf32, #tpu.memory_space<vmem>>
    %dma_wait3A_300 = arith.constant 0 : i32
    %dma_wait3A_301 = arith.constant 0 : i32
    %dma_wait3A_302 = tpu.memref_slice %arg4[%dma_wait3A_295, %dma_wait3A_296, %add3A, %dma_wait3A_300, %dma_wait3A_301] : memref<200x8x32x8x128xf32, #tpu.memory_space<hbm>> -> memref<1x1x1x8x128xf32, #tpu.memory_space<hbm>>
    %dma_wait3A_303 = tpu.memref_squeeze %dma_wait3A_302 : memref<1x1x1x8x128xf32, #tpu.memory_space<hbm>> -> memref<8x128xf32, #tpu.memory_space<hbm>>
    %dma_wait3A_304 = arith.constant 0 : i32
    %dma_wait3A_305 = arith.constant 0 : i32
    %dma_wait3A_306 = tpu.memref_slice %arg4[%dma_wait3A_295, %dma_wait3A_296, %add3A, %dma_wait3A_304, %dma_wait3A_305] : memref<200x8x32x8x128xf32, #tpu.memory_space<hbm>> -> memref<1x1x1x8x128xf32, #tpu.memory_space<hbm>>
    %dma_wait3A_307 = tpu.memref_squeeze %dma_wait3A_306 : memref<1x1x1x8x128xf32, #tpu.memory_space<hbm>> -> memref<8x128xf32, #tpu.memory_space<hbm>>
    %dma_wait3A_308 = arith.constant 56 : i32
    %dma_wait3A_309 = arith.constant 0 : i32
    %dma_wait3A_310 = tpu.memref_slice %arg12[%dma_wait3A_308, %dma_wait3A_309] : memref<64x129xf32, #tpu.memory_space<vmem>> -> memref<8x128xf32, #tpu.memory_space<vmem>>
    tpu.wait_dma2 semaphore(%arg22 : memref<!tpu.dma_semaphore, #tpu.memory_space<semaphore_mem>>) src(%dma_wait3A_310 : memref<8x128xf32, #tpu.memory_space<vmem>>) dst(%dma_wait3A_307 : memref<8x128xf32, #tpu.memory_space<hbm>>)
    %dma_wait3A_311 = arith.constant 0 : i32
    %dma_wait3A_312 = arith.constant 0 : i32
    %dma_wait3A_313 = arith.constant 0 : i32
    %dma_wait3A_314 = arith.constant 0 : i32
    %dma_wait3A_315 = tpu.memref_slice %arg13[%dma_wait3A_313, %dma_wait3A_314] : memref<64x129xf32, #tpu.memory_space<vmem>> -> memref<8x128xf32, #tpu.memory_space<vmem>>
    %dma_wait3A_316 = arith.constant 0 : i32
    %dma_wait3A_317 = arith.constant 0 : i32
    %dma_wait3A_318 = tpu.memref_slice %arg4[%dma_wait3A_311, %dma_wait3A_312, %add3A, %dma_wait3A_316, %dma_wait3A_317] : memref<200x8x32x8x128xf32, #tpu.memory_space<hbm>> -> memref<1x1x1x8x128xf32, #tpu.memory_space<hbm>>
    %dma_wait3A_319 = tpu.memref_squeeze %dma_wait3A_318 : memref<1x1x1x8x128xf32, #tpu.memory_space<hbm>> -> memref<8x128xf32, #tpu.memory_space<hbm>>
    %dma_wait3A_320 = arith.constant 0 : i32
    %dma_wait3A_321 = arith.constant 0 : i32
    %dma_wait3A_322 = tpu.memref_slice %arg4[%dma_wait3A_311, %dma_wait3A_312, %add3A, %dma_wait3A_320, %dma_wait3A_321] : memref<200x8x32x8x128xf32, #tpu.memory_space<hbm>> -> memref<1x1x1x8x128xf32, #tpu.memory_space<hbm>>
    %dma_wait3A_323 = tpu.memref_squeeze %dma_wait3A_322 : memref<1x1x1x8x128xf32, #tpu.memory_space<hbm>> -> memref<8x128xf32, #tpu.memory_space<hbm>>
    %dma_wait3A_324 = arith.constant 0 : i32
    %dma_wait3A_325 = arith.constant 0 : i32
    %dma_wait3A_326 = tpu.memref_slice %arg13[%dma_wait3A_324, %dma_wait3A_325] : memref<64x129xf32, #tpu.memory_space<vmem>> -> memref<8x128xf32, #tpu.memory_space<vmem>>
    tpu.wait_dma2 semaphore(%arg23 : memref<!tpu.dma_semaphore, #tpu.memory_space<semaphore_mem>>) src(%dma_wait3A_326 : memref<8x128xf32, #tpu.memory_space<vmem>>) dst(%dma_wait3A_323 : memref<8x128xf32, #tpu.memory_space<hbm>>)
    %dma_wait3A_327 = arith.constant 0 : i32
    %dma_wait3A_328 = arith.constant 1 : i32
    %dma_wait3A_329 = arith.constant 8 : i32
    %dma_wait3A_330 = arith.constant 0 : i32
    %dma_wait3A_331 = tpu.memref_slice %arg13[%dma_wait3A_329, %dma_wait3A_330] : memref<64x129xf32, #tpu.memory_space<vmem>> -> memref<8x128xf32, #tpu.memory_space<vmem>>
    %dma_wait3A_332 = arith.constant 0 : i32
    %dma_wait3A_333 = arith.constant 0 : i32
    %dma_wait3A_334 = tpu.memref_slice %arg4[%dma_wait3A_327, %dma_wait3A_328, %add3A, %dma_wait3A_332, %dma_wait3A_333] : memref<200x8x32x8x128xf32, #tpu.memory_space<hbm>> -> memref<1x1x1x8x128xf32, #tpu.memory_space<hbm>>
    %dma_wait3A_335 = tpu.memref_squeeze %dma_wait3A_334 : memref<1x1x1x8x128xf32, #tpu.memory_space<hbm>> -> memref<8x128xf32, #tpu.memory_space<hbm>>
    %dma_wait3A_336 = arith.constant 0 : i32
    %dma_wait3A_337 = arith.constant 0 : i32
    %dma_wait3A_338 = tpu.memref_slice %arg4[%dma_wait3A_327, %dma_wait3A_328, %add3A, %dma_wait3A_336, %dma_wait3A_337] : memref<200x8x32x8x128xf32, #tpu.memory_space<hbm>> -> memref<1x1x1x8x128xf32, #tpu.memory_space<hbm>>
    %dma_wait3A_339 = tpu.memref_squeeze %dma_wait3A_338 : memref<1x1x1x8x128xf32, #tpu.memory_space<hbm>> -> memref<8x128xf32, #tpu.memory_space<hbm>>
    %dma_wait3A_340 = arith.constant 8 : i32
    %dma_wait3A_341 = arith.constant 0 : i32
    %dma_wait3A_342 = tpu.memref_slice %arg13[%dma_wait3A_340, %dma_wait3A_341] : memref<64x129xf32, #tpu.memory_space<vmem>> -> memref<8x128xf32, #tpu.memory_space<vmem>>
    tpu.wait_dma2 semaphore(%arg23 : memref<!tpu.dma_semaphore, #tpu.memory_space<semaphore_mem>>) src(%dma_wait3A_342 : memref<8x128xf32, #tpu.memory_space<vmem>>) dst(%dma_wait3A_339 : memref<8x128xf32, #tpu.memory_space<hbm>>)
    %dma_wait3A_343 = arith.constant 0 : i32
    %dma_wait3A_344 = arith.constant 2 : i32
    %dma_wait3A_345 = arith.constant 16 : i32
    %dma_wait3A_346 = arith.constant 0 : i32
    %dma_wait3A_347 = tpu.memref_slice %arg13[%dma_wait3A_345, %dma_wait3A_346] : memref<64x129xf32, #tpu.memory_space<vmem>> -> memref<8x128xf32, #tpu.memory_space<vmem>>
    %dma_wait3A_348 = arith.constant 0 : i32
    %dma_wait3A_349 = arith.constant 0 : i32
    %dma_wait3A_350 = tpu.memref_slice %arg4[%dma_wait3A_343, %dma_wait3A_344, %add3A, %dma_wait3A_348, %dma_wait3A_349] : memref<200x8x32x8x128xf32, #tpu.memory_space<hbm>> -> memref<1x1x1x8x128xf32, #tpu.memory_space<hbm>>
    %dma_wait3A_351 = tpu.memref_squeeze %dma_wait3A_350 : memref<1x1x1x8x128xf32, #tpu.memory_space<hbm>> -> memref<8x128xf32, #tpu.memory_space<hbm>>
    %dma_wait3A_352 = arith.constant 0 : i32
    %dma_wait3A_353 = arith.constant 0 : i32
    %dma_wait3A_354 = tpu.memref_slice %arg4[%dma_wait3A_343, %dma_wait3A_344, %add3A, %dma_wait3A_352, %dma_wait3A_353] : memref<200x8x32x8x128xf32, #tpu.memory_space<hbm>> -> memref<1x1x1x8x128xf32, #tpu.memory_space<hbm>>
    %dma_wait3A_355 = tpu.memref_squeeze %dma_wait3A_354 : memref<1x1x1x8x128xf32, #tpu.memory_space<hbm>> -> memref<8x128xf32, #tpu.memory_space<hbm>>
    %dma_wait3A_356 = arith.constant 16 : i32
    %dma_wait3A_357 = arith.constant 0 : i32
    %dma_wait3A_358 = tpu.memref_slice %arg13[%dma_wait3A_356, %dma_wait3A_357] : memref<64x129xf32, #tpu.memory_space<vmem>> -> memref<8x128xf32, #tpu.memory_space<vmem>>
    tpu.wait_dma2 semaphore(%arg23 : memref<!tpu.dma_semaphore, #tpu.memory_space<semaphore_mem>>) src(%dma_wait3A_358 : memref<8x128xf32, #tpu.memory_space<vmem>>) dst(%dma_wait3A_355 : memref<8x128xf32, #tpu.memory_space<hbm>>)
    %dma_wait3A_359 = arith.constant 0 : i32
    %dma_wait3A_360 = arith.constant 3 : i32
    %dma_wait3A_361 = arith.constant 24 : i32
    %dma_wait3A_362 = arith.constant 0 : i32
    %dma_wait3A_363 = tpu.memref_slice %arg13[%dma_wait3A_361, %dma_wait3A_362] : memref<64x129xf32, #tpu.memory_space<vmem>> -> memref<8x128xf32, #tpu.memory_space<vmem>>
    %dma_wait3A_364 = arith.constant 0 : i32
    %dma_wait3A_365 = arith.constant 0 : i32
    %dma_wait3A_366 = tpu.memref_slice %arg4[%dma_wait3A_359, %dma_wait3A_360, %add3A, %dma_wait3A_364, %dma_wait3A_365] : memref<200x8x32x8x128xf32, #tpu.memory_space<hbm>> -> memref<1x1x1x8x128xf32, #tpu.memory_space<hbm>>
    %dma_wait3A_367 = tpu.memref_squeeze %dma_wait3A_366 : memref<1x1x1x8x128xf32, #tpu.memory_space<hbm>> -> memref<8x128xf32, #tpu.memory_space<hbm>>
    %dma_wait3A_368 = arith.constant 0 : i32
    %dma_wait3A_369 = arith.constant 0 : i32
    %dma_wait3A_370 = tpu.memref_slice %arg4[%dma_wait3A_359, %dma_wait3A_360, %add3A, %dma_wait3A_368, %dma_wait3A_369] : memref<200x8x32x8x128xf32, #tpu.memory_space<hbm>> -> memref<1x1x1x8x128xf32, #tpu.memory_space<hbm>>
    %dma_wait3A_371 = tpu.memref_squeeze %dma_wait3A_370 : memref<1x1x1x8x128xf32, #tpu.memory_space<hbm>> -> memref<8x128xf32, #tpu.memory_space<hbm>>
    %dma_wait3A_372 = arith.constant 24 : i32
    %dma_wait3A_373 = arith.constant 0 : i32
    %dma_wait3A_374 = tpu.memref_slice %arg13[%dma_wait3A_372, %dma_wait3A_373] : memref<64x129xf32, #tpu.memory_space<vmem>> -> memref<8x128xf32, #tpu.memory_space<vmem>>
    tpu.wait_dma2 semaphore(%arg23 : memref<!tpu.dma_semaphore, #tpu.memory_space<semaphore_mem>>) src(%dma_wait3A_374 : memref<8x128xf32, #tpu.memory_space<vmem>>) dst(%dma_wait3A_371 : memref<8x128xf32, #tpu.memory_space<hbm>>)
    %dma_wait3A_375 = arith.constant 0 : i32
    %dma_wait3A_376 = arith.constant 4 : i32
    %dma_wait3A_377 = arith.constant 32 : i32
    %dma_wait3A_378 = arith.constant 0 : i32
    %dma_wait3A_379 = tpu.memref_slice %arg13[%dma_wait3A_377, %dma_wait3A_378] : memref<64x129xf32, #tpu.memory_space<vmem>> -> memref<8x128xf32, #tpu.memory_space<vmem>>
    %dma_wait3A_380 = arith.constant 0 : i32
    %dma_wait3A_381 = arith.constant 0 : i32
    %dma_wait3A_382 = tpu.memref_slice %arg4[%dma_wait3A_375, %dma_wait3A_376, %add3A, %dma_wait3A_380, %dma_wait3A_381] : memref<200x8x32x8x128xf32, #tpu.memory_space<hbm>> -> memref<1x1x1x8x128xf32, #tpu.memory_space<hbm>>
    %dma_wait3A_383 = tpu.memref_squeeze %dma_wait3A_382 : memref<1x1x1x8x128xf32, #tpu.memory_space<hbm>> -> memref<8x128xf32, #tpu.memory_space<hbm>>
    %dma_wait3A_384 = arith.constant 0 : i32
    %dma_wait3A_385 = arith.constant 0 : i32
    %dma_wait3A_386 = tpu.memref_slice %arg4[%dma_wait3A_375, %dma_wait3A_376, %add3A, %dma_wait3A_384, %dma_wait3A_385] : memref<200x8x32x8x128xf32, #tpu.memory_space<hbm>> -> memref<1x1x1x8x128xf32, #tpu.memory_space<hbm>>
    %dma_wait3A_387 = tpu.memref_squeeze %dma_wait3A_386 : memref<1x1x1x8x128xf32, #tpu.memory_space<hbm>> -> memref<8x128xf32, #tpu.memory_space<hbm>>
    %dma_wait3A_388 = arith.constant 32 : i32
    %dma_wait3A_389 = arith.constant 0 : i32
    %dma_wait3A_390 = tpu.memref_slice %arg13[%dma_wait3A_388, %dma_wait3A_389] : memref<64x129xf32, #tpu.memory_space<vmem>> -> memref<8x128xf32, #tpu.memory_space<vmem>>
    tpu.wait_dma2 semaphore(%arg23 : memref<!tpu.dma_semaphore, #tpu.memory_space<semaphore_mem>>) src(%dma_wait3A_390 : memref<8x128xf32, #tpu.memory_space<vmem>>) dst(%dma_wait3A_387 : memref<8x128xf32, #tpu.memory_space<hbm>>)
    %dma_wait3A_391 = arith.constant 0 : i32
    %dma_wait3A_392 = arith.constant 5 : i32
    %dma_wait3A_393 = arith.constant 40 : i32
    %dma_wait3A_394 = arith.constant 0 : i32
    %dma_wait3A_395 = tpu.memref_slice %arg13[%dma_wait3A_393, %dma_wait3A_394] : memref<64x129xf32, #tpu.memory_space<vmem>> -> memref<8x128xf32, #tpu.memory_space<vmem>>
    %dma_wait3A_396 = arith.constant 0 : i32
    %dma_wait3A_397 = arith.constant 0 : i32
    %dma_wait3A_398 = tpu.memref_slice %arg4[%dma_wait3A_391, %dma_wait3A_392, %add3A, %dma_wait3A_396, %dma_wait3A_397] : memref<200x8x32x8x128xf32, #tpu.memory_space<hbm>> -> memref<1x1x1x8x128xf32, #tpu.memory_space<hbm>>
    %dma_wait3A_399 = tpu.memref_squeeze %dma_wait3A_398 : memref<1x1x1x8x128xf32, #tpu.memory_space<hbm>> -> memref<8x128xf32, #tpu.memory_space<hbm>>
    %dma_wait3A_400 = arith.constant 0 : i32
    %dma_wait3A_401 = arith.constant 0 : i32
    %dma_wait3A_402 = tpu.memref_slice %arg4[%dma_wait3A_391, %dma_wait3A_392, %add3A, %dma_wait3A_400, %dma_wait3A_401] : memref<200x8x32x8x128xf32, #tpu.memory_space<hbm>> -> memref<1x1x1x8x128xf32, #tpu.memory_space<hbm>>
    %dma_wait3A_403 = tpu.memref_squeeze %dma_wait3A_402 : memref<1x1x1x8x128xf32, #tpu.memory_space<hbm>> -> memref<8x128xf32, #tpu.memory_space<hbm>>
    %dma_wait3A_404 = arith.constant 40 : i32
    %dma_wait3A_405 = arith.constant 0 : i32
    %dma_wait3A_406 = tpu.memref_slice %arg13[%dma_wait3A_404, %dma_wait3A_405] : memref<64x129xf32, #tpu.memory_space<vmem>> -> memref<8x128xf32, #tpu.memory_space<vmem>>
    tpu.wait_dma2 semaphore(%arg23 : memref<!tpu.dma_semaphore, #tpu.memory_space<semaphore_mem>>) src(%dma_wait3A_406 : memref<8x128xf32, #tpu.memory_space<vmem>>) dst(%dma_wait3A_403 : memref<8x128xf32, #tpu.memory_space<hbm>>)
    %dma_wait3A_407 = arith.constant 0 : i32
    %dma_wait3A_408 = arith.constant 6 : i32
    %dma_wait3A_409 = arith.constant 48 : i32
    %dma_wait3A_410 = arith.constant 0 : i32
    %dma_wait3A_411 = tpu.memref_slice %arg13[%dma_wait3A_409, %dma_wait3A_410] : memref<64x129xf32, #tpu.memory_space<vmem>> -> memref<8x128xf32, #tpu.memory_space<vmem>>
    %dma_wait3A_412 = arith.constant 0 : i32
    %dma_wait3A_413 = arith.constant 0 : i32
    %dma_wait3A_414 = tpu.memref_slice %arg4[%dma_wait3A_407, %dma_wait3A_408, %add3A, %dma_wait3A_412, %dma_wait3A_413] : memref<200x8x32x8x128xf32, #tpu.memory_space<hbm>> -> memref<1x1x1x8x128xf32, #tpu.memory_space<hbm>>
    %dma_wait3A_415 = tpu.memref_squeeze %dma_wait3A_414 : memref<1x1x1x8x128xf32, #tpu.memory_space<hbm>> -> memref<8x128xf32, #tpu.memory_space<hbm>>
    %dma_wait3A_416 = arith.constant 0 : i32
    %dma_wait3A_417 = arith.constant 0 : i32
    %dma_wait3A_418 = tpu.memref_slice %arg4[%dma_wait3A_407, %dma_wait3A_408, %add3A, %dma_wait3A_416, %dma_wait3A_417] : memref<200x8x32x8x128xf32, #tpu.memory_space<hbm>> -> memref<1x1x1x8x128xf32, #tpu.memory_space<hbm>>
    %dma_wait3A_419 = tpu.memref_squeeze %dma_wait3A_418 : memref<1x1x1x8x128xf32, #tpu.memory_space<hbm>> -> memref<8x128xf32, #tpu.memory_space<hbm>>
    %dma_wait3A_420 = arith.constant 48 : i32
    %dma_wait3A_421 = arith.constant 0 : i32
    %dma_wait3A_422 = tpu.memref_slice %arg13[%dma_wait3A_420, %dma_wait3A_421] : memref<64x129xf32, #tpu.memory_space<vmem>> -> memref<8x128xf32, #tpu.memory_space<vmem>>
    tpu.wait_dma2 semaphore(%arg23 : memref<!tpu.dma_semaphore, #tpu.memory_space<semaphore_mem>>) src(%dma_wait3A_422 : memref<8x128xf32, #tpu.memory_space<vmem>>) dst(%dma_wait3A_419 : memref<8x128xf32, #tpu.memory_space<hbm>>)
    %dma_wait3A_423 = arith.constant 0 : i32
    %dma_wait3A_424 = arith.constant 7 : i32
    %dma_wait3A_425 = arith.constant 56 : i32
    %dma_wait3A_426 = arith.constant 0 : i32
    %dma_wait3A_427 = tpu.memref_slice %arg13[%dma_wait3A_425, %dma_wait3A_426] : memref<64x129xf32, #tpu.memory_space<vmem>> -> memref<8x128xf32, #tpu.memory_space<vmem>>
    %dma_wait3A_428 = arith.constant 0 : i32
    %dma_wait3A_429 = arith.constant 0 : i32
    %dma_wait3A_430 = tpu.memref_slice %arg4[%dma_wait3A_423, %dma_wait3A_424, %add3A, %dma_wait3A_428, %dma_wait3A_429] : memref<200x8x32x8x128xf32, #tpu.memory_space<hbm>> -> memref<1x1x1x8x128xf32, #tpu.memory_space<hbm>>
    %dma_wait3A_431 = tpu.memref_squeeze %dma_wait3A_430 : memref<1x1x1x8x128xf32, #tpu.memory_space<hbm>> -> memref<8x128xf32, #tpu.memory_space<hbm>>
    %dma_wait3A_432 = arith.constant 0 : i32
    %dma_wait3A_433 = arith.constant 0 : i32
    %dma_wait3A_434 = tpu.memref_slice %arg4[%dma_wait3A_423, %dma_wait3A_424, %add3A, %dma_wait3A_432, %dma_wait3A_433] : memref<200x8x32x8x128xf32, #tpu.memory_space<hbm>> -> memref<1x1x1x8x128xf32, #tpu.memory_space<hbm>>
    %dma_wait3A_435 = tpu.memref_squeeze %dma_wait3A_434 : memref<1x1x1x8x128xf32, #tpu.memory_space<hbm>> -> memref<8x128xf32, #tpu.memory_space<hbm>>
    %dma_wait3A_436 = arith.constant 56 : i32
    %dma_wait3A_437 = arith.constant 0 : i32
    %dma_wait3A_438 = tpu.memref_slice %arg13[%dma_wait3A_436, %dma_wait3A_437] : memref<64x129xf32, #tpu.memory_space<vmem>> -> memref<8x128xf32, #tpu.memory_space<vmem>>
    tpu.wait_dma2 semaphore(%arg23 : memref<!tpu.dma_semaphore, #tpu.memory_space<semaphore_mem>>) src(%dma_wait3A_438 : memref<8x128xf32, #tpu.memory_space<vmem>>) dst(%dma_wait3A_435 : memref<8x128xf32, #tpu.memory_space<hbm>>)
    %dma_wait3A_439 = arith.constant 0 : i32
    %dma_wait3A_440 = arith.constant 0 : i32
    %dma_wait3A_441 = arith.constant 0 : i32
    %dma_wait3A_442 = arith.constant 0 : i32
    %dma_wait3A_443 = tpu.memref_slice %arg14[%dma_wait3A_441, %dma_wait3A_442] : memref<64x129xf32, #tpu.memory_space<vmem>> -> memref<8x128xf32, #tpu.memory_space<vmem>>
    %dma_wait3A_444 = arith.constant 0 : i32
    %dma_wait3A_445 = arith.constant 0 : i32
    %dma_wait3A_446 = tpu.memref_slice %arg4[%dma_wait3A_439, %dma_wait3A_440, %add3A, %dma_wait3A_444, %dma_wait3A_445] : memref<200x8x32x8x128xf32, #tpu.memory_space<hbm>> -> memref<1x1x1x8x128xf32, #tpu.memory_space<hbm>>
    %dma_wait3A_447 = tpu.memref_squeeze %dma_wait3A_446 : memref<1x1x1x8x128xf32, #tpu.memory_space<hbm>> -> memref<8x128xf32, #tpu.memory_space<hbm>>
    %dma_wait3A_448 = arith.constant 0 : i32
    %dma_wait3A_449 = arith.constant 0 : i32
    %dma_wait3A_450 = tpu.memref_slice %arg4[%dma_wait3A_439, %dma_wait3A_440, %add3A, %dma_wait3A_448, %dma_wait3A_449] : memref<200x8x32x8x128xf32, #tpu.memory_space<hbm>> -> memref<1x1x1x8x128xf32, #tpu.memory_space<hbm>>
    %dma_wait3A_451 = tpu.memref_squeeze %dma_wait3A_450 : memref<1x1x1x8x128xf32, #tpu.memory_space<hbm>> -> memref<8x128xf32, #tpu.memory_space<hbm>>
    %dma_wait3A_452 = arith.constant 0 : i32
    %dma_wait3A_453 = arith.constant 0 : i32
    %dma_wait3A_454 = tpu.memref_slice %arg14[%dma_wait3A_452, %dma_wait3A_453] : memref<64x129xf32, #tpu.memory_space<vmem>> -> memref<8x128xf32, #tpu.memory_space<vmem>>
    tpu.wait_dma2 semaphore(%arg24 : memref<!tpu.dma_semaphore, #tpu.memory_space<semaphore_mem>>) src(%dma_wait3A_454 : memref<8x128xf32, #tpu.memory_space<vmem>>) dst(%dma_wait3A_451 : memref<8x128xf32, #tpu.memory_space<hbm>>)
    %dma_wait3A_455 = arith.constant 0 : i32
    %dma_wait3A_456 = arith.constant 1 : i32
    %dma_wait3A_457 = arith.constant 8 : i32
    %dma_wait3A_458 = arith.constant 0 : i32
    %dma_wait3A_459 = tpu.memref_slice %arg14[%dma_wait3A_457, %dma_wait3A_458] : memref<64x129xf32, #tpu.memory_space<vmem>> -> memref<8x128xf32, #tpu.memory_space<vmem>>
    %dma_wait3A_460 = arith.constant 0 : i32
    %dma_wait3A_461 = arith.constant 0 : i32
    %dma_wait3A_462 = tpu.memref_slice %arg4[%dma_wait3A_455, %dma_wait3A_456, %add3A, %dma_wait3A_460, %dma_wait3A_461] : memref<200x8x32x8x128xf32, #tpu.memory_space<hbm>> -> memref<1x1x1x8x128xf32, #tpu.memory_space<hbm>>
    %dma_wait3A_463 = tpu.memref_squeeze %dma_wait3A_462 : memref<1x1x1x8x128xf32, #tpu.memory_space<hbm>> -> memref<8x128xf32, #tpu.memory_space<hbm>>
    %dma_wait3A_464 = arith.constant 0 : i32
    %dma_wait3A_465 = arith.constant 0 : i32
    %dma_wait3A_466 = tpu.memref_slice %arg4[%dma_wait3A_455, %dma_wait3A_456, %add3A, %dma_wait3A_464, %dma_wait3A_465] : memref<200x8x32x8x128xf32, #tpu.memory_space<hbm>> -> memref<1x1x1x8x128xf32, #tpu.memory_space<hbm>>
    %dma_wait3A_467 = tpu.memref_squeeze %dma_wait3A_466 : memref<1x1x1x8x128xf32, #tpu.memory_space<hbm>> -> memref<8x128xf32, #tpu.memory_space<hbm>>
    %dma_wait3A_468 = arith.constant 8 : i32
    %dma_wait3A_469 = arith.constant 0 : i32
    %dma_wait3A_470 = tpu.memref_slice %arg14[%dma_wait3A_468, %dma_wait3A_469] : memref<64x129xf32, #tpu.memory_space<vmem>> -> memref<8x128xf32, #tpu.memory_space<vmem>>
    tpu.wait_dma2 semaphore(%arg24 : memref<!tpu.dma_semaphore, #tpu.memory_space<semaphore_mem>>) src(%dma_wait3A_470 : memref<8x128xf32, #tpu.memory_space<vmem>>) dst(%dma_wait3A_467 : memref<8x128xf32, #tpu.memory_space<hbm>>)
    %dma_wait3A_471 = arith.constant 0 : i32
    %dma_wait3A_472 = arith.constant 2 : i32
    %dma_wait3A_473 = arith.constant 16 : i32
    %dma_wait3A_474 = arith.constant 0 : i32
    %dma_wait3A_475 = tpu.memref_slice %arg14[%dma_wait3A_473, %dma_wait3A_474] : memref<64x129xf32, #tpu.memory_space<vmem>> -> memref<8x128xf32, #tpu.memory_space<vmem>>
    %dma_wait3A_476 = arith.constant 0 : i32
    %dma_wait3A_477 = arith.constant 0 : i32
    %dma_wait3A_478 = tpu.memref_slice %arg4[%dma_wait3A_471, %dma_wait3A_472, %add3A, %dma_wait3A_476, %dma_wait3A_477] : memref<200x8x32x8x128xf32, #tpu.memory_space<hbm>> -> memref<1x1x1x8x128xf32, #tpu.memory_space<hbm>>
    %dma_wait3A_479 = tpu.memref_squeeze %dma_wait3A_478 : memref<1x1x1x8x128xf32, #tpu.memory_space<hbm>> -> memref<8x128xf32, #tpu.memory_space<hbm>>
    %dma_wait3A_480 = arith.constant 0 : i32
    %dma_wait3A_481 = arith.constant 0 : i32
    %dma_wait3A_482 = tpu.memref_slice %arg4[%dma_wait3A_471, %dma_wait3A_472, %add3A, %dma_wait3A_480, %dma_wait3A_481] : memref<200x8x32x8x128xf32, #tpu.memory_space<hbm>> -> memref<1x1x1x8x128xf32, #tpu.memory_space<hbm>>
    %dma_wait3A_483 = tpu.memref_squeeze %dma_wait3A_482 : memref<1x1x1x8x128xf32, #tpu.memory_space<hbm>> -> memref<8x128xf32, #tpu.memory_space<hbm>>
    %dma_wait3A_484 = arith.constant 16 : i32
    %dma_wait3A_485 = arith.constant 0 : i32
    %dma_wait3A_486 = tpu.memref_slice %arg14[%dma_wait3A_484, %dma_wait3A_485] : memref<64x129xf32, #tpu.memory_space<vmem>> -> memref<8x128xf32, #tpu.memory_space<vmem>>
    tpu.wait_dma2 semaphore(%arg24 : memref<!tpu.dma_semaphore, #tpu.memory_space<semaphore_mem>>) src(%dma_wait3A_486 : memref<8x128xf32, #tpu.memory_space<vmem>>) dst(%dma_wait3A_483 : memref<8x128xf32, #tpu.memory_space<hbm>>)
    %dma_wait3A_487 = arith.constant 0 : i32
    %dma_wait3A_488 = arith.constant 3 : i32
    %dma_wait3A_489 = arith.constant 24 : i32
    %dma_wait3A_490 = arith.constant 0 : i32
    %dma_wait3A_491 = tpu.memref_slice %arg14[%dma_wait3A_489, %dma_wait3A_490] : memref<64x129xf32, #tpu.memory_space<vmem>> -> memref<8x128xf32, #tpu.memory_space<vmem>>
    %dma_wait3A_492 = arith.constant 0 : i32
    %dma_wait3A_493 = arith.constant 0 : i32
    %dma_wait3A_494 = tpu.memref_slice %arg4[%dma_wait3A_487, %dma_wait3A_488, %add3A, %dma_wait3A_492, %dma_wait3A_493] : memref<200x8x32x8x128xf32, #tpu.memory_space<hbm>> -> memref<1x1x1x8x128xf32, #tpu.memory_space<hbm>>
    %dma_wait3A_495 = tpu.memref_squeeze %dma_wait3A_494 : memref<1x1x1x8x128xf32, #tpu.memory_space<hbm>> -> memref<8x128xf32, #tpu.memory_space<hbm>>
    %dma_wait3A_496 = arith.constant 0 : i32
    %dma_wait3A_497 = arith.constant 0 : i32
    %dma_wait3A_498 = tpu.memref_slice %arg4[%dma_wait3A_487, %dma_wait3A_488, %add3A, %dma_wait3A_496, %dma_wait3A_497] : memref<200x8x32x8x128xf32, #tpu.memory_space<hbm>> -> memref<1x1x1x8x128xf32, #tpu.memory_space<hbm>>
    %dma_wait3A_499 = tpu.memref_squeeze %dma_wait3A_498 : memref<1x1x1x8x128xf32, #tpu.memory_space<hbm>> -> memref<8x128xf32, #tpu.memory_space<hbm>>
    %dma_wait3A_500 = arith.constant 24 : i32
    %dma_wait3A_501 = arith.constant 0 : i32
    %dma_wait3A_502 = tpu.memref_slice %arg14[%dma_wait3A_500, %dma_wait3A_501] : memref<64x129xf32, #tpu.memory_space<vmem>> -> memref<8x128xf32, #tpu.memory_space<vmem>>
    tpu.wait_dma2 semaphore(%arg24 : memref<!tpu.dma_semaphore, #tpu.memory_space<semaphore_mem>>) src(%dma_wait3A_502 : memref<8x128xf32, #tpu.memory_space<vmem>>) dst(%dma_wait3A_499 : memref<8x128xf32, #tpu.memory_space<hbm>>)
    %dma_wait3A_503 = arith.constant 0 : i32
    %dma_wait3A_504 = arith.constant 4 : i32
    %dma_wait3A_505 = arith.constant 32 : i32
    %dma_wait3A_506 = arith.constant 0 : i32
    %dma_wait3A_507 = tpu.memref_slice %arg14[%dma_wait3A_505, %dma_wait3A_506] : memref<64x129xf32, #tpu.memory_space<vmem>> -> memref<8x128xf32, #tpu.memory_space<vmem>>
    %dma_wait3A_508 = arith.constant 0 : i32
    %dma_wait3A_509 = arith.constant 0 : i32
    %dma_wait3A_510 = tpu.memref_slice %arg4[%dma_wait3A_503, %dma_wait3A_504, %add3A, %dma_wait3A_508, %dma_wait3A_509] : memref<200x8x32x8x128xf32, #tpu.memory_space<hbm>> -> memref<1x1x1x8x128xf32, #tpu.memory_space<hbm>>
    %dma_wait3A_511 = tpu.memref_squeeze %dma_wait3A_510 : memref<1x1x1x8x128xf32, #tpu.memory_space<hbm>> -> memref<8x128xf32, #tpu.memory_space<hbm>>
    %dma_wait3A_512 = arith.constant 0 : i32
    %dma_wait3A_513 = arith.constant 0 : i32
    %dma_wait3A_514 = tpu.memref_slice %arg4[%dma_wait3A_503, %dma_wait3A_504, %add3A, %dma_wait3A_512, %dma_wait3A_513] : memref<200x8x32x8x128xf32, #tpu.memory_space<hbm>> -> memref<1x1x1x8x128xf32, #tpu.memory_space<hbm>>
    %dma_wait3A_515 = tpu.memref_squeeze %dma_wait3A_514 : memref<1x1x1x8x128xf32, #tpu.memory_space<hbm>> -> memref<8x128xf32, #tpu.memory_space<hbm>>
    %dma_wait3A_516 = arith.constant 32 : i32
    %dma_wait3A_517 = arith.constant 0 : i32
    %dma_wait3A_518 = tpu.memref_slice %arg14[%dma_wait3A_516, %dma_wait3A_517] : memref<64x129xf32, #tpu.memory_space<vmem>> -> memref<8x128xf32, #tpu.memory_space<vmem>>
    tpu.wait_dma2 semaphore(%arg24 : memref<!tpu.dma_semaphore, #tpu.memory_space<semaphore_mem>>) src(%dma_wait3A_518 : memref<8x128xf32, #tpu.memory_space<vmem>>) dst(%dma_wait3A_515 : memref<8x128xf32, #tpu.memory_space<hbm>>)
    %dma_wait3A_519 = arith.constant 0 : i32
    %dma_wait3A_520 = arith.constant 5 : i32
    %dma_wait3A_521 = arith.constant 40 : i32
    %dma_wait3A_522 = arith.constant 0 : i32
    %dma_wait3A_523 = tpu.memref_slice %arg14[%dma_wait3A_521, %dma_wait3A_522] : memref<64x129xf32, #tpu.memory_space<vmem>> -> memref<8x128xf32, #tpu.memory_space<vmem>>
    %dma_wait3A_524 = arith.constant 0 : i32
    %dma_wait3A_525 = arith.constant 0 : i32
    %dma_wait3A_526 = tpu.memref_slice %arg4[%dma_wait3A_519, %dma_wait3A_520, %add3A, %dma_wait3A_524, %dma_wait3A_525] : memref<200x8x32x8x128xf32, #tpu.memory_space<hbm>> -> memref<1x1x1x8x128xf32, #tpu.memory_space<hbm>>
    %dma_wait3A_527 = tpu.memref_squeeze %dma_wait3A_526 : memref<1x1x1x8x128xf32, #tpu.memory_space<hbm>> -> memref<8x128xf32, #tpu.memory_space<hbm>>
    %dma_wait3A_528 = arith.constant 0 : i32
    %dma_wait3A_529 = arith.constant 0 : i32
    %dma_wait3A_530 = tpu.memref_slice %arg4[%dma_wait3A_519, %dma_wait3A_520, %add3A, %dma_wait3A_528, %dma_wait3A_529] : memref<200x8x32x8x128xf32, #tpu.memory_space<hbm>> -> memref<1x1x1x8x128xf32, #tpu.memory_space<hbm>>
    %dma_wait3A_531 = tpu.memref_squeeze %dma_wait3A_530 : memref<1x1x1x8x128xf32, #tpu.memory_space<hbm>> -> memref<8x128xf32, #tpu.memory_space<hbm>>
    %dma_wait3A_532 = arith.constant 40 : i32
    %dma_wait3A_533 = arith.constant 0 : i32
    %dma_wait3A_534 = tpu.memref_slice %arg14[%dma_wait3A_532, %dma_wait3A_533] : memref<64x129xf32, #tpu.memory_space<vmem>> -> memref<8x128xf32, #tpu.memory_space<vmem>>
    tpu.wait_dma2 semaphore(%arg24 : memref<!tpu.dma_semaphore, #tpu.memory_space<semaphore_mem>>) src(%dma_wait3A_534 : memref<8x128xf32, #tpu.memory_space<vmem>>) dst(%dma_wait3A_531 : memref<8x128xf32, #tpu.memory_space<hbm>>)
    %dma_wait3A_535 = arith.constant 0 : i32
    %dma_wait3A_536 = arith.constant 6 : i32
    %dma_wait3A_537 = arith.constant 48 : i32
    %dma_wait3A_538 = arith.constant 0 : i32
    %dma_wait3A_539 = tpu.memref_slice %arg14[%dma_wait3A_537, %dma_wait3A_538] : memref<64x129xf32, #tpu.memory_space<vmem>> -> memref<8x128xf32, #tpu.memory_space<vmem>>
    %dma_wait3A_540 = arith.constant 0 : i32
    %dma_wait3A_541 = arith.constant 0 : i32
    %dma_wait3A_542 = tpu.memref_slice %arg4[%dma_wait3A_535, %dma_wait3A_536, %add3A, %dma_wait3A_540, %dma_wait3A_541] : memref<200x8x32x8x128xf32, #tpu.memory_space<hbm>> -> memref<1x1x1x8x128xf32, #tpu.memory_space<hbm>>
    %dma_wait3A_543 = tpu.memref_squeeze %dma_wait3A_542 : memref<1x1x1x8x128xf32, #tpu.memory_space<hbm>> -> memref<8x128xf32, #tpu.memory_space<hbm>>
    %dma_wait3A_544 = arith.constant 0 : i32
    %dma_wait3A_545 = arith.constant 0 : i32
    %dma_wait3A_546 = tpu.memref_slice %arg4[%dma_wait3A_535, %dma_wait3A_536, %add3A, %dma_wait3A_544, %dma_wait3A_545] : memref<200x8x32x8x128xf32, #tpu.memory_space<hbm>> -> memref<1x1x1x8x128xf32, #tpu.memory_space<hbm>>
    %dma_wait3A_547 = tpu.memref_squeeze %dma_wait3A_546 : memref<1x1x1x8x128xf32, #tpu.memory_space<hbm>> -> memref<8x128xf32, #tpu.memory_space<hbm>>
    %dma_wait3A_548 = arith.constant 48 : i32
    %dma_wait3A_549 = arith.constant 0 : i32
    %dma_wait3A_550 = tpu.memref_slice %arg14[%dma_wait3A_548, %dma_wait3A_549] : memref<64x129xf32, #tpu.memory_space<vmem>> -> memref<8x128xf32, #tpu.memory_space<vmem>>
    tpu.wait_dma2 semaphore(%arg24 : memref<!tpu.dma_semaphore, #tpu.memory_space<semaphore_mem>>) src(%dma_wait3A_550 : memref<8x128xf32, #tpu.memory_space<vmem>>) dst(%dma_wait3A_547 : memref<8x128xf32, #tpu.memory_space<hbm>>)
    %dma_wait3A_551 = arith.constant 0 : i32
    %dma_wait3A_552 = arith.constant 7 : i32
    %dma_wait3A_553 = arith.constant 56 : i32
    %dma_wait3A_554 = arith.constant 0 : i32
    %dma_wait3A_555 = tpu.memref_slice %arg14[%dma_wait3A_553, %dma_wait3A_554] : memref<64x129xf32, #tpu.memory_space<vmem>> -> memref<8x128xf32, #tpu.memory_space<vmem>>
    %dma_wait3A_556 = arith.constant 0 : i32
    %dma_wait3A_557 = arith.constant 0 : i32
    %dma_wait3A_558 = tpu.memref_slice %arg4[%dma_wait3A_551, %dma_wait3A_552, %add3A, %dma_wait3A_556, %dma_wait3A_557] : memref<200x8x32x8x128xf32, #tpu.memory_space<hbm>> -> memref<1x1x1x8x128xf32, #tpu.memory_space<hbm>>
    %dma_wait3A_559 = tpu.memref_squeeze %dma_wait3A_558 : memref<1x1x1x8x128xf32, #tpu.memory_space<hbm>> -> memref<8x128xf32, #tpu.memory_space<hbm>>
    %dma_wait3A_560 = arith.constant 0 : i32
    %dma_wait3A_561 = arith.constant 0 : i32
    %dma_wait3A_562 = tpu.memref_slice %arg4[%dma_wait3A_551, %dma_wait3A_552, %add3A, %dma_wait3A_560, %dma_wait3A_561] : memref<200x8x32x8x128xf32, #tpu.memory_space<hbm>> -> memref<1x1x1x8x128xf32, #tpu.memory_space<hbm>>
    %dma_wait3A_563 = tpu.memref_squeeze %dma_wait3A_562 : memref<1x1x1x8x128xf32, #tpu.memory_space<hbm>> -> memref<8x128xf32, #tpu.memory_space<hbm>>
    %dma_wait3A_564 = arith.constant 56 : i32
    %dma_wait3A_565 = arith.constant 0 : i32
    %dma_wait3A_566 = tpu.memref_slice %arg14[%dma_wait3A_564, %dma_wait3A_565] : memref<64x129xf32, #tpu.memory_space<vmem>> -> memref<8x128xf32, #tpu.memory_space<vmem>>
    tpu.wait_dma2 semaphore(%arg24 : memref<!tpu.dma_semaphore, #tpu.memory_space<semaphore_mem>>) src(%dma_wait3A_566 : memref<8x128xf32, #tpu.memory_space<vmem>>) dst(%dma_wait3A_563 : memref<8x128xf32, #tpu.memory_space<hbm>>)
    %dma_wait3A_567 = arith.constant 0 : i32
    %dma_wait3A_568 = arith.constant 0 : i32
    %dma_wait3A_569 = arith.constant 0 : i32
    %dma_wait3A_570 = arith.constant 0 : i32
    %dma_wait3A_571 = tpu.memref_slice %arg15[%dma_wait3A_569, %dma_wait3A_570] : memref<64x129xf32, #tpu.memory_space<vmem>> -> memref<8x128xf32, #tpu.memory_space<vmem>>
    %dma_wait3A_572 = arith.constant 0 : i32
    %dma_wait3A_573 = arith.constant 0 : i32
    %dma_wait3A_574 = tpu.memref_slice %arg4[%dma_wait3A_567, %dma_wait3A_568, %add3A, %dma_wait3A_572, %dma_wait3A_573] : memref<200x8x32x8x128xf32, #tpu.memory_space<hbm>> -> memref<1x1x1x8x128xf32, #tpu.memory_space<hbm>>
    %dma_wait3A_575 = tpu.memref_squeeze %dma_wait3A_574 : memref<1x1x1x8x128xf32, #tpu.memory_space<hbm>> -> memref<8x128xf32, #tpu.memory_space<hbm>>
    %dma_wait3A_576 = arith.constant 0 : i32
    %dma_wait3A_577 = arith.constant 0 : i32
    %dma_wait3A_578 = tpu.memref_slice %arg4[%dma_wait3A_567, %dma_wait3A_568, %add3A, %dma_wait3A_576, %dma_wait3A_577] : memref<200x8x32x8x128xf32, #tpu.memory_space<hbm>> -> memref<1x1x1x8x128xf32, #tpu.memory_space<hbm>>
    %dma_wait3A_579 = tpu.memref_squeeze %dma_wait3A_578 : memref<1x1x1x8x128xf32, #tpu.memory_space<hbm>> -> memref<8x128xf32, #tpu.memory_space<hbm>>
    %dma_wait3A_580 = arith.constant 0 : i32
    %dma_wait3A_581 = arith.constant 0 : i32
    %dma_wait3A_582 = tpu.memref_slice %arg15[%dma_wait3A_580, %dma_wait3A_581] : memref<64x129xf32, #tpu.memory_space<vmem>> -> memref<8x128xf32, #tpu.memory_space<vmem>>
    tpu.wait_dma2 semaphore(%arg25 : memref<!tpu.dma_semaphore, #tpu.memory_space<semaphore_mem>>) src(%dma_wait3A_582 : memref<8x128xf32, #tpu.memory_space<vmem>>) dst(%dma_wait3A_579 : memref<8x128xf32, #tpu.memory_space<hbm>>)
    %dma_wait3A_583 = arith.constant 0 : i32
    %dma_wait3A_584 = arith.constant 1 : i32
    %dma_wait3A_585 = arith.constant 8 : i32
    %dma_wait3A_586 = arith.constant 0 : i32
    %dma_wait3A_587 = tpu.memref_slice %arg15[%dma_wait3A_585, %dma_wait3A_586] : memref<64x129xf32, #tpu.memory_space<vmem>> -> memref<8x128xf32, #tpu.memory_space<vmem>>
    %dma_wait3A_588 = arith.constant 0 : i32
    %dma_wait3A_589 = arith.constant 0 : i32
    %dma_wait3A_590 = tpu.memref_slice %arg4[%dma_wait3A_583, %dma_wait3A_584, %add3A, %dma_wait3A_588, %dma_wait3A_589] : memref<200x8x32x8x128xf32, #tpu.memory_space<hbm>> -> memref<1x1x1x8x128xf32, #tpu.memory_space<hbm>>
    %dma_wait3A_591 = tpu.memref_squeeze %dma_wait3A_590 : memref<1x1x1x8x128xf32, #tpu.memory_space<hbm>> -> memref<8x128xf32, #tpu.memory_space<hbm>>
    %dma_wait3A_592 = arith.constant 0 : i32
    %dma_wait3A_593 = arith.constant 0 : i32
    %dma_wait3A_594 = tpu.memref_slice %arg4[%dma_wait3A_583, %dma_wait3A_584, %add3A, %dma_wait3A_592, %dma_wait3A_593] : memref<200x8x32x8x128xf32, #tpu.memory_space<hbm>> -> memref<1x1x1x8x128xf32, #tpu.memory_space<hbm>>
    %dma_wait3A_595 = tpu.memref_squeeze %dma_wait3A_594 : memref<1x1x1x8x128xf32, #tpu.memory_space<hbm>> -> memref<8x128xf32, #tpu.memory_space<hbm>>
    %dma_wait3A_596 = arith.constant 8 : i32
    %dma_wait3A_597 = arith.constant 0 : i32
    %dma_wait3A_598 = tpu.memref_slice %arg15[%dma_wait3A_596, %dma_wait3A_597] : memref<64x129xf32, #tpu.memory_space<vmem>> -> memref<8x128xf32, #tpu.memory_space<vmem>>
    tpu.wait_dma2 semaphore(%arg25 : memref<!tpu.dma_semaphore, #tpu.memory_space<semaphore_mem>>) src(%dma_wait3A_598 : memref<8x128xf32, #tpu.memory_space<vmem>>) dst(%dma_wait3A_595 : memref<8x128xf32, #tpu.memory_space<hbm>>)
    %dma_wait3A_599 = arith.constant 0 : i32
    %dma_wait3A_600 = arith.constant 2 : i32
    %dma_wait3A_601 = arith.constant 16 : i32
    %dma_wait3A_602 = arith.constant 0 : i32
    %dma_wait3A_603 = tpu.memref_slice %arg15[%dma_wait3A_601, %dma_wait3A_602] : memref<64x129xf32, #tpu.memory_space<vmem>> -> memref<8x128xf32, #tpu.memory_space<vmem>>
    %dma_wait3A_604 = arith.constant 0 : i32
    %dma_wait3A_605 = arith.constant 0 : i32
    %dma_wait3A_606 = tpu.memref_slice %arg4[%dma_wait3A_599, %dma_wait3A_600, %add3A, %dma_wait3A_604, %dma_wait3A_605] : memref<200x8x32x8x128xf32, #tpu.memory_space<hbm>> -> memref<1x1x1x8x128xf32, #tpu.memory_space<hbm>>
    %dma_wait3A_607 = tpu.memref_squeeze %dma_wait3A_606 : memref<1x1x1x8x128xf32, #tpu.memory_space<hbm>> -> memref<8x128xf32, #tpu.memory_space<hbm>>
    %dma_wait3A_608 = arith.constant 0 : i32
    %dma_wait3A_609 = arith.constant 0 : i32
    %dma_wait3A_610 = tpu.memref_slice %arg4[%dma_wait3A_599, %dma_wait3A_600, %add3A, %dma_wait3A_608, %dma_wait3A_609] : memref<200x8x32x8x128xf32, #tpu.memory_space<hbm>> -> memref<1x1x1x8x128xf32, #tpu.memory_space<hbm>>
    %dma_wait3A_611 = tpu.memref_squeeze %dma_wait3A_610 : memref<1x1x1x8x128xf32, #tpu.memory_space<hbm>> -> memref<8x128xf32, #tpu.memory_space<hbm>>
    %dma_wait3A_612 = arith.constant 16 : i32
    %dma_wait3A_613 = arith.constant 0 : i32
    %dma_wait3A_614 = tpu.memref_slice %arg15[%dma_wait3A_612, %dma_wait3A_613] : memref<64x129xf32, #tpu.memory_space<vmem>> -> memref<8x128xf32, #tpu.memory_space<vmem>>
    tpu.wait_dma2 semaphore(%arg25 : memref<!tpu.dma_semaphore, #tpu.memory_space<semaphore_mem>>) src(%dma_wait3A_614 : memref<8x128xf32, #tpu.memory_space<vmem>>) dst(%dma_wait3A_611 : memref<8x128xf32, #tpu.memory_space<hbm>>)
    %dma_wait3A_615 = arith.constant 0 : i32
    %dma_wait3A_616 = arith.constant 3 : i32
    %dma_wait3A_617 = arith.constant 24 : i32
    %dma_wait3A_618 = arith.constant 0 : i32
    %dma_wait3A_619 = tpu.memref_slice %arg15[%dma_wait3A_617, %dma_wait3A_618] : memref<64x129xf32, #tpu.memory_space<vmem>> -> memref<8x128xf32, #tpu.memory_space<vmem>>
    %dma_wait3A_620 = arith.constant 0 : i32
    %dma_wait3A_621 = arith.constant 0 : i32
    %dma_wait3A_622 = tpu.memref_slice %arg4[%dma_wait3A_615, %dma_wait3A_616, %add3A, %dma_wait3A_620, %dma_wait3A_621] : memref<200x8x32x8x128xf32, #tpu.memory_space<hbm>> -> memref<1x1x1x8x128xf32, #tpu.memory_space<hbm>>
    %dma_wait3A_623 = tpu.memref_squeeze %dma_wait3A_622 : memref<1x1x1x8x128xf32, #tpu.memory_space<hbm>> -> memref<8x128xf32, #tpu.memory_space<hbm>>
    %dma_wait3A_624 = arith.constant 0 : i32
    %dma_wait3A_625 = arith.constant 0 : i32
    %dma_wait3A_626 = tpu.memref_slice %arg4[%dma_wait3A_615, %dma_wait3A_616, %add3A, %dma_wait3A_624, %dma_wait3A_625] : memref<200x8x32x8x128xf32, #tpu.memory_space<hbm>> -> memref<1x1x1x8x128xf32, #tpu.memory_space<hbm>>
    %dma_wait3A_627 = tpu.memref_squeeze %dma_wait3A_626 : memref<1x1x1x8x128xf32, #tpu.memory_space<hbm>> -> memref<8x128xf32, #tpu.memory_space<hbm>>
    %dma_wait3A_628 = arith.constant 24 : i32
    %dma_wait3A_629 = arith.constant 0 : i32
    %dma_wait3A_630 = tpu.memref_slice %arg15[%dma_wait3A_628, %dma_wait3A_629] : memref<64x129xf32, #tpu.memory_space<vmem>> -> memref<8x128xf32, #tpu.memory_space<vmem>>
    tpu.wait_dma2 semaphore(%arg25 : memref<!tpu.dma_semaphore, #tpu.memory_space<semaphore_mem>>) src(%dma_wait3A_630 : memref<8x128xf32, #tpu.memory_space<vmem>>) dst(%dma_wait3A_627 : memref<8x128xf32, #tpu.memory_space<hbm>>)
    %dma_wait3A_631 = arith.constant 0 : i32
    %dma_wait3A_632 = arith.constant 4 : i32
    %dma_wait3A_633 = arith.constant 32 : i32
    %dma_wait3A_634 = arith.constant 0 : i32
    %dma_wait3A_635 = tpu.memref_slice %arg15[%dma_wait3A_633, %dma_wait3A_634] : memref<64x129xf32, #tpu.memory_space<vmem>> -> memref<8x128xf32, #tpu.memory_space<vmem>>
    %dma_wait3A_636 = arith.constant 0 : i32
    %dma_wait3A_637 = arith.constant 0 : i32
    %dma_wait3A_638 = tpu.memref_slice %arg4[%dma_wait3A_631, %dma_wait3A_632, %add3A, %dma_wait3A_636, %dma_wait3A_637] : memref<200x8x32x8x128xf32, #tpu.memory_space<hbm>> -> memref<1x1x1x8x128xf32, #tpu.memory_space<hbm>>
    %dma_wait3A_639 = tpu.memref_squeeze %dma_wait3A_638 : memref<1x1x1x8x128xf32, #tpu.memory_space<hbm>> -> memref<8x128xf32, #tpu.memory_space<hbm>>
    %dma_wait3A_640 = arith.constant 0 : i32
    %dma_wait3A_641 = arith.constant 0 : i32
    %dma_wait3A_642 = tpu.memref_slice %arg4[%dma_wait3A_631, %dma_wait3A_632, %add3A, %dma_wait3A_640, %dma_wait3A_641] : memref<200x8x32x8x128xf32, #tpu.memory_space<hbm>> -> memref<1x1x1x8x128xf32, #tpu.memory_space<hbm>>
    %dma_wait3A_643 = tpu.memref_squeeze %dma_wait3A_642 : memref<1x1x1x8x128xf32, #tpu.memory_space<hbm>> -> memref<8x128xf32, #tpu.memory_space<hbm>>
    %dma_wait3A_644 = arith.constant 32 : i32
    %dma_wait3A_645 = arith.constant 0 : i32
    %dma_wait3A_646 = tpu.memref_slice %arg15[%dma_wait3A_644, %dma_wait3A_645] : memref<64x129xf32, #tpu.memory_space<vmem>> -> memref<8x128xf32, #tpu.memory_space<vmem>>
    tpu.wait_dma2 semaphore(%arg25 : memref<!tpu.dma_semaphore, #tpu.memory_space<semaphore_mem>>) src(%dma_wait3A_646 : memref<8x128xf32, #tpu.memory_space<vmem>>) dst(%dma_wait3A_643 : memref<8x128xf32, #tpu.memory_space<hbm>>)
    %dma_wait3A_647 = arith.constant 0 : i32
    %dma_wait3A_648 = arith.constant 5 : i32
    %dma_wait3A_649 = arith.constant 40 : i32
    %dma_wait3A_650 = arith.constant 0 : i32
    %dma_wait3A_651 = tpu.memref_slice %arg15[%dma_wait3A_649, %dma_wait3A_650] : memref<64x129xf32, #tpu.memory_space<vmem>> -> memref<8x128xf32, #tpu.memory_space<vmem>>
    %dma_wait3A_652 = arith.constant 0 : i32
    %dma_wait3A_653 = arith.constant 0 : i32
    %dma_wait3A_654 = tpu.memref_slice %arg4[%dma_wait3A_647, %dma_wait3A_648, %add3A, %dma_wait3A_652, %dma_wait3A_653] : memref<200x8x32x8x128xf32, #tpu.memory_space<hbm>> -> memref<1x1x1x8x128xf32, #tpu.memory_space<hbm>>
    %dma_wait3A_655 = tpu.memref_squeeze %dma_wait3A_654 : memref<1x1x1x8x128xf32, #tpu.memory_space<hbm>> -> memref<8x128xf32, #tpu.memory_space<hbm>>
    %dma_wait3A_656 = arith.constant 0 : i32
    %dma_wait3A_657 = arith.constant 0 : i32
    %dma_wait3A_658 = tpu.memref_slice %arg4[%dma_wait3A_647, %dma_wait3A_648, %add3A, %dma_wait3A_656, %dma_wait3A_657] : memref<200x8x32x8x128xf32, #tpu.memory_space<hbm>> -> memref<1x1x1x8x128xf32, #tpu.memory_space<hbm>>
    %dma_wait3A_659 = tpu.memref_squeeze %dma_wait3A_658 : memref<1x1x1x8x128xf32, #tpu.memory_space<hbm>> -> memref<8x128xf32, #tpu.memory_space<hbm>>
    %dma_wait3A_660 = arith.constant 40 : i32
    %dma_wait3A_661 = arith.constant 0 : i32
    %dma_wait3A_662 = tpu.memref_slice %arg15[%dma_wait3A_660, %dma_wait3A_661] : memref<64x129xf32, #tpu.memory_space<vmem>> -> memref<8x128xf32, #tpu.memory_space<vmem>>
    tpu.wait_dma2 semaphore(%arg25 : memref<!tpu.dma_semaphore, #tpu.memory_space<semaphore_mem>>) src(%dma_wait3A_662 : memref<8x128xf32, #tpu.memory_space<vmem>>) dst(%dma_wait3A_659 : memref<8x128xf32, #tpu.memory_space<hbm>>)
    %dma_wait3A_663 = arith.constant 0 : i32
    %dma_wait3A_664 = arith.constant 6 : i32
    %dma_wait3A_665 = arith.constant 48 : i32
    %dma_wait3A_666 = arith.constant 0 : i32
    %dma_wait3A_667 = tpu.memref_slice %arg15[%dma_wait3A_665, %dma_wait3A_666] : memref<64x129xf32, #tpu.memory_space<vmem>> -> memref<8x128xf32, #tpu.memory_space<vmem>>
    %dma_wait3A_668 = arith.constant 0 : i32
    %dma_wait3A_669 = arith.constant 0 : i32
    %dma_wait3A_670 = tpu.memref_slice %arg4[%dma_wait3A_663, %dma_wait3A_664, %add3A, %dma_wait3A_668, %dma_wait3A_669] : memref<200x8x32x8x128xf32, #tpu.memory_space<hbm>> -> memref<1x1x1x8x128xf32, #tpu.memory_space<hbm>>
    %dma_wait3A_671 = tpu.memref_squeeze %dma_wait3A_670 : memref<1x1x1x8x128xf32, #tpu.memory_space<hbm>> -> memref<8x128xf32, #tpu.memory_space<hbm>>
    %dma_wait3A_672 = arith.constant 0 : i32
    %dma_wait3A_673 = arith.constant 0 : i32
    %dma_wait3A_674 = tpu.memref_slice %arg4[%dma_wait3A_663, %dma_wait3A_664, %add3A, %dma_wait3A_672, %dma_wait3A_673] : memref<200x8x32x8x128xf32, #tpu.memory_space<hbm>> -> memref<1x1x1x8x128xf32, #tpu.memory_space<hbm>>
    %dma_wait3A_675 = tpu.memref_squeeze %dma_wait3A_674 : memref<1x1x1x8x128xf32, #tpu.memory_space<hbm>> -> memref<8x128xf32, #tpu.memory_space<hbm>>
    %dma_wait3A_676 = arith.constant 48 : i32
    %dma_wait3A_677 = arith.constant 0 : i32
    %dma_wait3A_678 = tpu.memref_slice %arg15[%dma_wait3A_676, %dma_wait3A_677] : memref<64x129xf32, #tpu.memory_space<vmem>> -> memref<8x128xf32, #tpu.memory_space<vmem>>
    tpu.wait_dma2 semaphore(%arg25 : memref<!tpu.dma_semaphore, #tpu.memory_space<semaphore_mem>>) src(%dma_wait3A_678 : memref<8x128xf32, #tpu.memory_space<vmem>>) dst(%dma_wait3A_675 : memref<8x128xf32, #tpu.memory_space<hbm>>)
    %dma_wait3A_679 = arith.constant 0 : i32
    %dma_wait3A_680 = arith.constant 7 : i32
    %dma_wait3A_681 = arith.constant 56 : i32
    %dma_wait3A_682 = arith.constant 0 : i32
    %dma_wait3A_683 = tpu.memref_slice %arg15[%dma_wait3A_681, %dma_wait3A_682] : memref<64x129xf32, #tpu.memory_space<vmem>> -> memref<8x128xf32, #tpu.memory_space<vmem>>
    %dma_wait3A_684 = arith.constant 0 : i32
    %dma_wait3A_685 = arith.constant 0 : i32
    %dma_wait3A_686 = tpu.memref_slice %arg4[%dma_wait3A_679, %dma_wait3A_680, %add3A, %dma_wait3A_684, %dma_wait3A_685] : memref<200x8x32x8x128xf32, #tpu.memory_space<hbm>> -> memref<1x1x1x8x128xf32, #tpu.memory_space<hbm>>
    %dma_wait3A_687 = tpu.memref_squeeze %dma_wait3A_686 : memref<1x1x1x8x128xf32, #tpu.memory_space<hbm>> -> memref<8x128xf32, #tpu.memory_space<hbm>>
    %dma_wait3A_688 = arith.constant 0 : i32
    %dma_wait3A_689 = arith.constant 0 : i32
    %dma_wait3A_690 = tpu.memref_slice %arg4[%dma_wait3A_679, %dma_wait3A_680, %add3A, %dma_wait3A_688, %dma_wait3A_689] : memref<200x8x32x8x128xf32, #tpu.memory_space<hbm>> -> memref<1x1x1x8x128xf32, #tpu.memory_space<hbm>>
    %dma_wait3A_691 = tpu.memref_squeeze %dma_wait3A_690 : memref<1x1x1x8x128xf32, #tpu.memory_space<hbm>> -> memref<8x128xf32, #tpu.memory_space<hbm>>
    %dma_wait3A_692 = arith.constant 56 : i32
    %dma_wait3A_693 = arith.constant 0 : i32
    %dma_wait3A_694 = tpu.memref_slice %arg15[%dma_wait3A_692, %dma_wait3A_693] : memref<64x129xf32, #tpu.memory_space<vmem>> -> memref<8x128xf32, #tpu.memory_space<vmem>>
    tpu.wait_dma2 semaphore(%arg25 : memref<!tpu.dma_semaphore, #tpu.memory_space<semaphore_mem>>) src(%dma_wait3A_694 : memref<8x128xf32, #tpu.memory_space<vmem>>) dst(%dma_wait3A_691 : memref<8x128xf32, #tpu.memory_space<hbm>>)
    return
  }
}

</mosaic_0001>

<sc_bundles>
// kernel: kernel.3.cloned.1.call-start
scs
__scs_entry_jumppad:
0x0: {  	(pc) =	sbr.rel $0x88, $3  }
0x1: {  	(tag) =	ssettag $0x0;
	lr =	simm.s32 $0x1  }
0x2: {  	[smem:$0x3F9F] =	sst lr;
	_ =	strace $0xD0000000  }
0x3: {  	_ = 	snop  }
0x4: {  	_ = 	snop  }
0x5: {  	_ = 	snop  }
0x6: {  	_ = 	snop  }
0x7: {  	_ = 	snop  }
__scs_overlays_trampoline_lowered:
0x8: {  	[smem:$0x3FAE] =	sst s0  }
0x9: {  	[smem:$0x3FAF] =	sst s1  }
0xa: {  	[smem:$0x3FB0] =	sst s2  }
0xb: {  	[smem:$0x3FB1] =	sst s3  }
0xc: {  	[smem:$0x3FB2] =	sst s4  }
0xd: {  	[smem:$0x3FB3] =	sst s5  }
0xe: {  	[smem:$0x3FB4] =	sst s6  }
0xf: {  	[smem:$0x3FB5] =	sst s7  }
0x10: {  	[smem:$0x3FB6] =	sst s8  }
0x11: {  	[smem:$0x3FB7] =	sst s9;
	s0 =	simm.s32 @!p0 $0x0  }
0x12: {  	s1 =	sld [smem:$0x3F9D];
	s0 =	simm.s32 @p0 $0x1  }
0x13: {  	[smem:$0x3FB8] =	sst s0;
	s0 =	simm.s32 @!p1 $0x0  }
0x14: {  	s2 =	sld [smem:$0x3F9C];
	s0 =	simm.s32 @p1 $0x1  }
0x15: {  	[smem:$0x3FB9] =	sst s0;
	s0 =	simm.s32 @!p2 $0x0  }
0x16: {  	s3 =	sld [smem:$0x3FDB];
	s0 =	simm.s32 @p2 $0x1  }
0x17: {  	s4 =	simm.s32 $0x1BF5;
	[smem:$0x3FBB] =	sst s0  }
0x18: {  	s0 =	sld [smem:$0x3F9E];
	_ =	swait.ge [sflag:s4], $0x0  }
0x19: {  	s7 =	sld [smem:$0x3F9F]  }
0x1a: {  	s8 =	sadd.s32 $0xFFFFE003, lr  }
0x1b: {  	s9 =	sadd.s32 $0xFFFFFEF7, lr;
	s5 =	simm.s32 $0xFFFFFFFF;
	p2 =	slt.u32 s8, $0xFFFFF086  }
0x1c: {  	p1 =	slt.u32 s9, $0xF7A;
	s5 =	simm.s32 @!p2 $0x0  }
0x1d: {  	s5 =	simm.s32 @p1 $0x1;
	p0 =	seq.s32 s7, s2  }
0x1e: {  	s7 =	smul.u32 @!p0 $0xF7A, s2;
	p2 =	seq.s32 @!p0 s5, $0x0  }
0x1f: {  	s9 =	smul.u32 $0xF7A, s1;
	s8 =	simm.s32 @!p0 $0x1BF5;
	p2 =	por !p2, p0  }
0x20: {  	[sflag:s8] =	ssyncset.s32 @!p0 $0xFFFFF086;
	s6 =	sadd.s32 @!p0 s3, s7;
	s7 =	simm.s32 @!p0 $0x108  }
0x21: {  	s3 =	sadd.s32 s3, s9;
	s6 =	sadd.s32 @!p0 $0x88, s6;
	s7 =	simm.s32 @p2 $0x1082  }
0x22: {  	[simem:s7], [sflag:s8] =	dma.local @!p0 [hbm:s6], $0xF7A  }
0x23: {  	s9 =	sor.u32 $0xD0000000, s2;
	s6 =	simm.s32 $0x108;
	_ =	swait.ge @!p0 [sflag:s8], $0x0  }
0x24: {  	s3 =	sadd.s32 $0x88, s3;
	s6 =	simm.s32 @!p1 $0x1082;
	[sflag:s4] =	ssyncset.s32 $0xFFFFF086  }
0x25: {  	[simem:s6], [sflag:s4] =	dma.local [hbm:s3], $0xF7A  }
0x26: {  	[smem:$0x3F9F] =	sst s1;
	(tag) =	ssettag s2;
	_ =	strace s9  }
0x27: {  	s1 =	sld [smem:$0x3FAF]  }
0x28: {  	s2 =	sld [smem:$0x3FB0]  }
0x29: {  	s4 =	sld [smem:$0x3FB2]  }
0x2a: {  	p0 =	seq.s32 s5, $0x0;
	s5 =	sld [smem:$0x3FB3]  }
0x2b: {  	s6 =	sld [smem:$0x3FB4]  }
0x2c: {  	s7 =	sld [smem:$0x3FB5]  }
0x2d: {  	s3 =	simm.s32 $0x108;
	s8 =	sld [smem:$0x3FB6]  }
0x2e: {  	s3 =	simm.s32 @!p0 $0x1082;
	s9 =	sld [smem:$0x3FB7]  }
0x2f: {  	lr =	sadd.s32 s0, s3;
	s0 =	sld [smem:$0x3FAE]  }
0x30: {  	s3 =	sld [smem:$0x3FB1]  }
0x31: {  	[smem:$0x3FBA] =	sst s10  }
0x32: {  	s10 =	sld [smem:$0x3FB8];
	_ =	sdelay $0x3  }
0x33: {  	p0 =	seq.s32 s10, $0x1;
	s10 =	sld [smem:$0x3FBA];
	_ =	sdelay $0x3  }
0x34: {  	[smem:$0x3FBA] =	sst s10  }
0x35: {  	s10 =	sld [smem:$0x3FB9];
	_ =	sdelay $0x3  }
0x36: {  	p1 =	seq.s32 s10, $0x1;
	s10 =	sld [smem:$0x3FBA];
	_ =	sdelay $0x3  }
0x37: {  	[smem:$0x3FBA] =	sst s10  }
0x38: {  	s10 =	sld [smem:$0x3FBB]  }
0x39: {  	_ = 	snop;
	(pc) =	sbr.ind lr, $3  }
0x3a: {  	_ = 	snop  }
0x3b: {  	_ = 	snop  }
0x3c: {  	p2 =	seq.s32 s10, $0x1;
	s10 =	sld [smem:$0x3FBA]  }
0x3d: {  	_ =	shalt  }
0x3e: {  	_ =	shalt  }
0x3f: {  	_ =	shalt  }
0x40: {  	_ =	shalt  }
0x41: {  	_ =	shalt  }
0x42: {  	_ =	shalt  }
0x43: {  	_ =	shalt  }
0x44: {  	_ =	shalt  }
0x45: {  	_ =	shalt  }
0x46: {  	_ =	shalt  }
0x47: {  	_ =	shalt  }
0x48: {  	_ =	shalt  }
0x49: {  	_ =	shalt  }
0x4a: {  	_ =	shalt  }
0x4b: {  	_ =	shalt  }
0x4c: {  	_ =	shalt  }
0x4d: {  	_ =	shalt  }
0x4e: {  	_ =	shalt  }
0x4f: {  	_ =	shalt  }
0x50: {  	_ =	shalt  }
0x51: {  	_ =	shalt  }
0x52: {  	_ =	shalt  }
0x53: {  	_ =	shalt  }
0x54: {  	_ =	shalt  }
0x55: {  	_ =	shalt  }
0x56: {  	_ =	shalt  }
0x57: {  	_ =	shalt  }
0x58: {  	_ =	shalt  }
0x59: {  	_ =	shalt  }
0x5a: {  	_ =	shalt  }
0x5b: {  	_ =	shalt  }
0x5c: {  	_ =	shalt  }
0x5d: {  	_ =	shalt  }
0x5e: {  	_ =	shalt  }
0x5f: {  	_ =	shalt  }
0x60: {  	_ =	shalt  }
0x61: {  	_ =	shalt  }
0x62: {  	_ =	shalt  }
0x63: {  	_ =	shalt  }
0x64: {  	_ =	shalt  }
0x65: {  	_ =	shalt  }
0x66: {  	_ =	shalt  }
0x67: {  	_ =	shalt  }
0x68: {  	_ =	shalt  }
0x69: {  	_ =	shalt  }
0x6a: {  	_ =	shalt  }
0x6b: {  	_ =	shalt  }
0x6c: {  	_ =	shalt  }
0x6d: {  	_ =	shalt  }
0x6e: {  	_ =	shalt  }
0x6f: {  	_ =	shalt  }
0x70: {  	_ =	shalt  }
0x71: {  	_ =	shalt  }
0x72: {  	_ =	shalt  }
0x73: {  	_ =	shalt  }
0x74: {  	_ =	shalt  }
0x75: {  	_ =	shalt  }
0x76: {  	_ =	shalt  }
0x77: {  	_ =	shalt  }
0x78: {  	_ =	shalt  }
0x79: {  	_ =	shalt  }
0x7a: {  	_ =	shalt  }
0x7b: {  	_ =	shalt  }
0x7c: {  	_ =	shalt  }
0x7d: {  	_ =	shalt  }
0x7e: {  	_ =	shalt  }
0x7f: {  	_ =	shalt  }
0x80: {  	_ =	shalt  }
0x81: {  	_ =	shalt  }
0x82: {  	_ =	shalt  }
0x83: {  	_ =	shalt  }
0x84: {  	_ =	shalt  }
0x85: {  	_ =	shalt  }
0x86: {  	_ =	shalt  }
0x87: {  	_ =	shalt  }
.Lfunc_end0:
.L_simem_size_0:
called_computation_lowered:
.L_overlay_start_0:
0x88: {  	s2 =	sld [smem:$0x3FD9]  }
0x89: {  	s3 =	sld [smem:$0x3FFE];
	_ =	sdelay $0x1  }
0x8a: {  	s1 =	srdreg.scid  }
0x8b: {  	s0 =	sand.u32 $0x1, s1  }
0x8c: {  	s17 =	sshll.u32 s0, $0xA;
	s2 =	sadd.s32 s3, s2  }
0x8d: {  	s2 =	sadd.s32 s2, s17  }
0x8e: {  	[smem:$0x3FC6] =	sst s2  }
0x8f: {  	_ = 	snop  }
0x90: {  	s2 =	sld [smem:$0x3FC9]  }
0x91: {  	s18 =	sld [smem:$0x3FD0];
	(tm) =	ssettm $0x1  }
0x92: {  	s4 =	sld [smem:$0x3FFB];
	_ =	sdelay $0x3  }
0x93: {  	_ =	strace s4  }
0x94: {  	s4 =	sld [smem:$0x3FFC];
	_ =	sdelay $0x3  }
0x95: {  	_ =	strace s4  }
0x96: {  	s4 =	sld [smem:$0x3FFD];
	_ =	sdelay $0x3  }
0x97: {  	_ =	strace s4  }
0x98: {  	_ =	strace $0x8FFFFFFF  }
0x99: {  	s19 =	sld [smem:$0x3FDB];
	_ =	sdelay $0x1  }
0x9a: {  	s5 =	simm.s32 $_scs_section_size  }
0x9b: {  	s6 =	simm.s32 $_size__tile_overlayer_lowered;
	s7 =	simm.s32 $_tile_overlayer_lowered  }
0x9c: {  	s22 =	simm.s32 $0x1BFF;
	s21 =	sshll.u32 s7, $0x1;
	s4 =	sadd.s32 s5, s19  }
0x9d: {  	s8 =	simm.s32 $0x0;
	s20 =	sshll.u32 s6, $0x1;
	s6 =	sadd.s32 s21, s4  }
0x9e: {  	[timem:s8], [sflag:s22] =	dma.local [hbm:s6], s20  }
0x9f: {  	_ =	swait.ge [sflag:s22], s20  }
0xa0: {  	s5 =	ssub.s32 $0x0, s20;
	[sflag:s22] =	ssyncset.done $0x0  }
0xa1: {  	[sflag:s22] =	ssyncadd.s32 s5;
	_ =	sdelay $0x1  }
0xa2: {  	s23 =	simm.s32 $0x1B8B  }
0xa3: {  	_ =	swait.ge [sflag:s23], $0x1  }
0xa4: {  	[sflag:s23] =	ssyncset.done $0x0  }
0xa5: {  	s25 =	simm.s32 $0x1B8E;
	s24 =	sld [smem:$0x3FFE];
	[sflag:s23] =	ssyncadd.s32 $0xFFFFFFFF  }
0xa6: {  	s26 =	simm.s32 $execute0_lowered;
	[smem:$0x3FD2] =	sst s25  }
0xa7: {  	s6 =	sshll.u32 s26, $0x1;
	_ =	strace $0x80000046;
	[dreg:$0x1] =	wrdreg $0xFFFFFFFF  }
0xa8: {  	s28 =	simm.s32 $_size_execute0_lowered;
	s4 =	sadd.s32 s4, s6;
	[dreg:$0x0] =	wrdreg $0x0  }
0xa9: {  	s6 =	sshll.u32 s28, $0x1;
	[dreg:$0x2] =	wrdreg s4  }
0xaa: {  	[dreg:$0x3] =	wrdreg s6  }
0xab: {  	[dreg:$0x4] =	wrdreg $0xC0  }
0xac: {  	_ =	task [dreg:s8], $0x5FFFF  }
0xad: {  	[dreg:$0x1] =	wrdreg $0xFFFFFFFF  }
0xae: {  	[dreg:$0x0] =	wrdreg $0x60  }
0xaf: {  	[dreg:$0x2] =	wrdreg s2  }
0xb0: {  	[dreg:$0x3] =	wrdreg s24  }
0xb1: {  	[dreg:$0x4] =	wrdreg s18  }
0xb2: {  	[dreg:$0x5] =	wrdreg $0x9  }
0xb3: {  	_ =	task.clear_ibuf [dreg:s8], $0x6FFFF;
	_ =	strace $0x90000046  }
0xb4: {  	s29 =	simm.s32 $0x9;
	_ =	strace $0x80000048  }
0xb5: {  	_ =	swait.ge [sflag:s29], $0x1  }
0xb6: {  	[sflag:s29] =	ssyncadd.s32 $0xFFFFFFFF  }
0xb7: {  	_ =	strace $0x90000048  }
0xb8: {  	_ =	sfence  }
0xb9: {  	s30 =	sld [smem:$0x0];
	_ =	sdelay $0x2  }
0xba: {  	s31 =	sshll.u32 s1, $0xD;
	s1 =	sshrl.u32 s1, $0x2  }
0xbb: {  	s3 =	sand.u32 $0x4000, s31;
	s1 =	sadd.s32 s1, s30  }
0xbc: {  	s0 =	sor.u32 s3, s0;
	s1 =	sshll.u32 s1, $0x11  }
0xbd: {  	s0 =	sor.u32 s1, s0  }
0xbe: {  	s0 =	sadd.s32 $0x8F2B, s0  }
0xbf: {  	[sflag:s0] =	ssyncadd.remote.s32 $0x1  }
0xc0: {  	_ =	sfence.sel $0xFFFF  }
0xc1: {  	[dreg:$0x0] =	wrdreg $0xFFFFFFFF;
	(pc) =	sbr.abs _section_cstart, $3  }
0xc2: {  	[dreg:$0x1] =	wrdreg $0xFFFFFFFF  }
0xc3: {  	_ =	task.clear_ibuf [dreg:s8], $0x2FFFF;
	_ =	strace $0x9FFFFFFF  }
0xc4: {  	(tm) =	ssettm $0x7FFFFFFF  }
0xc5: {  	_ =	shalt  }
tec
execute0_lowered:
.L_overlay_start_1:
0x0: {  	(tag) =	ssettag $0x1  }
0x1: {  	s0 =	rddreg [dreg:$0x0]  }
0x2: {  	s2 =	rddreg [dreg:$0x1]  }
0x3: {  	s1 =	rddreg [dreg:$0x2];
	s3 =	simm.s32 $0x0  }
0x4: {  	s4 =	srdreg.scid;
	s5 =	stileid.u32;
	s30 =	simm.s32 $0x1  }
0x5: {  	s31 =	simm.s32 $0x10400;
	s20 =	simm.s32 $0x3;
	s29 =	simm.s32 $0x14800  }
0x6: {  	s19 =	simm.s32 $0x4;
	s22 =	simm.s32 $0x16A00;
	s18 =	simm.s32 $0x18C00  }
0x7: {  	[smem:$0x7FF] =	sst s3;
	s4 =	sand.u32 $0x1, s4;
	s5 =	sshll.u32 s5, $0xB  }
0x8: {  	s10 =	sadd.s32 $0x1000, s1;
	s11 =	sadd.s32 $0x2000, s1;
	s12 =	sadd.s32 $0x3000, s1  }
0x9: {  	s13 =	sadd.s32 $0x4000, s1;
	s14 =	sadd.s32 $0x5000, s1;
	s15 =	sadd.s32 $0x6000, s1  }
0xa: {  	s16 =	sadd.s32 $0x7000, s1;
	s6 =	ssub.s32 $0x2, s4;
	s4 =	sshll.u32 s4, $0xA  }
0xb: {  	_ =	strace $0x80000047;
	s7 =	sshrl.u32 s6, $0x1;
	s4 =	sor.u32 s4, s5  }
0xc: {  	s5 =	sadd.s32 $0xF42800, s2;
	s2 =	simm.s32 $0x5;
	s24 =	ssub.s32 s6, s7  }
0xd: {  	v0 =	vlaneseq.u32;
	s25 =	sshrl.u32 s4, $0x3;
	s26 =	sor.u32 $0x40000, s4;
	s8 =	sor.u32 $0x80000, s4  }
0xe: {  	v0 =	vmul.u32 $0x88, v0;
	s9 =	sor.u32 $0xC0000, s4;
	s0 =	sadd.s32 s0, s25;
	[dreg:$0x5] =	wrdreg s26  }
0xf: {  	s7 =	simm.s32 $0x0;
	s28 =	smax.u32 s24, $0x1;
	[dreg:$0x4] =	wrdreg s0  }
0x10: {  	v1 =	vadd.s32 $0x880, v0;
	v2 =	vadd.s32 $0x1100, v0;
	v3 =	vadd.s32 $0x1980, v0;
	s25 =	simm.s32 $0x2;
	s26 =	simm.s32 $0x12600;
	[dreg:$0x6] =	wrdreg s28  }
.LBB2_1:
0x11: {  	s0 =	rddreg [dreg:$0x4];
	s6 =	simm.s32 $0x400;
	s28 =	simm.s32 $0x8000  }
0x12: {  	[tilespmem:s3], [sflag:$0xB] =	stream.strided.gather [hbm4b:s0+s6], $0x6400, s28, s6, $0x38;
	[tilespmem:$0x1AE00] =	vst v63  }
0x13: {  	[dreg:$0x7] =	wrdreg s7;
	s6 =	simm.s32 $0xB  }
0x14: {  	_ =	swait.ge [sflag:s6], $0x6400  }
0x15: {  	[sflag:s6] =	ssyncset.done $0x0  }
0x16: {  	s7 =	simm.s32 $0x6400;
	s0 =	simm.s32 $0x80;
	[sflag:s6] =	ssyncadd.s32 $0xFFFF9C00  }
0x17: {  	[tilespmem:s7], [sflag:$0x1] =	stream.indirect.gather [hbm4b:s5+s0], $0x40, s3, s0, $0xb8;
	[tilespmem:$0x1AE00] =	vst v63  }
0x18: {  	s17 =	simm.s32 $0x8400  }
0x19: {  	[tilespmem:s17], [sflag:$0x2] =	stream.indirect.gather [hbm4b:s5+s0], $0x40, s0, s0, $0xb8;
	[tilespmem:$0x1AE00] =	vst v63  }
0x1a: {  	s21 =	simm.s32 $0x100;
	s23 =	simm.s32 $0xA400  }
0x1b: {  	[tilespmem:s23], [sflag:$0x3] =	stream.indirect.gather [hbm4b:s5+s0], $0x40, s21, s0, $0xb8;
	[tilespmem:$0x1AE00] =	vst v63  }
0x1c: {  	s24 =	simm.s32 $0x180;
	s28 =	simm.s32 $0xC400;
	s23 =	simm.s32 $0x0  }
0x1d: {  	[tilespmem:s28], [sflag:$0x4] =	stream.indirect.gather [hbm4b:s5+s0], $0x40, s24, s0, $0xb8;
	[tilespmem:$0x1AE00] =	vst v63  }
.LBB2_2:
0x1e: {  	p0 =	seq.s32 s23, $0x0  }
0x1f: {  	s0 =	simm.s32 @!p0 $0xA  }
0x20: {  	_ =	swait.ge @!p0 [sflag:s0], $0x400  }
0x21: {  	[sflag:s0] =	ssyncset.done @!p0 $0x0  }
0x22: {  	[sflag:s0] =	ssyncadd.s32 @!p0 $0xFFFFFC00  }
0x23: {  	_ =	swait.ge @!p0 [sflag:s0], $0x400  }
0x24: {  	[sflag:s0] =	ssyncset.done @!p0 $0x0  }
0x25: {  	[sflag:s0] =	ssyncadd.s32 @!p0 $0xFFFFFC00  }
0x26: {  	_ =	swait.ge @!p0 [sflag:s0], $0x400  }
0x27: {  	[sflag:s0] =	ssyncset.done @!p0 $0x0  }
0x28: {  	[sflag:s0] =	ssyncadd.s32 @!p0 $0xFFFFFC00  }
0x29: {  	_ =	swait.ge @!p0 [sflag:s0], $0x400  }
0x2a: {  	[sflag:s0] =	ssyncset.done @!p0 $0x0  }
0x2b: {  	[sflag:s0] =	ssyncadd.s32 @!p0 $0xFFFFFC00  }
0x2c: {  	_ =	swait.ge @!p0 [sflag:s0], $0x400  }
0x2d: {  	[sflag:s0] =	ssyncset.done @!p0 $0x0  }
0x2e: {  	[sflag:s0] =	ssyncadd.s32 @!p0 $0xFFFFFC00  }
0x2f: {  	_ =	swait.ge @!p0 [sflag:s0], $0x400  }
0x30: {  	[sflag:s0] =	ssyncset.done @!p0 $0x0  }
0x31: {  	[sflag:s0] =	ssyncadd.s32 @!p0 $0xFFFFFC00  }
0x32: {  	_ =	swait.ge @!p0 [sflag:s0], $0x400  }
0x33: {  	s6 =	smul.u32 $0x5, s23;
	[sflag:s0] =	ssyncset.done @!p0 $0x0  }
0x34: {  	[sflag:s0] =	ssyncadd.s32 @!p0 $0xFFFFFC00  }
0x35: {  	s24 =	sadd.s32 $0x4, s6;
	_ =	swait.ge @!p0 [sflag:s0], $0x400  }
0x36: {  	s28 =	simm.s32 $0x80;
	s6 =	sshll.u32 s24, $0x7;
	[sflag:s0] =	ssyncset.done @!p0 $0x0  }
0x37: {  	s7 =	simm.s32 $0xE400;
	s21 =	sand.u32 $0x1FF80, s6;
	[sflag:s0] =	ssyncadd.s32 @!p0 $0xFFFFFC00  }
0x38: {  	[tilespmem:s7], [sflag:$0x5] =	stream.indirect.gather [hbm4b:s5+s28], $0x40, s21, s28, $0xb8;
	[tilespmem:$0x1AE00] =	vst v63  }
0x39: {  	_ =	swait.ge [sflag:s30], $0x2000  }
0x3a: {  	[sflag:s30] =	ssyncset.done $0x0  }
0x3b: {  	s21 =	simm.s32 $0x6480;
	[sflag:s30] =	ssyncadd.s32 $0xFFFFE000  }
0x3c: {  	v5 =	vld [tilespmem:s21+$0x70]  }
0x3d: {  	v4 =	vld [tilespmem:s21+$0x60]  }
0x3e: {  	v6 =	vld [tilespmem:s21+$0x50]  }
0x3f: {  	v7 =	vld [tilespmem:s21+$0x40]  }
0x40: {  	v8 =	vld [tilespmem:s21+$0x30]  }
0x41: {  	v9 =	vld [tilespmem:s21+$0x20]  }
0x42: {  	v10 =	vld [tilespmem:s21+$0x10]  }
0x43: {  	s6 =	simm.s32 $0x0;
	v11 =	vld [tilespmem:s21+$0x0]  }
0x44: {  	v13 =	vmov s6;
	v14 =	vld [tilespmem:s21+$0xFFFFFF80]  }
0x45: {  	v13 =	vand.u32 $0x7C, v13;
	v15 =	vld [tilespmem:s21+$0xFFFFFF90]  }
0x46: {  	v17 =	vadd.s32 v0, v13;
	v16 =	vld [tilespmem:s21+$0xFFFFFFA0]  }
0x47: {  	v19 =	vadd.s32 v1, v13;
	s7 =	simm.s32 $0x1;
	v18 =	vld [tilespmem:s21+$0xFFFFFFB0]  }
0x48: {  	v22 =	vadd.s32 v2, v13;
	v20 =	vmov s7;
	v21 =	vld [tilespmem:s21+$0xFFFFFFC0]  }
0x49: {  	v13 =	vadd.s32 v3, v13;
	v20 =	vand.u32 $0x7D, v20;
	v23 =	vld [tilespmem:s21+$0xFFFFFFD0];
	v14 =	vmul.f32 $8.000000000e+00, v14  }
0x4a: {  	v25 =	vadd.s32 v0, v20;
	v24 =	vld [tilespmem:s21+$0xFFFFFFE0];
	v15 =	vmul.f32 $8.000000000e+00, v15  }
0x4b: {  	s17 =	simm.s32 $0x2;
	v47 =	vadd.s32 v1, v20;
	v12 =	vld [tilespmem:s21+$0xFFFFFFF0];
	v16 =	vmul.f32 $8.000000000e+00, v16;
	[tilespmem:v17+s31+$0x0] =	vst.idx.msk $0xffff, v14  }
0x4c: {  	v48 =	vmov s17;
	v49 =	vadd.s32 v2, v20;
	v18 =	vmul.f32 $8.000000000e+00, v18;
	[tilespmem:v19+s31+$0x0] =	vst.idx.msk $0xffff, v15  }
0x4d: {  	v51 =	vadd.s32 v3, v20;
	v50 =	vmul.f32 $8.000000000e+00, v21;
	v17 =	vand.u32 $0x7E, v48;
	[tilespmem:v22+s31+$0x0] =	vst.idx.msk $0xffff, v16  }
0x4e: {  	v52 =	vmul.f32 $8.000000000e+00, v23;
	v53 =	vadd.s32 v0, v17;
	[tilespmem:v13+s31+$0x0] =	vst.idx.msk $0xffff, v18  }
0x4f: {  	s28 =	simm.s32 $0x3;
	v54 =	vmul.f32 $8.000000000e+00, v24;
	v55 =	vadd.s32 v1, v17;
	[tilespmem:v25+s31+$0x0] =	vst.idx.msk $0xffff, v50  }
0x50: {  	v56 =	vmov s28;
	v12 =	vmul.f32 $8.000000000e+00, v12;
	v57 =	vadd.s32 v2, v17;
	[tilespmem:v47+s31+$0x0] =	vst.idx.msk $0xffff, v52  }
0x51: {  	v59 =	vand.u32 $0x7F, v56;
	v11 =	vmul.f32 $8.000000000e+00, v11;
	v58 =	vadd.s32 v3, v17;
	[tilespmem:v49+s31+$0x0] =	vst.idx.msk $0xffff, v54  }
0x52: {  	v60 =	vadd.s32 v0, v59;
	v10 =	vmul.f32 $8.000000000e+00, v10;
	[tilespmem:v51+s31+$0x0] =	vst.idx.msk $0xffff, v12  }
0x53: {  	v61 =	vadd.s32 v1, v59;
	v9 =	vmul.f32 $8.000000000e+00, v9;
	[tilespmem:v53+s31+$0x0] =	vst.idx.msk $0xffff, v11  }
0x54: {  	v62 =	vadd.s32 v2, v59;
	v8 =	vmul.f32 $8.000000000e+00, v8;
	[tilespmem:v55+s31+$0x0] =	vst.idx.msk $0xffff, v10  }
0x55: {  	v7 =	vmul.f32 $8.000000000e+00, v7;
	[tilespmem:v57+s31+$0x0] =	vst.idx.msk $0xffff, v9  }
0x56: {  	v6 =	vmul.f32 $8.000000000e+00, v6;
	v63 =	vmul.f32 $8.000000000e+00, v4;
	v4 =	vadd.s32 v3, v59;
	[tilespmem:v58+s31+$0x0] =	vst.idx.msk $0xffff, v8  }
0x57: {  	[tilespmem:v60+s31+$0x0] =	vst.idx.msk $0xffff, v7  }
0x58: {  	[tilespmem:v61+s31+$0x0] =	vst.idx.msk $0xffff, v6  }
0x59: {  	s6 =	simm.s32 $0x4;
	v5 =	vmul.f32 $8.000000000e+00, v5;
	[tilespmem:v62+s31+$0x0] =	vst.idx.msk $0xffff, v63  }
.LBB2_3:
0x5a: {  	p0 =	sne.s32 s6, $0x7C  }
0x5b: {  	[tilespmem:v4+s31+$0x0] =	vst.idx.msk $0xffff, v5;
	s21 =	sadd.s32 $0x100, s21;
	s17 =	smov.u32 s6;
	s6 =	sadd.s32 $0x4, s6  }
0x5c: {  	v5 =	vld [tilespmem:s21+$0x70]  }
0x5d: {  	v6 =	vld [tilespmem:s21+$0x60]  }
0x5e: {  	v7 =	vld [tilespmem:s21+$0x50]  }
0x5f: {  	v4 =	vld [tilespmem:s21+$0x40]  }
0x60: {  	v8 =	vld [tilespmem:s21+$0x30]  }
0x61: {  	v9 =	vld [tilespmem:s21+$0x20]  }
0x62: {  	v10 =	vld [tilespmem:s21+$0x10]  }
0x63: {  	v11 =	vld [tilespmem:s21+$0x0]  }
0x64: {  	v12 =	vld [tilespmem:s21+$0xFFFFFFF0]  }
0x65: {  	v13 =	vmov s17;
	v14 =	vld [tilespmem:s21+$0xFFFFFF80]  }
0x66: {  	v13 =	vand.u32 $0x7C, v13;
	v15 =	vld [tilespmem:s21+$0xFFFFFF90]  }
0x67: {  	v17 =	vadd.s32 v0, v13;
	v16 =	vld [tilespmem:s21+$0xFFFFFFA0]  }
0x68: {  	s0 =	sadd.s32 $0x1, s17;
	v19 =	vadd.s32 v1, v13;
	v18 =	vld [tilespmem:s21+$0xFFFFFFB0]  }
0x69: {  	v20 =	vmov s0;
	v22 =	vadd.s32 v2, v13;
	v21 =	vld [tilespmem:s21+$0xFFFFFFC0]  }
0x6a: {  	v13 =	vadd.s32 v3, v13;
	v20 =	vand.u32 $0x7D, v20;
	v14 =	vmul.f32 $8.000000000e+00, v14;
	v23 =	vld [tilespmem:s21+$0xFFFFFFD0]  }
0x6b: {  	v25 =	vadd.s32 v0, v20;
	v15 =	vmul.f32 $8.000000000e+00, v15;
	v24 =	vld [tilespmem:s21+$0xFFFFFFE0]  }
0x6c: {  	s0 =	sadd.s32 $0x2, s17;
	v16 =	vmul.f32 $8.000000000e+00, v16;
	[tilespmem:v17+s31+$0x0] =	vst.idx.msk $0xffff, v14;
	v14 =	vadd.s32 v1, v20  }
0x6d: {  	v17 =	vmov s0;
	v18 =	vmul.f32 $8.000000000e+00, v18;
	[tilespmem:v19+s31+$0x0] =	vst.idx.msk $0xffff, v15;
	v15 =	vadd.s32 v2, v20  }
0x6e: {  	v17 =	vand.u32 $0x7E, v17;
	v19 =	vmul.f32 $8.000000000e+00, v21;
	[tilespmem:v22+s31+$0x0] =	vst.idx.msk $0xffff, v16;
	v16 =	vadd.s32 v3, v20  }
0x6f: {  	v20 =	vmul.f32 $8.000000000e+00, v23;
	[tilespmem:v13+s31+$0x0] =	vst.idx.msk $0xffff, v18;
	v13 =	vadd.s32 v0, v17  }
0x70: {  	s0 =	sadd.s32 $0x3, s17;
	v18 =	vmul.f32 $8.000000000e+00, v24;
	[tilespmem:v25+s31+$0x0] =	vst.idx.msk $0xffff, v19;
	v19 =	vadd.s32 v1, v17  }
0x71: {  	v12 =	vmul.f32 $8.000000000e+00, v12;
	v21 =	vmov s0;
	[tilespmem:v14+s31+$0x0] =	vst.idx.msk $0xffff, v20;
	v14 =	vadd.s32 v2, v17  }
0x72: {  	v11 =	vmul.f32 $8.000000000e+00, v11;
	[tilespmem:v15+s31+$0x0] =	vst.idx.msk $0xffff, v18;
	v15 =	vadd.s32 v3, v17;
	v17 =	vand.u32 $0x7F, v21  }
0x73: {  	v10 =	vmul.f32 $8.000000000e+00, v10;
	[tilespmem:v16+s31+$0x0] =	vst.idx.msk $0xffff, v12;
	v12 =	vadd.s32 v0, v17  }
0x74: {  	v9 =	vmul.f32 $8.000000000e+00, v9;
	[tilespmem:v13+s31+$0x0] =	vst.idx.msk $0xffff, v11;
	v11 =	vadd.s32 v1, v17  }
0x75: {  	v8 =	vmul.f32 $8.000000000e+00, v8;
	[tilespmem:v19+s31+$0x0] =	vst.idx.msk $0xffff, v10;
	v10 =	vadd.s32 v2, v17  }
.Ltmp0:
0x76: {  	v13 =	vmul.f32 $8.000000000e+00, v4;
	v4 =	vadd.s32 v3, v17;
	[tilespmem:v14+s31+$0x0] =	vst.idx.msk $0xffff, v9;
	(pc) =	sbr.rel @p0 .LBB2_3-.Ltmp0, $4  }
0x77: {  	v7 =	vmul.f32 $8.000000000e+00, v7;
	[tilespmem:v15+s31+$0x0] =	vst.idx.msk $0xffff, v8  }
0x78: {  	v6 =	vmul.f32 $8.000000000e+00, v6;
	[tilespmem:v12+s31+$0x0] =	vst.idx.msk $0xffff, v13  }
0x79: {  	v5 =	vmul.f32 $8.000000000e+00, v5;
	[tilespmem:v11+s31+$0x0] =	vst.idx.msk $0xffff, v7  }
0x7a: {  	[tilespmem:v10+s31+$0x0] =	vst.idx.msk $0xffff, v6  }
0x7b: {  	s21 =	smul.u32 $0x140000, s23;
	_ =	sdelay $0x1  }
0x7c: {  	s0 =	sor.u32 s4, s21  }
0x7d: {  	s6 =	sshrl.u32 s0, $0x3  }
0x7e: {  	[tilespmem:v4+s31+$0x0] =	vst.idx.msk $0xffff, v5;
	s0 =	sadd.s32 s1, s6  }
0x7f: {  	[hbm4b:s0+s3] =	stream.linear.scatter [tilespmem:s31], [sflag:$0x6], $0x80, $0x38;
	[tilespmem:$0x1AE00] =	vst v63  }
0x80: {  	s7 =	simm.s32 $0x10488;
	s17 =	sadd.s32 $0x10, s0  }
0x81: {  	[hbm4b:s17+s3] =	stream.linear.scatter [tilespmem:s7], [sflag:$0x6], $0x80, $0x38;
	[tilespmem:$0x1AE00] =	vst v63  }
0x82: {  	s17 =	sadd.s32 $0x20, s0;
	s7 =	simm.s32 $0x10510  }
0x83: {  	[hbm4b:s17+s3] =	stream.linear.scatter [tilespmem:s7], [sflag:$0x6], $0x80, $0x38;
	[tilespmem:$0x1AE00] =	vst v63  }
0x84: {  	s17 =	sadd.s32 $0x30, s0;
	s7 =	simm.s32 $0x10598  }
0x85: {  	[hbm4b:s17+s3] =	stream.linear.scatter [tilespmem:s7], [sflag:$0x6], $0x80, $0x38;
	[tilespmem:$0x1AE00] =	vst v63  }
0x86: {  	s17 =	sadd.s32 $0x40, s0;
	s7 =	simm.s32 $0x10620  }
0x87: {  	[hbm4b:s17+s3] =	stream.linear.scatter [tilespmem:s7], [sflag:$0x6], $0x80, $0x38;
	[tilespmem:$0x1AE00] =	vst v63  }
0x88: {  	s17 =	sadd.s32 $0x50, s0;
	s7 =	simm.s32 $0x106A8  }
0x89: {  	[hbm4b:s17+s3] =	stream.linear.scatter [tilespmem:s7], [sflag:$0x6], $0x80, $0x38;
	[tilespmem:$0x1AE00] =	vst v63  }
0x8a: {  	s17 =	sadd.s32 $0x60, s0;
	s7 =	simm.s32 $0x10730  }
0x8b: {  	[hbm4b:s17+s3] =	stream.linear.scatter [tilespmem:s7], [sflag:$0x6], $0x80, $0x38;
	[tilespmem:$0x1AE00] =	vst v63  }
0x8c: {  	s0 =	sadd.s32 $0x70, s0;
	s17 =	simm.s32 $0x107B8  }
0x8d: {  	[hbm4b:s0+s3] =	stream.linear.scatter [tilespmem:s17], [sflag:$0x6], $0x80, $0x38;
	[tilespmem:$0x1AE00] =	vst v63  }
0x8e: {  	s0 =	sadd.s32 s6, s10;
	s17 =	simm.s32 $0x10840  }
0x8f: {  	[hbm4b:s0+s3] =	stream.linear.scatter [tilespmem:s17], [sflag:$0x6], $0x80, $0x38;
	[tilespmem:$0x1AE00] =	vst v63  }
0x90: {  	s7 =	simm.s32 $0x108C8;
	s17 =	sadd.s32 $0x10, s0  }
0x91: {  	[hbm4b:s17+s3] =	stream.linear.scatter [tilespmem:s7], [sflag:$0x6], $0x80, $0x38;
	[tilespmem:$0x1AE00] =	vst v63  }
0x92: {  	s17 =	sadd.s32 $0x20, s0;
	s7 =	simm.s32 $0x10950  }
0x93: {  	[hbm4b:s17+s3] =	stream.linear.scatter [tilespmem:s7], [sflag:$0x6], $0x80, $0x38;
	[tilespmem:$0x1AE00] =	vst v63  }
0x94: {  	s17 =	sadd.s32 $0x30, s0;
	s7 =	simm.s32 $0x109D8  }
0x95: {  	[hbm4b:s17+s3] =	stream.linear.scatter [tilespmem:s7], [sflag:$0x6], $0x80, $0x38;
	[tilespmem:$0x1AE00] =	vst v63  }
0x96: {  	s17 =	sadd.s32 $0x40, s0;
	s7 =	simm.s32 $0x10A60  }
0x97: {  	[hbm4b:s17+s3] =	stream.linear.scatter [tilespmem:s7], [sflag:$0x6], $0x80, $0x38;
	[tilespmem:$0x1AE00] =	vst v63  }
0x98: {  	s17 =	sadd.s32 $0x50, s0;
	s7 =	simm.s32 $0x10AE8  }
0x99: {  	[hbm4b:s17+s3] =	stream.linear.scatter [tilespmem:s7], [sflag:$0x6], $0x80, $0x38;
	[tilespmem:$0x1AE00] =	vst v63  }
0x9a: {  	s17 =	sadd.s32 $0x60, s0;
	s7 =	simm.s32 $0x10B70  }
0x9b: {  	[hbm4b:s17+s3] =	stream.linear.scatter [tilespmem:s7], [sflag:$0x6], $0x80, $0x38;
	[tilespmem:$0x1AE00] =	vst v63  }
0x9c: {  	s0 =	sadd.s32 $0x70, s0;
	s17 =	simm.s32 $0x10BF8  }
0x9d: {  	[hbm4b:s0+s3] =	stream.linear.scatter [tilespmem:s17], [sflag:$0x6], $0x80, $0x38;
	[tilespmem:$0x1AE00] =	vst v63  }
0x9e: {  	s0 =	sadd.s32 s6, s11;
	s17 =	simm.s32 $0x10C80  }
0x9f: {  	[hbm4b:s0+s3] =	stream.linear.scatter [tilespmem:s17], [sflag:$0x6], $0x80, $0x38;
	[tilespmem:$0x1AE00] =	vst v63  }
0xa0: {  	s7 =	simm.s32 $0x10D08;
	s17 =	sadd.s32 $0x10, s0  }
0xa1: {  	[hbm4b:s17+s3] =	stream.linear.scatter [tilespmem:s7], [sflag:$0x6], $0x80, $0x38;
	[tilespmem:$0x1AE00] =	vst v63  }
0xa2: {  	s17 =	sadd.s32 $0x20, s0;
	s7 =	simm.s32 $0x10D90  }
0xa3: {  	[hbm4b:s17+s3] =	stream.linear.scatter [tilespmem:s7], [sflag:$0x6], $0x80, $0x38;
	[tilespmem:$0x1AE00] =	vst v63  }
0xa4: {  	s17 =	sadd.s32 $0x30, s0;
	s7 =	simm.s32 $0x10E18  }
0xa5: {  	[hbm4b:s17+s3] =	stream.linear.scatter [tilespmem:s7], [sflag:$0x6], $0x80, $0x38;
	[tilespmem:$0x1AE00] =	vst v63  }
0xa6: {  	s17 =	sadd.s32 $0x40, s0;
	s7 =	simm.s32 $0x10EA0  }
0xa7: {  	[hbm4b:s17+s3] =	stream.linear.scatter [tilespmem:s7], [sflag:$0x6], $0x80, $0x38;
	[tilespmem:$0x1AE00] =	vst v63  }
0xa8: {  	s17 =	sadd.s32 $0x50, s0;
	s7 =	simm.s32 $0x10F28  }
0xa9: {  	[hbm4b:s17+s3] =	stream.linear.scatter [tilespmem:s7], [sflag:$0x6], $0x80, $0x38;
	[tilespmem:$0x1AE00] =	vst v63  }
0xaa: {  	s17 =	sadd.s32 $0x60, s0;
	s7 =	simm.s32 $0x10FB0  }
0xab: {  	[hbm4b:s17+s3] =	stream.linear.scatter [tilespmem:s7], [sflag:$0x6], $0x80, $0x38;
	[tilespmem:$0x1AE00] =	vst v63  }
0xac: {  	s0 =	sadd.s32 $0x70, s0;
	s17 =	simm.s32 $0x11038  }
0xad: {  	[hbm4b:s0+s3] =	stream.linear.scatter [tilespmem:s17], [sflag:$0x6], $0x80, $0x38;
	[tilespmem:$0x1AE00] =	vst v63  }
0xae: {  	s0 =	sadd.s32 s6, s12;
	s17 =	simm.s32 $0x110C0  }
0xaf: {  	[hbm4b:s0+s3] =	stream.linear.scatter [tilespmem:s17], [sflag:$0x6], $0x80, $0x38;
	[tilespmem:$0x1AE00] =	vst v63  }
0xb0: {  	s7 =	simm.s32 $0x11148;
	s17 =	sadd.s32 $0x10, s0  }
0xb1: {  	[hbm4b:s17+s3] =	stream.linear.scatter [tilespmem:s7], [sflag:$0x6], $0x80, $0x38;
	[tilespmem:$0x1AE00] =	vst v63  }
0xb2: {  	s17 =	sadd.s32 $0x20, s0;
	s7 =	simm.s32 $0x111D0  }
0xb3: {  	[hbm4b:s17+s3] =	stream.linear.scatter [tilespmem:s7], [sflag:$0x6], $0x80, $0x38;
	[tilespmem:$0x1AE00] =	vst v63  }
0xb4: {  	s17 =	sadd.s32 $0x30, s0;
	s7 =	simm.s32 $0x11258  }
0xb5: {  	[hbm4b:s17+s3] =	stream.linear.scatter [tilespmem:s7], [sflag:$0x6], $0x80, $0x38;
	[tilespmem:$0x1AE00] =	vst v63  }
0xb6: {  	s17 =	sadd.s32 $0x40, s0;
	s7 =	simm.s32 $0x112E0  }
0xb7: {  	[hbm4b:s17+s3] =	stream.linear.scatter [tilespmem:s7], [sflag:$0x6], $0x80, $0x38;
	[tilespmem:$0x1AE00] =	vst v63  }
0xb8: {  	s17 =	sadd.s32 $0x50, s0;
	s7 =	simm.s32 $0x11368  }
0xb9: {  	[hbm4b:s17+s3] =	stream.linear.scatter [tilespmem:s7], [sflag:$0x6], $0x80, $0x38;
	[tilespmem:$0x1AE00] =	vst v63  }
0xba: {  	s17 =	sadd.s32 $0x60, s0;
	s7 =	simm.s32 $0x113F0  }
0xbb: {  	[hbm4b:s17+s3] =	stream.linear.scatter [tilespmem:s7], [sflag:$0x6], $0x80, $0x38;
	[tilespmem:$0x1AE00] =	vst v63  }
0xbc: {  	s0 =	sadd.s32 $0x70, s0;
	s17 =	simm.s32 $0x11478  }
0xbd: {  	[hbm4b:s0+s3] =	stream.linear.scatter [tilespmem:s17], [sflag:$0x6], $0x80, $0x38;
	[tilespmem:$0x1AE00] =	vst v63  }
0xbe: {  	s0 =	sadd.s32 s6, s13;
	s17 =	simm.s32 $0x11500  }
0xbf: {  	[hbm4b:s0+s3] =	stream.linear.scatter [tilespmem:s17], [sflag:$0x6], $0x80, $0x38;
	[tilespmem:$0x1AE00] =	vst v63  }
0xc0: {  	s7 =	simm.s32 $0x11588;
	s17 =	sadd.s32 $0x10, s0  }
0xc1: {  	[hbm4b:s17+s3] =	stream.linear.scatter [tilespmem:s7], [sflag:$0x6], $0x80, $0x38;
	[tilespmem:$0x1AE00] =	vst v63  }
0xc2: {  	s17 =	sadd.s32 $0x20, s0;
	s7 =	simm.s32 $0x11610  }
0xc3: {  	[hbm4b:s17+s3] =	stream.linear.scatter [tilespmem:s7], [sflag:$0x6], $0x80, $0x38;
	[tilespmem:$0x1AE00] =	vst v63  }
0xc4: {  	s17 =	sadd.s32 $0x30, s0;
	s7 =	simm.s32 $0x11698  }
0xc5: {  	[hbm4b:s17+s3] =	stream.linear.scatter [tilespmem:s7], [sflag:$0x6], $0x80, $0x38;
	[tilespmem:$0x1AE00] =	vst v63  }
0xc6: {  	s17 =	sadd.s32 $0x40, s0;
	s7 =	simm.s32 $0x11720  }
0xc7: {  	[hbm4b:s17+s3] =	stream.linear.scatter [tilespmem:s7], [sflag:$0x6], $0x80, $0x38;
	[tilespmem:$0x1AE00] =	vst v63  }
0xc8: {  	s17 =	sadd.s32 $0x50, s0;
	s7 =	simm.s32 $0x117A8  }
0xc9: {  	[hbm4b:s17+s3] =	stream.linear.scatter [tilespmem:s7], [sflag:$0x6], $0x80, $0x38;
	[tilespmem:$0x1AE00] =	vst v63  }
0xca: {  	s17 =	sadd.s32 $0x60, s0;
	s7 =	simm.s32 $0x11830  }
0xcb: {  	[hbm4b:s17+s3] =	stream.linear.scatter [tilespmem:s7], [sflag:$0x6], $0x80, $0x38;
	[tilespmem:$0x1AE00] =	vst v63  }
0xcc: {  	s0 =	sadd.s32 $0x70, s0;
	s17 =	simm.s32 $0x118B8  }
0xcd: {  	[hbm4b:s0+s3] =	stream.linear.scatter [tilespmem:s17], [sflag:$0x6], $0x80, $0x38;
	[tilespmem:$0x1AE00] =	vst v63  }
0xce: {  	s0 =	sadd.s32 s6, s14;
	s17 =	simm.s32 $0x11940  }
0xcf: {  	[hbm4b:s0+s3] =	stream.linear.scatter [tilespmem:s17], [sflag:$0x6], $0x80, $0x38;
	[tilespmem:$0x1AE00] =	vst v63  }
0xd0: {  	s7 =	simm.s32 $0x119C8;
	s17 =	sadd.s32 $0x10, s0  }
0xd1: {  	[hbm4b:s17+s3] =	stream.linear.scatter [tilespmem:s7], [sflag:$0x6], $0x80, $0x38;
	[tilespmem:$0x1AE00] =	vst v63  }
0xd2: {  	s17 =	sadd.s32 $0x20, s0;
	s7 =	simm.s32 $0x11A50  }
0xd3: {  	[hbm4b:s17+s3] =	stream.linear.scatter [tilespmem:s7], [sflag:$0x6], $0x80, $0x38;
	[tilespmem:$0x1AE00] =	vst v63  }
0xd4: {  	s17 =	sadd.s32 $0x30, s0;
	s7 =	simm.s32 $0x11AD8  }
0xd5: {  	[hbm4b:s17+s3] =	stream.linear.scatter [tilespmem:s7], [sflag:$0x6], $0x80, $0x38;
	[tilespmem:$0x1AE00] =	vst v63  }
0xd6: {  	s17 =	sadd.s32 $0x40, s0;
	s7 =	simm.s32 $0x11B60  }
0xd7: {  	[hbm4b:s17+s3] =	stream.linear.scatter [tilespmem:s7], [sflag:$0x6], $0x80, $0x38;
	[tilespmem:$0x1AE00] =	vst v63  }
0xd8: {  	s17 =	sadd.s32 $0x50, s0;
	s7 =	simm.s32 $0x11BE8  }
0xd9: {  	[hbm4b:s17+s3] =	stream.linear.scatter [tilespmem:s7], [sflag:$0x6], $0x80, $0x38;
	[tilespmem:$0x1AE00] =	vst v63  }
0xda: {  	s17 =	sadd.s32 $0x60, s0;
	s7 =	simm.s32 $0x11C70  }
0xdb: {  	[hbm4b:s17+s3] =	stream.linear.scatter [tilespmem:s7], [sflag:$0x6], $0x80, $0x38;
	[tilespmem:$0x1AE00] =	vst v63  }
0xdc: {  	s0 =	sadd.s32 $0x70, s0;
	s17 =	simm.s32 $0x11CF8  }
0xdd: {  	[hbm4b:s0+s3] =	stream.linear.scatter [tilespmem:s17], [sflag:$0x6], $0x80, $0x38;
	[tilespmem:$0x1AE00] =	vst v63  }
0xde: {  	s0 =	sadd.s32 s6, s15;
	s17 =	simm.s32 $0x11D80  }
0xdf: {  	[hbm4b:s0+s3] =	stream.linear.scatter [tilespmem:s17], [sflag:$0x6], $0x80, $0x38;
	[tilespmem:$0x1AE00] =	vst v63  }
0xe0: {  	s7 =	simm.s32 $0x11E08;
	s17 =	sadd.s32 $0x10, s0  }
0xe1: {  	[hbm4b:s17+s3] =	stream.linear.scatter [tilespmem:s7], [sflag:$0x6], $0x80, $0x38;
	[tilespmem:$0x1AE00] =	vst v63  }
0xe2: {  	s17 =	sadd.s32 $0x20, s0;
	s7 =	simm.s32 $0x11E90  }
0xe3: {  	[hbm4b:s17+s3] =	stream.linear.scatter [tilespmem:s7], [sflag:$0x6], $0x80, $0x38;
	[tilespmem:$0x1AE00] =	vst v63  }
0xe4: {  	s17 =	sadd.s32 $0x30, s0;
	s7 =	simm.s32 $0x11F18  }
0xe5: {  	[hbm4b:s17+s3] =	stream.linear.scatter [tilespmem:s7], [sflag:$0x6], $0x80, $0x38;
	[tilespmem:$0x1AE00] =	vst v63  }
0xe6: {  	s17 =	sadd.s32 $0x40, s0;
	s7 =	simm.s32 $0x11FA0  }
0xe7: {  	[hbm4b:s17+s3] =	stream.linear.scatter [tilespmem:s7], [sflag:$0x6], $0x80, $0x38;
	[tilespmem:$0x1AE00] =	vst v63  }
0xe8: {  	s17 =	sadd.s32 $0x50, s0;
	s7 =	simm.s32 $0x12028  }
0xe9: {  	[hbm4b:s17+s3] =	stream.linear.scatter [tilespmem:s7], [sflag:$0x6], $0x80, $0x38;
	[tilespmem:$0x1AE00] =	vst v63  }
0xea: {  	s17 =	sadd.s32 $0x60, s0;
	s7 =	simm.s32 $0x120B0  }
0xeb: {  	[hbm4b:s17+s3] =	stream.linear.scatter [tilespmem:s7], [sflag:$0x6], $0x80, $0x38;
	[tilespmem:$0x1AE00] =	vst v63  }
0xec: {  	s0 =	sadd.s32 $0x70, s0;
	s17 =	simm.s32 $0x12138  }
0xed: {  	[hbm4b:s0+s3] =	stream.linear.scatter [tilespmem:s17], [sflag:$0x6], $0x80, $0x38;
	[tilespmem:$0x1AE00] =	vst v63  }
0xee: {  	s0 =	sadd.s32 s6, s16;
	s17 =	simm.s32 $0x121C0  }
0xef: {  	[hbm4b:s0+s3] =	stream.linear.scatter [tilespmem:s17], [sflag:$0x6], $0x80, $0x38;
	[tilespmem:$0x1AE00] =	vst v63  }
0xf0: {  	s7 =	sadd.s32 $0x10, s0;
	s17 =	simm.s32 $0x12248  }
0xf1: {  	[hbm4b:s7+s3] =	stream.linear.scatter [tilespmem:s17], [sflag:$0x6], $0x80, $0x38;
	[tilespmem:$0x1AE00] =	vst v63  }
0xf2: {  	s7 =	sadd.s32 $0x20, s0;
	s17 =	simm.s32 $0x122D0  }
0xf3: {  	[hbm4b:s7+s3] =	stream.linear.scatter [tilespmem:s17], [sflag:$0x6], $0x80, $0x38;
	[tilespmem:$0x1AE00] =	vst v63  }
0xf4: {  	s7 =	sadd.s32 $0x30, s0;
	s17 =	simm.s32 $0x12358  }
0xf5: {  	[hbm4b:s7+s3] =	stream.linear.scatter [tilespmem:s17], [sflag:$0x6], $0x80, $0x38;
	[tilespmem:$0x1AE00] =	vst v63  }
0xf6: {  	s7 =	sadd.s32 $0x40, s0;
	s17 =	simm.s32 $0x123E0  }
0xf7: {  	[hbm4b:s7+s3] =	stream.linear.scatter [tilespmem:s17], [sflag:$0x6], $0x80, $0x38;
	[tilespmem:$0x1AE00] =	vst v63  }
0xf8: {  	s7 =	sadd.s32 $0x50, s0;
	s17 =	simm.s32 $0x12468  }
0xf9: {  	[hbm4b:s7+s3] =	stream.linear.scatter [tilespmem:s17], [sflag:$0x6], $0x80, $0x38;
	[tilespmem:$0x1AE00] =	vst v63  }
0xfa: {  	s7 =	sadd.s32 $0x60, s0;
	s17 =	simm.s32 $0x124F0  }
0xfb: {  	[hbm4b:s7+s3] =	stream.linear.scatter [tilespmem:s17], [sflag:$0x6], $0x80, $0x38;
	[tilespmem:$0x1AE00] =	vst v63  }
0xfc: {  	p0 =	seq.s32 s23, $0x27;
	s0 =	sadd.s32 $0x70, s0;
	s17 =	simm.s32 $0x12578  }
0xfd: {  	[hbm4b:s0+s3] =	stream.linear.scatter [tilespmem:s17], [sflag:$0x6], $0x80, $0x38;
	[tilespmem:$0x1AE00] =	vst v63  }
0xfe: {  	s0 =	simm.s32 @!p0 $0x6  }
0xff: {  	_ =	swait.ge @!p0 [sflag:s0], $0x400  }
0x100: {  	[sflag:s0] =	ssyncset.done @!p0 $0x0  }
0x101: {  	[sflag:s0] =	ssyncadd.s32 @!p0 $0xFFFFFC00  }
0x102: {  	_ =	swait.ge @!p0 [sflag:s0], $0x400  }
0x103: {  	[sflag:s0] =	ssyncset.done @!p0 $0x0  }
0x104: {  	[sflag:s0] =	ssyncadd.s32 @!p0 $0xFFFFFC00  }
0x105: {  	_ =	swait.ge @!p0 [sflag:s0], $0x400  }
0x106: {  	[sflag:s0] =	ssyncset.done @!p0 $0x0  }
0x107: {  	[sflag:s0] =	ssyncadd.s32 @!p0 $0xFFFFFC00  }
0x108: {  	_ =	swait.ge @!p0 [sflag:s0], $0x400  }
0x109: {  	[sflag:s0] =	ssyncset.done @!p0 $0x0  }
0x10a: {  	[sflag:s0] =	ssyncadd.s32 @!p0 $0xFFFFFC00  }
0x10b: {  	_ =	swait.ge @!p0 [sflag:s0], $0x400  }
0x10c: {  	[sflag:s0] =	ssyncset.done @!p0 $0x0  }
0x10d: {  	[sflag:s0] =	ssyncadd.s32 @!p0 $0xFFFFFC00  }
0x10e: {  	_ =	swait.ge @!p0 [sflag:s0], $0x400  }
0x10f: {  	[sflag:s0] =	ssyncset.done @!p0 $0x0  }
0x110: {  	[sflag:s0] =	ssyncadd.s32 @!p0 $0xFFFFFC00  }
0x111: {  	_ =	swait.ge @!p0 [sflag:s0], $0x400  }
0x112: {  	[sflag:s0] =	ssyncset.done @!p0 $0x0  }
0x113: {  	s28 =	smul.u32 @!p0 $0xA00, s23;
	[sflag:s0] =	ssyncadd.s32 @!p0 $0xFFFFFC00  }
0x114: {  	_ =	swait.ge @!p0 [sflag:s0], $0x400  }
0x115: {  	s6 =	sadd.s32 @!p0 $0xA00, s28;
	[sflag:s0] =	ssyncset.done @!p0 $0x0  }
0x116: {  	[sflag:s0] =	ssyncadd.s32 @!p0 $0xFFFFFC00;
	s0 =	sand.u32 @!p0 $0x7FE00, s6  }
0x117: {  	s17 =	simm.s32 @!p0 $0x6400;
	s6 =	simm.s32 @!p0 $0x80;
	s0 =	sshrl.u32 @!p0 s0, $0x2  }
0x118: {  	[tilespmem:s17], [sflag:$0x1] =	stream.indirect.gather @!p0 [hbm4b:s5+s6], $0x40, s0, s6, $0xb8;
	[tilespmem:$0x1AE00] =	vst v63  }
0x119: {  	_ =	swait.ge [sflag:s25], $0x2000  }
0x11a: {  	[sflag:s25] =	ssyncset.done $0x0  }
0x11b: {  	s6 =	simm.s32 $0x8480;
	[sflag:s25] =	ssyncadd.s32 $0xFFFFE000  }
0x11c: {  	v5 =	vld [tilespmem:s6+$0x70]  }
0x11d: {  	v4 =	vld [tilespmem:s6+$0x60]  }
0x11e: {  	v6 =	vld [tilespmem:s6+$0x50]  }
0x11f: {  	v7 =	vld [tilespmem:s6+$0x40]  }
0x120: {  	v8 =	vld [tilespmem:s6+$0x30]  }
0x121: {  	v9 =	vld [tilespmem:s6+$0x20]  }
0x122: {  	v10 =	vld [tilespmem:s6+$0x10]  }
0x123: {  	s7 =	simm.s32 $0x0;
	v11 =	vld [tilespmem:s6+$0x0]  }
0x124: {  	v13 =	vmov s7;
	v14 =	vld [tilespmem:s6+$0xFFFFFF80]  }
0x125: {  	v13 =	vand.u32 $0x7C, v13;
	v15 =	vld [tilespmem:s6+$0xFFFFFF90]  }
0x126: {  	v17 =	vadd.s32 v0, v13;
	v16 =	vld [tilespmem:s6+$0xFFFFFFA0]  }
0x127: {  	v19 =	vadd.s32 v1, v13;
	s17 =	simm.s32 $0x1;
	v18 =	vld [tilespmem:s6+$0xFFFFFFB0]  }
0x128: {  	v22 =	vadd.s32 v2, v13;
	v20 =	vmov s17;
	v21 =	vld [tilespmem:s6+$0xFFFFFFC0]  }
0x129: {  	v13 =	vadd.s32 v3, v13;
	v20 =	vand.u32 $0x7D, v20;
	v23 =	vld [tilespmem:s6+$0xFFFFFFD0];
	v14 =	vmul.f32 $8.000000000e+00, v14  }
0x12a: {  	v25 =	vadd.s32 v0, v20;
	v24 =	vld [tilespmem:s6+$0xFFFFFFE0];
	v15 =	vmul.f32 $8.000000000e+00, v15  }
0x12b: {  	s7 =	simm.s32 $0x2;
	v47 =	vadd.s32 v1, v20;
	v12 =	vld [tilespmem:s6+$0xFFFFFFF0];
	v16 =	vmul.f32 $8.000000000e+00, v16;
	[tilespmem:v17+s26+$0x0] =	vst.idx.msk $0xffff, v14  }
0x12c: {  	v48 =	vmov s7;
	v49 =	vadd.s32 v2, v20;
	v18 =	vmul.f32 $8.000000000e+00, v18;
	[tilespmem:v19+s26+$0x0] =	vst.idx.msk $0xffff, v15  }
0x12d: {  	v51 =	vadd.s32 v3, v20;
	v50 =	vmul.f32 $8.000000000e+00, v21;
	v17 =	vand.u32 $0x7E, v48;
	[tilespmem:v22+s26+$0x0] =	vst.idx.msk $0xffff, v16  }
0x12e: {  	v52 =	vmul.f32 $8.000000000e+00, v23;
	v53 =	vadd.s32 v0, v17;
	[tilespmem:v13+s26+$0x0] =	vst.idx.msk $0xffff, v18  }
0x12f: {  	s17 =	simm.s32 $0x3;
	v54 =	vmul.f32 $8.000000000e+00, v24;
	v55 =	vadd.s32 v1, v17;
	[tilespmem:v25+s26+$0x0] =	vst.idx.msk $0xffff, v50  }
0x130: {  	v56 =	vmov s17;
	v12 =	vmul.f32 $8.000000000e+00, v12;
	v57 =	vadd.s32 v2, v17;
	[tilespmem:v47+s26+$0x0] =	vst.idx.msk $0xffff, v52  }
0x131: {  	v59 =	vand.u32 $0x7F, v56;
	v11 =	vmul.f32 $8.000000000e+00, v11;
	v58 =	vadd.s32 v3, v17;
	[tilespmem:v49+s26+$0x0] =	vst.idx.msk $0xffff, v54  }
0x132: {  	v60 =	vadd.s32 v0, v59;
	v10 =	vmul.f32 $8.000000000e+00, v10;
	[tilespmem:v51+s26+$0x0] =	vst.idx.msk $0xffff, v12  }
0x133: {  	v61 =	vadd.s32 v1, v59;
	v9 =	vmul.f32 $8.000000000e+00, v9;
	[tilespmem:v53+s26+$0x0] =	vst.idx.msk $0xffff, v11  }
0x134: {  	v62 =	vadd.s32 v2, v59;
	v8 =	vmul.f32 $8.000000000e+00, v8;
	[tilespmem:v55+s26+$0x0] =	vst.idx.msk $0xffff, v10  }
0x135: {  	v7 =	vmul.f32 $8.000000000e+00, v7;
	[tilespmem:v57+s26+$0x0] =	vst.idx.msk $0xffff, v9  }
0x136: {  	v6 =	vmul.f32 $8.000000000e+00, v6;
	v63 =	vmul.f32 $8.000000000e+00, v4;
	v4 =	vadd.s32 v3, v59;
	[tilespmem:v58+s26+$0x0] =	vst.idx.msk $0xffff, v8  }
0x137: {  	[tilespmem:v60+s26+$0x0] =	vst.idx.msk $0xffff, v7  }
0x138: {  	[tilespmem:v61+s26+$0x0] =	vst.idx.msk $0xffff, v6  }
0x139: {  	s17 =	simm.s32 $0x4;
	v5 =	vmul.f32 $8.000000000e+00, v5;
	[tilespmem:v62+s26+$0x0] =	vst.idx.msk $0xffff, v63  }
.LBB2_5:
0x13a: {  	p1 =	sne.s32 s17, $0x7C  }
0x13b: {  	[tilespmem:v4+s26+$0x0] =	vst.idx.msk $0xffff, v5;
	s6 =	sadd.s32 $0x100, s6;
	s0 =	smov.u32 s17;
	s17 =	sadd.s32 $0x4, s17  }
0x13c: {  	v5 =	vld [tilespmem:s6+$0x70]  }
0x13d: {  	v6 =	vld [tilespmem:s6+$0x60]  }
0x13e: {  	v7 =	vld [tilespmem:s6+$0x50]  }
0x13f: {  	v4 =	vld [tilespmem:s6+$0x40]  }
0x140: {  	v8 =	vld [tilespmem:s6+$0x30]  }
0x141: {  	v9 =	vld [tilespmem:s6+$0x20]  }
0x142: {  	v10 =	vld [tilespmem:s6+$0x10]  }
0x143: {  	v11 =	vld [tilespmem:s6+$0x0]  }
0x144: {  	v12 =	vld [tilespmem:s6+$0xFFFFFFF0]  }
0x145: {  	v13 =	vmov s0;
	v14 =	vld [tilespmem:s6+$0xFFFFFF80]  }
0x146: {  	v13 =	vand.u32 $0x7C, v13;
	v15 =	vld [tilespmem:s6+$0xFFFFFF90]  }
0x147: {  	v17 =	vadd.s32 v0, v13;
	v16 =	vld [tilespmem:s6+$0xFFFFFFA0]  }
0x148: {  	s7 =	sadd.s32 $0x1, s0;
	v19 =	vadd.s32 v1, v13;
	v18 =	vld [tilespmem:s6+$0xFFFFFFB0]  }
0x149: {  	v20 =	vmov s7;
	v22 =	vadd.s32 v2, v13;
	v21 =	vld [tilespmem:s6+$0xFFFFFFC0]  }
0x14a: {  	v13 =	vadd.s32 v3, v13;
	v20 =	vand.u32 $0x7D, v20;
	v14 =	vmul.f32 $8.000000000e+00, v14;
	v23 =	vld [tilespmem:s6+$0xFFFFFFD0]  }
0x14b: {  	v25 =	vadd.s32 v0, v20;
	v15 =	vmul.f32 $8.000000000e+00, v15;
	v24 =	vld [tilespmem:s6+$0xFFFFFFE0]  }
0x14c: {  	s7 =	sadd.s32 $0x2, s0;
	v16 =	vmul.f32 $8.000000000e+00, v16;
	[tilespmem:v17+s26+$0x0] =	vst.idx.msk $0xffff, v14;
	v14 =	vadd.s32 v1, v20  }
0x14d: {  	v17 =	vmov s7;
	v18 =	vmul.f32 $8.000000000e+00, v18;
	[tilespmem:v19+s26+$0x0] =	vst.idx.msk $0xffff, v15;
	v15 =	vadd.s32 v2, v20  }
0x14e: {  	v17 =	vand.u32 $0x7E, v17;
	v19 =	vmul.f32 $8.000000000e+00, v21;
	[tilespmem:v22+s26+$0x0] =	vst.idx.msk $0xffff, v16;
	v16 =	vadd.s32 v3, v20  }
0x14f: {  	v20 =	vmul.f32 $8.000000000e+00, v23;
	[tilespmem:v13+s26+$0x0] =	vst.idx.msk $0xffff, v18;
	v13 =	vadd.s32 v0, v17  }
0x150: {  	s0 =	sadd.s32 $0x3, s0;
	v18 =	vmul.f32 $8.000000000e+00, v24;
	[tilespmem:v25+s26+$0x0] =	vst.idx.msk $0xffff, v19;
	v19 =	vadd.s32 v1, v17  }
0x151: {  	v12 =	vmul.f32 $8.000000000e+00, v12;
	v21 =	vmov s0;
	[tilespmem:v14+s26+$0x0] =	vst.idx.msk $0xffff, v20;
	v14 =	vadd.s32 v2, v17  }
0x152: {  	v11 =	vmul.f32 $8.000000000e+00, v11;
	[tilespmem:v15+s26+$0x0] =	vst.idx.msk $0xffff, v18;
	v15 =	vadd.s32 v3, v17;
	v17 =	vand.u32 $0x7F, v21  }
0x153: {  	v10 =	vmul.f32 $8.000000000e+00, v10;
	[tilespmem:v16+s26+$0x0] =	vst.idx.msk $0xffff, v12;
	v12 =	vadd.s32 v0, v17  }
0x154: {  	v9 =	vmul.f32 $8.000000000e+00, v9;
	[tilespmem:v13+s26+$0x0] =	vst.idx.msk $0xffff, v11;
	v11 =	vadd.s32 v1, v17  }
0x155: {  	v8 =	vmul.f32 $8.000000000e+00, v8;
	[tilespmem:v19+s26+$0x0] =	vst.idx.msk $0xffff, v10;
	v10 =	vadd.s32 v2, v17  }
.Ltmp1:
0x156: {  	v13 =	vmul.f32 $8.000000000e+00, v4;
	v4 =	vadd.s32 v3, v17;
	[tilespmem:v14+s26+$0x0] =	vst.idx.msk $0xffff, v9;
	(pc) =	sbr.rel @p1 .LBB2_5-.Ltmp1, $4  }
0x157: {  	v7 =	vmul.f32 $8.000000000e+00, v7;
	[tilespmem:v15+s26+$0x0] =	vst.idx.msk $0xffff, v8  }
0x158: {  	v6 =	vmul.f32 $8.000000000e+00, v6;
	[tilespmem:v12+s26+$0x0] =	vst.idx.msk $0xffff, v13  }
0x159: {  	v5 =	vmul.f32 $8.000000000e+00, v5;
	[tilespmem:v11+s26+$0x0] =	vst.idx.msk $0xffff, v7  }
0x15a: {  	[tilespmem:v10+s26+$0x0] =	vst.idx.msk $0xffff, v6  }
0x15b: {  	_ = 	snop  }
0x15c: {  	s0 =	rddreg [dreg:$0x5]  }
0x15d: {  	s0 =	sadd.s32 s0, s21  }
0x15e: {  	s6 =	sshrl.u32 s0, $0x3  }
0x15f: {  	[tilespmem:v4+s26+$0x0] =	vst.idx.msk $0xffff, v5;
	s0 =	sadd.s32 s1, s6  }
0x160: {  	[hbm4b:s0+s3] =	stream.linear.scatter [tilespmem:s26], [sflag:$0x7], $0x80, $0x38;
	[tilespmem:$0x1AE00] =	vst v63  }
0x161: {  	s17 =	simm.s32 $0x12688;
	s7 =	sadd.s32 $0x10, s0  }
0x162: {  	[hbm4b:s7+s3] =	stream.linear.scatter [tilespmem:s17], [sflag:$0x7], $0x80, $0x38;
	[tilespmem:$0x1AE00] =	vst v63  }
0x163: {  	s7 =	sadd.s32 $0x20, s0;
	s17 =	simm.s32 $0x12710  }
0x164: {  	[hbm4b:s7+s3] =	stream.linear.scatter [tilespmem:s17], [sflag:$0x7], $0x80, $0x38;
	[tilespmem:$0x1AE00] =	vst v63  }
0x165: {  	s7 =	sadd.s32 $0x30, s0;
	s17 =	simm.s32 $0x12798  }
0x166: {  	[hbm4b:s7+s3] =	stream.linear.scatter [tilespmem:s17], [sflag:$0x7], $0x80, $0x38;
	[tilespmem:$0x1AE00] =	vst v63  }
0x167: {  	s7 =	sadd.s32 $0x40, s0;
	s17 =	simm.s32 $0x12820  }
0x168: {  	[hbm4b:s7+s3] =	stream.linear.scatter [tilespmem:s17], [sflag:$0x7], $0x80, $0x38;
	[tilespmem:$0x1AE00] =	vst v63  }
0x169: {  	s7 =	sadd.s32 $0x50, s0;
	s17 =	simm.s32 $0x128A8  }
0x16a: {  	[hbm4b:s7+s3] =	stream.linear.scatter [tilespmem:s17], [sflag:$0x7], $0x80, $0x38;
	[tilespmem:$0x1AE00] =	vst v63  }
0x16b: {  	s7 =	sadd.s32 $0x60, s0;
	s17 =	simm.s32 $0x12930  }
0x16c: {  	[hbm4b:s7+s3] =	stream.linear.scatter [tilespmem:s17], [sflag:$0x7], $0x80, $0x38;
	[tilespmem:$0x1AE00] =	vst v63  }
0x16d: {  	s0 =	sadd.s32 $0x70, s0;
	s17 =	simm.s32 $0x129B8  }
0x16e: {  	[hbm4b:s0+s3] =	stream.linear.scatter [tilespmem:s17], [sflag:$0x7], $0x80, $0x38;
	[tilespmem:$0x1AE00] =	vst v63  }
0x16f: {  	s0 =	sadd.s32 s6, s10;
	s17 =	simm.s32 $0x12A40  }
0x170: {  	[hbm4b:s0+s3] =	stream.linear.scatter [tilespmem:s17], [sflag:$0x7], $0x80, $0x38;
	[tilespmem:$0x1AE00] =	vst v63  }
0x171: {  	s7 =	sadd.s32 $0x10, s0;
	s17 =	simm.s32 $0x12AC8  }
0x172: {  	[hbm4b:s7+s3] =	stream.linear.scatter [tilespmem:s17], [sflag:$0x7], $0x80, $0x38;
	[tilespmem:$0x1AE00] =	vst v63  }
0x173: {  	s7 =	sadd.s32 $0x20, s0;
	s17 =	simm.s32 $0x12B50  }
0x174: {  	[hbm4b:s7+s3] =	stream.linear.scatter [tilespmem:s17], [sflag:$0x7], $0x80, $0x38;
	[tilespmem:$0x1AE00] =	vst v63  }
0x175: {  	s7 =	sadd.s32 $0x30, s0;
	s17 =	simm.s32 $0x12BD8  }
0x176: {  	[hbm4b:s7+s3] =	stream.linear.scatter [tilespmem:s17], [sflag:$0x7], $0x80, $0x38;
	[tilespmem:$0x1AE00] =	vst v63  }
0x177: {  	s7 =	sadd.s32 $0x40, s0;
	s17 =	simm.s32 $0x12C60  }
0x178: {  	[hbm4b:s7+s3] =	stream.linear.scatter [tilespmem:s17], [sflag:$0x7], $0x80, $0x38;
	[tilespmem:$0x1AE00] =	vst v63  }
0x179: {  	s7 =	sadd.s32 $0x50, s0;
	s17 =	simm.s32 $0x12CE8  }
0x17a: {  	[hbm4b:s7+s3] =	stream.linear.scatter [tilespmem:s17], [sflag:$0x7], $0x80, $0x38;
	[tilespmem:$0x1AE00] =	vst v63  }
0x17b: {  	s7 =	sadd.s32 $0x60, s0;
	s17 =	simm.s32 $0x12D70  }
0x17c: {  	[hbm4b:s7+s3] =	stream.linear.scatter [tilespmem:s17], [sflag:$0x7], $0x80, $0x38;
	[tilespmem:$0x1AE00] =	vst v63  }
0x17d: {  	s0 =	sadd.s32 $0x70, s0;
	s17 =	simm.s32 $0x12DF8  }
0x17e: {  	[hbm4b:s0+s3] =	stream.linear.scatter [tilespmem:s17], [sflag:$0x7], $0x80, $0x38;
	[tilespmem:$0x1AE00] =	vst v63  }
0x17f: {  	s0 =	sadd.s32 s6, s11;
	s17 =	simm.s32 $0x12E80  }
0x180: {  	[hbm4b:s0+s3] =	stream.linear.scatter [tilespmem:s17], [sflag:$0x7], $0x80, $0x38;
	[tilespmem:$0x1AE00] =	vst v63  }
0x181: {  	s7 =	sadd.s32 $0x10, s0;
	s17 =	simm.s32 $0x12F08  }
0x182: {  	[hbm4b:s7+s3] =	stream.linear.scatter [tilespmem:s17], [sflag:$0x7], $0x80, $0x38;
	[tilespmem:$0x1AE00] =	vst v63  }
0x183: {  	s7 =	sadd.s32 $0x20, s0;
	s17 =	simm.s32 $0x12F90  }
0x184: {  	[hbm4b:s7+s3] =	stream.linear.scatter [tilespmem:s17], [sflag:$0x7], $0x80, $0x38;
	[tilespmem:$0x1AE00] =	vst v63  }
0x185: {  	s7 =	sadd.s32 $0x30, s0;
	s17 =	simm.s32 $0x13018  }
0x186: {  	[hbm4b:s7+s3] =	stream.linear.scatter [tilespmem:s17], [sflag:$0x7], $0x80, $0x38;
	[tilespmem:$0x1AE00] =	vst v63  }
0x187: {  	s7 =	sadd.s32 $0x40, s0;
	s17 =	simm.s32 $0x130A0  }
0x188: {  	[hbm4b:s7+s3] =	stream.linear.scatter [tilespmem:s17], [sflag:$0x7], $0x80, $0x38;
	[tilespmem:$0x1AE00] =	vst v63  }
0x189: {  	s7 =	sadd.s32 $0x50, s0;
	s17 =	simm.s32 $0x13128  }
0x18a: {  	[hbm4b:s7+s3] =	stream.linear.scatter [tilespmem:s17], [sflag:$0x7], $0x80, $0x38;
	[tilespmem:$0x1AE00] =	vst v63  }
0x18b: {  	s7 =	sadd.s32 $0x60, s0;
	s17 =	simm.s32 $0x131B0  }
0x18c: {  	[hbm4b:s7+s3] =	stream.linear.scatter [tilespmem:s17], [sflag:$0x7], $0x80, $0x38;
	[tilespmem:$0x1AE00] =	vst v63  }
0x18d: {  	s0 =	sadd.s32 $0x70, s0;
	s17 =	simm.s32 $0x13238  }
0x18e: {  	[hbm4b:s0+s3] =	stream.linear.scatter [tilespmem:s17], [sflag:$0x7], $0x80, $0x38;
	[tilespmem:$0x1AE00] =	vst v63  }
0x18f: {  	s0 =	sadd.s32 s6, s12;
	s17 =	simm.s32 $0x132C0  }
0x190: {  	[hbm4b:s0+s3] =	stream.linear.scatter [tilespmem:s17], [sflag:$0x7], $0x80, $0x38;
	[tilespmem:$0x1AE00] =	vst v63  }
0x191: {  	s7 =	sadd.s32 $0x10, s0;
	s17 =	simm.s32 $0x13348  }
0x192: {  	[hbm4b:s7+s3] =	stream.linear.scatter [tilespmem:s17], [sflag:$0x7], $0x80, $0x38;
	[tilespmem:$0x1AE00] =	vst v63  }
0x193: {  	s7 =	sadd.s32 $0x20, s0;
	s17 =	simm.s32 $0x133D0  }
0x194: {  	[hbm4b:s7+s3] =	stream.linear.scatter [tilespmem:s17], [sflag:$0x7], $0x80, $0x38;
	[tilespmem:$0x1AE00] =	vst v63  }
0x195: {  	s7 =	sadd.s32 $0x30, s0;
	s17 =	simm.s32 $0x13458  }
0x196: {  	[hbm4b:s7+s3] =	stream.linear.scatter [tilespmem:s17], [sflag:$0x7], $0x80, $0x38;
	[tilespmem:$0x1AE00] =	vst v63  }
0x197: {  	s7 =	sadd.s32 $0x40, s0;
	s17 =	simm.s32 $0x134E0  }
0x198: {  	[hbm4b:s7+s3] =	stream.linear.scatter [tilespmem:s17], [sflag:$0x7], $0x80, $0x38;
	[tilespmem:$0x1AE00] =	vst v63  }
0x199: {  	s7 =	sadd.s32 $0x50, s0;
	s17 =	simm.s32 $0x13568  }
0x19a: {  	[hbm4b:s7+s3] =	stream.linear.scatter [tilespmem:s17], [sflag:$0x7], $0x80, $0x38;
	[tilespmem:$0x1AE00] =	vst v63  }
0x19b: {  	s7 =	sadd.s32 $0x60, s0;
	s17 =	simm.s32 $0x135F0  }
0x19c: {  	[hbm4b:s7+s3] =	stream.linear.scatter [tilespmem:s17], [sflag:$0x7], $0x80, $0x38;
	[tilespmem:$0x1AE00] =	vst v63  }
0x19d: {  	s0 =	sadd.s32 $0x70, s0;
	s17 =	simm.s32 $0x13678  }
0x19e: {  	[hbm4b:s0+s3] =	stream.linear.scatter [tilespmem:s17], [sflag:$0x7], $0x80, $0x38;
	[tilespmem:$0x1AE00] =	vst v63  }
0x19f: {  	s0 =	sadd.s32 s6, s13;
	s17 =	simm.s32 $0x13700  }
0x1a0: {  	[hbm4b:s0+s3] =	stream.linear.scatter [tilespmem:s17], [sflag:$0x7], $0x80, $0x38;
	[tilespmem:$0x1AE00] =	vst v63  }
0x1a1: {  	s7 =	sadd.s32 $0x10, s0;
	s17 =	simm.s32 $0x13788  }
0x1a2: {  	[hbm4b:s7+s3] =	stream.linear.scatter [tilespmem:s17], [sflag:$0x7], $0x80, $0x38;
	[tilespmem:$0x1AE00] =	vst v63  }
0x1a3: {  	s7 =	sadd.s32 $0x20, s0;
	s17 =	simm.s32 $0x13810  }
0x1a4: {  	[hbm4b:s7+s3] =	stream.linear.scatter [tilespmem:s17], [sflag:$0x7], $0x80, $0x38;
	[tilespmem:$0x1AE00] =	vst v63  }
0x1a5: {  	s7 =	sadd.s32 $0x30, s0;
	s17 =	simm.s32 $0x13898  }
0x1a6: {  	[hbm4b:s7+s3] =	stream.linear.scatter [tilespmem:s17], [sflag:$0x7], $0x80, $0x38;
	[tilespmem:$0x1AE00] =	vst v63  }
0x1a7: {  	s7 =	sadd.s32 $0x40, s0;
	s17 =	simm.s32 $0x13920  }
0x1a8: {  	[hbm4b:s7+s3] =	stream.linear.scatter [tilespmem:s17], [sflag:$0x7], $0x80, $0x38;
	[tilespmem:$0x1AE00] =	vst v63  }
0x1a9: {  	s7 =	sadd.s32 $0x50, s0;
	s17 =	simm.s32 $0x139A8  }
0x1aa: {  	[hbm4b:s7+s3] =	stream.linear.scatter [tilespmem:s17], [sflag:$0x7], $0x80, $0x38;
	[tilespmem:$0x1AE00] =	vst v63  }
0x1ab: {  	s7 =	sadd.s32 $0x60, s0;
	s17 =	simm.s32 $0x13A30  }
0x1ac: {  	[hbm4b:s7+s3] =	stream.linear.scatter [tilespmem:s17], [sflag:$0x7], $0x80, $0x38;
	[tilespmem:$0x1AE00] =	vst v63  }
0x1ad: {  	s0 =	sadd.s32 $0x70, s0;
	s17 =	simm.s32 $0x13AB8  }
0x1ae: {  	[hbm4b:s0+s3] =	stream.linear.scatter [tilespmem:s17], [sflag:$0x7], $0x80, $0x38;
	[tilespmem:$0x1AE00] =	vst v63  }
0x1af: {  	s0 =	sadd.s32 s6, s14;
	s17 =	simm.s32 $0x13B40  }
0x1b0: {  	[hbm4b:s0+s3] =	stream.linear.scatter [tilespmem:s17], [sflag:$0x7], $0x80, $0x38;
	[tilespmem:$0x1AE00] =	vst v63  }
0x1b1: {  	s7 =	sadd.s32 $0x10, s0;
	s17 =	simm.s32 $0x13BC8  }
0x1b2: {  	[hbm4b:s7+s3] =	stream.linear.scatter [tilespmem:s17], [sflag:$0x7], $0x80, $0x38;
	[tilespmem:$0x1AE00] =	vst v63  }
0x1b3: {  	s7 =	sadd.s32 $0x20, s0;
	s17 =	simm.s32 $0x13C50  }
0x1b4: {  	[hbm4b:s7+s3] =	stream.linear.scatter [tilespmem:s17], [sflag:$0x7], $0x80, $0x38;
	[tilespmem:$0x1AE00] =	vst v63  }
0x1b5: {  	s7 =	sadd.s32 $0x30, s0;
	s17 =	simm.s32 $0x13CD8  }
0x1b6: {  	[hbm4b:s7+s3] =	stream.linear.scatter [tilespmem:s17], [sflag:$0x7], $0x80, $0x38;
	[tilespmem:$0x1AE00] =	vst v63  }
0x1b7: {  	s7 =	sadd.s32 $0x40, s0;
	s17 =	simm.s32 $0x13D60  }
0x1b8: {  	[hbm4b:s7+s3] =	stream.linear.scatter [tilespmem:s17], [sflag:$0x7], $0x80, $0x38;
	[tilespmem:$0x1AE00] =	vst v63  }
0x1b9: {  	s7 =	sadd.s32 $0x50, s0;
	s17 =	simm.s32 $0x13DE8  }
0x1ba: {  	[hbm4b:s7+s3] =	stream.linear.scatter [tilespmem:s17], [sflag:$0x7], $0x80, $0x38;
	[tilespmem:$0x1AE00] =	vst v63  }
0x1bb: {  	s7 =	sadd.s32 $0x60, s0;
	s17 =	simm.s32 $0x13E70  }
0x1bc: {  	[hbm4b:s7+s3] =	stream.linear.scatter [tilespmem:s17], [sflag:$0x7], $0x80, $0x38;
	[tilespmem:$0x1AE00] =	vst v63  }
0x1bd: {  	s0 =	sadd.s32 $0x70, s0;
	s17 =	simm.s32 $0x13EF8  }
0x1be: {  	[hbm4b:s0+s3] =	stream.linear.scatter [tilespmem:s17], [sflag:$0x7], $0x80, $0x38;
	[tilespmem:$0x1AE00] =	vst v63  }
0x1bf: {  	s0 =	sadd.s32 s6, s15;
	s17 =	simm.s32 $0x13F80  }
0x1c0: {  	[hbm4b:s0+s3] =	stream.linear.scatter [tilespmem:s17], [sflag:$0x7], $0x80, $0x38;
	[tilespmem:$0x1AE00] =	vst v63  }
0x1c1: {  	s7 =	sadd.s32 $0x10, s0;
	s17 =	simm.s32 $0x14008  }
0x1c2: {  	[hbm4b:s7+s3] =	stream.linear.scatter [tilespmem:s17], [sflag:$0x7], $0x80, $0x38;
	[tilespmem:$0x1AE00] =	vst v63  }
0x1c3: {  	s7 =	sadd.s32 $0x20, s0;
	s17 =	simm.s32 $0x14090  }
0x1c4: {  	[hbm4b:s7+s3] =	stream.linear.scatter [tilespmem:s17], [sflag:$0x7], $0x80, $0x38;
	[tilespmem:$0x1AE00] =	vst v63  }
0x1c5: {  	s7 =	sadd.s32 $0x30, s0;
	s17 =	simm.s32 $0x14118  }
0x1c6: {  	[hbm4b:s7+s3] =	stream.linear.scatter [tilespmem:s17], [sflag:$0x7], $0x80, $0x38;
	[tilespmem:$0x1AE00] =	vst v63  }
0x1c7: {  	s7 =	sadd.s32 $0x40, s0;
	s17 =	simm.s32 $0x141A0  }
0x1c8: {  	[hbm4b:s7+s3] =	stream.linear.scatter [tilespmem:s17], [sflag:$0x7], $0x80, $0x38;
	[tilespmem:$0x1AE00] =	vst v63  }
0x1c9: {  	s7 =	sadd.s32 $0x50, s0;
	s17 =	simm.s32 $0x14228  }
0x1ca: {  	[hbm4b:s7+s3] =	stream.linear.scatter [tilespmem:s17], [sflag:$0x7], $0x80, $0x38;
	[tilespmem:$0x1AE00] =	vst v63  }
0x1cb: {  	s7 =	sadd.s32 $0x60, s0;
	s17 =	simm.s32 $0x142B0  }
0x1cc: {  	[hbm4b:s7+s3] =	stream.linear.scatter [tilespmem:s17], [sflag:$0x7], $0x80, $0x38;
	[tilespmem:$0x1AE00] =	vst v63  }
0x1cd: {  	s0 =	sadd.s32 $0x70, s0;
	s17 =	simm.s32 $0x14338  }
0x1ce: {  	[hbm4b:s0+s3] =	stream.linear.scatter [tilespmem:s17], [sflag:$0x7], $0x80, $0x38;
	[tilespmem:$0x1AE00] =	vst v63  }
0x1cf: {  	s0 =	sadd.s32 s6, s16;
	s17 =	simm.s32 $0x143C0  }
0x1d0: {  	[hbm4b:s0+s3] =	stream.linear.scatter [tilespmem:s17], [sflag:$0x7], $0x80, $0x38;
	[tilespmem:$0x1AE00] =	vst v63  }
0x1d1: {  	s7 =	sadd.s32 $0x10, s0;
	s17 =	simm.s32 $0x14448  }
0x1d2: {  	[hbm4b:s7+s3] =	stream.linear.scatter [tilespmem:s17], [sflag:$0x7], $0x80, $0x38;
	[tilespmem:$0x1AE00] =	vst v63  }
0x1d3: {  	s7 =	sadd.s32 $0x20, s0;
	s17 =	simm.s32 $0x144D0  }
0x1d4: {  	[hbm4b:s7+s3] =	stream.linear.scatter [tilespmem:s17], [sflag:$0x7], $0x80, $0x38;
	[tilespmem:$0x1AE00] =	vst v63  }
0x1d5: {  	s7 =	sadd.s32 $0x30, s0;
	s17 =	simm.s32 $0x14558  }
0x1d6: {  	[hbm4b:s7+s3] =	stream.linear.scatter [tilespmem:s17], [sflag:$0x7], $0x80, $0x38;
	[tilespmem:$0x1AE00] =	vst v63  }
0x1d7: {  	s7 =	sadd.s32 $0x40, s0;
	s17 =	simm.s32 $0x145E0  }
0x1d8: {  	[hbm4b:s7+s3] =	stream.linear.scatter [tilespmem:s17], [sflag:$0x7], $0x80, $0x38;
	[tilespmem:$0x1AE00] =	vst v63  }
0x1d9: {  	s7 =	sadd.s32 $0x50, s0;
	s17 =	simm.s32 $0x14668  }
0x1da: {  	[hbm4b:s7+s3] =	stream.linear.scatter [tilespmem:s17], [sflag:$0x7], $0x80, $0x38;
	[tilespmem:$0x1AE00] =	vst v63  }
0x1db: {  	s7 =	sadd.s32 $0x60, s0;
	s17 =	simm.s32 $0x146F0  }
0x1dc: {  	[hbm4b:s7+s3] =	stream.linear.scatter [tilespmem:s17], [sflag:$0x7], $0x80, $0x38;
	[tilespmem:$0x1AE00] =	vst v63  }
0x1dd: {  	s0 =	sadd.s32 $0x70, s0;
	s17 =	simm.s32 $0x14778  }
0x1de: {  	[hbm4b:s0+s3] =	stream.linear.scatter [tilespmem:s17], [sflag:$0x7], $0x80, $0x38;
	[tilespmem:$0x1AE00] =	vst v63  }
0x1df: {  	s0 =	simm.s32 @!p0 $0x7  }
0x1e0: {  	_ =	swait.ge @!p0 [sflag:s0], $0x400  }
0x1e1: {  	[sflag:s0] =	ssyncset.done @!p0 $0x0  }
0x1e2: {  	[sflag:s0] =	ssyncadd.s32 @!p0 $0xFFFFFC00  }
0x1e3: {  	_ =	swait.ge @!p0 [sflag:s0], $0x400  }
0x1e4: {  	[sflag:s0] =	ssyncset.done @!p0 $0x0  }
0x1e5: {  	[sflag:s0] =	ssyncadd.s32 @!p0 $0xFFFFFC00  }
0x1e6: {  	_ =	swait.ge @!p0 [sflag:s0], $0x400  }
0x1e7: {  	[sflag:s0] =	ssyncset.done @!p0 $0x0  }
0x1e8: {  	[sflag:s0] =	ssyncadd.s32 @!p0 $0xFFFFFC00  }
0x1e9: {  	_ =	swait.ge @!p0 [sflag:s0], $0x400  }
0x1ea: {  	[sflag:s0] =	ssyncset.done @!p0 $0x0  }
0x1eb: {  	[sflag:s0] =	ssyncadd.s32 @!p0 $0xFFFFFC00  }
0x1ec: {  	_ =	swait.ge @!p0 [sflag:s0], $0x400  }
0x1ed: {  	[sflag:s0] =	ssyncset.done @!p0 $0x0  }
0x1ee: {  	[sflag:s0] =	ssyncadd.s32 @!p0 $0xFFFFFC00  }
0x1ef: {  	_ =	swait.ge @!p0 [sflag:s0], $0x400  }
0x1f0: {  	[sflag:s0] =	ssyncset.done @!p0 $0x0  }
0x1f1: {  	[sflag:s0] =	ssyncadd.s32 @!p0 $0xFFFFFC00  }
0x1f2: {  	_ =	swait.ge @!p0 [sflag:s0], $0x400  }
0x1f3: {  	[sflag:s0] =	ssyncset.done @!p0 $0x0  }
0x1f4: {  	[sflag:s0] =	ssyncadd.s32 @!p0 $0xFFFFFC00  }
0x1f5: {  	_ =	swait.ge @!p0 [sflag:s0], $0x400  }
0x1f6: {  	s6 =	sadd.s32 @!p0 $0xC00, s28;
	[sflag:s0] =	ssyncset.done @!p0 $0x0  }
0x1f7: {  	[sflag:s0] =	ssyncadd.s32 @!p0 $0xFFFFFC00;
	s0 =	sand.u32 @!p0 $0x7FE00, s6  }
0x1f8: {  	s7 =	simm.s32 @!p0 $0x8400;
	s6 =	simm.s32 @!p0 $0x80;
	s0 =	sshrl.u32 @!p0 s0, $0x2  }
0x1f9: {  	[tilespmem:s7], [sflag:$0x2] =	stream.indirect.gather @!p0 [hbm4b:s5+s6], $0x40, s0, s6, $0xb8;
	[tilespmem:$0x1AE00] =	vst v63  }
0x1fa: {  	_ =	swait.ge [sflag:s20], $0x2000  }
0x1fb: {  	[sflag:s20] =	ssyncset.done $0x0  }
0x1fc: {  	s6 =	simm.s32 $0xA480;
	[sflag:s20] =	ssyncadd.s32 $0xFFFFE000  }
0x1fd: {  	v5 =	vld [tilespmem:s6+$0x70]  }
0x1fe: {  	v4 =	vld [tilespmem:s6+$0x60]  }
0x1ff: {  	v6 =	vld [tilespmem:s6+$0x50]  }
0x200: {  	v7 =	vld [tilespmem:s6+$0x40]  }
0x201: {  	v8 =	vld [tilespmem:s6+$0x30]  }
0x202: {  	v9 =	vld [tilespmem:s6+$0x20]  }
0x203: {  	v10 =	vld [tilespmem:s6+$0x10]  }
0x204: {  	s7 =	simm.s32 $0x0;
	v11 =	vld [tilespmem:s6+$0x0]  }
0x205: {  	v13 =	vmov s7;
	v14 =	vld [tilespmem:s6+$0xFFFFFF80]  }
0x206: {  	v13 =	vand.u32 $0x7C, v13;
	v15 =	vld [tilespmem:s6+$0xFFFFFF90]  }
0x207: {  	v17 =	vadd.s32 v0, v13;
	v16 =	vld [tilespmem:s6+$0xFFFFFFA0]  }
0x208: {  	s17 =	simm.s32 $0x1;
	v19 =	vadd.s32 v1, v13;
	v18 =	vld [tilespmem:s6+$0xFFFFFFB0]  }
0x209: {  	v20 =	vmov s17;
	v22 =	vadd.s32 v2, v13;
	v21 =	vld [tilespmem:s6+$0xFFFFFFC0]  }
0x20a: {  	v20 =	vand.u32 $0x7D, v20;
	v13 =	vadd.s32 v3, v13;
	v23 =	vld [tilespmem:s6+$0xFFFFFFD0];
	v14 =	vmul.f32 $8.000000000e+00, v14  }
0x20b: {  	v25 =	vadd.s32 v0, v20;
	v24 =	vld [tilespmem:s6+$0xFFFFFFE0];
	v15 =	vmul.f32 $8.000000000e+00, v15  }
0x20c: {  	v47 =	vadd.s32 v1, v20;
	s7 =	simm.s32 $0x2;
	v12 =	vld [tilespmem:s6+$0xFFFFFFF0];
	v16 =	vmul.f32 $8.000000000e+00, v16;
	[tilespmem:v17+s29+$0x0] =	vst.idx.msk $0xffff, v14  }
0x20d: {  	v49 =	vadd.s32 v2, v20;
	v48 =	vmov s7;
	v18 =	vmul.f32 $8.000000000e+00, v18;
	[tilespmem:v19+s29+$0x0] =	vst.idx.msk $0xffff, v15  }
0x20e: {  	v51 =	vadd.s32 v3, v20;
	v50 =	vmul.f32 $8.000000000e+00, v21;
	v17 =	vand.u32 $0x7E, v48;
	[tilespmem:v22+s29+$0x0] =	vst.idx.msk $0xffff, v16  }
0x20f: {  	v52 =	vmul.f32 $8.000000000e+00, v23;
	v53 =	vadd.s32 v0, v17;
	[tilespmem:v13+s29+$0x0] =	vst.idx.msk $0xffff, v18  }
0x210: {  	s17 =	simm.s32 $0x3;
	v54 =	vmul.f32 $8.000000000e+00, v24;
	v55 =	vadd.s32 v1, v17;
	[tilespmem:v25+s29+$0x0] =	vst.idx.msk $0xffff, v50  }
0x211: {  	v56 =	vmov s17;
	v12 =	vmul.f32 $8.000000000e+00, v12;
	v57 =	vadd.s32 v2, v17;
	[tilespmem:v47+s29+$0x0] =	vst.idx.msk $0xffff, v52  }
0x212: {  	v59 =	vand.u32 $0x7F, v56;
	v11 =	vmul.f32 $8.000000000e+00, v11;
	v58 =	vadd.s32 v3, v17;
	[tilespmem:v49+s29+$0x0] =	vst.idx.msk $0xffff, v54  }
0x213: {  	v60 =	vadd.s32 v0, v59;
	v10 =	vmul.f32 $8.000000000e+00, v10;
	[tilespmem:v51+s29+$0x0] =	vst.idx.msk $0xffff, v12  }
0x214: {  	v61 =	vadd.s32 v1, v59;
	v9 =	vmul.f32 $8.000000000e+00, v9;
	[tilespmem:v53+s29+$0x0] =	vst.idx.msk $0xffff, v11  }
0x215: {  	v62 =	vadd.s32 v2, v59;
	v8 =	vmul.f32 $8.000000000e+00, v8;
	[tilespmem:v55+s29+$0x0] =	vst.idx.msk $0xffff, v10  }
0x216: {  	v7 =	vmul.f32 $8.000000000e+00, v7;
	[tilespmem:v57+s29+$0x0] =	vst.idx.msk $0xffff, v9  }
0x217: {  	v6 =	vmul.f32 $8.000000000e+00, v6;
	v63 =	vmul.f32 $8.000000000e+00, v4;
	v4 =	vadd.s32 v3, v59;
	[tilespmem:v58+s29+$0x0] =	vst.idx.msk $0xffff, v8  }
0x218: {  	[tilespmem:v60+s29+$0x0] =	vst.idx.msk $0xffff, v7  }
0x219: {  	[tilespmem:v61+s29+$0x0] =	vst.idx.msk $0xffff, v6  }
0x21a: {  	s17 =	simm.s32 $0x4;
	v5 =	vmul.f32 $8.000000000e+00, v5;
	[tilespmem:v62+s29+$0x0] =	vst.idx.msk $0xffff, v63  }
.LBB2_7:
0x21b: {  	p1 =	sne.s32 s17, $0x7C  }
0x21c: {  	[tilespmem:v4+s29+$0x0] =	vst.idx.msk $0xffff, v5;
	s6 =	sadd.s32 $0x100, s6;
	s0 =	smov.u32 s17;
	s17 =	sadd.s32 $0x4, s17  }
0x21d: {  	v5 =	vld [tilespmem:s6+$0x70]  }
0x21e: {  	v6 =	vld [tilespmem:s6+$0x60]  }
0x21f: {  	v7 =	vld [tilespmem:s6+$0x50]  }
0x220: {  	v4 =	vld [tilespmem:s6+$0x40]  }
0x221: {  	v8 =	vld [tilespmem:s6+$0x30]  }
0x222: {  	v9 =	vld [tilespmem:s6+$0x20]  }
0x223: {  	v10 =	vld [tilespmem:s6+$0x10]  }
0x224: {  	v11 =	vld [tilespmem:s6+$0x0]  }
0x225: {  	v12 =	vld [tilespmem:s6+$0xFFFFFFF0]  }
0x226: {  	v13 =	vmov s0;
	v14 =	vld [tilespmem:s6+$0xFFFFFF80]  }
0x227: {  	v13 =	vand.u32 $0x7C, v13;
	v15 =	vld [tilespmem:s6+$0xFFFFFF90]  }
0x228: {  	v17 =	vadd.s32 v0, v13;
	v16 =	vld [tilespmem:s6+$0xFFFFFFA0]  }
0x229: {  	s7 =	sadd.s32 $0x1, s0;
	v19 =	vadd.s32 v1, v13;
	v18 =	vld [tilespmem:s6+$0xFFFFFFB0]  }
0x22a: {  	v20 =	vmov s7;
	v22 =	vadd.s32 v2, v13;
	v21 =	vld [tilespmem:s6+$0xFFFFFFC0]  }
0x22b: {  	v13 =	vadd.s32 v3, v13;
	v20 =	vand.u32 $0x7D, v20;
	v14 =	vmul.f32 $8.000000000e+00, v14;
	v23 =	vld [tilespmem:s6+$0xFFFFFFD0]  }
0x22c: {  	v25 =	vadd.s32 v0, v20;
	v15 =	vmul.f32 $8.000000000e+00, v15;
	v24 =	vld [tilespmem:s6+$0xFFFFFFE0]  }
0x22d: {  	s7 =	sadd.s32 $0x2, s0;
	v16 =	vmul.f32 $8.000000000e+00, v16;
	[tilespmem:v17+s29+$0x0] =	vst.idx.msk $0xffff, v14;
	v14 =	vadd.s32 v1, v20  }
0x22e: {  	v17 =	vmov s7;
	v18 =	vmul.f32 $8.000000000e+00, v18;
	[tilespmem:v19+s29+$0x0] =	vst.idx.msk $0xffff, v15;
	v15 =	vadd.s32 v2, v20  }
0x22f: {  	v17 =	vand.u32 $0x7E, v17;
	v19 =	vmul.f32 $8.000000000e+00, v21;
	[tilespmem:v22+s29+$0x0] =	vst.idx.msk $0xffff, v16;
	v16 =	vadd.s32 v3, v20  }
0x230: {  	v20 =	vmul.f32 $8.000000000e+00, v23;
	[tilespmem:v13+s29+$0x0] =	vst.idx.msk $0xffff, v18;
	v13 =	vadd.s32 v0, v17  }
0x231: {  	s0 =	sadd.s32 $0x3, s0;
	v18 =	vmul.f32 $8.000000000e+00, v24;
	[tilespmem:v25+s29+$0x0] =	vst.idx.msk $0xffff, v19;
	v19 =	vadd.s32 v1, v17  }
0x232: {  	v12 =	vmul.f32 $8.000000000e+00, v12;
	v21 =	vmov s0;
	[tilespmem:v14+s29+$0x0] =	vst.idx.msk $0xffff, v20;
	v14 =	vadd.s32 v2, v17  }
0x233: {  	v11 =	vmul.f32 $8.000000000e+00, v11;
	[tilespmem:v15+s29+$0x0] =	vst.idx.msk $0xffff, v18;
	v15 =	vadd.s32 v3, v17;
	v17 =	vand.u32 $0x7F, v21  }
0x234: {  	v10 =	vmul.f32 $8.000000000e+00, v10;
	[tilespmem:v16+s29+$0x0] =	vst.idx.msk $0xffff, v12;
	v12 =	vadd.s32 v0, v17  }
0x235: {  	v9 =	vmul.f32 $8.000000000e+00, v9;
	[tilespmem:v13+s29+$0x0] =	vst.idx.msk $0xffff, v11;
	v11 =	vadd.s32 v1, v17  }
0x236: {  	v8 =	vmul.f32 $8.000000000e+00, v8;
	[tilespmem:v19+s29+$0x0] =	vst.idx.msk $0xffff, v10;
	v10 =	vadd.s32 v2, v17  }
.Ltmp2:
0x237: {  	v13 =	vmul.f32 $8.000000000e+00, v4;
	v4 =	vadd.s32 v3, v17;
	[tilespmem:v14+s29+$0x0] =	vst.idx.msk $0xffff, v9;
	(pc) =	sbr.rel @p1 .LBB2_7-.Ltmp2, $4  }
0x238: {  	v7 =	vmul.f32 $8.000000000e+00, v7;
	[tilespmem:v15+s29+$0x0] =	vst.idx.msk $0xffff, v8  }
0x239: {  	v6 =	vmul.f32 $8.000000000e+00, v6;
	[tilespmem:v12+s29+$0x0] =	vst.idx.msk $0xffff, v13  }
0x23a: {  	v5 =	vmul.f32 $8.000000000e+00, v5;
	[tilespmem:v11+s29+$0x0] =	vst.idx.msk $0xffff, v7  }
0x23b: {  	[tilespmem:v10+s29+$0x0] =	vst.idx.msk $0xffff, v6  }
0x23c: {  	_ =	sdelay $0x1  }
0x23d: {  	s0 =	sadd.s32 s8, s21  }
0x23e: {  	s6 =	sshrl.u32 s0, $0x3  }
0x23f: {  	[tilespmem:v4+s29+$0x0] =	vst.idx.msk $0xffff, v5;
	s0 =	sadd.s32 s1, s6  }
0x240: {  	[hbm4b:s0+s3] =	stream.linear.scatter [tilespmem:s29], [sflag:$0x8], $0x80, $0x38;
	[tilespmem:$0x1AE00] =	vst v63  }
0x241: {  	s17 =	simm.s32 $0x14888;
	s7 =	sadd.s32 $0x10, s0  }
0x242: {  	[hbm4b:s7+s3] =	stream.linear.scatter [tilespmem:s17], [sflag:$0x8], $0x80, $0x38;
	[tilespmem:$0x1AE00] =	vst v63  }
0x243: {  	s7 =	sadd.s32 $0x20, s0;
	s17 =	simm.s32 $0x14910  }
0x244: {  	[hbm4b:s7+s3] =	stream.linear.scatter [tilespmem:s17], [sflag:$0x8], $0x80, $0x38;
	[tilespmem:$0x1AE00] =	vst v63  }
0x245: {  	s7 =	sadd.s32 $0x30, s0;
	s17 =	simm.s32 $0x14998  }
0x246: {  	[hbm4b:s7+s3] =	stream.linear.scatter [tilespmem:s17], [sflag:$0x8], $0x80, $0x38;
	[tilespmem:$0x1AE00] =	vst v63  }
0x247: {  	s7 =	sadd.s32 $0x40, s0;
	s17 =	simm.s32 $0x14A20  }
0x248: {  	[hbm4b:s7+s3] =	stream.linear.scatter [tilespmem:s17], [sflag:$0x8], $0x80, $0x38;
	[tilespmem:$0x1AE00] =	vst v63  }
0x249: {  	s7 =	sadd.s32 $0x50, s0;
	s17 =	simm.s32 $0x14AA8  }
0x24a: {  	[hbm4b:s7+s3] =	stream.linear.scatter [tilespmem:s17], [sflag:$0x8], $0x80, $0x38;
	[tilespmem:$0x1AE00] =	vst v63  }
0x24b: {  	s7 =	sadd.s32 $0x60, s0;
	s17 =	simm.s32 $0x14B30  }
0x24c: {  	[hbm4b:s7+s3] =	stream.linear.scatter [tilespmem:s17], [sflag:$0x8], $0x80, $0x38;
	[tilespmem:$0x1AE00] =	vst v63  }
0x24d: {  	s0 =	sadd.s32 $0x70, s0;
	s17 =	simm.s32 $0x14BB8  }
0x24e: {  	[hbm4b:s0+s3] =	stream.linear.scatter [tilespmem:s17], [sflag:$0x8], $0x80, $0x38;
	[tilespmem:$0x1AE00] =	vst v63  }
0x24f: {  	s0 =	sadd.s32 s6, s10;
	s17 =	simm.s32 $0x14C40  }
0x250: {  	[hbm4b:s0+s3] =	stream.linear.scatter [tilespmem:s17], [sflag:$0x8], $0x80, $0x38;
	[tilespmem:$0x1AE00] =	vst v63  }
0x251: {  	s7 =	sadd.s32 $0x10, s0;
	s17 =	simm.s32 $0x14CC8  }
0x252: {  	[hbm4b:s7+s3] =	stream.linear.scatter [tilespmem:s17], [sflag:$0x8], $0x80, $0x38;
	[tilespmem:$0x1AE00] =	vst v63  }
0x253: {  	s7 =	sadd.s32 $0x20, s0;
	s17 =	simm.s32 $0x14D50  }
0x254: {  	[hbm4b:s7+s3] =	stream.linear.scatter [tilespmem:s17], [sflag:$0x8], $0x80, $0x38;
	[tilespmem:$0x1AE00] =	vst v63  }
0x255: {  	s7 =	sadd.s32 $0x30, s0;
	s17 =	simm.s32 $0x14DD8  }
0x256: {  	[hbm4b:s7+s3] =	stream.linear.scatter [tilespmem:s17], [sflag:$0x8], $0x80, $0x38;
	[tilespmem:$0x1AE00] =	vst v63  }
0x257: {  	s7 =	sadd.s32 $0x40, s0;
	s17 =	simm.s32 $0x14E60  }
0x258: {  	[hbm4b:s7+s3] =	stream.linear.scatter [tilespmem:s17], [sflag:$0x8], $0x80, $0x38;
	[tilespmem:$0x1AE00] =	vst v63  }
0x259: {  	s7 =	sadd.s32 $0x50, s0;
	s17 =	simm.s32 $0x14EE8  }
0x25a: {  	[hbm4b:s7+s3] =	stream.linear.scatter [tilespmem:s17], [sflag:$0x8], $0x80, $0x38;
	[tilespmem:$0x1AE00] =	vst v63  }
0x25b: {  	s7 =	sadd.s32 $0x60, s0;
	s17 =	simm.s32 $0x14F70  }
0x25c: {  	[hbm4b:s7+s3] =	stream.linear.scatter [tilespmem:s17], [sflag:$0x8], $0x80, $0x38;
	[tilespmem:$0x1AE00] =	vst v63  }
0x25d: {  	s0 =	sadd.s32 $0x70, s0;
	s17 =	simm.s32 $0x14FF8  }
0x25e: {  	[hbm4b:s0+s3] =	stream.linear.scatter [tilespmem:s17], [sflag:$0x8], $0x80, $0x38;
	[tilespmem:$0x1AE00] =	vst v63  }
0x25f: {  	s0 =	sadd.s32 s6, s11;
	s17 =	simm.s32 $0x15080  }
0x260: {  	[hbm4b:s0+s3] =	stream.linear.scatter [tilespmem:s17], [sflag:$0x8], $0x80, $0x38;
	[tilespmem:$0x1AE00] =	vst v63  }
0x261: {  	s7 =	sadd.s32 $0x10, s0;
	s17 =	simm.s32 $0x15108  }
0x262: {  	[hbm4b:s7+s3] =	stream.linear.scatter [tilespmem:s17], [sflag:$0x8], $0x80, $0x38;
	[tilespmem:$0x1AE00] =	vst v63  }
0x263: {  	s7 =	sadd.s32 $0x20, s0;
	s17 =	simm.s32 $0x15190  }
0x264: {  	[hbm4b:s7+s3] =	stream.linear.scatter [tilespmem:s17], [sflag:$0x8], $0x80, $0x38;
	[tilespmem:$0x1AE00] =	vst v63  }
0x265: {  	s7 =	sadd.s32 $0x30, s0;
	s17 =	simm.s32 $0x15218  }
0x266: {  	[hbm4b:s7+s3] =	stream.linear.scatter [tilespmem:s17], [sflag:$0x8], $0x80, $0x38;
	[tilespmem:$0x1AE00] =	vst v63  }
0x267: {  	s7 =	sadd.s32 $0x40, s0;
	s17 =	simm.s32 $0x152A0  }
0x268: {  	[hbm4b:s7+s3] =	stream.linear.scatter [tilespmem:s17], [sflag:$0x8], $0x80, $0x38;
	[tilespmem:$0x1AE00] =	vst v63  }
0x269: {  	s7 =	sadd.s32 $0x50, s0;
	s17 =	simm.s32 $0x15328  }
0x26a: {  	[hbm4b:s7+s3] =	stream.linear.scatter [tilespmem:s17], [sflag:$0x8], $0x80, $0x38;
	[tilespmem:$0x1AE00] =	vst v63  }
0x26b: {  	s7 =	sadd.s32 $0x60, s0;
	s17 =	simm.s32 $0x153B0  }
0x26c: {  	[hbm4b:s7+s3] =	stream.linear.scatter [tilespmem:s17], [sflag:$0x8], $0x80, $0x38;
	[tilespmem:$0x1AE00] =	vst v63  }
0x26d: {  	s0 =	sadd.s32 $0x70, s0;
	s17 =	simm.s32 $0x15438  }
0x26e: {  	[hbm4b:s0+s3] =	stream.linear.scatter [tilespmem:s17], [sflag:$0x8], $0x80, $0x38;
	[tilespmem:$0x1AE00] =	vst v63  }
0x26f: {  	s0 =	sadd.s32 s6, s12;
	s17 =	simm.s32 $0x154C0  }
0x270: {  	[hbm4b:s0+s3] =	stream.linear.scatter [tilespmem:s17], [sflag:$0x8], $0x80, $0x38;
	[tilespmem:$0x1AE00] =	vst v63  }
0x271: {  	s7 =	sadd.s32 $0x10, s0;
	s17 =	simm.s32 $0x15548  }
0x272: {  	[hbm4b:s7+s3] =	stream.linear.scatter [tilespmem:s17], [sflag:$0x8], $0x80, $0x38;
	[tilespmem:$0x1AE00] =	vst v63  }
0x273: {  	s7 =	sadd.s32 $0x20, s0;
	s17 =	simm.s32 $0x155D0  }
0x274: {  	[hbm4b:s7+s3] =	stream.linear.scatter [tilespmem:s17], [sflag:$0x8], $0x80, $0x38;
	[tilespmem:$0x1AE00] =	vst v63  }
0x275: {  	s7 =	sadd.s32 $0x30, s0;
	s17 =	simm.s32 $0x15658  }
0x276: {  	[hbm4b:s7+s3] =	stream.linear.scatter [tilespmem:s17], [sflag:$0x8], $0x80, $0x38;
	[tilespmem:$0x1AE00] =	vst v63  }
0x277: {  	s7 =	sadd.s32 $0x40, s0;
	s17 =	simm.s32 $0x156E0  }
0x278: {  	[hbm4b:s7+s3] =	stream.linear.scatter [tilespmem:s17], [sflag:$0x8], $0x80, $0x38;
	[tilespmem:$0x1AE00] =	vst v63  }
0x279: {  	s7 =	sadd.s32 $0x50, s0;
	s17 =	simm.s32 $0x15768  }
0x27a: {  	[hbm4b:s7+s3] =	stream.linear.scatter [tilespmem:s17], [sflag:$0x8], $0x80, $0x38;
	[tilespmem:$0x1AE00] =	vst v63  }
0x27b: {  	s7 =	sadd.s32 $0x60, s0;
	s17 =	simm.s32 $0x157F0  }
0x27c: {  	[hbm4b:s7+s3] =	stream.linear.scatter [tilespmem:s17], [sflag:$0x8], $0x80, $0x38;
	[tilespmem:$0x1AE00] =	vst v63  }
0x27d: {  	s0 =	sadd.s32 $0x70, s0;
	s17 =	simm.s32 $0x15878  }
0x27e: {  	[hbm4b:s0+s3] =	stream.linear.scatter [tilespmem:s17], [sflag:$0x8], $0x80, $0x38;
	[tilespmem:$0x1AE00] =	vst v63  }
0x27f: {  	s0 =	sadd.s32 s6, s13;
	s17 =	simm.s32 $0x15900  }
0x280: {  	[hbm4b:s0+s3] =	stream.linear.scatter [tilespmem:s17], [sflag:$0x8], $0x80, $0x38;
	[tilespmem:$0x1AE00] =	vst v63  }
0x281: {  	s7 =	sadd.s32 $0x10, s0;
	s17 =	simm.s32 $0x15988  }
0x282: {  	[hbm4b:s7+s3] =	stream.linear.scatter [tilespmem:s17], [sflag:$0x8], $0x80, $0x38;
	[tilespmem:$0x1AE00] =	vst v63  }
0x283: {  	s7 =	sadd.s32 $0x20, s0;
	s17 =	simm.s32 $0x15A10  }
0x284: {  	[hbm4b:s7+s3] =	stream.linear.scatter [tilespmem:s17], [sflag:$0x8], $0x80, $0x38;
	[tilespmem:$0x1AE00] =	vst v63  }
0x285: {  	s7 =	sadd.s32 $0x30, s0;
	s17 =	simm.s32 $0x15A98  }
0x286: {  	[hbm4b:s7+s3] =	stream.linear.scatter [tilespmem:s17], [sflag:$0x8], $0x80, $0x38;
	[tilespmem:$0x1AE00] =	vst v63  }
0x287: {  	s7 =	sadd.s32 $0x40, s0;
	s17 =	simm.s32 $0x15B20  }
0x288: {  	[hbm4b:s7+s3] =	stream.linear.scatter [tilespmem:s17], [sflag:$0x8], $0x80, $0x38;
	[tilespmem:$0x1AE00] =	vst v63  }
0x289: {  	s7 =	sadd.s32 $0x50, s0;
	s17 =	simm.s32 $0x15BA8  }
0x28a: {  	[hbm4b:s7+s3] =	stream.linear.scatter [tilespmem:s17], [sflag:$0x8], $0x80, $0x38;
	[tilespmem:$0x1AE00] =	vst v63  }
0x28b: {  	s7 =	sadd.s32 $0x60, s0;
	s17 =	simm.s32 $0x15C30  }
0x28c: {  	[hbm4b:s7+s3] =	stream.linear.scatter [tilespmem:s17], [sflag:$0x8], $0x80, $0x38;
	[tilespmem:$0x1AE00] =	vst v63  }
0x28d: {  	s0 =	sadd.s32 $0x70, s0;
	s17 =	simm.s32 $0x15CB8  }
0x28e: {  	[hbm4b:s0+s3] =	stream.linear.scatter [tilespmem:s17], [sflag:$0x8], $0x80, $0x38;
	[tilespmem:$0x1AE00] =	vst v63  }
0x28f: {  	s0 =	sadd.s32 s6, s14;
	s17 =	simm.s32 $0x15D40  }
0x290: {  	[hbm4b:s0+s3] =	stream.linear.scatter [tilespmem:s17], [sflag:$0x8], $0x80, $0x38;
	[tilespmem:$0x1AE00] =	vst v63  }
0x291: {  	s7 =	sadd.s32 $0x10, s0;
	s17 =	simm.s32 $0x15DC8  }
0x292: {  	[hbm4b:s7+s3] =	stream.linear.scatter [tilespmem:s17], [sflag:$0x8], $0x80, $0x38;
	[tilespmem:$0x1AE00] =	vst v63  }
0x293: {  	s7 =	sadd.s32 $0x20, s0;
	s17 =	simm.s32 $0x15E50  }
0x294: {  	[hbm4b:s7+s3] =	stream.linear.scatter [tilespmem:s17], [sflag:$0x8], $0x80, $0x38;
	[tilespmem:$0x1AE00] =	vst v63  }
0x295: {  	s7 =	sadd.s32 $0x30, s0;
	s17 =	simm.s32 $0x15ED8  }
0x296: {  	[hbm4b:s7+s3] =	stream.linear.scatter [tilespmem:s17], [sflag:$0x8], $0x80, $0x38;
	[tilespmem:$0x1AE00] =	vst v63  }
0x297: {  	s7 =	sadd.s32 $0x40, s0;
	s17 =	simm.s32 $0x15F60  }
0x298: {  	[hbm4b:s7+s3] =	stream.linear.scatter [tilespmem:s17], [sflag:$0x8], $0x80, $0x38;
	[tilespmem:$0x1AE00] =	vst v63  }
0x299: {  	s7 =	sadd.s32 $0x50, s0;
	s17 =	simm.s32 $0x15FE8  }
0x29a: {  	[hbm4b:s7+s3] =	stream.linear.scatter [tilespmem:s17], [sflag:$0x8], $0x80, $0x38;
	[tilespmem:$0x1AE00] =	vst v63  }
0x29b: {  	s7 =	sadd.s32 $0x60, s0;
	s17 =	simm.s32 $0x16070  }
0x29c: {  	[hbm4b:s7+s3] =	stream.linear.scatter [tilespmem:s17], [sflag:$0x8], $0x80, $0x38;
	[tilespmem:$0x1AE00] =	vst v63  }
0x29d: {  	s0 =	sadd.s32 $0x70, s0;
	s17 =	simm.s32 $0x160F8  }
0x29e: {  	[hbm4b:s0+s3] =	stream.linear.scatter [tilespmem:s17], [sflag:$0x8], $0x80, $0x38;
	[tilespmem:$0x1AE00] =	vst v63  }
0x29f: {  	s0 =	sadd.s32 s6, s15;
	s17 =	simm.s32 $0x16180  }
0x2a0: {  	[hbm4b:s0+s3] =	stream.linear.scatter [tilespmem:s17], [sflag:$0x8], $0x80, $0x38;
	[tilespmem:$0x1AE00] =	vst v63  }
0x2a1: {  	s7 =	sadd.s32 $0x10, s0;
	s17 =	simm.s32 $0x16208  }
0x2a2: {  	[hbm4b:s7+s3] =	stream.linear.scatter [tilespmem:s17], [sflag:$0x8], $0x80, $0x38;
	[tilespmem:$0x1AE00] =	vst v63  }
0x2a3: {  	s7 =	sadd.s32 $0x20, s0;
	s17 =	simm.s32 $0x16290  }
0x2a4: {  	[hbm4b:s7+s3] =	stream.linear.scatter [tilespmem:s17], [sflag:$0x8], $0x80, $0x38;
	[tilespmem:$0x1AE00] =	vst v63  }
0x2a5: {  	s7 =	sadd.s32 $0x30, s0;
	s17 =	simm.s32 $0x16318  }
0x2a6: {  	[hbm4b:s7+s3] =	stream.linear.scatter [tilespmem:s17], [sflag:$0x8], $0x80, $0x38;
	[tilespmem:$0x1AE00] =	vst v63  }
0x2a7: {  	s7 =	sadd.s32 $0x40, s0;
	s17 =	simm.s32 $0x163A0  }
0x2a8: {  	[hbm4b:s7+s3] =	stream.linear.scatter [tilespmem:s17], [sflag:$0x8], $0x80, $0x38;
	[tilespmem:$0x1AE00] =	vst v63  }
0x2a9: {  	s7 =	sadd.s32 $0x50, s0;
	s17 =	simm.s32 $0x16428  }
0x2aa: {  	[hbm4b:s7+s3] =	stream.linear.scatter [tilespmem:s17], [sflag:$0x8], $0x80, $0x38;
	[tilespmem:$0x1AE00] =	vst v63  }
0x2ab: {  	s7 =	sadd.s32 $0x60, s0;
	s17 =	simm.s32 $0x164B0  }
0x2ac: {  	[hbm4b:s7+s3] =	stream.linear.scatter [tilespmem:s17], [sflag:$0x8], $0x80, $0x38;
	[tilespmem:$0x1AE00] =	vst v63  }
0x2ad: {  	s0 =	sadd.s32 $0x70, s0;
	s17 =	simm.s32 $0x16538  }
0x2ae: {  	[hbm4b:s0+s3] =	stream.linear.scatter [tilespmem:s17], [sflag:$0x8], $0x80, $0x38;
	[tilespmem:$0x1AE00] =	vst v63  }
0x2af: {  	s0 =	sadd.s32 s6, s16;
	s17 =	simm.s32 $0x165C0  }
0x2b0: {  	[hbm4b:s0+s3] =	stream.linear.scatter [tilespmem:s17], [sflag:$0x8], $0x80, $0x38;
	[tilespmem:$0x1AE00] =	vst v63  }
0x2b1: {  	s7 =	sadd.s32 $0x10, s0;
	s17 =	simm.s32 $0x16648  }
0x2b2: {  	[hbm4b:s7+s3] =	stream.linear.scatter [tilespmem:s17], [sflag:$0x8], $0x80, $0x38;
	[tilespmem:$0x1AE00] =	vst v63  }
0x2b3: {  	s7 =	sadd.s32 $0x20, s0;
	s17 =	simm.s32 $0x166D0  }
0x2b4: {  	[hbm4b:s7+s3] =	stream.linear.scatter [tilespmem:s17], [sflag:$0x8], $0x80, $0x38;
	[tilespmem:$0x1AE00] =	vst v63  }
0x2b5: {  	s7 =	sadd.s32 $0x30, s0;
	s17 =	simm.s32 $0x16758  }
0x2b6: {  	[hbm4b:s7+s3] =	stream.linear.scatter [tilespmem:s17], [sflag:$0x8], $0x80, $0x38;
	[tilespmem:$0x1AE00] =	vst v63  }
0x2b7: {  	s7 =	sadd.s32 $0x40, s0;
	s17 =	simm.s32 $0x167E0  }
0x2b8: {  	[hbm4b:s7+s3] =	stream.linear.scatter [tilespmem:s17], [sflag:$0x8], $0x80, $0x38;
	[tilespmem:$0x1AE00] =	vst v63  }
0x2b9: {  	s7 =	sadd.s32 $0x50, s0;
	s17 =	simm.s32 $0x16868  }
0x2ba: {  	[hbm4b:s7+s3] =	stream.linear.scatter [tilespmem:s17], [sflag:$0x8], $0x80, $0x38;
	[tilespmem:$0x1AE00] =	vst v63  }
0x2bb: {  	s7 =	sadd.s32 $0x60, s0;
	s17 =	simm.s32 $0x168F0  }
0x2bc: {  	[hbm4b:s7+s3] =	stream.linear.scatter [tilespmem:s17], [sflag:$0x8], $0x80, $0x38;
	[tilespmem:$0x1AE00] =	vst v63  }
0x2bd: {  	s0 =	sadd.s32 $0x70, s0;
	s17 =	simm.s32 $0x16978  }
0x2be: {  	[hbm4b:s0+s3] =	stream.linear.scatter [tilespmem:s17], [sflag:$0x8], $0x80, $0x38;
	[tilespmem:$0x1AE00] =	vst v63  }
0x2bf: {  	s0 =	simm.s32 @!p0 $0x8  }
0x2c0: {  	_ =	swait.ge @!p0 [sflag:s0], $0x400  }
0x2c1: {  	[sflag:s0] =	ssyncset.done @!p0 $0x0  }
0x2c2: {  	[sflag:s0] =	ssyncadd.s32 @!p0 $0xFFFFFC00  }
0x2c3: {  	_ =	swait.ge @!p0 [sflag:s0], $0x400  }
0x2c4: {  	[sflag:s0] =	ssyncset.done @!p0 $0x0  }
0x2c5: {  	[sflag:s0] =	ssyncadd.s32 @!p0 $0xFFFFFC00  }
0x2c6: {  	_ =	swait.ge @!p0 [sflag:s0], $0x400  }
0x2c7: {  	[sflag:s0] =	ssyncset.done @!p0 $0x0  }
0x2c8: {  	[sflag:s0] =	ssyncadd.s32 @!p0 $0xFFFFFC00  }
0x2c9: {  	_ =	swait.ge @!p0 [sflag:s0], $0x400  }
0x2ca: {  	[sflag:s0] =	ssyncset.done @!p0 $0x0  }
0x2cb: {  	[sflag:s0] =	ssyncadd.s32 @!p0 $0xFFFFFC00  }
0x2cc: {  	_ =	swait.ge @!p0 [sflag:s0], $0x400  }
0x2cd: {  	[sflag:s0] =	ssyncset.done @!p0 $0x0  }
0x2ce: {  	[sflag:s0] =	ssyncadd.s32 @!p0 $0xFFFFFC00  }
0x2cf: {  	_ =	swait.ge @!p0 [sflag:s0], $0x400  }
0x2d0: {  	[sflag:s0] =	ssyncset.done @!p0 $0x0  }
0x2d1: {  	[sflag:s0] =	ssyncadd.s32 @!p0 $0xFFFFFC00  }
0x2d2: {  	_ =	swait.ge @!p0 [sflag:s0], $0x400  }
0x2d3: {  	[sflag:s0] =	ssyncset.done @!p0 $0x0  }
0x2d4: {  	[sflag:s0] =	ssyncadd.s32 @!p0 $0xFFFFFC00  }
0x2d5: {  	_ =	swait.ge @!p0 [sflag:s0], $0x400  }
0x2d6: {  	s6 =	sadd.s32 @!p0 $0xE00, s28;
	[sflag:s0] =	ssyncset.done @!p0 $0x0  }
0x2d7: {  	[sflag:s0] =	ssyncadd.s32 @!p0 $0xFFFFFC00;
	s0 =	sand.u32 @!p0 $0x7FE00, s6  }
0x2d8: {  	s7 =	simm.s32 @!p0 $0xA400;
	s6 =	simm.s32 @!p0 $0x80;
	s0 =	sshrl.u32 @!p0 s0, $0x2  }
0x2d9: {  	[tilespmem:s7], [sflag:$0x3] =	stream.indirect.gather @!p0 [hbm4b:s5+s6], $0x40, s0, s6, $0xb8;
	[tilespmem:$0x1AE00] =	vst v63  }
0x2da: {  	_ =	swait.ge [sflag:s19], $0x2000  }
0x2db: {  	[sflag:s19] =	ssyncset.done $0x0  }
0x2dc: {  	s6 =	simm.s32 $0xC480;
	[sflag:s19] =	ssyncadd.s32 $0xFFFFE000  }
0x2dd: {  	v5 =	vld [tilespmem:s6+$0x70]  }
0x2de: {  	v4 =	vld [tilespmem:s6+$0x60]  }
0x2df: {  	v6 =	vld [tilespmem:s6+$0x50]  }
0x2e0: {  	v7 =	vld [tilespmem:s6+$0x40]  }
0x2e1: {  	v8 =	vld [tilespmem:s6+$0x30]  }
0x2e2: {  	v9 =	vld [tilespmem:s6+$0x20]  }
0x2e3: {  	v10 =	vld [tilespmem:s6+$0x10]  }
0x2e4: {  	s7 =	simm.s32 $0x0;
	v11 =	vld [tilespmem:s6+$0x0]  }
0x2e5: {  	v13 =	vmov s7;
	v14 =	vld [tilespmem:s6+$0xFFFFFF80]  }
0x2e6: {  	v13 =	vand.u32 $0x7C, v13;
	v15 =	vld [tilespmem:s6+$0xFFFFFF90]  }
0x2e7: {  	v17 =	vadd.s32 v0, v13;
	v16 =	vld [tilespmem:s6+$0xFFFFFFA0]  }
0x2e8: {  	s17 =	simm.s32 $0x1;
	v19 =	vadd.s32 v1, v13;
	v18 =	vld [tilespmem:s6+$0xFFFFFFB0]  }
0x2e9: {  	v20 =	vmov s17;
	v22 =	vadd.s32 v2, v13;
	v21 =	vld [tilespmem:s6+$0xFFFFFFC0]  }
0x2ea: {  	v20 =	vand.u32 $0x7D, v20;
	v13 =	vadd.s32 v3, v13;
	v23 =	vld [tilespmem:s6+$0xFFFFFFD0];
	v14 =	vmul.f32 $8.000000000e+00, v14  }
0x2eb: {  	v25 =	vadd.s32 v0, v20;
	v24 =	vld [tilespmem:s6+$0xFFFFFFE0];
	v15 =	vmul.f32 $8.000000000e+00, v15  }
0x2ec: {  	v47 =	vadd.s32 v1, v20;
	s7 =	simm.s32 $0x2;
	v12 =	vld [tilespmem:s6+$0xFFFFFFF0];
	v16 =	vmul.f32 $8.000000000e+00, v16;
	[tilespmem:v17+s22+$0x0] =	vst.idx.msk $0xffff, v14  }
0x2ed: {  	v49 =	vadd.s32 v2, v20;
	v48 =	vmov s7;
	v18 =	vmul.f32 $8.000000000e+00, v18;
	[tilespmem:v19+s22+$0x0] =	vst.idx.msk $0xffff, v15  }
0x2ee: {  	v51 =	vadd.s32 v3, v20;
	v50 =	vmul.f32 $8.000000000e+00, v21;
	v17 =	vand.u32 $0x7E, v48;
	[tilespmem:v22+s22+$0x0] =	vst.idx.msk $0xffff, v16  }
0x2ef: {  	v52 =	vmul.f32 $8.000000000e+00, v23;
	v53 =	vadd.s32 v0, v17;
	[tilespmem:v13+s22+$0x0] =	vst.idx.msk $0xffff, v18  }
0x2f0: {  	s17 =	simm.s32 $0x3;
	v54 =	vmul.f32 $8.000000000e+00, v24;
	v55 =	vadd.s32 v1, v17;
	[tilespmem:v25+s22+$0x0] =	vst.idx.msk $0xffff, v50  }
0x2f1: {  	v56 =	vmov s17;
	v12 =	vmul.f32 $8.000000000e+00, v12;
	v57 =	vadd.s32 v2, v17;
	[tilespmem:v47+s22+$0x0] =	vst.idx.msk $0xffff, v52  }
0x2f2: {  	v59 =	vand.u32 $0x7F, v56;
	v11 =	vmul.f32 $8.000000000e+00, v11;
	v58 =	vadd.s32 v3, v17;
	[tilespmem:v49+s22+$0x0] =	vst.idx.msk $0xffff, v54  }
0x2f3: {  	v60 =	vadd.s32 v0, v59;
	v10 =	vmul.f32 $8.000000000e+00, v10;
	[tilespmem:v51+s22+$0x0] =	vst.idx.msk $0xffff, v12  }
0x2f4: {  	v61 =	vadd.s32 v1, v59;
	v9 =	vmul.f32 $8.000000000e+00, v9;
	[tilespmem:v53+s22+$0x0] =	vst.idx.msk $0xffff, v11  }
0x2f5: {  	v62 =	vadd.s32 v2, v59;
	v8 =	vmul.f32 $8.000000000e+00, v8;
	[tilespmem:v55+s22+$0x0] =	vst.idx.msk $0xffff, v10  }
0x2f6: {  	v7 =	vmul.f32 $8.000000000e+00, v7;
	[tilespmem:v57+s22+$0x0] =	vst.idx.msk $0xffff, v9  }
0x2f7: {  	v6 =	vmul.f32 $8.000000000e+00, v6;
	v63 =	vmul.f32 $8.000000000e+00, v4;
	v4 =	vadd.s32 v3, v59;
	[tilespmem:v58+s22+$0x0] =	vst.idx.msk $0xffff, v8  }
0x2f8: {  	[tilespmem:v60+s22+$0x0] =	vst.idx.msk $0xffff, v7  }
0x2f9: {  	[tilespmem:v61+s22+$0x0] =	vst.idx.msk $0xffff, v6  }
0x2fa: {  	s17 =	simm.s32 $0x4;
	v5 =	vmul.f32 $8.000000000e+00, v5;
	[tilespmem:v62+s22+$0x0] =	vst.idx.msk $0xffff, v63  }
.LBB2_9:
0x2fb: {  	p1 =	sne.s32 s17, $0x7C  }
0x2fc: {  	[tilespmem:v4+s22+$0x0] =	vst.idx.msk $0xffff, v5;
	s6 =	sadd.s32 $0x100, s6;
	s0 =	smov.u32 s17;
	s17 =	sadd.s32 $0x4, s17  }
0x2fd: {  	v5 =	vld [tilespmem:s6+$0x70]  }
0x2fe: {  	v6 =	vld [tilespmem:s6+$0x60]  }
0x2ff: {  	v7 =	vld [tilespmem:s6+$0x50]  }
0x300: {  	v4 =	vld [tilespmem:s6+$0x40]  }
0x301: {  	v8 =	vld [tilespmem:s6+$0x30]  }
0x302: {  	v9 =	vld [tilespmem:s6+$0x20]  }
0x303: {  	v10 =	vld [tilespmem:s6+$0x10]  }
0x304: {  	v11 =	vld [tilespmem:s6+$0x0]  }
0x305: {  	v12 =	vld [tilespmem:s6+$0xFFFFFFF0]  }
0x306: {  	v13 =	vmov s0;
	v14 =	vld [tilespmem:s6+$0xFFFFFF80]  }
0x307: {  	v13 =	vand.u32 $0x7C, v13;
	v15 =	vld [tilespmem:s6+$0xFFFFFF90]  }
0x308: {  	v17 =	vadd.s32 v0, v13;
	v16 =	vld [tilespmem:s6+$0xFFFFFFA0]  }
0x309: {  	s7 =	sadd.s32 $0x1, s0;
	v19 =	vadd.s32 v1, v13;
	v18 =	vld [tilespmem:s6+$0xFFFFFFB0]  }
0x30a: {  	v20 =	vmov s7;
	v22 =	vadd.s32 v2, v13;
	v21 =	vld [tilespmem:s6+$0xFFFFFFC0]  }
0x30b: {  	v13 =	vadd.s32 v3, v13;
	v20 =	vand.u32 $0x7D, v20;
	v14 =	vmul.f32 $8.000000000e+00, v14;
	v23 =	vld [tilespmem:s6+$0xFFFFFFD0]  }
0x30c: {  	v25 =	vadd.s32 v0, v20;
	v15 =	vmul.f32 $8.000000000e+00, v15;
	v24 =	vld [tilespmem:s6+$0xFFFFFFE0]  }
0x30d: {  	s7 =	sadd.s32 $0x2, s0;
	v16 =	vmul.f32 $8.000000000e+00, v16;
	[tilespmem:v17+s22+$0x0] =	vst.idx.msk $0xffff, v14;
	v14 =	vadd.s32 v1, v20  }
0x30e: {  	v17 =	vmov s7;
	v18 =	vmul.f32 $8.000000000e+00, v18;
	[tilespmem:v19+s22+$0x0] =	vst.idx.msk $0xffff, v15;
	v15 =	vadd.s32 v2, v20  }
0x30f: {  	v17 =	vand.u32 $0x7E, v17;
	v19 =	vmul.f32 $8.000000000e+00, v21;
	[tilespmem:v22+s22+$0x0] =	vst.idx.msk $0xffff, v16;
	v16 =	vadd.s32 v3, v20  }
0x310: {  	v20 =	vmul.f32 $8.000000000e+00, v23;
	[tilespmem:v13+s22+$0x0] =	vst.idx.msk $0xffff, v18;
	v13 =	vadd.s32 v0, v17  }
0x311: {  	s0 =	sadd.s32 $0x3, s0;
	v18 =	vmul.f32 $8.000000000e+00, v24;
	[tilespmem:v25+s22+$0x0] =	vst.idx.msk $0xffff, v19;
	v19 =	vadd.s32 v1, v17  }
0x312: {  	v12 =	vmul.f32 $8.000000000e+00, v12;
	v21 =	vmov s0;
	[tilespmem:v14+s22+$0x0] =	vst.idx.msk $0xffff, v20;
	v14 =	vadd.s32 v2, v17  }
0x313: {  	v11 =	vmul.f32 $8.000000000e+00, v11;
	[tilespmem:v15+s22+$0x0] =	vst.idx.msk $0xffff, v18;
	v15 =	vadd.s32 v3, v17;
	v17 =	vand.u32 $0x7F, v21  }
0x314: {  	v10 =	vmul.f32 $8.000000000e+00, v10;
	[tilespmem:v16+s22+$0x0] =	vst.idx.msk $0xffff, v12;
	v12 =	vadd.s32 v0, v17  }
0x315: {  	v9 =	vmul.f32 $8.000000000e+00, v9;
	[tilespmem:v13+s22+$0x0] =	vst.idx.msk $0xffff, v11;
	v11 =	vadd.s32 v1, v17  }
0x316: {  	v8 =	vmul.f32 $8.000000000e+00, v8;
	[tilespmem:v19+s22+$0x0] =	vst.idx.msk $0xffff, v10;
	v10 =	vadd.s32 v2, v17  }
.Ltmp3:
0x317: {  	v13 =	vmul.f32 $8.000000000e+00, v4;
	v4 =	vadd.s32 v3, v17;
	[tilespmem:v14+s22+$0x0] =	vst.idx.msk $0xffff, v9;
	(pc) =	sbr.rel @p1 .LBB2_9-.Ltmp3, $4  }
0x318: {  	v7 =	vmul.f32 $8.000000000e+00, v7;
	[tilespmem:v15+s22+$0x0] =	vst.idx.msk $0xffff, v8  }
0x319: {  	v6 =	vmul.f32 $8.000000000e+00, v6;
	[tilespmem:v12+s22+$0x0] =	vst.idx.msk $0xffff, v13  }
0x31a: {  	v5 =	vmul.f32 $8.000000000e+00, v5;
	[tilespmem:v11+s22+$0x0] =	vst.idx.msk $0xffff, v7  }
0x31b: {  	[tilespmem:v10+s22+$0x0] =	vst.idx.msk $0xffff, v6  }
0x31c: {  	_ =	sdelay $0x1  }
0x31d: {  	s0 =	sadd.s32 s9, s21  }
0x31e: {  	s6 =	sshrl.u32 s0, $0x3  }
0x31f: {  	[tilespmem:v4+s22+$0x0] =	vst.idx.msk $0xffff, v5;
	s0 =	sadd.s32 s1, s6  }
0x320: {  	[hbm4b:s0+s3] =	stream.linear.scatter [tilespmem:s22], [sflag:$0x9], $0x80, $0x38;
	[tilespmem:$0x1AE00] =	vst v63  }
0x321: {  	s17 =	simm.s32 $0x16A88;
	s7 =	sadd.s32 $0x10, s0  }
0x322: {  	[hbm4b:s7+s3] =	stream.linear.scatter [tilespmem:s17], [sflag:$0x9], $0x80, $0x38;
	[tilespmem:$0x1AE00] =	vst v63  }
0x323: {  	s21 =	simm.s32 $0x16B10;
	s17 =	sadd.s32 $0x20, s0  }
0x324: {  	[hbm4b:s17+s3] =	stream.linear.scatter [tilespmem:s21], [sflag:$0x9], $0x80, $0x38;
	[tilespmem:$0x1AE00] =	vst v63  }
0x325: {  	s17 =	sadd.s32 $0x30, s0;
	s21 =	simm.s32 $0x16B98  }
0x326: {  	[hbm4b:s17+s3] =	stream.linear.scatter [tilespmem:s21], [sflag:$0x9], $0x80, $0x38;
	[tilespmem:$0x1AE00] =	vst v63  }
0x327: {  	s17 =	sadd.s32 $0x40, s0;
	s21 =	simm.s32 $0x16C20  }
0x328: {  	[hbm4b:s17+s3] =	stream.linear.scatter [tilespmem:s21], [sflag:$0x9], $0x80, $0x38;
	[tilespmem:$0x1AE00] =	vst v63  }
0x329: {  	s17 =	sadd.s32 $0x50, s0;
	s21 =	simm.s32 $0x16CA8  }
0x32a: {  	[hbm4b:s17+s3] =	stream.linear.scatter [tilespmem:s21], [sflag:$0x9], $0x80, $0x38;
	[tilespmem:$0x1AE00] =	vst v63  }
0x32b: {  	s17 =	sadd.s32 $0x60, s0;
	s21 =	simm.s32 $0x16D30  }
0x32c: {  	[hbm4b:s17+s3] =	stream.linear.scatter [tilespmem:s21], [sflag:$0x9], $0x80, $0x38;
	[tilespmem:$0x1AE00] =	vst v63  }
0x32d: {  	s0 =	sadd.s32 $0x70, s0;
	s17 =	simm.s32 $0x16DB8  }
0x32e: {  	[hbm4b:s0+s3] =	stream.linear.scatter [tilespmem:s17], [sflag:$0x9], $0x80, $0x38;
	[tilespmem:$0x1AE00] =	vst v63  }
0x32f: {  	s21 =	simm.s32 $0x16E40;
	s0 =	sadd.s32 s6, s10  }
0x330: {  	[hbm4b:s0+s3] =	stream.linear.scatter [tilespmem:s21], [sflag:$0x9], $0x80, $0x38;
	[tilespmem:$0x1AE00] =	vst v63  }
0x331: {  	s17 =	sadd.s32 $0x10, s0;
	s21 =	simm.s32 $0x16EC8  }
0x332: {  	[hbm4b:s17+s3] =	stream.linear.scatter [tilespmem:s21], [sflag:$0x9], $0x80, $0x38;
	[tilespmem:$0x1AE00] =	vst v63  }
0x333: {  	s17 =	sadd.s32 $0x20, s0;
	s21 =	simm.s32 $0x16F50  }
0x334: {  	[hbm4b:s17+s3] =	stream.linear.scatter [tilespmem:s21], [sflag:$0x9], $0x80, $0x38;
	[tilespmem:$0x1AE00] =	vst v63  }
0x335: {  	s17 =	sadd.s32 $0x30, s0;
	s21 =	simm.s32 $0x16FD8  }
0x336: {  	[hbm4b:s17+s3] =	stream.linear.scatter [tilespmem:s21], [sflag:$0x9], $0x80, $0x38;
	[tilespmem:$0x1AE00] =	vst v63  }
0x337: {  	s17 =	sadd.s32 $0x40, s0;
	s21 =	simm.s32 $0x17060  }
0x338: {  	[hbm4b:s17+s3] =	stream.linear.scatter [tilespmem:s21], [sflag:$0x9], $0x80, $0x38;
	[tilespmem:$0x1AE00] =	vst v63  }
0x339: {  	s17 =	sadd.s32 $0x50, s0;
	s21 =	simm.s32 $0x170E8  }
0x33a: {  	[hbm4b:s17+s3] =	stream.linear.scatter [tilespmem:s21], [sflag:$0x9], $0x80, $0x38;
	[tilespmem:$0x1AE00] =	vst v63  }
0x33b: {  	s17 =	sadd.s32 $0x60, s0;
	s21 =	simm.s32 $0x17170  }
0x33c: {  	[hbm4b:s17+s3] =	stream.linear.scatter [tilespmem:s21], [sflag:$0x9], $0x80, $0x38;
	[tilespmem:$0x1AE00] =	vst v63  }
0x33d: {  	s0 =	sadd.s32 $0x70, s0;
	s17 =	simm.s32 $0x171F8  }
0x33e: {  	[hbm4b:s0+s3] =	stream.linear.scatter [tilespmem:s17], [sflag:$0x9], $0x80, $0x38;
	[tilespmem:$0x1AE00] =	vst v63  }
0x33f: {  	s21 =	simm.s32 $0x17280;
	s0 =	sadd.s32 s6, s11  }
0x340: {  	[hbm4b:s0+s3] =	stream.linear.scatter [tilespmem:s21], [sflag:$0x9], $0x80, $0x38;
	[tilespmem:$0x1AE00] =	vst v63  }
0x341: {  	s17 =	sadd.s32 $0x10, s0;
	s21 =	simm.s32 $0x17308  }
0x342: {  	[hbm4b:s17+s3] =	stream.linear.scatter [tilespmem:s21], [sflag:$0x9], $0x80, $0x38;
	[tilespmem:$0x1AE00] =	vst v63  }
0x343: {  	s17 =	sadd.s32 $0x20, s0;
	s21 =	simm.s32 $0x17390  }
0x344: {  	[hbm4b:s17+s3] =	stream.linear.scatter [tilespmem:s21], [sflag:$0x9], $0x80, $0x38;
	[tilespmem:$0x1AE00] =	vst v63  }
0x345: {  	s17 =	sadd.s32 $0x30, s0;
	s21 =	simm.s32 $0x17418  }
0x346: {  	[hbm4b:s17+s3] =	stream.linear.scatter [tilespmem:s21], [sflag:$0x9], $0x80, $0x38;
	[tilespmem:$0x1AE00] =	vst v63  }
0x347: {  	s17 =	sadd.s32 $0x40, s0;
	s21 =	simm.s32 $0x174A0  }
0x348: {  	[hbm4b:s17+s3] =	stream.linear.scatter [tilespmem:s21], [sflag:$0x9], $0x80, $0x38;
	[tilespmem:$0x1AE00] =	vst v63  }
0x349: {  	s17 =	sadd.s32 $0x50, s0;
	s21 =	simm.s32 $0x17528  }
0x34a: {  	[hbm4b:s17+s3] =	stream.linear.scatter [tilespmem:s21], [sflag:$0x9], $0x80, $0x38;
	[tilespmem:$0x1AE00] =	vst v63  }
0x34b: {  	s17 =	sadd.s32 $0x60, s0;
	s21 =	simm.s32 $0x175B0  }
0x34c: {  	[hbm4b:s17+s3] =	stream.linear.scatter [tilespmem:s21], [sflag:$0x9], $0x80, $0x38;
	[tilespmem:$0x1AE00] =	vst v63  }
0x34d: {  	s0 =	sadd.s32 $0x70, s0;
	s17 =	simm.s32 $0x17638  }
0x34e: {  	[hbm4b:s0+s3] =	stream.linear.scatter [tilespmem:s17], [sflag:$0x9], $0x80, $0x38;
	[tilespmem:$0x1AE00] =	vst v63  }
0x34f: {  	s21 =	simm.s32 $0x176C0;
	s0 =	sadd.s32 s6, s12  }
0x350: {  	[hbm4b:s0+s3] =	stream.linear.scatter [tilespmem:s21], [sflag:$0x9], $0x80, $0x38;
	[tilespmem:$0x1AE00] =	vst v63  }
0x351: {  	s17 =	sadd.s32 $0x10, s0;
	s21 =	simm.s32 $0x17748  }
0x352: {  	[hbm4b:s17+s3] =	stream.linear.scatter [tilespmem:s21], [sflag:$0x9], $0x80, $0x38;
	[tilespmem:$0x1AE00] =	vst v63  }
0x353: {  	s17 =	sadd.s32 $0x20, s0;
	s21 =	simm.s32 $0x177D0  }
0x354: {  	[hbm4b:s17+s3] =	stream.linear.scatter [tilespmem:s21], [sflag:$0x9], $0x80, $0x38;
	[tilespmem:$0x1AE00] =	vst v63  }
0x355: {  	s17 =	sadd.s32 $0x30, s0;
	s21 =	simm.s32 $0x17858  }
0x356: {  	[hbm4b:s17+s3] =	stream.linear.scatter [tilespmem:s21], [sflag:$0x9], $0x80, $0x38;
	[tilespmem:$0x1AE00] =	vst v63  }
0x357: {  	s17 =	sadd.s32 $0x40, s0;
	s21 =	simm.s32 $0x178E0  }
0x358: {  	[hbm4b:s17+s3] =	stream.linear.scatter [tilespmem:s21], [sflag:$0x9], $0x80, $0x38;
	[tilespmem:$0x1AE00] =	vst v63  }
0x359: {  	s17 =	sadd.s32 $0x50, s0;
	s21 =	simm.s32 $0x17968  }
0x35a: {  	[hbm4b:s17+s3] =	stream.linear.scatter [tilespmem:s21], [sflag:$0x9], $0x80, $0x38;
	[tilespmem:$0x1AE00] =	vst v63  }
0x35b: {  	s17 =	sadd.s32 $0x60, s0;
	s21 =	simm.s32 $0x179F0  }
0x35c: {  	[hbm4b:s17+s3] =	stream.linear.scatter [tilespmem:s21], [sflag:$0x9], $0x80, $0x38;
	[tilespmem:$0x1AE00] =	vst v63  }
0x35d: {  	s0 =	sadd.s32 $0x70, s0;
	s17 =	simm.s32 $0x17A78  }
0x35e: {  	[hbm4b:s0+s3] =	stream.linear.scatter [tilespmem:s17], [sflag:$0x9], $0x80, $0x38;
	[tilespmem:$0x1AE00] =	vst v63  }
0x35f: {  	s21 =	simm.s32 $0x17B00;
	s0 =	sadd.s32 s6, s13  }
0x360: {  	[hbm4b:s0+s3] =	stream.linear.scatter [tilespmem:s21], [sflag:$0x9], $0x80, $0x38;
	[tilespmem:$0x1AE00] =	vst v63  }
0x361: {  	s17 =	sadd.s32 $0x10, s0;
	s21 =	simm.s32 $0x17B88  }
0x362: {  	[hbm4b:s17+s3] =	stream.linear.scatter [tilespmem:s21], [sflag:$0x9], $0x80, $0x38;
	[tilespmem:$0x1AE00] =	vst v63  }
0x363: {  	s17 =	sadd.s32 $0x20, s0;
	s21 =	simm.s32 $0x17C10  }
0x364: {  	[hbm4b:s17+s3] =	stream.linear.scatter [tilespmem:s21], [sflag:$0x9], $0x80, $0x38;
	[tilespmem:$0x1AE00] =	vst v63  }
0x365: {  	s17 =	sadd.s32 $0x30, s0;
	s21 =	simm.s32 $0x17C98  }
0x366: {  	[hbm4b:s17+s3] =	stream.linear.scatter [tilespmem:s21], [sflag:$0x9], $0x80, $0x38;
	[tilespmem:$0x1AE00] =	vst v63  }
0x367: {  	s17 =	sadd.s32 $0x40, s0;
	s21 =	simm.s32 $0x17D20  }
0x368: {  	[hbm4b:s17+s3] =	stream.linear.scatter [tilespmem:s21], [sflag:$0x9], $0x80, $0x38;
	[tilespmem:$0x1AE00] =	vst v63  }
0x369: {  	s17 =	sadd.s32 $0x50, s0;
	s21 =	simm.s32 $0x17DA8  }
0x36a: {  	[hbm4b:s17+s3] =	stream.linear.scatter [tilespmem:s21], [sflag:$0x9], $0x80, $0x38;
	[tilespmem:$0x1AE00] =	vst v63  }
0x36b: {  	s17 =	sadd.s32 $0x60, s0;
	s21 =	simm.s32 $0x17E30  }
0x36c: {  	[hbm4b:s17+s3] =	stream.linear.scatter [tilespmem:s21], [sflag:$0x9], $0x80, $0x38;
	[tilespmem:$0x1AE00] =	vst v63  }
0x36d: {  	s0 =	sadd.s32 $0x70, s0;
	s17 =	simm.s32 $0x17EB8  }
0x36e: {  	[hbm4b:s0+s3] =	stream.linear.scatter [tilespmem:s17], [sflag:$0x9], $0x80, $0x38;
	[tilespmem:$0x1AE00] =	vst v63  }
0x36f: {  	s21 =	simm.s32 $0x17F40;
	s0 =	sadd.s32 s6, s14  }
0x370: {  	[hbm4b:s0+s3] =	stream.linear.scatter [tilespmem:s21], [sflag:$0x9], $0x80, $0x38;
	[tilespmem:$0x1AE00] =	vst v63  }
0x371: {  	s17 =	sadd.s32 $0x10, s0;
	s21 =	simm.s32 $0x17FC8  }
0x372: {  	[hbm4b:s17+s3] =	stream.linear.scatter [tilespmem:s21], [sflag:$0x9], $0x80, $0x38;
	[tilespmem:$0x1AE00] =	vst v63  }
0x373: {  	s17 =	sadd.s32 $0x20, s0;
	s21 =	simm.s32 $0x18050  }
0x374: {  	[hbm4b:s17+s3] =	stream.linear.scatter [tilespmem:s21], [sflag:$0x9], $0x80, $0x38;
	[tilespmem:$0x1AE00] =	vst v63  }
0x375: {  	s17 =	sadd.s32 $0x30, s0;
	s21 =	simm.s32 $0x180D8  }
0x376: {  	[hbm4b:s17+s3] =	stream.linear.scatter [tilespmem:s21], [sflag:$0x9], $0x80, $0x38;
	[tilespmem:$0x1AE00] =	vst v63  }
0x377: {  	s17 =	sadd.s32 $0x40, s0;
	s21 =	simm.s32 $0x18160  }
0x378: {  	[hbm4b:s17+s3] =	stream.linear.scatter [tilespmem:s21], [sflag:$0x9], $0x80, $0x38;
	[tilespmem:$0x1AE00] =	vst v63  }
0x379: {  	s17 =	sadd.s32 $0x50, s0;
	s21 =	simm.s32 $0x181E8  }
0x37a: {  	[hbm4b:s17+s3] =	stream.linear.scatter [tilespmem:s21], [sflag:$0x9], $0x80, $0x38;
	[tilespmem:$0x1AE00] =	vst v63  }
0x37b: {  	s17 =	sadd.s32 $0x60, s0;
	s21 =	simm.s32 $0x18270  }
0x37c: {  	[hbm4b:s17+s3] =	stream.linear.scatter [tilespmem:s21], [sflag:$0x9], $0x80, $0x38;
	[tilespmem:$0x1AE00] =	vst v63  }
0x37d: {  	s0 =	sadd.s32 $0x70, s0;
	s17 =	simm.s32 $0x182F8  }
0x37e: {  	[hbm4b:s0+s3] =	stream.linear.scatter [tilespmem:s17], [sflag:$0x9], $0x80, $0x38;
	[tilespmem:$0x1AE00] =	vst v63  }
0x37f: {  	s21 =	simm.s32 $0x18380;
	s0 =	sadd.s32 s6, s15  }
0x380: {  	[hbm4b:s0+s3] =	stream.linear.scatter [tilespmem:s21], [sflag:$0x9], $0x80, $0x38;
	[tilespmem:$0x1AE00] =	vst v63  }
0x381: {  	s17 =	sadd.s32 $0x10, s0;
	s21 =	simm.s32 $0x18408  }
0x382: {  	[hbm4b:s17+s3] =	stream.linear.scatter [tilespmem:s21], [sflag:$0x9], $0x80, $0x38;
	[tilespmem:$0x1AE00] =	vst v63  }
0x383: {  	s17 =	sadd.s32 $0x20, s0;
	s21 =	simm.s32 $0x18490  }
0x384: {  	[hbm4b:s17+s3] =	stream.linear.scatter [tilespmem:s21], [sflag:$0x9], $0x80, $0x38;
	[tilespmem:$0x1AE00] =	vst v63  }
0x385: {  	s17 =	sadd.s32 $0x30, s0;
	s21 =	simm.s32 $0x18518  }
0x386: {  	[hbm4b:s17+s3] =	stream.linear.scatter [tilespmem:s21], [sflag:$0x9], $0x80, $0x38;
	[tilespmem:$0x1AE00] =	vst v63  }
0x387: {  	s17 =	sadd.s32 $0x40, s0;
	s21 =	simm.s32 $0x185A0  }
0x388: {  	[hbm4b:s17+s3] =	stream.linear.scatter [tilespmem:s21], [sflag:$0x9], $0x80, $0x38;
	[tilespmem:$0x1AE00] =	vst v63  }
0x389: {  	s17 =	sadd.s32 $0x50, s0;
	s21 =	simm.s32 $0x18628  }
0x38a: {  	[hbm4b:s17+s3] =	stream.linear.scatter [tilespmem:s21], [sflag:$0x9], $0x80, $0x38;
	[tilespmem:$0x1AE00] =	vst v63  }
0x38b: {  	s17 =	sadd.s32 $0x60, s0;
	s21 =	simm.s32 $0x186B0  }
0x38c: {  	[hbm4b:s17+s3] =	stream.linear.scatter [tilespmem:s21], [sflag:$0x9], $0x80, $0x38;
	[tilespmem:$0x1AE00] =	vst v63  }
0x38d: {  	s0 =	sadd.s32 $0x70, s0;
	s21 =	simm.s32 $0x18738  }
0x38e: {  	[hbm4b:s0+s3] =	stream.linear.scatter [tilespmem:s21], [sflag:$0x9], $0x80, $0x38;
	[tilespmem:$0x1AE00] =	vst v63  }
0x38f: {  	s7 =	simm.s32 $0x187C0;
	s0 =	sadd.s32 s6, s16  }
0x390: {  	[hbm4b:s0+s3] =	stream.linear.scatter [tilespmem:s7], [sflag:$0x9], $0x80, $0x38;
	[tilespmem:$0x1AE00] =	vst v63  }
0x391: {  	s21 =	simm.s32 $0x18848;
	s17 =	sadd.s32 $0x10, s0  }
0x392: {  	[hbm4b:s17+s3] =	stream.linear.scatter [tilespmem:s21], [sflag:$0x9], $0x80, $0x38;
	[tilespmem:$0x1AE00] =	vst v63  }
0x393: {  	s17 =	sadd.s32 $0x20, s0;
	s21 =	simm.s32 $0x188D0  }
0x394: {  	[hbm4b:s17+s3] =	stream.linear.scatter [tilespmem:s21], [sflag:$0x9], $0x80, $0x38;
	[tilespmem:$0x1AE00] =	vst v63  }
0x395: {  	s17 =	sadd.s32 $0x30, s0;
	s21 =	simm.s32 $0x18958  }
0x396: {  	[hbm4b:s17+s3] =	stream.linear.scatter [tilespmem:s21], [sflag:$0x9], $0x80, $0x38;
	[tilespmem:$0x1AE00] =	vst v63  }
0x397: {  	s17 =	sadd.s32 $0x40, s0;
	s21 =	simm.s32 $0x189E0  }
0x398: {  	[hbm4b:s17+s3] =	stream.linear.scatter [tilespmem:s21], [sflag:$0x9], $0x80, $0x38;
	[tilespmem:$0x1AE00] =	vst v63  }
0x399: {  	s17 =	sadd.s32 $0x50, s0;
	s21 =	simm.s32 $0x18A68  }
0x39a: {  	[hbm4b:s17+s3] =	stream.linear.scatter [tilespmem:s21], [sflag:$0x9], $0x80, $0x38;
	[tilespmem:$0x1AE00] =	vst v63  }
0x39b: {  	s7 =	sadd.s32 $0x60, s0;
	s17 =	simm.s32 $0x18AF0  }
0x39c: {  	[hbm4b:s7+s3] =	stream.linear.scatter [tilespmem:s17], [sflag:$0x9], $0x80, $0x38;
	[tilespmem:$0x1AE00] =	vst v63  }
0x39d: {  	s0 =	sadd.s32 $0x70, s0;
	s21 =	simm.s32 $0x18B78  }
0x39e: {  	[hbm4b:s0+s3] =	stream.linear.scatter [tilespmem:s21], [sflag:$0x9], $0x80, $0x38;
	[tilespmem:$0x1AE00] =	vst v63  }
0x39f: {  	s0 =	simm.s32 @!p0 $0x9  }
0x3a0: {  	_ =	swait.ge @!p0 [sflag:s0], $0x400  }
0x3a1: {  	[sflag:s0] =	ssyncset.done @!p0 $0x0  }
0x3a2: {  	[sflag:s0] =	ssyncadd.s32 @!p0 $0xFFFFFC00  }
0x3a3: {  	_ =	swait.ge @!p0 [sflag:s0], $0x400  }
0x3a4: {  	[sflag:s0] =	ssyncset.done @!p0 $0x0  }
0x3a5: {  	[sflag:s0] =	ssyncadd.s32 @!p0 $0xFFFFFC00  }
0x3a6: {  	_ =	swait.ge @!p0 [sflag:s0], $0x400  }
0x3a7: {  	[sflag:s0] =	ssyncset.done @!p0 $0x0  }
0x3a8: {  	[sflag:s0] =	ssyncadd.s32 @!p0 $0xFFFFFC00  }
0x3a9: {  	_ =	swait.ge @!p0 [sflag:s0], $0x400  }
0x3aa: {  	[sflag:s0] =	ssyncset.done @!p0 $0x0  }
0x3ab: {  	[sflag:s0] =	ssyncadd.s32 @!p0 $0xFFFFFC00  }
0x3ac: {  	_ =	swait.ge @!p0 [sflag:s0], $0x400  }
0x3ad: {  	[sflag:s0] =	ssyncset.done @!p0 $0x0  }
0x3ae: {  	[sflag:s0] =	ssyncadd.s32 @!p0 $0xFFFFFC00  }
0x3af: {  	_ =	swait.ge @!p0 [sflag:s0], $0x400  }
0x3b0: {  	[sflag:s0] =	ssyncset.done @!p0 $0x0  }
0x3b1: {  	[sflag:s0] =	ssyncadd.s32 @!p0 $0xFFFFFC00  }
0x3b2: {  	_ =	swait.ge @!p0 [sflag:s0], $0x400  }
0x3b3: {  	[sflag:s0] =	ssyncset.done @!p0 $0x0  }
0x3b4: {  	[sflag:s0] =	ssyncadd.s32 @!p0 $0xFFFFFC00  }
0x3b5: {  	s6 =	sadd.s32 @!p0 $0x1000, s28;
	_ =	swait.ge @!p0 [sflag:s0], $0x400  }
0x3b6: {  	s6 =	sand.u32 @!p0 $0x7F000, s6;
	s7 =	sand.u32 @!p0 $0xE00, s28;
	[sflag:s0] =	ssyncset.done @!p0 $0x0  }
0x3b7: {  	[sflag:s0] =	ssyncadd.s32 @!p0 $0xFFFFFC00;
	s0 =	sor.u32 @!p0 s7, s6  }
0x3b8: {  	s6 =	simm.s32 @!p0 $0x80;
	s7 =	simm.s32 @!p0 $0xC400;
	s0 =	sshrl.u32 @!p0 s0, $0x2  }
0x3b9: {  	[tilespmem:s7], [sflag:$0x4] =	stream.indirect.gather @!p0 [hbm4b:s5+s6], $0x40, s0, s6, $0xb8;
	[tilespmem:$0x1AE00] =	vst v63  }
0x3ba: {  	_ =	swait.ge [sflag:s2], $0x2000  }
0x3bb: {  	[sflag:s2] =	ssyncset.done $0x0  }
0x3bc: {  	s6 =	simm.s32 $0xE480;
	[sflag:s2] =	ssyncadd.s32 $0xFFFFE000  }
0x3bd: {  	v5 =	vld [tilespmem:s6+$0x70]  }
0x3be: {  	v4 =	vld [tilespmem:s6+$0x60]  }
0x3bf: {  	v6 =	vld [tilespmem:s6+$0x50]  }
0x3c0: {  	v7 =	vld [tilespmem:s6+$0x40]  }
0x3c1: {  	v8 =	vld [tilespmem:s6+$0x30]  }
0x3c2: {  	v9 =	vld [tilespmem:s6+$0x20]  }
0x3c3: {  	v10 =	vld [tilespmem:s6+$0x10]  }
0x3c4: {  	s7 =	simm.s32 $0x0;
	v11 =	vld [tilespmem:s6+$0x0]  }
0x3c5: {  	v13 =	vmov s7;
	v14 =	vld [tilespmem:s6+$0xFFFFFF80]  }
0x3c6: {  	v13 =	vand.u32 $0x7C, v13;
	v15 =	vld [tilespmem:s6+$0xFFFFFF90]  }
0x3c7: {  	v17 =	vadd.s32 v0, v13;
	v16 =	vld [tilespmem:s6+$0xFFFFFFA0]  }
0x3c8: {  	s17 =	simm.s32 $0x1;
	v19 =	vadd.s32 v1, v13;
	v18 =	vld [tilespmem:s6+$0xFFFFFFB0]  }
0x3c9: {  	v20 =	vmov s17;
	v22 =	vadd.s32 v2, v13;
	v21 =	vld [tilespmem:s6+$0xFFFFFFC0]  }
0x3ca: {  	v20 =	vand.u32 $0x7D, v20;
	v13 =	vadd.s32 v3, v13;
	v23 =	vld [tilespmem:s6+$0xFFFFFFD0];
	v14 =	vmul.f32 $8.000000000e+00, v14  }
0x3cb: {  	v25 =	vadd.s32 v0, v20;
	v24 =	vld [tilespmem:s6+$0xFFFFFFE0];
	v15 =	vmul.f32 $8.000000000e+00, v15  }
0x3cc: {  	s21 =	simm.s32 $0x2;
	v47 =	vadd.s32 v1, v20;
	v12 =	vld [tilespmem:s6+$0xFFFFFFF0];
	v16 =	vmul.f32 $8.000000000e+00, v16;
	[tilespmem:v17+s18+$0x0] =	vst.idx.msk $0xffff, v14  }
0x3cd: {  	v48 =	vmov s21;
	v49 =	vadd.s32 v2, v20;
	v18 =	vmul.f32 $8.000000000e+00, v18;
	[tilespmem:v19+s18+$0x0] =	vst.idx.msk $0xffff, v15  }
0x3ce: {  	v51 =	vadd.s32 v3, v20;
	v50 =	vmul.f32 $8.000000000e+00, v21;
	v17 =	vand.u32 $0x7E, v48;
	[tilespmem:v22+s18+$0x0] =	vst.idx.msk $0xffff, v16  }
0x3cf: {  	v52 =	vmul.f32 $8.000000000e+00, v23;
	v53 =	vadd.s32 v0, v17;
	[tilespmem:v13+s18+$0x0] =	vst.idx.msk $0xffff, v18  }
0x3d0: {  	s28 =	simm.s32 $0x3;
	v54 =	vmul.f32 $8.000000000e+00, v24;
	v55 =	vadd.s32 v1, v17;
	[tilespmem:v25+s18+$0x0] =	vst.idx.msk $0xffff, v50  }
0x3d1: {  	v56 =	vmov s28;
	v12 =	vmul.f32 $8.000000000e+00, v12;
	v57 =	vadd.s32 v2, v17;
	[tilespmem:v47+s18+$0x0] =	vst.idx.msk $0xffff, v52  }
0x3d2: {  	v59 =	vand.u32 $0x7F, v56;
	v11 =	vmul.f32 $8.000000000e+00, v11;
	v58 =	vadd.s32 v3, v17;
	[tilespmem:v49+s18+$0x0] =	vst.idx.msk $0xffff, v54  }
0x3d3: {  	v60 =	vadd.s32 v0, v59;
	v10 =	vmul.f32 $8.000000000e+00, v10;
	[tilespmem:v51+s18+$0x0] =	vst.idx.msk $0xffff, v12  }
0x3d4: {  	v61 =	vadd.s32 v1, v59;
	v9 =	vmul.f32 $8.000000000e+00, v9;
	[tilespmem:v53+s18+$0x0] =	vst.idx.msk $0xffff, v11  }
0x3d5: {  	v62 =	vadd.s32 v2, v59;
	v8 =	vmul.f32 $8.000000000e+00, v8;
	[tilespmem:v55+s18+$0x0] =	vst.idx.msk $0xffff, v10  }
0x3d6: {  	v7 =	vmul.f32 $8.000000000e+00, v7;
	[tilespmem:v57+s18+$0x0] =	vst.idx.msk $0xffff, v9  }
0x3d7: {  	v6 =	vmul.f32 $8.000000000e+00, v6;
	v63 =	vmul.f32 $8.000000000e+00, v4;
	v4 =	vadd.s32 v3, v59;
	[tilespmem:v58+s18+$0x0] =	vst.idx.msk $0xffff, v8  }
0x3d8: {  	[tilespmem:v60+s18+$0x0] =	vst.idx.msk $0xffff, v7  }
0x3d9: {  	[tilespmem:v61+s18+$0x0] =	vst.idx.msk $0xffff, v6  }
0x3da: {  	s17 =	simm.s32 $0x4;
	v5 =	vmul.f32 $8.000000000e+00, v5;
	[tilespmem:v62+s18+$0x0] =	vst.idx.msk $0xffff, v63  }
.LBB2_11:
0x3db: {  	p0 =	sne.s32 s17, $0x7C  }
0x3dc: {  	[tilespmem:v4+s18+$0x0] =	vst.idx.msk $0xffff, v5;
	s6 =	sadd.s32 $0x100, s6;
	s0 =	smov.u32 s17;
	s17 =	sadd.s32 $0x4, s17  }
0x3dd: {  	v5 =	vld [tilespmem:s6+$0x70]  }
0x3de: {  	v6 =	vld [tilespmem:s6+$0x60]  }
0x3df: {  	v7 =	vld [tilespmem:s6+$0x50]  }
0x3e0: {  	v4 =	vld [tilespmem:s6+$0x40]  }
0x3e1: {  	v8 =	vld [tilespmem:s6+$0x30]  }
0x3e2: {  	v9 =	vld [tilespmem:s6+$0x20]  }
0x3e3: {  	v10 =	vld [tilespmem:s6+$0x10]  }
0x3e4: {  	v11 =	vld [tilespmem:s6+$0x0]  }
0x3e5: {  	v12 =	vld [tilespmem:s6+$0xFFFFFFF0]  }
0x3e6: {  	v13 =	vmov s0;
	v14 =	vld [tilespmem:s6+$0xFFFFFF80]  }
0x3e7: {  	v13 =	vand.u32 $0x7C, v13;
	v15 =	vld [tilespmem:s6+$0xFFFFFF90]  }
0x3e8: {  	v17 =	vadd.s32 v0, v13;
	v16 =	vld [tilespmem:s6+$0xFFFFFFA0]  }
0x3e9: {  	s7 =	sadd.s32 $0x1, s0;
	v19 =	vadd.s32 v1, v13;
	v18 =	vld [tilespmem:s6+$0xFFFFFFB0]  }
0x3ea: {  	v20 =	vmov s7;
	v22 =	vadd.s32 v2, v13;
	v21 =	vld [tilespmem:s6+$0xFFFFFFC0]  }
0x3eb: {  	v13 =	vadd.s32 v3, v13;
	v20 =	vand.u32 $0x7D, v20;
	v14 =	vmul.f32 $8.000000000e+00, v14;
	v23 =	vld [tilespmem:s6+$0xFFFFFFD0]  }
0x3ec: {  	v25 =	vadd.s32 v0, v20;
	v15 =	vmul.f32 $8.000000000e+00, v15;
	v24 =	vld [tilespmem:s6+$0xFFFFFFE0]  }
0x3ed: {  	s7 =	sadd.s32 $0x2, s0;
	v16 =	vmul.f32 $8.000000000e+00, v16;
	[tilespmem:v17+s18+$0x0] =	vst.idx.msk $0xffff, v14;
	v14 =	vadd.s32 v1, v20  }
0x3ee: {  	v17 =	vmov s7;
	v18 =	vmul.f32 $8.000000000e+00, v18;
	[tilespmem:v19+s18+$0x0] =	vst.idx.msk $0xffff, v15;
	v15 =	vadd.s32 v2, v20  }
0x3ef: {  	v17 =	vand.u32 $0x7E, v17;
	v19 =	vmul.f32 $8.000000000e+00, v21;
	[tilespmem:v22+s18+$0x0] =	vst.idx.msk $0xffff, v16;
	v16 =	vadd.s32 v3, v20  }
0x3f0: {  	v20 =	vmul.f32 $8.000000000e+00, v23;
	[tilespmem:v13+s18+$0x0] =	vst.idx.msk $0xffff, v18;
	v13 =	vadd.s32 v0, v17  }
0x3f1: {  	s0 =	sadd.s32 $0x3, s0;
	v18 =	vmul.f32 $8.000000000e+00, v24;
	[tilespmem:v25+s18+$0x0] =	vst.idx.msk $0xffff, v19;
	v19 =	vadd.s32 v1, v17  }
0x3f2: {  	v12 =	vmul.f32 $8.000000000e+00, v12;
	v21 =	vmov s0;
	[tilespmem:v14+s18+$0x0] =	vst.idx.msk $0xffff, v20;
	v14 =	vadd.s32 v2, v17  }
0x3f3: {  	v11 =	vmul.f32 $8.000000000e+00, v11;
	[tilespmem:v15+s18+$0x0] =	vst.idx.msk $0xffff, v18;
	v15 =	vadd.s32 v3, v17;
	v17 =	vand.u32 $0x7F, v21  }
0x3f4: {  	v10 =	vmul.f32 $8.000000000e+00, v10;
	[tilespmem:v16+s18+$0x0] =	vst.idx.msk $0xffff, v12;
	v12 =	vadd.s32 v0, v17  }
0x3f5: {  	v9 =	vmul.f32 $8.000000000e+00, v9;
	[tilespmem:v13+s18+$0x0] =	vst.idx.msk $0xffff, v11;
	v11 =	vadd.s32 v1, v17  }
0x3f6: {  	v8 =	vmul.f32 $8.000000000e+00, v8;
	[tilespmem:v19+s18+$0x0] =	vst.idx.msk $0xffff, v10;
	v10 =	vadd.s32 v2, v17  }
.Ltmp4:
0x3f7: {  	v13 =	vmul.f32 $8.000000000e+00, v4;
	v4 =	vadd.s32 v3, v17;
	[tilespmem:v14+s18+$0x0] =	vst.idx.msk $0xffff, v9;
	(pc) =	sbr.rel @p0 .LBB2_11-.Ltmp4, $4  }
0x3f8: {  	v7 =	vmul.f32 $8.000000000e+00, v7;
	[tilespmem:v15+s18+$0x0] =	vst.idx.msk $0xffff, v8  }
0x3f9: {  	v6 =	vmul.f32 $8.000000000e+00, v6;
	[tilespmem:v12+s18+$0x0] =	vst.idx.msk $0xffff, v13  }
0x3fa: {  	v5 =	vmul.f32 $8.000000000e+00, v5;
	[tilespmem:v11+s18+$0x0] =	vst.idx.msk $0xffff, v7  }
0x3fb: {  	[tilespmem:v10+s18+$0x0] =	vst.idx.msk $0xffff, v6  }
0x3fc: {  	_ = 	snop  }
0x3fd: {  	s0 =	sshll.u32 s24, $0x12  }
0x3fe: {  	s0 =	sor.u32 s4, s0  }
0x3ff: {  	s6 =	sshrl.u32 s0, $0x3  }
0x400: {  	[tilespmem:v4+s18+$0x0] =	vst.idx.msk $0xffff, v5;
	s0 =	sadd.s32 s1, s6  }
0x401: {  	[hbm4b:s0+s3] =	stream.linear.scatter [tilespmem:s18], [sflag:$0xA], $0x80, $0x38;
	[tilespmem:$0x1AE00] =	vst v63  }
0x402: {  	s17 =	simm.s32 $0x18C88;
	s7 =	sadd.s32 $0x10, s0  }
0x403: {  	[hbm4b:s7+s3] =	stream.linear.scatter [tilespmem:s17], [sflag:$0xA], $0x80, $0x38;
	[tilespmem:$0x1AE00] =	vst v63  }
0x404: {  	s21 =	simm.s32 $0x18D10;
	s17 =	sadd.s32 $0x20, s0  }
0x405: {  	[hbm4b:s17+s3] =	stream.linear.scatter [tilespmem:s21], [sflag:$0xA], $0x80, $0x38;
	[tilespmem:$0x1AE00] =	vst v63  }
0x406: {  	s28 =	simm.s32 $0x18D98;
	s24 =	sadd.s32 $0x30, s0  }
0x407: {  	[hbm4b:s24+s3] =	stream.linear.scatter [tilespmem:s28], [sflag:$0xA], $0x80, $0x38;
	[tilespmem:$0x1AE00] =	vst v63  }
0x408: {  	s17 =	sadd.s32 $0x40, s0;
	s21 =	simm.s32 $0x18E20  }
0x409: {  	[hbm4b:s17+s3] =	stream.linear.scatter [tilespmem:s21], [sflag:$0xA], $0x80, $0x38;
	[tilespmem:$0x1AE00] =	vst v63  }
0x40a: {  	s24 =	sadd.s32 $0x50, s0;
	s28 =	simm.s32 $0x18EA8  }
0x40b: {  	[hbm4b:s24+s3] =	stream.linear.scatter [tilespmem:s28], [sflag:$0xA], $0x80, $0x38;
	[tilespmem:$0x1AE00] =	vst v63  }
0x40c: {  	s17 =	sadd.s32 $0x60, s0;
	s21 =	simm.s32 $0x18F30  }
0x40d: {  	[hbm4b:s17+s3] =	stream.linear.scatter [tilespmem:s21], [sflag:$0xA], $0x80, $0x38;
	[tilespmem:$0x1AE00] =	vst v63  }
0x40e: {  	s0 =	sadd.s32 $0x70, s0;
	s24 =	simm.s32 $0x18FB8  }
0x40f: {  	[hbm4b:s0+s3] =	stream.linear.scatter [tilespmem:s24], [sflag:$0xA], $0x80, $0x38;
	[tilespmem:$0x1AE00] =	vst v63  }
0x410: {  	s28 =	simm.s32 $0x19040;
	s0 =	sadd.s32 s6, s10  }
0x411: {  	[hbm4b:s0+s3] =	stream.linear.scatter [tilespmem:s28], [sflag:$0xA], $0x80, $0x38;
	[tilespmem:$0x1AE00] =	vst v63  }
0x412: {  	s21 =	simm.s32 $0x190C8;
	s17 =	sadd.s32 $0x10, s0  }
0x413: {  	[hbm4b:s17+s3] =	stream.linear.scatter [tilespmem:s21], [sflag:$0xA], $0x80, $0x38;
	[tilespmem:$0x1AE00] =	vst v63  }
0x414: {  	s24 =	sadd.s32 $0x20, s0;
	s28 =	simm.s32 $0x19150  }
0x415: {  	[hbm4b:s24+s3] =	stream.linear.scatter [tilespmem:s28], [sflag:$0xA], $0x80, $0x38;
	[tilespmem:$0x1AE00] =	vst v63  }
0x416: {  	s17 =	sadd.s32 $0x30, s0;
	s21 =	simm.s32 $0x191D8  }
0x417: {  	[hbm4b:s17+s3] =	stream.linear.scatter [tilespmem:s21], [sflag:$0xA], $0x80, $0x38;
	[tilespmem:$0x1AE00] =	vst v63  }
0x418: {  	s24 =	sadd.s32 $0x40, s0;
	s28 =	simm.s32 $0x19260  }
0x419: {  	[hbm4b:s24+s3] =	stream.linear.scatter [tilespmem:s28], [sflag:$0xA], $0x80, $0x38;
	[tilespmem:$0x1AE00] =	vst v63  }
0x41a: {  	s17 =	sadd.s32 $0x50, s0;
	s21 =	simm.s32 $0x192E8  }
0x41b: {  	[hbm4b:s17+s3] =	stream.linear.scatter [tilespmem:s21], [sflag:$0xA], $0x80, $0x38;
	[tilespmem:$0x1AE00] =	vst v63  }
0x41c: {  	s24 =	sadd.s32 $0x60, s0;
	s28 =	simm.s32 $0x19370  }
0x41d: {  	[hbm4b:s24+s3] =	stream.linear.scatter [tilespmem:s28], [sflag:$0xA], $0x80, $0x38;
	[tilespmem:$0x1AE00] =	vst v63  }
0x41e: {  	s0 =	sadd.s32 $0x70, s0;
	s17 =	simm.s32 $0x193F8  }
0x41f: {  	[hbm4b:s0+s3] =	stream.linear.scatter [tilespmem:s17], [sflag:$0xA], $0x80, $0x38;
	[tilespmem:$0x1AE00] =	vst v63  }
0x420: {  	s21 =	simm.s32 $0x19480;
	s0 =	sadd.s32 s6, s11  }
0x421: {  	[hbm4b:s0+s3] =	stream.linear.scatter [tilespmem:s21], [sflag:$0xA], $0x80, $0x38;
	[tilespmem:$0x1AE00] =	vst v63  }
0x422: {  	s28 =	simm.s32 $0x19508;
	s24 =	sadd.s32 $0x10, s0  }
0x423: {  	[hbm4b:s24+s3] =	stream.linear.scatter [tilespmem:s28], [sflag:$0xA], $0x80, $0x38;
	[tilespmem:$0x1AE00] =	vst v63  }
0x424: {  	s17 =	sadd.s32 $0x20, s0;
	s21 =	simm.s32 $0x19590  }
0x425: {  	[hbm4b:s17+s3] =	stream.linear.scatter [tilespmem:s21], [sflag:$0xA], $0x80, $0x38;
	[tilespmem:$0x1AE00] =	vst v63  }
0x426: {  	s24 =	sadd.s32 $0x30, s0;
	s28 =	simm.s32 $0x19618  }
0x427: {  	[hbm4b:s24+s3] =	stream.linear.scatter [tilespmem:s28], [sflag:$0xA], $0x80, $0x38;
	[tilespmem:$0x1AE00] =	vst v63  }
0x428: {  	s17 =	sadd.s32 $0x40, s0;
	s21 =	simm.s32 $0x196A0  }
0x429: {  	[hbm4b:s17+s3] =	stream.linear.scatter [tilespmem:s21], [sflag:$0xA], $0x80, $0x38;
	[tilespmem:$0x1AE00] =	vst v63  }
0x42a: {  	s24 =	sadd.s32 $0x50, s0;
	s28 =	simm.s32 $0x19728  }
0x42b: {  	[hbm4b:s24+s3] =	stream.linear.scatter [tilespmem:s28], [sflag:$0xA], $0x80, $0x38;
	[tilespmem:$0x1AE00] =	vst v63  }
0x42c: {  	s17 =	sadd.s32 $0x60, s0;
	s21 =	simm.s32 $0x197B0  }
0x42d: {  	[hbm4b:s17+s3] =	stream.linear.scatter [tilespmem:s21], [sflag:$0xA], $0x80, $0x38;
	[tilespmem:$0x1AE00] =	vst v63  }
0x42e: {  	s0 =	sadd.s32 $0x70, s0;
	s24 =	simm.s32 $0x19838  }
0x42f: {  	[hbm4b:s0+s3] =	stream.linear.scatter [tilespmem:s24], [sflag:$0xA], $0x80, $0x38;
	[tilespmem:$0x1AE00] =	vst v63  }
0x430: {  	s28 =	simm.s32 $0x198C0;
	s0 =	sadd.s32 s6, s12  }
0x431: {  	[hbm4b:s0+s3] =	stream.linear.scatter [tilespmem:s28], [sflag:$0xA], $0x80, $0x38;
	[tilespmem:$0x1AE00] =	vst v63  }
0x432: {  	s21 =	simm.s32 $0x19948;
	s17 =	sadd.s32 $0x10, s0  }
0x433: {  	[hbm4b:s17+s3] =	stream.linear.scatter [tilespmem:s21], [sflag:$0xA], $0x80, $0x38;
	[tilespmem:$0x1AE00] =	vst v63  }
0x434: {  	s24 =	sadd.s32 $0x20, s0;
	s28 =	simm.s32 $0x199D0  }
0x435: {  	[hbm4b:s24+s3] =	stream.linear.scatter [tilespmem:s28], [sflag:$0xA], $0x80, $0x38;
	[tilespmem:$0x1AE00] =	vst v63  }
0x436: {  	s17 =	sadd.s32 $0x30, s0;
	s21 =	simm.s32 $0x19A58  }
0x437: {  	[hbm4b:s17+s3] =	stream.linear.scatter [tilespmem:s21], [sflag:$0xA], $0x80, $0x38;
	[tilespmem:$0x1AE00] =	vst v63  }
0x438: {  	s24 =	sadd.s32 $0x40, s0;
	s28 =	simm.s32 $0x19AE0  }
0x439: {  	[hbm4b:s24+s3] =	stream.linear.scatter [tilespmem:s28], [sflag:$0xA], $0x80, $0x38;
	[tilespmem:$0x1AE00] =	vst v63  }
0x43a: {  	s17 =	sadd.s32 $0x50, s0;
	s21 =	simm.s32 $0x19B68  }
0x43b: {  	[hbm4b:s17+s3] =	stream.linear.scatter [tilespmem:s21], [sflag:$0xA], $0x80, $0x38;
	[tilespmem:$0x1AE00] =	vst v63  }
0x43c: {  	s24 =	sadd.s32 $0x60, s0;
	s28 =	simm.s32 $0x19BF0  }
0x43d: {  	[hbm4b:s24+s3] =	stream.linear.scatter [tilespmem:s28], [sflag:$0xA], $0x80, $0x38;
	[tilespmem:$0x1AE00] =	vst v63  }
0x43e: {  	s0 =	sadd.s32 $0x70, s0;
	s17 =	simm.s32 $0x19C78  }
0x43f: {  	[hbm4b:s0+s3] =	stream.linear.scatter [tilespmem:s17], [sflag:$0xA], $0x80, $0x38;
	[tilespmem:$0x1AE00] =	vst v63  }
0x440: {  	s21 =	simm.s32 $0x19D00;
	s0 =	sadd.s32 s6, s13  }
0x441: {  	[hbm4b:s0+s3] =	stream.linear.scatter [tilespmem:s21], [sflag:$0xA], $0x80, $0x38;
	[tilespmem:$0x1AE00] =	vst v63  }
0x442: {  	s28 =	simm.s32 $0x19D88;
	s24 =	sadd.s32 $0x10, s0  }
0x443: {  	[hbm4b:s24+s3] =	stream.linear.scatter [tilespmem:s28], [sflag:$0xA], $0x80, $0x38;
	[tilespmem:$0x1AE00] =	vst v63  }
0x444: {  	s17 =	sadd.s32 $0x20, s0;
	s21 =	simm.s32 $0x19E10  }
0x445: {  	[hbm4b:s17+s3] =	stream.linear.scatter [tilespmem:s21], [sflag:$0xA], $0x80, $0x38;
	[tilespmem:$0x1AE00] =	vst v63  }
0x446: {  	s24 =	sadd.s32 $0x30, s0;
	s28 =	simm.s32 $0x19E98  }
0x447: {  	[hbm4b:s24+s3] =	stream.linear.scatter [tilespmem:s28], [sflag:$0xA], $0x80, $0x38;
	[tilespmem:$0x1AE00] =	vst v63  }
0x448: {  	s17 =	sadd.s32 $0x40, s0;
	s21 =	simm.s32 $0x19F20  }
0x449: {  	[hbm4b:s17+s3] =	stream.linear.scatter [tilespmem:s21], [sflag:$0xA], $0x80, $0x38;
	[tilespmem:$0x1AE00] =	vst v63  }
0x44a: {  	s24 =	sadd.s32 $0x50, s0;
	s28 =	simm.s32 $0x19FA8  }
0x44b: {  	[hbm4b:s24+s3] =	stream.linear.scatter [tilespmem:s28], [sflag:$0xA], $0x80, $0x38;
	[tilespmem:$0x1AE00] =	vst v63  }
0x44c: {  	s17 =	sadd.s32 $0x60, s0;
	s21 =	simm.s32 $0x1A030  }
0x44d: {  	[hbm4b:s17+s3] =	stream.linear.scatter [tilespmem:s21], [sflag:$0xA], $0x80, $0x38;
	[tilespmem:$0x1AE00] =	vst v63  }
0x44e: {  	s0 =	sadd.s32 $0x70, s0;
	s24 =	simm.s32 $0x1A0B8  }
0x44f: {  	[hbm4b:s0+s3] =	stream.linear.scatter [tilespmem:s24], [sflag:$0xA], $0x80, $0x38;
	[tilespmem:$0x1AE00] =	vst v63  }
0x450: {  	s28 =	simm.s32 $0x1A140;
	s0 =	sadd.s32 s6, s14  }
0x451: {  	[hbm4b:s0+s3] =	stream.linear.scatter [tilespmem:s28], [sflag:$0xA], $0x80, $0x38;
	[tilespmem:$0x1AE00] =	vst v63  }
0x452: {  	s21 =	simm.s32 $0x1A1C8;
	s17 =	sadd.s32 $0x10, s0  }
0x453: {  	[hbm4b:s17+s3] =	stream.linear.scatter [tilespmem:s21], [sflag:$0xA], $0x80, $0x38;
	[tilespmem:$0x1AE00] =	vst v63  }
0x454: {  	s24 =	sadd.s32 $0x20, s0;
	s28 =	simm.s32 $0x1A250  }
0x455: {  	[hbm4b:s24+s3] =	stream.linear.scatter [tilespmem:s28], [sflag:$0xA], $0x80, $0x38;
	[tilespmem:$0x1AE00] =	vst v63  }
0x456: {  	s17 =	sadd.s32 $0x30, s0;
	s21 =	simm.s32 $0x1A2D8  }
0x457: {  	[hbm4b:s17+s3] =	stream.linear.scatter [tilespmem:s21], [sflag:$0xA], $0x80, $0x38;
	[tilespmem:$0x1AE00] =	vst v63  }
0x458: {  	s24 =	sadd.s32 $0x40, s0;
	s28 =	simm.s32 $0x1A360  }
0x459: {  	[hbm4b:s24+s3] =	stream.linear.scatter [tilespmem:s28], [sflag:$0xA], $0x80, $0x38;
	[tilespmem:$0x1AE00] =	vst v63  }
0x45a: {  	s17 =	sadd.s32 $0x50, s0;
	s21 =	simm.s32 $0x1A3E8  }
0x45b: {  	[hbm4b:s17+s3] =	stream.linear.scatter [tilespmem:s21], [sflag:$0xA], $0x80, $0x38;
	[tilespmem:$0x1AE00] =	vst v63  }
0x45c: {  	s24 =	sadd.s32 $0x60, s0;
	s28 =	simm.s32 $0x1A470  }
0x45d: {  	[hbm4b:s24+s3] =	stream.linear.scatter [tilespmem:s28], [sflag:$0xA], $0x80, $0x38;
	[tilespmem:$0x1AE00] =	vst v63  }
0x45e: {  	s0 =	sadd.s32 $0x70, s0;
	s17 =	simm.s32 $0x1A4F8  }
0x45f: {  	[hbm4b:s0+s3] =	stream.linear.scatter [tilespmem:s17], [sflag:$0xA], $0x80, $0x38;
	[tilespmem:$0x1AE00] =	vst v63  }
0x460: {  	s21 =	simm.s32 $0x1A580;
	s0 =	sadd.s32 s6, s15  }
0x461: {  	[hbm4b:s0+s3] =	stream.linear.scatter [tilespmem:s21], [sflag:$0xA], $0x80, $0x38;
	[tilespmem:$0x1AE00] =	vst v63  }
0x462: {  	s28 =	simm.s32 $0x1A608;
	s24 =	sadd.s32 $0x10, s0  }
0x463: {  	[hbm4b:s24+s3] =	stream.linear.scatter [tilespmem:s28], [sflag:$0xA], $0x80, $0x38;
	[tilespmem:$0x1AE00] =	vst v63  }
0x464: {  	s17 =	sadd.s32 $0x20, s0;
	s21 =	simm.s32 $0x1A690  }
0x465: {  	[hbm4b:s17+s3] =	stream.linear.scatter [tilespmem:s21], [sflag:$0xA], $0x80, $0x38;
	[tilespmem:$0x1AE00] =	vst v63  }
0x466: {  	s24 =	sadd.s32 $0x30, s0;
	s28 =	simm.s32 $0x1A718  }
0x467: {  	[hbm4b:s24+s3] =	stream.linear.scatter [tilespmem:s28], [sflag:$0xA], $0x80, $0x38;
	[tilespmem:$0x1AE00] =	vst v63  }
0x468: {  	s17 =	sadd.s32 $0x40, s0;
	s21 =	simm.s32 $0x1A7A0  }
0x469: {  	[hbm4b:s17+s3] =	stream.linear.scatter [tilespmem:s21], [sflag:$0xA], $0x80, $0x38;
	[tilespmem:$0x1AE00] =	vst v63  }
0x46a: {  	s24 =	sadd.s32 $0x50, s0;
	s28 =	simm.s32 $0x1A828  }
0x46b: {  	[hbm4b:s24+s3] =	stream.linear.scatter [tilespmem:s28], [sflag:$0xA], $0x80, $0x38;
	[tilespmem:$0x1AE00] =	vst v63  }
0x46c: {  	s21 =	sadd.s32 $0x60, s0;
	s24 =	simm.s32 $0x1A8B0  }
0x46d: {  	[hbm4b:s21+s3] =	stream.linear.scatter [tilespmem:s24], [sflag:$0xA], $0x80, $0x38;
	[tilespmem:$0x1AE00] =	vst v63  }
0x46e: {  	s0 =	sadd.s32 $0x70, s0;
	s28 =	simm.s32 $0x1A938  }
0x46f: {  	[hbm4b:s0+s3] =	stream.linear.scatter [tilespmem:s28], [sflag:$0xA], $0x80, $0x38;
	[tilespmem:$0x1AE00] =	vst v63  }
0x470: {  	s7 =	simm.s32 $0x1A9C0;
	s0 =	sadd.s32 s6, s16  }
0x471: {  	[hbm4b:s0+s3] =	stream.linear.scatter [tilespmem:s7], [sflag:$0xA], $0x80, $0x38;
	[tilespmem:$0x1AE00] =	vst v63  }
0x472: {  	s21 =	simm.s32 $0x1AA48;
	s17 =	sadd.s32 $0x10, s0  }
0x473: {  	[hbm4b:s17+s3] =	stream.linear.scatter [tilespmem:s21], [sflag:$0xA], $0x80, $0x38;
	[tilespmem:$0x1AE00] =	vst v63  }
0x474: {  	s28 =	simm.s32 $0x1AAD0;
	s24 =	sadd.s32 $0x20, s0  }
0x475: {  	[hbm4b:s24+s3] =	stream.linear.scatter [tilespmem:s28], [sflag:$0xA], $0x80, $0x38;
	[tilespmem:$0x1AE00] =	vst v63  }
0x476: {  	s17 =	sadd.s32 $0x30, s0;
	s21 =	simm.s32 $0x1AB58  }
0x477: {  	[hbm4b:s17+s3] =	stream.linear.scatter [tilespmem:s21], [sflag:$0xA], $0x80, $0x38;
	[tilespmem:$0x1AE00] =	vst v63  }
0x478: {  	s23 =	sadd.s32 $0x1, s23;
	s24 =	sadd.s32 $0x40, s0;
	s28 =	simm.s32 $0x1ABE0  }
0x479: {  	[hbm4b:s24+s3] =	stream.linear.scatter [tilespmem:s28], [sflag:$0xA], $0x80, $0x38;
	[tilespmem:$0x1AE00] =	vst v63  }
0x47a: {  	p0 =	sne.s32 s23, $0x28;
	s7 =	sadd.s32 $0x50, s0;
	s17 =	simm.s32 $0x1AC68  }
0x47b: {  	[hbm4b:s7+s3] =	stream.linear.scatter [tilespmem:s17], [sflag:$0xA], $0x80, $0x38;
	[tilespmem:$0x1AE00] =	vst v63  }
.Ltmp5:
0x47c: {  	_ = 	snop;
	(pc) =	sbr.rel @p0 .LBB2_2-.Ltmp5, $4  }
0x47d: {  	s21 =	sadd.s32 $0x60, s0;
	s24 =	simm.s32 $0x1ACF0  }
0x47e: {  	[hbm4b:s21+s3] =	stream.linear.scatter [tilespmem:s24], [sflag:$0xA], $0x80, $0x38;
	[tilespmem:$0x1AE00] =	vst v63  }
0x47f: {  	s0 =	sadd.s32 $0x70, s0;
	s28 =	simm.s32 $0x1AD78  }
0x480: {  	[hbm4b:s0+s3] =	stream.linear.scatter [tilespmem:s28], [sflag:$0xA], $0x80, $0x38;
	[tilespmem:$0x1AE00] =	vst v63  }
0x481: {  	s0 =	simm.s32 $0x6  }
0x482: {  	_ =	swait.ge [sflag:s0], $0x400  }
0x483: {  	[sflag:s0] =	ssyncset.done $0x0  }
0x484: {  	[sflag:s0] =	ssyncadd.s32 $0xFFFFFC00  }
0x485: {  	_ =	swait.ge [sflag:s0], $0x400  }
0x486: {  	[sflag:s0] =	ssyncset.done $0x0  }
0x487: {  	[sflag:s0] =	ssyncadd.s32 $0xFFFFFC00  }
0x488: {  	_ =	swait.ge [sflag:s0], $0x400  }
0x489: {  	[sflag:s0] =	ssyncset.done $0x0  }
0x48a: {  	[sflag:s0] =	ssyncadd.s32 $0xFFFFFC00  }
0x48b: {  	_ =	swait.ge [sflag:s0], $0x400  }
0x48c: {  	[sflag:s0] =	ssyncset.done $0x0  }
0x48d: {  	[sflag:s0] =	ssyncadd.s32 $0xFFFFFC00  }
0x48e: {  	_ =	swait.ge [sflag:s0], $0x400  }
0x48f: {  	[sflag:s0] =	ssyncset.done $0x0  }
0x490: {  	[sflag:s0] =	ssyncadd.s32 $0xFFFFFC00  }
0x491: {  	_ =	swait.ge [sflag:s0], $0x400  }
0x492: {  	[sflag:s0] =	ssyncset.done $0x0  }
0x493: {  	[sflag:s0] =	ssyncadd.s32 $0xFFFFFC00  }
0x494: {  	_ =	swait.ge [sflag:s0], $0x400  }
0x495: {  	[sflag:s0] =	ssyncset.done $0x0  }
0x496: {  	[sflag:s0] =	ssyncadd.s32 $0xFFFFFC00  }
0x497: {  	_ =	swait.ge [sflag:s0], $0x400  }
0x498: {  	[sflag:s0] =	ssyncset.done $0x0  }
0x499: {  	s21 =	simm.s32 $0x7;
	[sflag:s0] =	ssyncadd.s32 $0xFFFFFC00  }
0x49a: {  	_ =	swait.ge [sflag:s21], $0x400  }
0x49b: {  	[sflag:s21] =	ssyncset.done $0x0  }
0x49c: {  	[sflag:s21] =	ssyncadd.s32 $0xFFFFFC00  }
0x49d: {  	_ =	swait.ge [sflag:s21], $0x400  }
0x49e: {  	[sflag:s21] =	ssyncset.done $0x0  }
0x49f: {  	[sflag:s21] =	ssyncadd.s32 $0xFFFFFC00  }
0x4a0: {  	_ =	swait.ge [sflag:s21], $0x400  }
0x4a1: {  	[sflag:s21] =	ssyncset.done $0x0  }
0x4a2: {  	[sflag:s21] =	ssyncadd.s32 $0xFFFFFC00  }
0x4a3: {  	_ =	swait.ge [sflag:s21], $0x400  }
0x4a4: {  	[sflag:s21] =	ssyncset.done $0x0  }
0x4a5: {  	[sflag:s21] =	ssyncadd.s32 $0xFFFFFC00  }
0x4a6: {  	_ =	swait.ge [sflag:s21], $0x400  }
0x4a7: {  	[sflag:s21] =	ssyncset.done $0x0  }
0x4a8: {  	[sflag:s21] =	ssyncadd.s32 $0xFFFFFC00  }
0x4a9: {  	_ =	swait.ge [sflag:s21], $0x400  }
0x4aa: {  	[sflag:s21] =	ssyncset.done $0x0  }
0x4ab: {  	[sflag:s21] =	ssyncadd.s32 $0xFFFFFC00  }
0x4ac: {  	_ =	swait.ge [sflag:s21], $0x400  }
0x4ad: {  	[sflag:s21] =	ssyncset.done $0x0  }
0x4ae: {  	[sflag:s21] =	ssyncadd.s32 $0xFFFFFC00  }
0x4af: {  	_ =	swait.ge [sflag:s21], $0x400  }
0x4b0: {  	[sflag:s21] =	ssyncset.done $0x0  }
0x4b1: {  	s23 =	simm.s32 $0x8;
	[sflag:s21] =	ssyncadd.s32 $0xFFFFFC00  }
0x4b2: {  	_ =	swait.ge [sflag:s23], $0x400  }
0x4b3: {  	[sflag:s23] =	ssyncset.done $0x0  }
0x4b4: {  	[sflag:s23] =	ssyncadd.s32 $0xFFFFFC00  }
0x4b5: {  	_ =	swait.ge [sflag:s23], $0x400  }
0x4b6: {  	[sflag:s23] =	ssyncset.done $0x0  }
0x4b7: {  	[sflag:s23] =	ssyncadd.s32 $0xFFFFFC00  }
0x4b8: {  	_ =	swait.ge [sflag:s23], $0x400  }
0x4b9: {  	[sflag:s23] =	ssyncset.done $0x0  }
0x4ba: {  	[sflag:s23] =	ssyncadd.s32 $0xFFFFFC00  }
0x4bb: {  	_ =	swait.ge [sflag:s23], $0x400  }
0x4bc: {  	[sflag:s23] =	ssyncset.done $0x0  }
0x4bd: {  	[sflag:s23] =	ssyncadd.s32 $0xFFFFFC00  }
0x4be: {  	_ =	swait.ge [sflag:s23], $0x400  }
0x4bf: {  	[sflag:s23] =	ssyncset.done $0x0  }
0x4c0: {  	[sflag:s23] =	ssyncadd.s32 $0xFFFFFC00  }
0x4c1: {  	_ =	swait.ge [sflag:s23], $0x400  }
0x4c2: {  	[sflag:s23] =	ssyncset.done $0x0  }
0x4c3: {  	[sflag:s23] =	ssyncadd.s32 $0xFFFFFC00  }
0x4c4: {  	_ =	swait.ge [sflag:s23], $0x400  }
0x4c5: {  	[sflag:s23] =	ssyncset.done $0x0  }
0x4c6: {  	[sflag:s23] =	ssyncadd.s32 $0xFFFFFC00  }
0x4c7: {  	_ =	swait.ge [sflag:s23], $0x400  }
0x4c8: {  	[sflag:s23] =	ssyncset.done $0x0  }
0x4c9: {  	s24 =	simm.s32 $0x9;
	[sflag:s23] =	ssyncadd.s32 $0xFFFFFC00  }
0x4ca: {  	_ =	swait.ge [sflag:s24], $0x400  }
0x4cb: {  	[sflag:s24] =	ssyncset.done $0x0  }
0x4cc: {  	[sflag:s24] =	ssyncadd.s32 $0xFFFFFC00  }
0x4cd: {  	_ =	swait.ge [sflag:s24], $0x400  }
0x4ce: {  	[sflag:s24] =	ssyncset.done $0x0  }
0x4cf: {  	[sflag:s24] =	ssyncadd.s32 $0xFFFFFC00  }
0x4d0: {  	_ =	swait.ge [sflag:s24], $0x400  }
0x4d1: {  	[sflag:s24] =	ssyncset.done $0x0  }
0x4d2: {  	[sflag:s24] =	ssyncadd.s32 $0xFFFFFC00  }
0x4d3: {  	_ =	swait.ge [sflag:s24], $0x400  }
0x4d4: {  	[sflag:s24] =	ssyncset.done $0x0  }
0x4d5: {  	[sflag:s24] =	ssyncadd.s32 $0xFFFFFC00  }
0x4d6: {  	_ =	swait.ge [sflag:s24], $0x400  }
0x4d7: {  	[sflag:s24] =	ssyncset.done $0x0  }
0x4d8: {  	[sflag:s24] =	ssyncadd.s32 $0xFFFFFC00  }
0x4d9: {  	_ =	swait.ge [sflag:s24], $0x400  }
0x4da: {  	[sflag:s24] =	ssyncset.done $0x0  }
0x4db: {  	[sflag:s24] =	ssyncadd.s32 $0xFFFFFC00  }
0x4dc: {  	_ =	swait.ge [sflag:s24], $0x400  }
0x4dd: {  	[sflag:s24] =	ssyncset.done $0x0  }
0x4de: {  	[sflag:s24] =	ssyncadd.s32 $0xFFFFFC00  }
0x4df: {  	_ =	swait.ge [sflag:s24], $0x400  }
0x4e0: {  	[sflag:s24] =	ssyncset.done $0x0  }
0x4e1: {  	s6 =	simm.s32 $0xA;
	[sflag:s24] =	ssyncadd.s32 $0xFFFFFC00  }
0x4e2: {  	_ =	swait.ge [sflag:s6], $0x400  }
0x4e3: {  	[sflag:s6] =	ssyncset.done $0x0  }
0x4e4: {  	[sflag:s6] =	ssyncadd.s32 $0xFFFFFC00  }
0x4e5: {  	_ =	swait.ge [sflag:s6], $0x400  }
0x4e6: {  	[sflag:s6] =	ssyncset.done $0x0  }
0x4e7: {  	[sflag:s6] =	ssyncadd.s32 $0xFFFFFC00  }
0x4e8: {  	_ =	swait.ge [sflag:s6], $0x400  }
0x4e9: {  	[sflag:s6] =	ssyncset.done $0x0  }
0x4ea: {  	[sflag:s6] =	ssyncadd.s32 $0xFFFFFC00  }
0x4eb: {  	_ =	swait.ge [sflag:s6], $0x400  }
0x4ec: {  	[sflag:s6] =	ssyncset.done $0x0  }
0x4ed: {  	[sflag:s6] =	ssyncadd.s32 $0xFFFFFC00  }
0x4ee: {  	_ =	swait.ge [sflag:s6], $0x400  }
0x4ef: {  	[sflag:s6] =	ssyncset.done $0x0  }
0x4f0: {  	[sflag:s6] =	ssyncadd.s32 $0xFFFFFC00  }
0x4f1: {  	_ =	swait.ge [sflag:s6], $0x400  }
0x4f2: {  	[sflag:s6] =	ssyncset.done $0x0  }
0x4f3: {  	[sflag:s6] =	ssyncadd.s32 $0xFFFFFC00  }
0x4f4: {  	_ =	swait.ge [sflag:s6], $0x400  }
0x4f5: {  	[sflag:s6] =	ssyncset.done $0x0  }
0x4f6: {  	[sflag:s6] =	ssyncadd.s32 $0xFFFFFC00  }
0x4f7: {  	_ =	swait.ge [sflag:s6], $0x400  }
0x4f8: {  	s7 =	rddreg [dreg:$0x7]  }
0x4f9: {  	s28 =	rddreg [dreg:$0x6];
	s7 =	sadd.s32 $0x1, s7  }
0x4fa: {  	p0 =	sne.s32 s7, s28  }
.Ltmp6:
0x4fb: {  	_ = 	snop;
	(pc) =	sbr.rel @p0 .LBB2_1-.Ltmp6, $3  }
0x4fc: {  	_ =	sdelay $0x1  }
0x4fd: {  	[sflag:s6] =	ssyncset.done $0x0  }
0x4fe: {  	[sflag:s6] =	ssyncadd.s32 $0xFFFFFC00  }
0x4ff: {  	_ =	sfence.sel $0x180000  }
0x500: {  	[bflag:$0x0] =	sbarrier.arrive $0xFFFF  }
0x501: {  	_ =	strace $0x90000047  }
0x502: {  	s0 =	stileid.u32;
	[bflag:$0x2] =	sbarrier.arrive $0xFFFF  }
0x503: {  	p0 =	sne.s32 s0, $0x0;
	s0 =	rddreg [dreg:$0x3]  }
0x504: {  	s0 =	sadd.s32 @!p0 $0x100000, s0  }
0x505: {  	[sflag:s0] =	ssyncadd.tile.s32 @!p0 $0x1;
	_ =	shalt  }
.Lfunc_end2:
_tile_overlayer_lowered:
.L_overlay_start_2:
0x506: {  	(tag) =	ssettag $0x2  }
0x507: {  	s0 =	rddreg [dreg:$0x0];
	s2 =	stileid.u32  }
0x508: {  	s1 =	rddreg [dreg:$0x1];
	p0 =	sne.s32 s2, $0x0  }
0x509: {  	s3 =	rddreg [dreg:$0x2];
	[bflag:$0x3] =	sbarrier.arrive $0xFFFF;
	s2 =	simm.s32 @!p0 $0x1C0B  }
0x50a: {  	[timem:s3], [sflag:s2] =	dma.local @!p0 [hbm:s0], s1  }
0x50b: {  	s0 =	simm.s32 @!p0 $0xB  }
0x50c: {  	_ =	swait.ge @!p0 [sflag:s0], s1  }
0x50d: {  	s1 =	ssub.s32 @!p0 $0x0, s1;
	[sflag:s0] =	ssyncset.done @!p0 $0x0  }
0x50e: {  	[sflag:s0] =	ssyncadd.s32 @!p0 s1  }
0x50f: {  	[bflag:$0x3] =	sbarrier.arrive $0xFFFF  }
0x510: {  	_ =	shalt  }

</sc_bundles>
